<compile_context>
chip_gen: v7x
topology: tpu7x:2x2x1
jax: 0.10.2.dev20260603
libtpu: 0.0.44.dev20260713+nightly
codegen_flags: <defaults>
</compile_context>

<pallas_src>
import jax
import jax.numpy as jnp
from jax import lax
from jax.experimental import pallas as pl
from jax.experimental.pallas import tpu as pltpu
from jax.experimental.pallas import tpu_sc as plsc

NC = 2
NS = 16
NW = NC * NS

BATCH = 64
N_CLAUSE = 100000
N_SAT = 3
N_VARS = 25000
NV2 = 2 * N_VARS

CH = 4096
SPLITS = (25088, 25088, 25088, 24736)
B_PER_W = BATCH // NW


def _make_sc_body(ncs):
    nfull = ncs // CH
    tail = ncs - nfull * CH
    return lambda *args: _sc_body_impl(nfull, tail, *args)


def _sc_body_impl(NFULL, TAIL, v_hbm, idx_hbm, out_hbm,
                  v_buf, idx_buf, out_buf, sem):
    wid = lax.axis_index("s") * NC + lax.axis_index("c")

    def start_in(b, c0, slot, cw):
        pltpu.async_copy(idx_hbm.at[:, pl.ds(b, 1), pl.ds(c0, cw)],
                         idx_buf.at[slot, :, :, pl.ds(0, cw)], sem)

    def wait_in(b, c0, slot, cw):
        pltpu.make_async_copy(idx_hbm.at[:, pl.ds(b, 1), pl.ds(c0, cw)],
                              idx_buf.at[slot, :, :, pl.ds(0, cw)], sem).wait()

    def compute(slot, c0, nc16, cw, b):
        def body(i, carry):
            cb = i * 16
            i0 = idx_buf[slot, 0, 0, pl.ds(cb, 16)]
            i1 = idx_buf[slot, 1, 0, pl.ds(cb, 16)]
            i2 = idx_buf[slot, 2, 0, pl.ds(cb, 16)]
            v0 = plsc.load_gather(v_buf.at[0], [i0])
            v1 = plsc.load_gather(v_buf.at[0], [i1])
            v2 = plsc.load_gather(v_buf.at[0], [i2])
            mx = jnp.maximum(jnp.maximum(v0, v1), v2)
            out_buf[0, pl.ds(cb, 16)] = (1.0 - mx) * 0.5
            return carry

        lax.fori_loop(0, nc16, body, 0)
        pltpu.sync_copy(out_buf.at[:, pl.ds(0, cw)],
                        out_hbm.at[pl.ds(b, 1), pl.ds(c0, cw)])

    for k in range(B_PER_W):
        b = wid * B_PER_W + k
        pltpu.sync_copy(v_hbm.at[pl.ds(b * NV2, NV2)], v_buf.at[0])
        start_in(b, 0, 0, CH)

        def loop_body(ci, carry):
            slot = ci % 2
            wait_in(b, ci * CH, slot, CH)
            pl.when(ci < NFULL - 1)(
                lambda: start_in(b, (ci + 1) * CH, 1 - slot, CH))
            pl.when(ci == NFULL - 1)(
                lambda: start_in(b, NFULL * CH, 1 - slot, TAIL))
            compute(slot, ci * CH, CH // 16, CH, b)
            return carry

        lax.fori_loop(0, NFULL, loop_body, 0)
        tslot = NFULL % 2
        wait_in(b, NFULL * CH, tslot, TAIL)
        compute(tslot, NFULL * CH, TAIL // 16, TAIL, b)


@jax.jit
def kernel(v, input_idx, input_sign):
    comb = input_idx.astype(jnp.int32) + jnp.where(
        input_sign < 0, jnp.int32(N_VARS), jnp.int32(0))
    idx = jnp.transpose(comb, (2, 0, 1))
    v2f = jnp.concatenate([v, -v], axis=1).reshape(BATCH * NV2)
    outs = []
    c0 = 0
    for ncs in SPLITS:
        run = pl.kernel(
            _make_sc_body(ncs),
            out_type=jax.ShapeDtypeStruct((BATCH, ncs), jnp.float32),
            mesh=plsc.VectorSubcoreMesh(core_axis_name="c", subcore_axis_name="s"),
            compiler_params=pltpu.CompilerParams(
                needs_layout_passes=False, use_tc_tiling_on_sc=False),
            scratch_types=[
                pltpu.VMEM((1, NV2), jnp.float32),
                pltpu.VMEM((2, N_SAT, 1, CH), jnp.int32),
                pltpu.VMEM((1, CH), jnp.float32),
                pltpu.SemaphoreType.DMA,
            ],
        )
        outs.append(run(v2f, lax.slice_in_dim(idx, c0, c0 + ncs, axis=2)))
        c0 += ncs
    if len(outs) == 1:
        return outs[0]
    return jnp.concatenate(outs, axis=1)

# --- scband reference (transcript-rebuilt; emitter-appended) ---
"""Pipeline reference for scband-or-91276644974777 (READ-ONLY COPY).

The authoritative reference and input builder live on the scoring server;
editing this copy changes nothing except your own understanding.
"""

import jax, jax.numpy as jnp
import numpy as np

BATCH = 64
N_CLAUSE = 100000
N_SAT = 3
N_VARS = 25000

def setup_inputs(seed: int = 0) -> dict:
    key = jax.random.key(seed)
    k1, k2, k3 = jax.random.split(key, 3)
    v = jax.random.normal(k1, (BATCH, N_VARS), dtype=jnp.float32)
    input_idx = jax.random.randint(k2, (BATCH, N_CLAUSE, N_SAT), 0, N_VARS, dtype=jnp.int64) if jax.config.jax_enable_x64 else jax.random.randint(k2, (BATCH, N_CLAUSE, N_SAT), 0, N_VARS).astype(jnp.int32)
    sgn = jnp.sign(jax.random.normal(k3, (BATCH, N_CLAUSE, N_SAT), dtype=jnp.float32))
    input_sign = jnp.where(sgn == 0, 1.0, sgn).astype(jnp.float32)
    return {"v": v, "input_idx": input_idx, "input_sign": input_sign}

def reference(v, input_idx, input_sign):
    # Faithful translation of OR.calc_C (the module's forward evaluation):
    # per-batch gather of variable values per clause literal, sign flip,
    # clause satisfaction via max over literals, map to C = (1 - max)/2.
    batch0 = v.shape[0]
    b_idx = jnp.arange(batch0).reshape(batch0, 1, 1)
    inp = v[b_idx, input_idx]            # gather: [batch, n_clause, n_sat]
    inp = inp * input_sign               # apply literal signs
    C = jnp.max(inp, axis=-1)            # top-1 over literals
    C = (1.0 - C) / 2.0
    return C

if __name__ == "__main__":
    import jax
    _d = setup_inputs()
    print(jax.jit(kernel)(*tuple(_d.values())))

</pallas_src>

<mosaic_0001>
#map = affine_map<(d0, d1) -> (0)>
#map1 = affine_map<(d0, d1) -> (0, 0, 0)>
#map2 = affine_map<(d0, d1) -> (0, 0)>
module attributes {stable_mosaic.version = 14 : i64} {
  func.func @_lambda_(%arg0: i32, %arg1: i32, %arg2: memref<3200000xf32, #tpu.memory_space<hbm>>, %arg3: memref<3x64x25088xi32, #tpu.memory_space<hbm>>, %arg4: memref<64x25088xf32, #tpu.memory_space<hbm>>, %arg5: memref<1x50000xf32, #tpu.memory_space<vmem>>, %arg6: memref<2x3x1x4096xi32, #tpu.memory_space<vmem>>, %arg7: memref<1x4096xf32, #tpu.memory_space<vmem>>, %arg8: memref<!tpu.dma_semaphore, #tpu.memory_space<semaphore_mem>>) attributes {dimension_semantics = [#tpu.dimension_semantics<core_parallel>, #tpu.dimension_semantics<subcore_parallel>], iteration_bounds = array<i64: 2, 16>, scalar_prefetch = 0 : i64, scratch_operands = 4 : i64, tpu.core_type = #tpu.core_type<sc_vector_subcore>, window_params = [{transform_indices = #map}, {transform_indices = #map1}, {transform_indices = #map2}]} {
    %mul3A = arith.constant 2 : i32
    %mul3A_0 = arith.muli %arg1, %mul3A : i32
    %add3A = arith.addi %mul3A_0, %arg0 : i32
    %mul3A_1 = arith.constant 2 : i32
    %mul3A_2 = arith.muli %add3A, %mul3A_1 : i32
    %add3A_3 = arith.constant 0 : i32
    %add3A_4 = arith.addi %mul3A_2, %add3A_3 : i32
    %mul3A_5 = arith.constant 50000 : i32
    %mul3A_6 = arith.muli %add3A_4, %mul3A_5 : i32
    %run_scoped3A = arith.constant 0 : i32
    "tpu.region"() ({
      %run_scoped3A_103 = tpu.sem_alloc : memref<!tpu.dma_semaphore, #tpu.memory_space<semaphore_mem>>
      %dma_start3A_104 = arith.constant 0 : i32
      %dma_start3A_105 = tpu.memref_slice %arg5[%run_scoped3A, %dma_start3A_104] : memref<1x50000xf32, #tpu.memory_space<vmem>> -> memref<1x50000xf32, #tpu.memory_space<vmem>>
      %dma_start3A_106 = tpu.memref_squeeze %dma_start3A_105 : memref<1x50000xf32, #tpu.memory_space<vmem>> -> memref<50000xf32, #tpu.memory_space<vmem>>
      %dma_start3A_107 = tpu.memref_slice %arg2[%mul3A_6] : memref<3200000xf32, #tpu.memory_space<hbm>> -> memref<50000xf32, #tpu.memory_space<hbm>>
      %dma_start3A_108 = arith.constant 0 : i32
      %dma_start3A_109 = tpu.memref_slice %arg5[%run_scoped3A, %dma_start3A_108] : memref<1x50000xf32, #tpu.memory_space<vmem>> -> memref<1x50000xf32, #tpu.memory_space<vmem>>
      %dma_start3A_110 = tpu.memref_squeeze %dma_start3A_109 : memref<1x50000xf32, #tpu.memory_space<vmem>> -> memref<50000xf32, #tpu.memory_space<vmem>>
      %dma_start3A_111 = tpu.memref_slice %arg2[%mul3A_6] : memref<3200000xf32, #tpu.memory_space<hbm>> -> memref<50000xf32, #tpu.memory_space<hbm>>
      tpu.enqueue_dma source(%dma_start3A_111 : memref<50000xf32, #tpu.memory_space<hbm>>) target(%dma_start3A_110 : memref<50000xf32, #tpu.memory_space<vmem>>) target_semaphore(%run_scoped3A_103 : memref<!tpu.dma_semaphore, #tpu.memory_space<semaphore_mem>>)
      %dma_wait3A_112 = arith.constant 0 : i32
      %dma_wait3A_113 = tpu.memref_slice %arg5[%run_scoped3A, %dma_wait3A_112] : memref<1x50000xf32, #tpu.memory_space<vmem>> -> memref<1x50000xf32, #tpu.memory_space<vmem>>
      %dma_wait3A_114 = tpu.memref_squeeze %dma_wait3A_113 : memref<1x50000xf32, #tpu.memory_space<vmem>> -> memref<50000xf32, #tpu.memory_space<vmem>>
      %dma_wait3A_115 = tpu.memref_slice %arg2[%mul3A_6] : memref<3200000xf32, #tpu.memory_space<hbm>> -> memref<50000xf32, #tpu.memory_space<hbm>>
      %dma_wait3A_116 = arith.constant 0 : i32
      %dma_wait3A_117 = tpu.memref_slice %arg5[%run_scoped3A, %dma_wait3A_116] : memref<1x50000xf32, #tpu.memory_space<vmem>> -> memref<1x50000xf32, #tpu.memory_space<vmem>>
      %dma_wait3A_118 = tpu.memref_squeeze %dma_wait3A_117 : memref<1x50000xf32, #tpu.memory_space<vmem>> -> memref<50000xf32, #tpu.memory_space<vmem>>
      %dma_wait3A_119 = tpu.memref_slice %arg2[%mul3A_6] : memref<3200000xf32, #tpu.memory_space<hbm>> -> memref<50000xf32, #tpu.memory_space<hbm>>
      tpu.wait_dma2 semaphore(%run_scoped3A_103 : memref<!tpu.dma_semaphore, #tpu.memory_space<semaphore_mem>>) src(%dma_wait3A_119 : memref<50000xf32, #tpu.memory_space<hbm>>) dst(%dma_wait3A_118 : memref<50000xf32, #tpu.memory_space<vmem>>)
      tpu.yield
    }) : () -> ()
    %dma_start3A = arith.constant 0 : i32
    %dma_start3A_7 = arith.constant 0 : i32
    %dma_start3A_8 = arith.constant 0 : i32
    %dma_start3A_9 = arith.constant 0 : i32
    %dma_start3A_10 = tpu.memref_slice %arg6[%dma_start3A, %dma_start3A_7, %dma_start3A_8, %dma_start3A_9] : memref<2x3x1x4096xi32, #tpu.memory_space<vmem>> -> memref<1x3x1x4096xi32, #tpu.memory_space<vmem>>
    %dma_start3A_11 = tpu.memref_squeeze %dma_start3A_10 : memref<1x3x1x4096xi32, #tpu.memory_space<vmem>> -> memref<3x1x4096xi32, #tpu.memory_space<vmem>>
    %dma_start3A_12 = arith.constant 0 : i32
    %dma_start3A_13 = arith.constant 0 : i32
    %dma_start3A_14 = tpu.memref_slice %arg3[%dma_start3A_12, %add3A_4, %dma_start3A_13] : memref<3x64x25088xi32, #tpu.memory_space<hbm>> -> memref<3x1x4096xi32, #tpu.memory_space<hbm>>
    %dma_start3A_15 = arith.constant 0 : i32
    %dma_start3A_16 = arith.constant 0 : i32
    %dma_start3A_17 = arith.constant 0 : i32
    %dma_start3A_18 = tpu.memref_slice %arg6[%dma_start3A, %dma_start3A_15, %dma_start3A_16, %dma_start3A_17] : memref<2x3x1x4096xi32, #tpu.memory_space<vmem>> -> memref<1x3x1x4096xi32, #tpu.memory_space<vmem>>
    %dma_start3A_19 = tpu.memref_squeeze %dma_start3A_18 : memref<1x3x1x4096xi32, #tpu.memory_space<vmem>> -> memref<3x1x4096xi32, #tpu.memory_space<vmem>>
    %dma_start3A_20 = arith.constant 0 : i32
    %dma_start3A_21 = arith.constant 0 : i32
    %dma_start3A_22 = tpu.memref_slice %arg3[%dma_start3A_20, %add3A_4, %dma_start3A_21] : memref<3x64x25088xi32, #tpu.memory_space<hbm>> -> memref<3x1x4096xi32, #tpu.memory_space<hbm>>
    tpu.enqueue_dma source(%dma_start3A_22 : memref<3x1x4096xi32, #tpu.memory_space<hbm>>) target(%dma_start3A_19 : memref<3x1x4096xi32, #tpu.memory_space<vmem>>) target_semaphore(%arg8 : memref<!tpu.dma_semaphore, #tpu.memory_space<semaphore_mem>>)
    %scan3A = arith.constant 0 : i32
    %scan3A_23 = arith.constant 0 : i32
    %scan3A_24 = arith.constant 6 : i32
    %scan3A_25 = arith.addi %scan3A_23, %scan3A_24 : i32
    %scan3A_26 = arith.constant 1 : i32
    scf.for %scan3A_103 = %scan3A_23 to %scan3A_25 step %scan3A_26  : i32 {
      %jit3A = arith.constant 2 : i32
      %eq3A = arith.constant 0 : i32
      %eq3A_104 = arith.cmpi eq, %jit3A, %eq3A : i32
      %jit3A_105 = arith.constant 1 : i32
      %select_n3A = arith.select %eq3A_104, %jit3A_105, %jit3A : i32
      %rem3A = arith.remsi %scan3A_103, %select_n3A : i32
      %ne3A = arith.constant 0 : i32
      %ne3A_106 = arith.cmpi ne, %rem3A, %ne3A : i32
      %lt3A = arith.constant 0 : i32
      %lt3A_107 = arith.cmpi slt, %rem3A, %lt3A : i32
      %lt3A_108 = arith.constant 0 : i32
      %lt3A_109 = arith.cmpi slt, %select_n3A, %lt3A_108 : i32
      %ne3A_110 = arith.xori %lt3A_107, %lt3A_109 : i1
      %and3A = arith.andi %ne3A_110, %ne3A_106 : i1
      %add3A_111 = arith.addi %rem3A, %select_n3A : i32
      %select_n3A_112 = arith.select %and3A, %add3A_111, %rem3A : i32
      %mul3A_113 = arith.constant 4096 : i32
      %mul3A_114 = arith.muli %scan3A_103, %mul3A_113 : i32
      %dma_wait3A_115 = arith.constant 0 : i32
      %dma_wait3A_116 = arith.constant 0 : i32
      %dma_wait3A_117 = arith.constant 0 : i32
      %dma_wait3A_118 = tpu.memref_slice %arg6[%select_n3A_112, %dma_wait3A_115, %dma_wait3A_116, %dma_wait3A_117] : memref<2x3x1x4096xi32, #tpu.memory_space<vmem>> -> memref<1x3x1x4096xi32, #tpu.memory_space<vmem>>
      %dma_wait3A_119 = tpu.memref_squeeze %dma_wait3A_118 : memref<1x3x1x4096xi32, #tpu.memory_space<vmem>> -> memref<3x1x4096xi32, #tpu.memory_space<vmem>>
      %dma_wait3A_120 = arith.constant 0 : i32
      %dma_wait3A_121 = tpu.memref_slice %arg3[%dma_wait3A_120, %add3A_4, %mul3A_114] : memref<3x64x25088xi32, #tpu.memory_space<hbm>> -> memref<3x1x4096xi32, #tpu.memory_space<hbm>>
      %dma_wait3A_122 = arith.constant 0 : i32
      %dma_wait3A_123 = arith.constant 0 : i32
      %dma_wait3A_124 = arith.constant 0 : i32
      %dma_wait3A_125 = tpu.memref_slice %arg6[%select_n3A_112, %dma_wait3A_122, %dma_wait3A_123, %dma_wait3A_124] : memref<2x3x1x4096xi32, #tpu.memory_space<vmem>> -> memref<1x3x1x4096xi32, #tpu.memory_space<vmem>>
      %dma_wait3A_126 = tpu.memref_squeeze %dma_wait3A_125 : memref<1x3x1x4096xi32, #tpu.memory_space<vmem>> -> memref<3x1x4096xi32, #tpu.memory_space<vmem>>
      %dma_wait3A_127 = arith.constant 0 : i32
      %dma_wait3A_128 = tpu.memref_slice %arg3[%dma_wait3A_127, %add3A_4, %mul3A_114] : memref<3x64x25088xi32, #tpu.memory_space<hbm>> -> memref<3x1x4096xi32, #tpu.memory_space<hbm>>
      tpu.wait_dma2 semaphore(%arg8 : memref<!tpu.dma_semaphore, #tpu.memory_space<semaphore_mem>>) src(%dma_wait3A_128 : memref<3x1x4096xi32, #tpu.memory_space<hbm>>) dst(%dma_wait3A_126 : memref<3x1x4096xi32, #tpu.memory_space<vmem>>)
      %lt3A_129 = arith.constant 5 : i32
      %lt3A_130 = arith.cmpi slt, %scan3A_103, %lt3A_129 : i32
      %convert_element_type3A = arith.extui %lt3A_130 : i1 to i32
      %cond3A = arith.constant 0 : i32
      %cond3A_131 = arith.cmpi ne, %convert_element_type3A, %cond3A : i32
      scf.if %cond3A_131 {
        %add3A_145 = arith.constant 1 : i32
        %add3A_146 = arith.addi %scan3A_103, %add3A_145 : i32
        %mul3A_147 = arith.constant 4096 : i32
        %mul3A_148 = arith.muli %add3A_146, %mul3A_147 : i32
        %sub3A = arith.constant 1 : i32
        %sub3A_149 = arith.subi %sub3A, %select_n3A_112 : i32
        %dma_start3A_150 = arith.constant 0 : i32
        %dma_start3A_151 = arith.constant 0 : i32
        %dma_start3A_152 = arith.constant 0 : i32
        %dma_start3A_153 = tpu.memref_slice %arg6[%sub3A_149, %dma_start3A_150, %dma_start3A_151, %dma_start3A_152] : memref<2x3x1x4096xi32, #tpu.memory_space<vmem>> -> memref<1x3x1x4096xi32, #tpu.memory_space<vmem>>
        %dma_start3A_154 = tpu.memref_squeeze %dma_start3A_153 : memref<1x3x1x4096xi32, #tpu.memory_space<vmem>> -> memref<3x1x4096xi32, #tpu.memory_space<vmem>>
        %dma_start3A_155 = arith.constant 0 : i32
        %dma_start3A_156 = tpu.memref_slice %arg3[%dma_start3A_155, %add3A_4, %mul3A_148] : memref<3x64x25088xi32, #tpu.memory_space<hbm>> -> memref<3x1x4096xi32, #tpu.memory_space<hbm>>
        %dma_start3A_157 = arith.constant 0 : i32
        %dma_start3A_158 = arith.constant 0 : i32
        %dma_start3A_159 = arith.constant 0 : i32
        %dma_start3A_160 = tpu.memref_slice %arg6[%sub3A_149, %dma_start3A_157, %dma_start3A_158, %dma_start3A_159] : memref<2x3x1x4096xi32, #tpu.memory_space<vmem>> -> memref<1x3x1x4096xi32, #tpu.memory_space<vmem>>
        %dma_start3A_161 = tpu.memref_squeeze %dma_start3A_160 : memref<1x3x1x4096xi32, #tpu.memory_space<vmem>> -> memref<3x1x4096xi32, #tpu.memory_space<vmem>>
        %dma_start3A_162 = arith.constant 0 : i32
        %dma_start3A_163 = tpu.memref_slice %arg3[%dma_start3A_162, %add3A_4, %mul3A_148] : memref<3x64x25088xi32, #tpu.memory_space<hbm>> -> memref<3x1x4096xi32, #tpu.memory_space<hbm>>
        tpu.enqueue_dma source(%dma_start3A_163 : memref<3x1x4096xi32, #tpu.memory_space<hbm>>) target(%dma_start3A_161 : memref<3x1x4096xi32, #tpu.memory_space<vmem>>) target_semaphore(%arg8 : memref<!tpu.dma_semaphore, #tpu.memory_space<semaphore_mem>>)
      } else {
      }
      %eq3A_132 = arith.constant 5 : i32
      %eq3A_133 = arith.cmpi eq, %scan3A_103, %eq3A_132 : i32
      %convert_element_type3A_134 = arith.extui %eq3A_133 : i1 to i32
      %cond3A_135 = arith.constant 0 : i32
      %cond3A_136 = arith.cmpi ne, %convert_element_type3A_134, %cond3A_135 : i32
      scf.if %cond3A_136 {
        %sub3A = arith.constant 1 : i32
        %sub3A_145 = arith.subi %sub3A, %select_n3A_112 : i32
        %dma_start3A_146 = arith.constant 0 : i32
        %dma_start3A_147 = arith.constant 0 : i32
        %dma_start3A_148 = arith.constant 0 : i32
        %dma_start3A_149 = tpu.memref_slice %arg6[%sub3A_145, %dma_start3A_146, %dma_start3A_147, %dma_start3A_148] : memref<2x3x1x4096xi32, #tpu.memory_space<vmem>> -> memref<1x3x1x512xi32, #tpu.memory_space<vmem>>
        %dma_start3A_150 = tpu.memref_squeeze %dma_start3A_149 : memref<1x3x1x512xi32, #tpu.memory_space<vmem>> -> memref<3x1x512xi32, #tpu.memory_space<vmem>>
        %dma_start3A_151 = arith.constant 0 : i32
        %dma_start3A_152 = arith.constant 24576 : i32
        %dma_start3A_153 = tpu.memref_slice %arg3[%dma_start3A_151, %add3A_4, %dma_start3A_152] : memref<3x64x25088xi32, #tpu.memory_space<hbm>> -> memref<3x1x512xi32, #tpu.memory_space<hbm>>
        %dma_start3A_154 = arith.constant 0 : i32
        %dma_start3A_155 = arith.constant 0 : i32
        %dma_start3A_156 = arith.constant 0 : i32
        %dma_start3A_157 = tpu.memref_slice %arg6[%sub3A_145, %dma_start3A_154, %dma_start3A_155, %dma_start3A_156] : memref<2x3x1x4096xi32, #tpu.memory_space<vmem>> -> memref<1x3x1x512xi32, #tpu.memory_space<vmem>>
        %dma_start3A_158 = tpu.memref_squeeze %dma_start3A_157 : memref<1x3x1x512xi32, #tpu.memory_space<vmem>> -> memref<3x1x512xi32, #tpu.memory_space<vmem>>
        %dma_start3A_159 = arith.constant 0 : i32
        %dma_start3A_160 = arith.constant 24576 : i32
        %dma_start3A_161 = tpu.memref_slice %arg3[%dma_start3A_159, %add3A_4, %dma_start3A_160] : memref<3x64x25088xi32, #tpu.memory_space<hbm>> -> memref<3x1x512xi32, #tpu.memory_space<hbm>>
        tpu.enqueue_dma source(%dma_start3A_161 : memref<3x1x512xi32, #tpu.memory_space<hbm>>) target(%dma_start3A_158 : memref<3x1x512xi32, #tpu.memory_space<vmem>>) target_semaphore(%arg8 : memref<!tpu.dma_semaphore, #tpu.memory_space<semaphore_mem>>)
      } else {
      }
      %mul3A_137 = arith.constant 4096 : i32
      %mul3A_138 = arith.muli %scan3A_103, %mul3A_137 : i32
      %scan3A_139 = arith.constant 0 : i32
      %scan3A_140 = arith.constant 0 : i32
      %scan3A_141 = arith.constant 256 : i32
      %scan3A_142 = arith.addi %scan3A_140, %scan3A_141 : i32
      %scan3A_143 = arith.constant 1 : i32
      scf.for %scan3A_145 = %scan3A_140 to %scan3A_142 step %scan3A_143  : i32 {
        %mul3A_146 = arith.constant 16 : i32
        %mul3A_147 = arith.muli %scan3A_145, %mul3A_146 : i32
        %get3A = arith.constant 0 : i32
        %get3A_148 = arith.constant 0 : i32
        %get3A_149 = arith.index_cast %select_n3A_112 : i32 to index
        %get3A_150 = arith.index_cast %get3A : i32 to index
        %get3A_151 = arith.index_cast %get3A_148 : i32 to index
        %get3A_152 = arith.index_cast %mul3A_147 : i32 to index
        %get3A_153 = tpu.vector_load %arg6[%get3A_149, %get3A_150, %get3A_151, %get3A_152] {strides = array<i32>} : memref<2x3x1x4096xi32, #tpu.memory_space<vmem>>, vector<16xi32>,
        %get3A_154 = arith.constant 1 : i32
        %get3A_155 = arith.constant 0 : i32
        %get3A_156 = arith.index_cast %select_n3A_112 : i32 to index
        %get3A_157 = arith.index_cast %get3A_154 : i32 to index
        %get3A_158 = arith.index_cast %get3A_155 : i32 to index
        %get3A_159 = arith.index_cast %mul3A_147 : i32 to index
        %get3A_160 = tpu.vector_load %arg6[%get3A_156, %get3A_157, %get3A_158, %get3A_159] {strides = array<i32>} : memref<2x3x1x4096xi32, #tpu.memory_space<vmem>>, vector<16xi32>,
        %get3A_161 = arith.constant 2 : i32
        %get3A_162 = arith.constant 0 : i32
        %get3A_163 = arith.index_cast %select_n3A_112 : i32 to index
        %get3A_164 = arith.index_cast %get3A_161 : i32 to index
        %get3A_165 = arith.index_cast %get3A_162 : i32 to index
        %get3A_166 = arith.index_cast %mul3A_147 : i32 to index
        %get3A_167 = tpu.vector_load %arg6[%get3A_163, %get3A_164, %get3A_165, %get3A_166] {strides = array<i32>} : memref<2x3x1x4096xi32, #tpu.memory_space<vmem>>, vector<16xi32>,
        %gather3A = arith.constant 0 : i32
        %gather3A_168 = arith.constant 0 : i32
        %gather3A_169 = tpu.memref_slice %arg5[%gather3A, %gather3A_168] : memref<1x50000xf32, #tpu.memory_space<vmem>> -> memref<1x50000xf32, #tpu.memory_space<vmem>>
        %gather3A_170 = tpu.memref_squeeze %gather3A_169 : memref<1x50000xf32, #tpu.memory_space<vmem>> -> memref<50000xf32, #tpu.memory_space<vmem>>
        %gather3A_171 = tpu.vector_load_idx %gather3A_170[%get3A_153] : memref<50000xf32, #tpu.memory_space<vmem>>[vector<16xi32>], vector<16xf32>,
        %gather3A_172 = arith.constant 0 : i32
        %gather3A_173 = arith.constant 0 : i32
        %gather3A_174 = tpu.memref_slice %arg5[%gather3A_172, %gather3A_173] : memref<1x50000xf32, #tpu.memory_space<vmem>> -> memref<1x50000xf32, #tpu.memory_space<vmem>>
        %gather3A_175 = tpu.memref_squeeze %gather3A_174 : memref<1x50000xf32, #tpu.memory_space<vmem>> -> memref<50000xf32, #tpu.memory_space<vmem>>
        %gather3A_176 = tpu.vector_load_idx %gather3A_175[%get3A_160] : memref<50000xf32, #tpu.memory_space<vmem>>[vector<16xi32>], vector<16xf32>,
        %gather3A_177 = arith.constant 0 : i32
        %gather3A_178 = arith.constant 0 : i32
        %gather3A_179 = tpu.memref_slice %arg5[%gather3A_177, %gather3A_178] : memref<1x50000xf32, #tpu.memory_space<vmem>> -> memref<1x50000xf32, #tpu.memory_space<vmem>>
        %gather3A_180 = tpu.memref_squeeze %gather3A_179 : memref<1x50000xf32, #tpu.memory_space<vmem>> -> memref<50000xf32, #tpu.memory_space<vmem>>
        %gather3A_181 = tpu.vector_load_idx %gather3A_180[%get3A_167] : memref<50000xf32, #tpu.memory_space<vmem>>[vector<16xi32>], vector<16xf32>,
        %max3A = arith.maximumf %gather3A_171, %gather3A_176 : vector<16xf32>
        %max3A_182 = arith.maximumf %max3A, %gather3A_181 : vector<16xf32>
        %sub3A = arith.constant 1.000000e+00 : f32
        %sub3A_183 = vector.broadcast %sub3A : f32 to vector<16xf32>
        %sub3A_184 = arith.subf %sub3A_183, %max3A_182 : vector<16xf32>
        %mul3A_185 = arith.constant 5.000000e-01 : f32
        %mul3A_186 = vector.broadcast %mul3A_185 : f32 to vector<16xf32>
        %mul3A_187 = arith.mulf %sub3A_184, %mul3A_186 : vector<16xf32>
        %swap3A = arith.constant 0 : i32
        %swap3A_188 = arith.index_cast %swap3A : i32 to index
        %swap3A_189 = arith.index_cast %mul3A_147 : i32 to index
        %swap3A_190 = tpu.vector_load %arg7[%swap3A_188, %swap3A_189] {strides = array<i32>} : memref<1x4096xf32, #tpu.memory_space<vmem>>, vector<16xf32>,
        tpu.vector_store %arg7[%swap3A_188, %swap3A_189], %mul3A_187 {strides = array<i32>} : memref<1x4096xf32, #tpu.memory_space<vmem>>, vector<16xf32>,
      }
      %scan3A_144 = arith.constant 256 : i32
      "tpu.region"() ({
        %run_scoped3A_145 = tpu.sem_alloc : memref<!tpu.dma_semaphore, #tpu.memory_space<semaphore_mem>>
        %dma_start3A_146 = arith.constant 0 : i32
        %dma_start3A_147 = arith.constant 0 : i32
        %dma_start3A_148 = tpu.memref_slice %arg7[%dma_start3A_146, %dma_start3A_147] : memref<1x4096xf32, #tpu.memory_space<vmem>> -> memref<1x4096xf32, #tpu.memory_space<vmem>>
        %dma_start3A_149 = tpu.memref_slice %arg4[%add3A_4, %mul3A_138] : memref<64x25088xf32, #tpu.memory_space<hbm>> -> memref<1x4096xf32, #tpu.memory_space<hbm>>
        %dma_start3A_150 = tpu.memref_slice %arg4[%add3A_4, %mul3A_138] : memref<64x25088xf32, #tpu.memory_space<hbm>> -> memref<1x4096xf32, #tpu.memory_space<hbm>>
        %dma_start3A_151 = arith.constant 0 : i32
        %dma_start3A_152 = arith.constant 0 : i32
        %dma_start3A_153 = tpu.memref_slice %arg7[%dma_start3A_151, %dma_start3A_152] : memref<1x4096xf32, #tpu.memory_space<vmem>> -> memref<1x4096xf32, #tpu.memory_space<vmem>>
        tpu.enqueue_dma source(%dma_start3A_153 : memref<1x4096xf32, #tpu.memory_space<vmem>>) target(%dma_start3A_150 : memref<1x4096xf32, #tpu.memory_space<hbm>>) target_semaphore(%run_scoped3A_145 : memref<!tpu.dma_semaphore, #tpu.memory_space<semaphore_mem>>)
        %dma_wait3A_154 = arith.constant 0 : i32
        %dma_wait3A_155 = arith.constant 0 : i32
        %dma_wait3A_156 = tpu.memref_slice %arg7[%dma_wait3A_154, %dma_wait3A_155] : memref<1x4096xf32, #tpu.memory_space<vmem>> -> memref<1x4096xf32, #tpu.memory_space<vmem>>
        %dma_wait3A_157 = tpu.memref_slice %arg4[%add3A_4, %mul3A_138] : memref<64x25088xf32, #tpu.memory_space<hbm>> -> memref<1x4096xf32, #tpu.memory_space<hbm>>
        %dma_wait3A_158 = tpu.memref_slice %arg4[%add3A_4, %mul3A_138] : memref<64x25088xf32, #tpu.memory_space<hbm>> -> memref<1x4096xf32, #tpu.memory_space<hbm>>
        %dma_wait3A_159 = arith.constant 0 : i32
        %dma_wait3A_160 = arith.constant 0 : i32
        %dma_wait3A_161 = tpu.memref_slice %arg7[%dma_wait3A_159, %dma_wait3A_160] : memref<1x4096xf32, #tpu.memory_space<vmem>> -> memref<1x4096xf32, #tpu.memory_space<vmem>>
        tpu.wait_dma2 semaphore(%run_scoped3A_145 : memref<!tpu.dma_semaphore, #tpu.memory_space<semaphore_mem>>) src(%dma_wait3A_161 : memref<1x4096xf32, #tpu.memory_space<vmem>>) dst(%dma_wait3A_158 : memref<1x4096xf32, #tpu.memory_space<hbm>>)
        tpu.yield
      }) : () -> ()
    }
    %scan3A_27 = arith.constant 6 : i32
    %dma_wait3A = arith.constant 0 : i32
    %dma_wait3A_28 = arith.constant 0 : i32
    %dma_wait3A_29 = arith.constant 0 : i32
    %dma_wait3A_30 = arith.constant 0 : i32
    %dma_wait3A_31 = tpu.memref_slice %arg6[%dma_wait3A, %dma_wait3A_28, %dma_wait3A_29, %dma_wait3A_30] : memref<2x3x1x4096xi32, #tpu.memory_space<vmem>> -> memref<1x3x1x512xi32, #tpu.memory_space<vmem>>
    %dma_wait3A_32 = tpu.memref_squeeze %dma_wait3A_31 : memref<1x3x1x512xi32, #tpu.memory_space<vmem>> -> memref<3x1x512xi32, #tpu.memory_space<vmem>>
    %dma_wait3A_33 = arith.constant 0 : i32
    %dma_wait3A_34 = arith.constant 24576 : i32
    %dma_wait3A_35 = tpu.memref_slice %arg3[%dma_wait3A_33, %add3A_4, %dma_wait3A_34] : memref<3x64x25088xi32, #tpu.memory_space<hbm>> -> memref<3x1x512xi32, #tpu.memory_space<hbm>>
    %dma_wait3A_36 = arith.constant 0 : i32
    %dma_wait3A_37 = arith.constant 0 : i32
    %dma_wait3A_38 = arith.constant 0 : i32
    %dma_wait3A_39 = tpu.memref_slice %arg6[%dma_wait3A, %dma_wait3A_36, %dma_wait3A_37, %dma_wait3A_38] : memref<2x3x1x4096xi32, #tpu.memory_space<vmem>> -> memref<1x3x1x512xi32, #tpu.memory_space<vmem>>
    %dma_wait3A_40 = tpu.memref_squeeze %dma_wait3A_39 : memref<1x3x1x512xi32, #tpu.memory_space<vmem>> -> memref<3x1x512xi32, #tpu.memory_space<vmem>>
    %dma_wait3A_41 = arith.constant 0 : i32
    %dma_wait3A_42 = arith.constant 24576 : i32
    %dma_wait3A_43 = tpu.memref_slice %arg3[%dma_wait3A_41, %add3A_4, %dma_wait3A_42] : memref<3x64x25088xi32, #tpu.memory_space<hbm>> -> memref<3x1x512xi32, #tpu.memory_space<hbm>>
    tpu.wait_dma2 semaphore(%arg8 : memref<!tpu.dma_semaphore, #tpu.memory_space<semaphore_mem>>) src(%dma_wait3A_43 : memref<3x1x512xi32, #tpu.memory_space<hbm>>) dst(%dma_wait3A_40 : memref<3x1x512xi32, #tpu.memory_space<vmem>>)
    %scan3A_44 = arith.constant 0 : i32
    %scan3A_45 = arith.constant 0 : i32
    %scan3A_46 = arith.constant 32 : i32
    %scan3A_47 = arith.addi %scan3A_45, %scan3A_46 : i32
    %scan3A_48 = arith.constant 1 : i32
    scf.for %scan3A_103 = %scan3A_45 to %scan3A_47 step %scan3A_48  : i32 {
      %mul3A_104 = arith.constant 16 : i32
      %mul3A_105 = arith.muli %scan3A_103, %mul3A_104 : i32
      %get3A = arith.constant 0 : i32
      %get3A_106 = arith.constant 0 : i32
      %get3A_107 = arith.constant 0 : i32
      %get3A_108 = arith.index_cast %get3A : i32 to index
      %get3A_109 = arith.index_cast %get3A_106 : i32 to index
      %get3A_110 = arith.index_cast %get3A_107 : i32 to index
      %get3A_111 = arith.index_cast %mul3A_105 : i32 to index
      %get3A_112 = tpu.vector_load %arg6[%get3A_108, %get3A_109, %get3A_110, %get3A_111] {strides = array<i32>} : memref<2x3x1x4096xi32, #tpu.memory_space<vmem>>, vector<16xi32>,
      %get3A_113 = arith.constant 0 : i32
      %get3A_114 = arith.constant 1 : i32
      %get3A_115 = arith.constant 0 : i32
      %get3A_116 = arith.index_cast %get3A_113 : i32 to index
      %get3A_117 = arith.index_cast %get3A_114 : i32 to index
      %get3A_118 = arith.index_cast %get3A_115 : i32 to index
      %get3A_119 = arith.index_cast %mul3A_105 : i32 to index
      %get3A_120 = tpu.vector_load %arg6[%get3A_116, %get3A_117, %get3A_118, %get3A_119] {strides = array<i32>} : memref<2x3x1x4096xi32, #tpu.memory_space<vmem>>, vector<16xi32>,
      %get3A_121 = arith.constant 0 : i32
      %get3A_122 = arith.constant 2 : i32
      %get3A_123 = arith.constant 0 : i32
      %get3A_124 = arith.index_cast %get3A_121 : i32 to index
      %get3A_125 = arith.index_cast %get3A_122 : i32 to index
      %get3A_126 = arith.index_cast %get3A_123 : i32 to index
      %get3A_127 = arith.index_cast %mul3A_105 : i32 to index
      %get3A_128 = tpu.vector_load %arg6[%get3A_124, %get3A_125, %get3A_126, %get3A_127] {strides = array<i32>} : memref<2x3x1x4096xi32, #tpu.memory_space<vmem>>, vector<16xi32>,
      %gather3A = arith.constant 0 : i32
      %gather3A_129 = arith.constant 0 : i32
      %gather3A_130 = tpu.memref_slice %arg5[%gather3A, %gather3A_129] : memref<1x50000xf32, #tpu.memory_space<vmem>> -> memref<1x50000xf32, #tpu.memory_space<vmem>>
      %gather3A_131 = tpu.memref_squeeze %gather3A_130 : memref<1x50000xf32, #tpu.memory_space<vmem>> -> memref<50000xf32, #tpu.memory_space<vmem>>
      %gather3A_132 = tpu.vector_load_idx %gather3A_131[%get3A_112] : memref<50000xf32, #tpu.memory_space<vmem>>[vector<16xi32>], vector<16xf32>,
      %gather3A_133 = arith.constant 0 : i32
      %gather3A_134 = arith.constant 0 : i32
      %gather3A_135 = tpu.memref_slice %arg5[%gather3A_133, %gather3A_134] : memref<1x50000xf32, #tpu.memory_space<vmem>> -> memref<1x50000xf32, #tpu.memory_space<vmem>>
      %gather3A_136 = tpu.memref_squeeze %gather3A_135 : memref<1x50000xf32, #tpu.memory_space<vmem>> -> memref<50000xf32, #tpu.memory_space<vmem>>
      %gather3A_137 = tpu.vector_load_idx %gather3A_136[%get3A_120] : memref<50000xf32, #tpu.memory_space<vmem>>[vector<16xi32>], vector<16xf32>,
      %gather3A_138 = arith.constant 0 : i32
      %gather3A_139 = arith.constant 0 : i32
      %gather3A_140 = tpu.memref_slice %arg5[%gather3A_138, %gather3A_139] : memref<1x50000xf32, #tpu.memory_space<vmem>> -> memref<1x50000xf32, #tpu.memory_space<vmem>>
      %gather3A_141 = tpu.memref_squeeze %gather3A_140 : memref<1x50000xf32, #tpu.memory_space<vmem>> -> memref<50000xf32, #tpu.memory_space<vmem>>
      %gather3A_142 = tpu.vector_load_idx %gather3A_141[%get3A_128] : memref<50000xf32, #tpu.memory_space<vmem>>[vector<16xi32>], vector<16xf32>,
      %max3A = arith.maximumf %gather3A_132, %gather3A_137 : vector<16xf32>
      %max3A_143 = arith.maximumf %max3A, %gather3A_142 : vector<16xf32>
      %sub3A = arith.constant 1.000000e+00 : f32
      %sub3A_144 = vector.broadcast %sub3A : f32 to vector<16xf32>
      %sub3A_145 = arith.subf %sub3A_144, %max3A_143 : vector<16xf32>
      %mul3A_146 = arith.constant 5.000000e-01 : f32
      %mul3A_147 = vector.broadcast %mul3A_146 : f32 to vector<16xf32>
      %mul3A_148 = arith.mulf %sub3A_145, %mul3A_147 : vector<16xf32>
      %swap3A = arith.constant 0 : i32
      %swap3A_149 = arith.index_cast %swap3A : i32 to index
      %swap3A_150 = arith.index_cast %mul3A_105 : i32 to index
      %swap3A_151 = tpu.vector_load %arg7[%swap3A_149, %swap3A_150] {strides = array<i32>} : memref<1x4096xf32, #tpu.memory_space<vmem>>, vector<16xf32>,
      tpu.vector_store %arg7[%swap3A_149, %swap3A_150], %mul3A_148 {strides = array<i32>} : memref<1x4096xf32, #tpu.memory_space<vmem>>, vector<16xf32>,
    }
    %scan3A_49 = arith.constant 32 : i32
    "tpu.region"() ({
      %run_scoped3A_103 = tpu.sem_alloc : memref<!tpu.dma_semaphore, #tpu.memory_space<semaphore_mem>>
      %dma_start3A_104 = arith.constant 0 : i32
      %dma_start3A_105 = arith.constant 0 : i32
      %dma_start3A_106 = tpu.memref_slice %arg7[%dma_start3A_104, %dma_start3A_105] : memref<1x4096xf32, #tpu.memory_space<vmem>> -> memref<1x512xf32, #tpu.memory_space<vmem>>
      %dma_start3A_107 = arith.constant 24576 : i32
      %dma_start3A_108 = tpu.memref_slice %arg4[%add3A_4, %dma_start3A_107] : memref<64x25088xf32, #tpu.memory_space<hbm>> -> memref<1x512xf32, #tpu.memory_space<hbm>>
      %dma_start3A_109 = arith.constant 24576 : i32
      %dma_start3A_110 = tpu.memref_slice %arg4[%add3A_4, %dma_start3A_109] : memref<64x25088xf32, #tpu.memory_space<hbm>> -> memref<1x512xf32, #tpu.memory_space<hbm>>
      %dma_start3A_111 = arith.constant 0 : i32
      %dma_start3A_112 = arith.constant 0 : i32
      %dma_start3A_113 = tpu.memref_slice %arg7[%dma_start3A_111, %dma_start3A_112] : memref<1x4096xf32, #tpu.memory_space<vmem>> -> memref<1x512xf32, #tpu.memory_space<vmem>>
      tpu.enqueue_dma source(%dma_start3A_113 : memref<1x512xf32, #tpu.memory_space<vmem>>) target(%dma_start3A_110 : memref<1x512xf32, #tpu.memory_space<hbm>>) target_semaphore(%run_scoped3A_103 : memref<!tpu.dma_semaphore, #tpu.memory_space<semaphore_mem>>)
      %dma_wait3A_114 = arith.constant 0 : i32
      %dma_wait3A_115 = arith.constant 0 : i32
      %dma_wait3A_116 = tpu.memref_slice %arg7[%dma_wait3A_114, %dma_wait3A_115] : memref<1x4096xf32, #tpu.memory_space<vmem>> -> memref<1x512xf32, #tpu.memory_space<vmem>>
      %dma_wait3A_117 = arith.constant 24576 : i32
      %dma_wait3A_118 = tpu.memref_slice %arg4[%add3A_4, %dma_wait3A_117] : memref<64x25088xf32, #tpu.memory_space<hbm>> -> memref<1x512xf32, #tpu.memory_space<hbm>>
      %dma_wait3A_119 = arith.constant 24576 : i32
      %dma_wait3A_120 = tpu.memref_slice %arg4[%add3A_4, %dma_wait3A_119] : memref<64x25088xf32, #tpu.memory_space<hbm>> -> memref<1x512xf32, #tpu.memory_space<hbm>>
      %dma_wait3A_121 = arith.constant 0 : i32
      %dma_wait3A_122 = arith.constant 0 : i32
      %dma_wait3A_123 = tpu.memref_slice %arg7[%dma_wait3A_121, %dma_wait3A_122] : memref<1x4096xf32, #tpu.memory_space<vmem>> -> memref<1x512xf32, #tpu.memory_space<vmem>>
      tpu.wait_dma2 semaphore(%run_scoped3A_103 : memref<!tpu.dma_semaphore, #tpu.memory_space<semaphore_mem>>) src(%dma_wait3A_123 : memref<1x512xf32, #tpu.memory_space<vmem>>) dst(%dma_wait3A_120 : memref<1x512xf32, #tpu.memory_space<hbm>>)
      tpu.yield
    }) : () -> ()
    %mul3A_50 = arith.constant 2 : i32
    %mul3A_51 = arith.muli %add3A, %mul3A_50 : i32
    %add3A_52 = arith.constant 1 : i32
    %add3A_53 = arith.addi %mul3A_51, %add3A_52 : i32
    %mul3A_54 = arith.constant 50000 : i32
    %mul3A_55 = arith.muli %add3A_53, %mul3A_54 : i32
    %run_scoped3A_56 = arith.constant 0 : i32
    "tpu.region"() ({
      %run_scoped3A_103 = tpu.sem_alloc : memref<!tpu.dma_semaphore, #tpu.memory_space<semaphore_mem>>
      %dma_start3A_104 = arith.constant 0 : i32
      %dma_start3A_105 = tpu.memref_slice %arg5[%run_scoped3A_56, %dma_start3A_104] : memref<1x50000xf32, #tpu.memory_space<vmem>> -> memref<1x50000xf32, #tpu.memory_space<vmem>>
      %dma_start3A_106 = tpu.memref_squeeze %dma_start3A_105 : memref<1x50000xf32, #tpu.memory_space<vmem>> -> memref<50000xf32, #tpu.memory_space<vmem>>
      %dma_start3A_107 = tpu.memref_slice %arg2[%mul3A_55] : memref<3200000xf32, #tpu.memory_space<hbm>> -> memref<50000xf32, #tpu.memory_space<hbm>>
      %dma_start3A_108 = arith.constant 0 : i32
      %dma_start3A_109 = tpu.memref_slice %arg5[%run_scoped3A_56, %dma_start3A_108] : memref<1x50000xf32, #tpu.memory_space<vmem>> -> memref<1x50000xf32, #tpu.memory_space<vmem>>
      %dma_start3A_110 = tpu.memref_squeeze %dma_start3A_109 : memref<1x50000xf32, #tpu.memory_space<vmem>> -> memref<50000xf32, #tpu.memory_space<vmem>>
      %dma_start3A_111 = tpu.memref_slice %arg2[%mul3A_55] : memref<3200000xf32, #tpu.memory_space<hbm>> -> memref<50000xf32, #tpu.memory_space<hbm>>
      tpu.enqueue_dma source(%dma_start3A_111 : memref<50000xf32, #tpu.memory_space<hbm>>) target(%dma_start3A_110 : memref<50000xf32, #tpu.memory_space<vmem>>) target_semaphore(%run_scoped3A_103 : memref<!tpu.dma_semaphore, #tpu.memory_space<semaphore_mem>>)
      %dma_wait3A_112 = arith.constant 0 : i32
      %dma_wait3A_113 = tpu.memref_slice %arg5[%run_scoped3A_56, %dma_wait3A_112] : memref<1x50000xf32, #tpu.memory_space<vmem>> -> memref<1x50000xf32, #tpu.memory_space<vmem>>
      %dma_wait3A_114 = tpu.memref_squeeze %dma_wait3A_113 : memref<1x50000xf32, #tpu.memory_space<vmem>> -> memref<50000xf32, #tpu.memory_space<vmem>>
      %dma_wait3A_115 = tpu.memref_slice %arg2[%mul3A_55] : memref<3200000xf32, #tpu.memory_space<hbm>> -> memref<50000xf32, #tpu.memory_space<hbm>>
      %dma_wait3A_116 = arith.constant 0 : i32
      %dma_wait3A_117 = tpu.memref_slice %arg5[%run_scoped3A_56, %dma_wait3A_116] : memref<1x50000xf32, #tpu.memory_space<vmem>> -> memref<1x50000xf32, #tpu.memory_space<vmem>>
      %dma_wait3A_118 = tpu.memref_squeeze %dma_wait3A_117 : memref<1x50000xf32, #tpu.memory_space<vmem>> -> memref<50000xf32, #tpu.memory_space<vmem>>
      %dma_wait3A_119 = tpu.memref_slice %arg2[%mul3A_55] : memref<3200000xf32, #tpu.memory_space<hbm>> -> memref<50000xf32, #tpu.memory_space<hbm>>
      tpu.wait_dma2 semaphore(%run_scoped3A_103 : memref<!tpu.dma_semaphore, #tpu.memory_space<semaphore_mem>>) src(%dma_wait3A_119 : memref<50000xf32, #tpu.memory_space<hbm>>) dst(%dma_wait3A_118 : memref<50000xf32, #tpu.memory_space<vmem>>)
      tpu.yield
    }) : () -> ()
    %dma_start3A_57 = arith.constant 0 : i32
    %dma_start3A_58 = arith.constant 0 : i32
    %dma_start3A_59 = arith.constant 0 : i32
    %dma_start3A_60 = arith.constant 0 : i32
    %dma_start3A_61 = tpu.memref_slice %arg6[%dma_start3A_57, %dma_start3A_58, %dma_start3A_59, %dma_start3A_60] : memref<2x3x1x4096xi32, #tpu.memory_space<vmem>> -> memref<1x3x1x4096xi32, #tpu.memory_space<vmem>>
    %dma_start3A_62 = tpu.memref_squeeze %dma_start3A_61 : memref<1x3x1x4096xi32, #tpu.memory_space<vmem>> -> memref<3x1x4096xi32, #tpu.memory_space<vmem>>
    %dma_start3A_63 = arith.constant 0 : i32
    %dma_start3A_64 = arith.constant 0 : i32
    %dma_start3A_65 = tpu.memref_slice %arg3[%dma_start3A_63, %add3A_53, %dma_start3A_64] : memref<3x64x25088xi32, #tpu.memory_space<hbm>> -> memref<3x1x4096xi32, #tpu.memory_space<hbm>>
    %dma_start3A_66 = arith.constant 0 : i32
    %dma_start3A_67 = arith.constant 0 : i32
    %dma_start3A_68 = arith.constant 0 : i32
    %dma_start3A_69 = tpu.memref_slice %arg6[%dma_start3A_57, %dma_start3A_66, %dma_start3A_67, %dma_start3A_68] : memref<2x3x1x4096xi32, #tpu.memory_space<vmem>> -> memref<1x3x1x4096xi32, #tpu.memory_space<vmem>>
    %dma_start3A_70 = tpu.memref_squeeze %dma_start3A_69 : memref<1x3x1x4096xi32, #tpu.memory_space<vmem>> -> memref<3x1x4096xi32, #tpu.memory_space<vmem>>
    %dma_start3A_71 = arith.constant 0 : i32
    %dma_start3A_72 = arith.constant 0 : i32
    %dma_start3A_73 = tpu.memref_slice %arg3[%dma_start3A_71, %add3A_53, %dma_start3A_72] : memref<3x64x25088xi32, #tpu.memory_space<hbm>> -> memref<3x1x4096xi32, #tpu.memory_space<hbm>>
    tpu.enqueue_dma source(%dma_start3A_73 : memref<3x1x4096xi32, #tpu.memory_space<hbm>>) target(%dma_start3A_70 : memref<3x1x4096xi32, #tpu.memory_space<vmem>>) target_semaphore(%arg8 : memref<!tpu.dma_semaphore, #tpu.memory_space<semaphore_mem>>)
    %scan3A_74 = arith.constant 0 : i32
    %scan3A_75 = arith.constant 0 : i32
    %scan3A_76 = arith.constant 6 : i32
    %scan3A_77 = arith.addi %scan3A_75, %scan3A_76 : i32
    %scan3A_78 = arith.constant 1 : i32
    scf.for %scan3A_103 = %scan3A_75 to %scan3A_77 step %scan3A_78  : i32 {
      %jit3A = arith.constant 2 : i32
      %eq3A = arith.constant 0 : i32
      %eq3A_104 = arith.cmpi eq, %jit3A, %eq3A : i32
      %jit3A_105 = arith.constant 1 : i32
      %select_n3A = arith.select %eq3A_104, %jit3A_105, %jit3A : i32
      %rem3A = arith.remsi %scan3A_103, %select_n3A : i32
      %ne3A = arith.constant 0 : i32
      %ne3A_106 = arith.cmpi ne, %rem3A, %ne3A : i32
      %lt3A = arith.constant 0 : i32
      %lt3A_107 = arith.cmpi slt, %rem3A, %lt3A : i32
      %lt3A_108 = arith.constant 0 : i32
      %lt3A_109 = arith.cmpi slt, %select_n3A, %lt3A_108 : i32
      %ne3A_110 = arith.xori %lt3A_107, %lt3A_109 : i1
      %and3A = arith.andi %ne3A_110, %ne3A_106 : i1
      %add3A_111 = arith.addi %rem3A, %select_n3A : i32
      %select_n3A_112 = arith.select %and3A, %add3A_111, %rem3A : i32
      %mul3A_113 = arith.constant 4096 : i32
      %mul3A_114 = arith.muli %scan3A_103, %mul3A_113 : i32
      %dma_wait3A_115 = arith.constant 0 : i32
      %dma_wait3A_116 = arith.constant 0 : i32
      %dma_wait3A_117 = arith.constant 0 : i32
      %dma_wait3A_118 = tpu.memref_slice %arg6[%select_n3A_112, %dma_wait3A_115, %dma_wait3A_116, %dma_wait3A_117] : memref<2x3x1x4096xi32, #tpu.memory_space<vmem>> -> memref<1x3x1x4096xi32, #tpu.memory_space<vmem>>
      %dma_wait3A_119 = tpu.memref_squeeze %dma_wait3A_118 : memref<1x3x1x4096xi32, #tpu.memory_space<vmem>> -> memref<3x1x4096xi32, #tpu.memory_space<vmem>>
      %dma_wait3A_120 = arith.constant 0 : i32
      %dma_wait3A_121 = tpu.memref_slice %arg3[%dma_wait3A_120, %add3A_53, %mul3A_114] : memref<3x64x25088xi32, #tpu.memory_space<hbm>> -> memref<3x1x4096xi32, #tpu.memory_space<hbm>>
      %dma_wait3A_122 = arith.constant 0 : i32
      %dma_wait3A_123 = arith.constant 0 : i32
      %dma_wait3A_124 = arith.constant 0 : i32
      %dma_wait3A_125 = tpu.memref_slice %arg6[%select_n3A_112, %dma_wait3A_122, %dma_wait3A_123, %dma_wait3A_124] : memref<2x3x1x4096xi32, #tpu.memory_space<vmem>> -> memref<1x3x1x4096xi32, #tpu.memory_space<vmem>>
      %dma_wait3A_126 = tpu.memref_squeeze %dma_wait3A_125 : memref<1x3x1x4096xi32, #tpu.memory_space<vmem>> -> memref<3x1x4096xi32, #tpu.memory_space<vmem>>
      %dma_wait3A_127 = arith.constant 0 : i32
      %dma_wait3A_128 = tpu.memref_slice %arg3[%dma_wait3A_127, %add3A_53, %mul3A_114] : memref<3x64x25088xi32, #tpu.memory_space<hbm>> -> memref<3x1x4096xi32, #tpu.memory_space<hbm>>
      tpu.wait_dma2 semaphore(%arg8 : memref<!tpu.dma_semaphore, #tpu.memory_space<semaphore_mem>>) src(%dma_wait3A_128 : memref<3x1x4096xi32, #tpu.memory_space<hbm>>) dst(%dma_wait3A_126 : memref<3x1x4096xi32, #tpu.memory_space<vmem>>)
      %lt3A_129 = arith.constant 5 : i32
      %lt3A_130 = arith.cmpi slt, %scan3A_103, %lt3A_129 : i32
      %convert_element_type3A = arith.extui %lt3A_130 : i1 to i32
      %cond3A = arith.constant 0 : i32
      %cond3A_131 = arith.cmpi ne, %convert_element_type3A, %cond3A : i32
      scf.if %cond3A_131 {
        %add3A_145 = arith.constant 1 : i32
        %add3A_146 = arith.addi %scan3A_103, %add3A_145 : i32
        %mul3A_147 = arith.constant 4096 : i32
        %mul3A_148 = arith.muli %add3A_146, %mul3A_147 : i32
        %sub3A = arith.constant 1 : i32
        %sub3A_149 = arith.subi %sub3A, %select_n3A_112 : i32
        %dma_start3A_150 = arith.constant 0 : i32
        %dma_start3A_151 = arith.constant 0 : i32
        %dma_start3A_152 = arith.constant 0 : i32
        %dma_start3A_153 = tpu.memref_slice %arg6[%sub3A_149, %dma_start3A_150, %dma_start3A_151, %dma_start3A_152] : memref<2x3x1x4096xi32, #tpu.memory_space<vmem>> -> memref<1x3x1x4096xi32, #tpu.memory_space<vmem>>
        %dma_start3A_154 = tpu.memref_squeeze %dma_start3A_153 : memref<1x3x1x4096xi32, #tpu.memory_space<vmem>> -> memref<3x1x4096xi32, #tpu.memory_space<vmem>>
        %dma_start3A_155 = arith.constant 0 : i32
        %dma_start3A_156 = tpu.memref_slice %arg3[%dma_start3A_155, %add3A_53, %mul3A_148] : memref<3x64x25088xi32, #tpu.memory_space<hbm>> -> memref<3x1x4096xi32, #tpu.memory_space<hbm>>
        %dma_start3A_157 = arith.constant 0 : i32
        %dma_start3A_158 = arith.constant 0 : i32
        %dma_start3A_159 = arith.constant 0 : i32
        %dma_start3A_160 = tpu.memref_slice %arg6[%sub3A_149, %dma_start3A_157, %dma_start3A_158, %dma_start3A_159] : memref<2x3x1x4096xi32, #tpu.memory_space<vmem>> -> memref<1x3x1x4096xi32, #tpu.memory_space<vmem>>
        %dma_start3A_161 = tpu.memref_squeeze %dma_start3A_160 : memref<1x3x1x4096xi32, #tpu.memory_space<vmem>> -> memref<3x1x4096xi32, #tpu.memory_space<vmem>>
        %dma_start3A_162 = arith.constant 0 : i32
        %dma_start3A_163 = tpu.memref_slice %arg3[%dma_start3A_162, %add3A_53, %mul3A_148] : memref<3x64x25088xi32, #tpu.memory_space<hbm>> -> memref<3x1x4096xi32, #tpu.memory_space<hbm>>
        tpu.enqueue_dma source(%dma_start3A_163 : memref<3x1x4096xi32, #tpu.memory_space<hbm>>) target(%dma_start3A_161 : memref<3x1x4096xi32, #tpu.memory_space<vmem>>) target_semaphore(%arg8 : memref<!tpu.dma_semaphore, #tpu.memory_space<semaphore_mem>>)
      } else {
      }
      %eq3A_132 = arith.constant 5 : i32
      %eq3A_133 = arith.cmpi eq, %scan3A_103, %eq3A_132 : i32
      %convert_element_type3A_134 = arith.extui %eq3A_133 : i1 to i32
      %cond3A_135 = arith.constant 0 : i32
      %cond3A_136 = arith.cmpi ne, %convert_element_type3A_134, %cond3A_135 : i32
      scf.if %cond3A_136 {
        %sub3A = arith.constant 1 : i32
        %sub3A_145 = arith.subi %sub3A, %select_n3A_112 : i32
        %dma_start3A_146 = arith.constant 0 : i32
        %dma_start3A_147 = arith.constant 0 : i32
        %dma_start3A_148 = arith.constant 0 : i32
        %dma_start3A_149 = tpu.memref_slice %arg6[%sub3A_145, %dma_start3A_146, %dma_start3A_147, %dma_start3A_148] : memref<2x3x1x4096xi32, #tpu.memory_space<vmem>> -> memref<1x3x1x512xi32, #tpu.memory_space<vmem>>
        %dma_start3A_150 = tpu.memref_squeeze %dma_start3A_149 : memref<1x3x1x512xi32, #tpu.memory_space<vmem>> -> memref<3x1x512xi32, #tpu.memory_space<vmem>>
        %dma_start3A_151 = arith.constant 0 : i32
        %dma_start3A_152 = arith.constant 24576 : i32
        %dma_start3A_153 = tpu.memref_slice %arg3[%dma_start3A_151, %add3A_53, %dma_start3A_152] : memref<3x64x25088xi32, #tpu.memory_space<hbm>> -> memref<3x1x512xi32, #tpu.memory_space<hbm>>
        %dma_start3A_154 = arith.constant 0 : i32
        %dma_start3A_155 = arith.constant 0 : i32
        %dma_start3A_156 = arith.constant 0 : i32
        %dma_start3A_157 = tpu.memref_slice %arg6[%sub3A_145, %dma_start3A_154, %dma_start3A_155, %dma_start3A_156] : memref<2x3x1x4096xi32, #tpu.memory_space<vmem>> -> memref<1x3x1x512xi32, #tpu.memory_space<vmem>>
        %dma_start3A_158 = tpu.memref_squeeze %dma_start3A_157 : memref<1x3x1x512xi32, #tpu.memory_space<vmem>> -> memref<3x1x512xi32, #tpu.memory_space<vmem>>
        %dma_start3A_159 = arith.constant 0 : i32
        %dma_start3A_160 = arith.constant 24576 : i32
        %dma_start3A_161 = tpu.memref_slice %arg3[%dma_start3A_159, %add3A_53, %dma_start3A_160] : memref<3x64x25088xi32, #tpu.memory_space<hbm>> -> memref<3x1x512xi32, #tpu.memory_space<hbm>>
        tpu.enqueue_dma source(%dma_start3A_161 : memref<3x1x512xi32, #tpu.memory_space<hbm>>) target(%dma_start3A_158 : memref<3x1x512xi32, #tpu.memory_space<vmem>>) target_semaphore(%arg8 : memref<!tpu.dma_semaphore, #tpu.memory_space<semaphore_mem>>)
      } else {
      }
      %mul3A_137 = arith.constant 4096 : i32
      %mul3A_138 = arith.muli %scan3A_103, %mul3A_137 : i32
      %scan3A_139 = arith.constant 0 : i32
      %scan3A_140 = arith.constant 0 : i32
      %scan3A_141 = arith.constant 256 : i32
      %scan3A_142 = arith.addi %scan3A_140, %scan3A_141 : i32
      %scan3A_143 = arith.constant 1 : i32
      scf.for %scan3A_145 = %scan3A_140 to %scan3A_142 step %scan3A_143  : i32 {
        %mul3A_146 = arith.constant 16 : i32
        %mul3A_147 = arith.muli %scan3A_145, %mul3A_146 : i32
        %get3A = arith.constant 0 : i32
        %get3A_148 = arith.constant 0 : i32
        %get3A_149 = arith.index_cast %select_n3A_112 : i32 to index
        %get3A_150 = arith.index_cast %get3A : i32 to index
        %get3A_151 = arith.index_cast %get3A_148 : i32 to index
        %get3A_152 = arith.index_cast %mul3A_147 : i32 to index
        %get3A_153 = tpu.vector_load %arg6[%get3A_149, %get3A_150, %get3A_151, %get3A_152] {strides = array<i32>} : memref<2x3x1x4096xi32, #tpu.memory_space<vmem>>, vector<16xi32>,
        %get3A_154 = arith.constant 1 : i32
        %get3A_155 = arith.constant 0 : i32
        %get3A_156 = arith.index_cast %select_n3A_112 : i32 to index
        %get3A_157 = arith.index_cast %get3A_154 : i32 to index
        %get3A_158 = arith.index_cast %get3A_155 : i32 to index
        %get3A_159 = arith.index_cast %mul3A_147 : i32 to index
        %get3A_160 = tpu.vector_load %arg6[%get3A_156, %get3A_157, %get3A_158, %get3A_159] {strides = array<i32>} : memref<2x3x1x4096xi32, #tpu.memory_space<vmem>>, vector<16xi32>,
        %get3A_161 = arith.constant 2 : i32
        %get3A_162 = arith.constant 0 : i32
        %get3A_163 = arith.index_cast %select_n3A_112 : i32 to index
        %get3A_164 = arith.index_cast %get3A_161 : i32 to index
        %get3A_165 = arith.index_cast %get3A_162 : i32 to index
        %get3A_166 = arith.index_cast %mul3A_147 : i32 to index
        %get3A_167 = tpu.vector_load %arg6[%get3A_163, %get3A_164, %get3A_165, %get3A_166] {strides = array<i32>} : memref<2x3x1x4096xi32, #tpu.memory_space<vmem>>, vector<16xi32>,
        %gather3A = arith.constant 0 : i32
        %gather3A_168 = arith.constant 0 : i32
        %gather3A_169 = tpu.memref_slice %arg5[%gather3A, %gather3A_168] : memref<1x50000xf32, #tpu.memory_space<vmem>> -> memref<1x50000xf32, #tpu.memory_space<vmem>>
        %gather3A_170 = tpu.memref_squeeze %gather3A_169 : memref<1x50000xf32, #tpu.memory_space<vmem>> -> memref<50000xf32, #tpu.memory_space<vmem>>
        %gather3A_171 = tpu.vector_load_idx %gather3A_170[%get3A_153] : memref<50000xf32, #tpu.memory_space<vmem>>[vector<16xi32>], vector<16xf32>,
        %gather3A_172 = arith.constant 0 : i32
        %gather3A_173 = arith.constant 0 : i32
        %gather3A_174 = tpu.memref_slice %arg5[%gather3A_172, %gather3A_173] : memref<1x50000xf32, #tpu.memory_space<vmem>> -> memref<1x50000xf32, #tpu.memory_space<vmem>>
        %gather3A_175 = tpu.memref_squeeze %gather3A_174 : memref<1x50000xf32, #tpu.memory_space<vmem>> -> memref<50000xf32, #tpu.memory_space<vmem>>
        %gather3A_176 = tpu.vector_load_idx %gather3A_175[%get3A_160] : memref<50000xf32, #tpu.memory_space<vmem>>[vector<16xi32>], vector<16xf32>,
        %gather3A_177 = arith.constant 0 : i32
        %gather3A_178 = arith.constant 0 : i32
        %gather3A_179 = tpu.memref_slice %arg5[%gather3A_177, %gather3A_178] : memref<1x50000xf32, #tpu.memory_space<vmem>> -> memref<1x50000xf32, #tpu.memory_space<vmem>>
        %gather3A_180 = tpu.memref_squeeze %gather3A_179 : memref<1x50000xf32, #tpu.memory_space<vmem>> -> memref<50000xf32, #tpu.memory_space<vmem>>
        %gather3A_181 = tpu.vector_load_idx %gather3A_180[%get3A_167] : memref<50000xf32, #tpu.memory_space<vmem>>[vector<16xi32>], vector<16xf32>,
        %max3A = arith.maximumf %gather3A_171, %gather3A_176 : vector<16xf32>
        %max3A_182 = arith.maximumf %max3A, %gather3A_181 : vector<16xf32>
        %sub3A = arith.constant 1.000000e+00 : f32
        %sub3A_183 = vector.broadcast %sub3A : f32 to vector<16xf32>
        %sub3A_184 = arith.subf %sub3A_183, %max3A_182 : vector<16xf32>
        %mul3A_185 = arith.constant 5.000000e-01 : f32
        %mul3A_186 = vector.broadcast %mul3A_185 : f32 to vector<16xf32>
        %mul3A_187 = arith.mulf %sub3A_184, %mul3A_186 : vector<16xf32>
        %swap3A = arith.constant 0 : i32
        %swap3A_188 = arith.index_cast %swap3A : i32 to index
        %swap3A_189 = arith.index_cast %mul3A_147 : i32 to index
        %swap3A_190 = tpu.vector_load %arg7[%swap3A_188, %swap3A_189] {strides = array<i32>} : memref<1x4096xf32, #tpu.memory_space<vmem>>, vector<16xf32>,
        tpu.vector_store %arg7[%swap3A_188, %swap3A_189], %mul3A_187 {strides = array<i32>} : memref<1x4096xf32, #tpu.memory_space<vmem>>, vector<16xf32>,
      }
      %scan3A_144 = arith.constant 256 : i32
      "tpu.region"() ({
        %run_scoped3A_145 = tpu.sem_alloc : memref<!tpu.dma_semaphore, #tpu.memory_space<semaphore_mem>>
        %dma_start3A_146 = arith.constant 0 : i32
        %dma_start3A_147 = arith.constant 0 : i32
        %dma_start3A_148 = tpu.memref_slice %arg7[%dma_start3A_146, %dma_start3A_147] : memref<1x4096xf32, #tpu.memory_space<vmem>> -> memref<1x4096xf32, #tpu.memory_space<vmem>>
        %dma_start3A_149 = tpu.memref_slice %arg4[%add3A_53, %mul3A_138] : memref<64x25088xf32, #tpu.memory_space<hbm>> -> memref<1x4096xf32, #tpu.memory_space<hbm>>
        %dma_start3A_150 = tpu.memref_slice %arg4[%add3A_53, %mul3A_138] : memref<64x25088xf32, #tpu.memory_space<hbm>> -> memref<1x4096xf32, #tpu.memory_space<hbm>>
        %dma_start3A_151 = arith.constant 0 : i32
        %dma_start3A_152 = arith.constant 0 : i32
        %dma_start3A_153 = tpu.memref_slice %arg7[%dma_start3A_151, %dma_start3A_152] : memref<1x4096xf32, #tpu.memory_space<vmem>> -> memref<1x4096xf32, #tpu.memory_space<vmem>>
        tpu.enqueue_dma source(%dma_start3A_153 : memref<1x4096xf32, #tpu.memory_space<vmem>>) target(%dma_start3A_150 : memref<1x4096xf32, #tpu.memory_space<hbm>>) target_semaphore(%run_scoped3A_145 : memref<!tpu.dma_semaphore, #tpu.memory_space<semaphore_mem>>)
        %dma_wait3A_154 = arith.constant 0 : i32
        %dma_wait3A_155 = arith.constant 0 : i32
        %dma_wait3A_156 = tpu.memref_slice %arg7[%dma_wait3A_154, %dma_wait3A_155] : memref<1x4096xf32, #tpu.memory_space<vmem>> -> memref<1x4096xf32, #tpu.memory_space<vmem>>
        %dma_wait3A_157 = tpu.memref_slice %arg4[%add3A_53, %mul3A_138] : memref<64x25088xf32, #tpu.memory_space<hbm>> -> memref<1x4096xf32, #tpu.memory_space<hbm>>
        %dma_wait3A_158 = tpu.memref_slice %arg4[%add3A_53, %mul3A_138] : memref<64x25088xf32, #tpu.memory_space<hbm>> -> memref<1x4096xf32, #tpu.memory_space<hbm>>
        %dma_wait3A_159 = arith.constant 0 : i32
        %dma_wait3A_160 = arith.constant 0 : i32
        %dma_wait3A_161 = tpu.memref_slice %arg7[%dma_wait3A_159, %dma_wait3A_160] : memref<1x4096xf32, #tpu.memory_space<vmem>> -> memref<1x4096xf32, #tpu.memory_space<vmem>>
        tpu.wait_dma2 semaphore(%run_scoped3A_145 : memref<!tpu.dma_semaphore, #tpu.memory_space<semaphore_mem>>) src(%dma_wait3A_161 : memref<1x4096xf32, #tpu.memory_space<vmem>>) dst(%dma_wait3A_158 : memref<1x4096xf32, #tpu.memory_space<hbm>>)
        tpu.yield
      }) : () -> ()
    }
    %scan3A_79 = arith.constant 6 : i32
    %dma_wait3A_80 = arith.constant 0 : i32
    %dma_wait3A_81 = arith.constant 0 : i32
    %dma_wait3A_82 = arith.constant 0 : i32
    %dma_wait3A_83 = arith.constant 0 : i32
    %dma_wait3A_84 = tpu.memref_slice %arg6[%dma_wait3A_80, %dma_wait3A_81, %dma_wait3A_82, %dma_wait3A_83] : memref<2x3x1x4096xi32, #tpu.memory_space<vmem>> -> memref<1x3x1x512xi32, #tpu.memory_space<vmem>>
    %dma_wait3A_85 = tpu.memref_squeeze %dma_wait3A_84 : memref<1x3x1x512xi32, #tpu.memory_space<vmem>> -> memref<3x1x512xi32, #tpu.memory_space<vmem>>
    %dma_wait3A_86 = arith.constant 0 : i32
    %dma_wait3A_87 = arith.constant 24576 : i32
    %dma_wait3A_88 = tpu.memref_slice %arg3[%dma_wait3A_86, %add3A_53, %dma_wait3A_87] : memref<3x64x25088xi32, #tpu.memory_space<hbm>> -> memref<3x1x512xi32, #tpu.memory_space<hbm>>
    %dma_wait3A_89 = arith.constant 0 : i32
    %dma_wait3A_90 = arith.constant 0 : i32
    %dma_wait3A_91 = arith.constant 0 : i32
    %dma_wait3A_92 = tpu.memref_slice %arg6[%dma_wait3A_80, %dma_wait3A_89, %dma_wait3A_90, %dma_wait3A_91] : memref<2x3x1x4096xi32, #tpu.memory_space<vmem>> -> memref<1x3x1x512xi32, #tpu.memory_space<vmem>>
    %dma_wait3A_93 = tpu.memref_squeeze %dma_wait3A_92 : memref<1x3x1x512xi32, #tpu.memory_space<vmem>> -> memref<3x1x512xi32, #tpu.memory_space<vmem>>
    %dma_wait3A_94 = arith.constant 0 : i32
    %dma_wait3A_95 = arith.constant 24576 : i32
    %dma_wait3A_96 = tpu.memref_slice %arg3[%dma_wait3A_94, %add3A_53, %dma_wait3A_95] : memref<3x64x25088xi32, #tpu.memory_space<hbm>> -> memref<3x1x512xi32, #tpu.memory_space<hbm>>
    tpu.wait_dma2 semaphore(%arg8 : memref<!tpu.dma_semaphore, #tpu.memory_space<semaphore_mem>>) src(%dma_wait3A_96 : memref<3x1x512xi32, #tpu.memory_space<hbm>>) dst(%dma_wait3A_93 : memref<3x1x512xi32, #tpu.memory_space<vmem>>)
    %scan3A_97 = arith.constant 0 : i32
    %scan3A_98 = arith.constant 0 : i32
    %scan3A_99 = arith.constant 32 : i32
    %scan3A_100 = arith.addi %scan3A_98, %scan3A_99 : i32
    %scan3A_101 = arith.constant 1 : i32
    scf.for %scan3A_103 = %scan3A_98 to %scan3A_100 step %scan3A_101  : i32 {
      %mul3A_104 = arith.constant 16 : i32
      %mul3A_105 = arith.muli %scan3A_103, %mul3A_104 : i32
      %get3A = arith.constant 0 : i32
      %get3A_106 = arith.constant 0 : i32
      %get3A_107 = arith.constant 0 : i32
      %get3A_108 = arith.index_cast %get3A : i32 to index
      %get3A_109 = arith.index_cast %get3A_106 : i32 to index
      %get3A_110 = arith.index_cast %get3A_107 : i32 to index
      %get3A_111 = arith.index_cast %mul3A_105 : i32 to index
      %get3A_112 = tpu.vector_load %arg6[%get3A_108, %get3A_109, %get3A_110, %get3A_111] {strides = array<i32>} : memref<2x3x1x4096xi32, #tpu.memory_space<vmem>>, vector<16xi32>,
      %get3A_113 = arith.constant 0 : i32
      %get3A_114 = arith.constant 1 : i32
      %get3A_115 = arith.constant 0 : i32
      %get3A_116 = arith.index_cast %get3A_113 : i32 to index
      %get3A_117 = arith.index_cast %get3A_114 : i32 to index
      %get3A_118 = arith.index_cast %get3A_115 : i32 to index
      %get3A_119 = arith.index_cast %mul3A_105 : i32 to index
      %get3A_120 = tpu.vector_load %arg6[%get3A_116, %get3A_117, %get3A_118, %get3A_119] {strides = array<i32>} : memref<2x3x1x4096xi32, #tpu.memory_space<vmem>>, vector<16xi32>,
      %get3A_121 = arith.constant 0 : i32
      %get3A_122 = arith.constant 2 : i32
      %get3A_123 = arith.constant 0 : i32
      %get3A_124 = arith.index_cast %get3A_121 : i32 to index
      %get3A_125 = arith.index_cast %get3A_122 : i32 to index
      %get3A_126 = arith.index_cast %get3A_123 : i32 to index
      %get3A_127 = arith.index_cast %mul3A_105 : i32 to index
      %get3A_128 = tpu.vector_load %arg6[%get3A_124, %get3A_125, %get3A_126, %get3A_127] {strides = array<i32>} : memref<2x3x1x4096xi32, #tpu.memory_space<vmem>>, vector<16xi32>,
      %gather3A = arith.constant 0 : i32
      %gather3A_129 = arith.constant 0 : i32
      %gather3A_130 = tpu.memref_slice %arg5[%gather3A, %gather3A_129] : memref<1x50000xf32, #tpu.memory_space<vmem>> -> memref<1x50000xf32, #tpu.memory_space<vmem>>
      %gather3A_131 = tpu.memref_squeeze %gather3A_130 : memref<1x50000xf32, #tpu.memory_space<vmem>> -> memref<50000xf32, #tpu.memory_space<vmem>>
      %gather3A_132 = tpu.vector_load_idx %gather3A_131[%get3A_112] : memref<50000xf32, #tpu.memory_space<vmem>>[vector<16xi32>], vector<16xf32>,
      %gather3A_133 = arith.constant 0 : i32
      %gather3A_134 = arith.constant 0 : i32
      %gather3A_135 = tpu.memref_slice %arg5[%gather3A_133, %gather3A_134] : memref<1x50000xf32, #tpu.memory_space<vmem>> -> memref<1x50000xf32, #tpu.memory_space<vmem>>
      %gather3A_136 = tpu.memref_squeeze %gather3A_135 : memref<1x50000xf32, #tpu.memory_space<vmem>> -> memref<50000xf32, #tpu.memory_space<vmem>>
      %gather3A_137 = tpu.vector_load_idx %gather3A_136[%get3A_120] : memref<50000xf32, #tpu.memory_space<vmem>>[vector<16xi32>], vector<16xf32>,
      %gather3A_138 = arith.constant 0 : i32
      %gather3A_139 = arith.constant 0 : i32
      %gather3A_140 = tpu.memref_slice %arg5[%gather3A_138, %gather3A_139] : memref<1x50000xf32, #tpu.memory_space<vmem>> -> memref<1x50000xf32, #tpu.memory_space<vmem>>
      %gather3A_141 = tpu.memref_squeeze %gather3A_140 : memref<1x50000xf32, #tpu.memory_space<vmem>> -> memref<50000xf32, #tpu.memory_space<vmem>>
      %gather3A_142 = tpu.vector_load_idx %gather3A_141[%get3A_128] : memref<50000xf32, #tpu.memory_space<vmem>>[vector<16xi32>], vector<16xf32>,
      %max3A = arith.maximumf %gather3A_132, %gather3A_137 : vector<16xf32>
      %max3A_143 = arith.maximumf %max3A, %gather3A_142 : vector<16xf32>
      %sub3A = arith.constant 1.000000e+00 : f32
      %sub3A_144 = vector.broadcast %sub3A : f32 to vector<16xf32>
      %sub3A_145 = arith.subf %sub3A_144, %max3A_143 : vector<16xf32>
      %mul3A_146 = arith.constant 5.000000e-01 : f32
      %mul3A_147 = vector.broadcast %mul3A_146 : f32 to vector<16xf32>
      %mul3A_148 = arith.mulf %sub3A_145, %mul3A_147 : vector<16xf32>
      %swap3A = arith.constant 0 : i32
      %swap3A_149 = arith.index_cast %swap3A : i32 to index
      %swap3A_150 = arith.index_cast %mul3A_105 : i32 to index
      %swap3A_151 = tpu.vector_load %arg7[%swap3A_149, %swap3A_150] {strides = array<i32>} : memref<1x4096xf32, #tpu.memory_space<vmem>>, vector<16xf32>,
      tpu.vector_store %arg7[%swap3A_149, %swap3A_150], %mul3A_148 {strides = array<i32>} : memref<1x4096xf32, #tpu.memory_space<vmem>>, vector<16xf32>,
    }
    %scan3A_102 = arith.constant 32 : i32
    "tpu.region"() ({
      %run_scoped3A_103 = tpu.sem_alloc : memref<!tpu.dma_semaphore, #tpu.memory_space<semaphore_mem>>
      %dma_start3A_104 = arith.constant 0 : i32
      %dma_start3A_105 = arith.constant 0 : i32
      %dma_start3A_106 = tpu.memref_slice %arg7[%dma_start3A_104, %dma_start3A_105] : memref<1x4096xf32, #tpu.memory_space<vmem>> -> memref<1x512xf32, #tpu.memory_space<vmem>>
      %dma_start3A_107 = arith.constant 24576 : i32
      %dma_start3A_108 = tpu.memref_slice %arg4[%add3A_53, %dma_start3A_107] : memref<64x25088xf32, #tpu.memory_space<hbm>> -> memref<1x512xf32, #tpu.memory_space<hbm>>
      %dma_start3A_109 = arith.constant 24576 : i32
      %dma_start3A_110 = tpu.memref_slice %arg4[%add3A_53, %dma_start3A_109] : memref<64x25088xf32, #tpu.memory_space<hbm>> -> memref<1x512xf32, #tpu.memory_space<hbm>>
      %dma_start3A_111 = arith.constant 0 : i32
      %dma_start3A_112 = arith.constant 0 : i32
      %dma_start3A_113 = tpu.memref_slice %arg7[%dma_start3A_111, %dma_start3A_112] : memref<1x4096xf32, #tpu.memory_space<vmem>> -> memref<1x512xf32, #tpu.memory_space<vmem>>
      tpu.enqueue_dma source(%dma_start3A_113 : memref<1x512xf32, #tpu.memory_space<vmem>>) target(%dma_start3A_110 : memref<1x512xf32, #tpu.memory_space<hbm>>) target_semaphore(%run_scoped3A_103 : memref<!tpu.dma_semaphore, #tpu.memory_space<semaphore_mem>>)
      %dma_wait3A_114 = arith.constant 0 : i32
      %dma_wait3A_115 = arith.constant 0 : i32
      %dma_wait3A_116 = tpu.memref_slice %arg7[%dma_wait3A_114, %dma_wait3A_115] : memref<1x4096xf32, #tpu.memory_space<vmem>> -> memref<1x512xf32, #tpu.memory_space<vmem>>
      %dma_wait3A_117 = arith.constant 24576 : i32
      %dma_wait3A_118 = tpu.memref_slice %arg4[%add3A_53, %dma_wait3A_117] : memref<64x25088xf32, #tpu.memory_space<hbm>> -> memref<1x512xf32, #tpu.memory_space<hbm>>
      %dma_wait3A_119 = arith.constant 24576 : i32
      %dma_wait3A_120 = tpu.memref_slice %arg4[%add3A_53, %dma_wait3A_119] : memref<64x25088xf32, #tpu.memory_space<hbm>> -> memref<1x512xf32, #tpu.memory_space<hbm>>
      %dma_wait3A_121 = arith.constant 0 : i32
      %dma_wait3A_122 = arith.constant 0 : i32
      %dma_wait3A_123 = tpu.memref_slice %arg7[%dma_wait3A_121, %dma_wait3A_122] : memref<1x4096xf32, #tpu.memory_space<vmem>> -> memref<1x512xf32, #tpu.memory_space<vmem>>
      tpu.wait_dma2 semaphore(%run_scoped3A_103 : memref<!tpu.dma_semaphore, #tpu.memory_space<semaphore_mem>>) src(%dma_wait3A_123 : memref<1x512xf32, #tpu.memory_space<vmem>>) dst(%dma_wait3A_120 : memref<1x512xf32, #tpu.memory_space<hbm>>)
      tpu.yield
    }) : () -> ()
    return
  }
}

#map = affine_map<(d0, d1) -> (0)>
#map1 = affine_map<(d0, d1) -> (0, 0, 0)>
#map2 = affine_map<(d0, d1) -> (0, 0)>
module attributes {stable_mosaic.version = 14 : i64} {
  func.func @_lambda_(%arg0: i32, %arg1: i32, %arg2: memref<3200000xf32, #tpu.memory_space<hbm>>, %arg3: memref<3x64x25088xi32, #tpu.memory_space<hbm>>, %arg4: memref<64x25088xf32, #tpu.memory_space<hbm>>, %arg5: memref<1x50000xf32, #tpu.memory_space<vmem>>, %arg6: memref<2x3x1x4096xi32, #tpu.memory_space<vmem>>, %arg7: memref<1x4096xf32, #tpu.memory_space<vmem>>, %arg8: memref<!tpu.dma_semaphore, #tpu.memory_space<semaphore_mem>>) attributes {dimension_semantics = [#tpu.dimension_semantics<core_parallel>, #tpu.dimension_semantics<subcore_parallel>], iteration_bounds = array<i64: 2, 16>, scalar_prefetch = 0 : i64, scratch_operands = 4 : i64, tpu.core_type = #tpu.core_type<sc_vector_subcore>, window_params = [{transform_indices = #map}, {transform_indices = #map1}, {transform_indices = #map2}]} {
    %mul3A = arith.constant 2 : i32
    %mul3A_0 = arith.muli %arg1, %mul3A : i32
    %add3A = arith.addi %mul3A_0, %arg0 : i32
    %mul3A_1 = arith.constant 2 : i32
    %mul3A_2 = arith.muli %add3A, %mul3A_1 : i32
    %add3A_3 = arith.constant 0 : i32
    %add3A_4 = arith.addi %mul3A_2, %add3A_3 : i32
    %mul3A_5 = arith.constant 50000 : i32
    %mul3A_6 = arith.muli %add3A_4, %mul3A_5 : i32
    %run_scoped3A = arith.constant 0 : i32
    "tpu.region"() ({
      %run_scoped3A_103 = tpu.sem_alloc : memref<!tpu.dma_semaphore, #tpu.memory_space<semaphore_mem>>
      %dma_start3A_104 = arith.constant 0 : i32
      %dma_start3A_105 = tpu.memref_slice %arg5[%run_scoped3A, %dma_start3A_104] : memref<1x50000xf32, #tpu.memory_space<vmem>> -> memref<1x50000xf32, #tpu.memory_space<vmem>>
      %dma_start3A_106 = tpu.memref_squeeze %dma_start3A_105 : memref<1x50000xf32, #tpu.memory_space<vmem>> -> memref<50000xf32, #tpu.memory_space<vmem>>
      %dma_start3A_107 = tpu.memref_slice %arg2[%mul3A_6] : memref<3200000xf32, #tpu.memory_space<hbm>> -> memref<50000xf32, #tpu.memory_space<hbm>>
      %dma_start3A_108 = arith.constant 0 : i32
      %dma_start3A_109 = tpu.memref_slice %arg5[%run_scoped3A, %dma_start3A_108] : memref<1x50000xf32, #tpu.memory_space<vmem>> -> memref<1x50000xf32, #tpu.memory_space<vmem>>
      %dma_start3A_110 = tpu.memref_squeeze %dma_start3A_109 : memref<1x50000xf32, #tpu.memory_space<vmem>> -> memref<50000xf32, #tpu.memory_space<vmem>>
      %dma_start3A_111 = tpu.memref_slice %arg2[%mul3A_6] : memref<3200000xf32, #tpu.memory_space<hbm>> -> memref<50000xf32, #tpu.memory_space<hbm>>
      tpu.enqueue_dma source(%dma_start3A_111 : memref<50000xf32, #tpu.memory_space<hbm>>) target(%dma_start3A_110 : memref<50000xf32, #tpu.memory_space<vmem>>) target_semaphore(%run_scoped3A_103 : memref<!tpu.dma_semaphore, #tpu.memory_space<semaphore_mem>>)
      %dma_wait3A_112 = arith.constant 0 : i32
      %dma_wait3A_113 = tpu.memref_slice %arg5[%run_scoped3A, %dma_wait3A_112] : memref<1x50000xf32, #tpu.memory_space<vmem>> -> memref<1x50000xf32, #tpu.memory_space<vmem>>
      %dma_wait3A_114 = tpu.memref_squeeze %dma_wait3A_113 : memref<1x50000xf32, #tpu.memory_space<vmem>> -> memref<50000xf32, #tpu.memory_space<vmem>>
      %dma_wait3A_115 = tpu.memref_slice %arg2[%mul3A_6] : memref<3200000xf32, #tpu.memory_space<hbm>> -> memref<50000xf32, #tpu.memory_space<hbm>>
      %dma_wait3A_116 = arith.constant 0 : i32
      %dma_wait3A_117 = tpu.memref_slice %arg5[%run_scoped3A, %dma_wait3A_116] : memref<1x50000xf32, #tpu.memory_space<vmem>> -> memref<1x50000xf32, #tpu.memory_space<vmem>>
      %dma_wait3A_118 = tpu.memref_squeeze %dma_wait3A_117 : memref<1x50000xf32, #tpu.memory_space<vmem>> -> memref<50000xf32, #tpu.memory_space<vmem>>
      %dma_wait3A_119 = tpu.memref_slice %arg2[%mul3A_6] : memref<3200000xf32, #tpu.memory_space<hbm>> -> memref<50000xf32, #tpu.memory_space<hbm>>
      tpu.wait_dma2 semaphore(%run_scoped3A_103 : memref<!tpu.dma_semaphore, #tpu.memory_space<semaphore_mem>>) src(%dma_wait3A_119 : memref<50000xf32, #tpu.memory_space<hbm>>) dst(%dma_wait3A_118 : memref<50000xf32, #tpu.memory_space<vmem>>)
      tpu.yield
    }) : () -> ()
    %dma_start3A = arith.constant 0 : i32
    %dma_start3A_7 = arith.constant 0 : i32
    %dma_start3A_8 = arith.constant 0 : i32
    %dma_start3A_9 = arith.constant 0 : i32
    %dma_start3A_10 = tpu.memref_slice %arg6[%dma_start3A, %dma_start3A_7, %dma_start3A_8, %dma_start3A_9] : memref<2x3x1x4096xi32, #tpu.memory_space<vmem>> -> memref<1x3x1x4096xi32, #tpu.memory_space<vmem>>
    %dma_start3A_11 = tpu.memref_squeeze %dma_start3A_10 : memref<1x3x1x4096xi32, #tpu.memory_space<vmem>> -> memref<3x1x4096xi32, #tpu.memory_space<vmem>>
    %dma_start3A_12 = arith.constant 0 : i32
    %dma_start3A_13 = arith.constant 0 : i32
    %dma_start3A_14 = tpu.memref_slice %arg3[%dma_start3A_12, %add3A_4, %dma_start3A_13] : memref<3x64x25088xi32, #tpu.memory_space<hbm>> -> memref<3x1x4096xi32, #tpu.memory_space<hbm>>
    %dma_start3A_15 = arith.constant 0 : i32
    %dma_start3A_16 = arith.constant 0 : i32
    %dma_start3A_17 = arith.constant 0 : i32
    %dma_start3A_18 = tpu.memref_slice %arg6[%dma_start3A, %dma_start3A_15, %dma_start3A_16, %dma_start3A_17] : memref<2x3x1x4096xi32, #tpu.memory_space<vmem>> -> memref<1x3x1x4096xi32, #tpu.memory_space<vmem>>
    %dma_start3A_19 = tpu.memref_squeeze %dma_start3A_18 : memref<1x3x1x4096xi32, #tpu.memory_space<vmem>> -> memref<3x1x4096xi32, #tpu.memory_space<vmem>>
    %dma_start3A_20 = arith.constant 0 : i32
    %dma_start3A_21 = arith.constant 0 : i32
    %dma_start3A_22 = tpu.memref_slice %arg3[%dma_start3A_20, %add3A_4, %dma_start3A_21] : memref<3x64x25088xi32, #tpu.memory_space<hbm>> -> memref<3x1x4096xi32, #tpu.memory_space<hbm>>
    tpu.enqueue_dma source(%dma_start3A_22 : memref<3x1x4096xi32, #tpu.memory_space<hbm>>) target(%dma_start3A_19 : memref<3x1x4096xi32, #tpu.memory_space<vmem>>) target_semaphore(%arg8 : memref<!tpu.dma_semaphore, #tpu.memory_space<semaphore_mem>>)
    %scan3A = arith.constant 0 : i32
    %scan3A_23 = arith.constant 0 : i32
    %scan3A_24 = arith.constant 6 : i32
    %scan3A_25 = arith.addi %scan3A_23, %scan3A_24 : i32
    %scan3A_26 = arith.constant 1 : i32
    scf.for %scan3A_103 = %scan3A_23 to %scan3A_25 step %scan3A_26  : i32 {
      %jit3A = arith.constant 2 : i32
      %eq3A = arith.constant 0 : i32
      %eq3A_104 = arith.cmpi eq, %jit3A, %eq3A : i32
      %jit3A_105 = arith.constant 1 : i32
      %select_n3A = arith.select %eq3A_104, %jit3A_105, %jit3A : i32
      %rem3A = arith.remsi %scan3A_103, %select_n3A : i32
      %ne3A = arith.constant 0 : i32
      %ne3A_106 = arith.cmpi ne, %rem3A, %ne3A : i32
      %lt3A = arith.constant 0 : i32
      %lt3A_107 = arith.cmpi slt, %rem3A, %lt3A : i32
      %lt3A_108 = arith.constant 0 : i32
      %lt3A_109 = arith.cmpi slt, %select_n3A, %lt3A_108 : i32
      %ne3A_110 = arith.xori %lt3A_107, %lt3A_109 : i1
      %and3A = arith.andi %ne3A_110, %ne3A_106 : i1
      %add3A_111 = arith.addi %rem3A, %select_n3A : i32
      %select_n3A_112 = arith.select %and3A, %add3A_111, %rem3A : i32
      %mul3A_113 = arith.constant 4096 : i32
      %mul3A_114 = arith.muli %scan3A_103, %mul3A_113 : i32
      %dma_wait3A_115 = arith.constant 0 : i32
      %dma_wait3A_116 = arith.constant 0 : i32
      %dma_wait3A_117 = arith.constant 0 : i32
      %dma_wait3A_118 = tpu.memref_slice %arg6[%select_n3A_112, %dma_wait3A_115, %dma_wait3A_116, %dma_wait3A_117] : memref<2x3x1x4096xi32, #tpu.memory_space<vmem>> -> memref<1x3x1x4096xi32, #tpu.memory_space<vmem>>
      %dma_wait3A_119 = tpu.memref_squeeze %dma_wait3A_118 : memref<1x3x1x4096xi32, #tpu.memory_space<vmem>> -> memref<3x1x4096xi32, #tpu.memory_space<vmem>>
      %dma_wait3A_120 = arith.constant 0 : i32
      %dma_wait3A_121 = tpu.memref_slice %arg3[%dma_wait3A_120, %add3A_4, %mul3A_114] : memref<3x64x25088xi32, #tpu.memory_space<hbm>> -> memref<3x1x4096xi32, #tpu.memory_space<hbm>>
      %dma_wait3A_122 = arith.constant 0 : i32
      %dma_wait3A_123 = arith.constant 0 : i32
      %dma_wait3A_124 = arith.constant 0 : i32
      %dma_wait3A_125 = tpu.memref_slice %arg6[%select_n3A_112, %dma_wait3A_122, %dma_wait3A_123, %dma_wait3A_124] : memref<2x3x1x4096xi32, #tpu.memory_space<vmem>> -> memref<1x3x1x4096xi32, #tpu.memory_space<vmem>>
      %dma_wait3A_126 = tpu.memref_squeeze %dma_wait3A_125 : memref<1x3x1x4096xi32, #tpu.memory_space<vmem>> -> memref<3x1x4096xi32, #tpu.memory_space<vmem>>
      %dma_wait3A_127 = arith.constant 0 : i32
      %dma_wait3A_128 = tpu.memref_slice %arg3[%dma_wait3A_127, %add3A_4, %mul3A_114] : memref<3x64x25088xi32, #tpu.memory_space<hbm>> -> memref<3x1x4096xi32, #tpu.memory_space<hbm>>
      tpu.wait_dma2 semaphore(%arg8 : memref<!tpu.dma_semaphore, #tpu.memory_space<semaphore_mem>>) src(%dma_wait3A_128 : memref<3x1x4096xi32, #tpu.memory_space<hbm>>) dst(%dma_wait3A_126 : memref<3x1x4096xi32, #tpu.memory_space<vmem>>)
      %lt3A_129 = arith.constant 5 : i32
      %lt3A_130 = arith.cmpi slt, %scan3A_103, %lt3A_129 : i32
      %convert_element_type3A = arith.extui %lt3A_130 : i1 to i32
      %cond3A = arith.constant 0 : i32
      %cond3A_131 = arith.cmpi ne, %convert_element_type3A, %cond3A : i32
      scf.if %cond3A_131 {
        %add3A_145 = arith.constant 1 : i32
        %add3A_146 = arith.addi %scan3A_103, %add3A_145 : i32
        %mul3A_147 = arith.constant 4096 : i32
        %mul3A_148 = arith.muli %add3A_146, %mul3A_147 : i32
        %sub3A = arith.constant 1 : i32
        %sub3A_149 = arith.subi %sub3A, %select_n3A_112 : i32
        %dma_start3A_150 = arith.constant 0 : i32
        %dma_start3A_151 = arith.constant 0 : i32
        %dma_start3A_152 = arith.constant 0 : i32
        %dma_start3A_153 = tpu.memref_slice %arg6[%sub3A_149, %dma_start3A_150, %dma_start3A_151, %dma_start3A_152] : memref<2x3x1x4096xi32, #tpu.memory_space<vmem>> -> memref<1x3x1x4096xi32, #tpu.memory_space<vmem>>
        %dma_start3A_154 = tpu.memref_squeeze %dma_start3A_153 : memref<1x3x1x4096xi32, #tpu.memory_space<vmem>> -> memref<3x1x4096xi32, #tpu.memory_space<vmem>>
        %dma_start3A_155 = arith.constant 0 : i32
        %dma_start3A_156 = tpu.memref_slice %arg3[%dma_start3A_155, %add3A_4, %mul3A_148] : memref<3x64x25088xi32, #tpu.memory_space<hbm>> -> memref<3x1x4096xi32, #tpu.memory_space<hbm>>
        %dma_start3A_157 = arith.constant 0 : i32
        %dma_start3A_158 = arith.constant 0 : i32
        %dma_start3A_159 = arith.constant 0 : i32
        %dma_start3A_160 = tpu.memref_slice %arg6[%sub3A_149, %dma_start3A_157, %dma_start3A_158, %dma_start3A_159] : memref<2x3x1x4096xi32, #tpu.memory_space<vmem>> -> memref<1x3x1x4096xi32, #tpu.memory_space<vmem>>
        %dma_start3A_161 = tpu.memref_squeeze %dma_start3A_160 : memref<1x3x1x4096xi32, #tpu.memory_space<vmem>> -> memref<3x1x4096xi32, #tpu.memory_space<vmem>>
        %dma_start3A_162 = arith.constant 0 : i32
        %dma_start3A_163 = tpu.memref_slice %arg3[%dma_start3A_162, %add3A_4, %mul3A_148] : memref<3x64x25088xi32, #tpu.memory_space<hbm>> -> memref<3x1x4096xi32, #tpu.memory_space<hbm>>
        tpu.enqueue_dma source(%dma_start3A_163 : memref<3x1x4096xi32, #tpu.memory_space<hbm>>) target(%dma_start3A_161 : memref<3x1x4096xi32, #tpu.memory_space<vmem>>) target_semaphore(%arg8 : memref<!tpu.dma_semaphore, #tpu.memory_space<semaphore_mem>>)
      } else {
      }
      %eq3A_132 = arith.constant 5 : i32
      %eq3A_133 = arith.cmpi eq, %scan3A_103, %eq3A_132 : i32
      %convert_element_type3A_134 = arith.extui %eq3A_133 : i1 to i32
      %cond3A_135 = arith.constant 0 : i32
      %cond3A_136 = arith.cmpi ne, %convert_element_type3A_134, %cond3A_135 : i32
      scf.if %cond3A_136 {
        %sub3A = arith.constant 1 : i32
        %sub3A_145 = arith.subi %sub3A, %select_n3A_112 : i32
        %dma_start3A_146 = arith.constant 0 : i32
        %dma_start3A_147 = arith.constant 0 : i32
        %dma_start3A_148 = arith.constant 0 : i32
        %dma_start3A_149 = tpu.memref_slice %arg6[%sub3A_145, %dma_start3A_146, %dma_start3A_147, %dma_start3A_148] : memref<2x3x1x4096xi32, #tpu.memory_space<vmem>> -> memref<1x3x1x512xi32, #tpu.memory_space<vmem>>
        %dma_start3A_150 = tpu.memref_squeeze %dma_start3A_149 : memref<1x3x1x512xi32, #tpu.memory_space<vmem>> -> memref<3x1x512xi32, #tpu.memory_space<vmem>>
        %dma_start3A_151 = arith.constant 0 : i32
        %dma_start3A_152 = arith.constant 24576 : i32
        %dma_start3A_153 = tpu.memref_slice %arg3[%dma_start3A_151, %add3A_4, %dma_start3A_152] : memref<3x64x25088xi32, #tpu.memory_space<hbm>> -> memref<3x1x512xi32, #tpu.memory_space<hbm>>
        %dma_start3A_154 = arith.constant 0 : i32
        %dma_start3A_155 = arith.constant 0 : i32
        %dma_start3A_156 = arith.constant 0 : i32
        %dma_start3A_157 = tpu.memref_slice %arg6[%sub3A_145, %dma_start3A_154, %dma_start3A_155, %dma_start3A_156] : memref<2x3x1x4096xi32, #tpu.memory_space<vmem>> -> memref<1x3x1x512xi32, #tpu.memory_space<vmem>>
        %dma_start3A_158 = tpu.memref_squeeze %dma_start3A_157 : memref<1x3x1x512xi32, #tpu.memory_space<vmem>> -> memref<3x1x512xi32, #tpu.memory_space<vmem>>
        %dma_start3A_159 = arith.constant 0 : i32
        %dma_start3A_160 = arith.constant 24576 : i32
        %dma_start3A_161 = tpu.memref_slice %arg3[%dma_start3A_159, %add3A_4, %dma_start3A_160] : memref<3x64x25088xi32, #tpu.memory_space<hbm>> -> memref<3x1x512xi32, #tpu.memory_space<hbm>>
        tpu.enqueue_dma source(%dma_start3A_161 : memref<3x1x512xi32, #tpu.memory_space<hbm>>) target(%dma_start3A_158 : memref<3x1x512xi32, #tpu.memory_space<vmem>>) target_semaphore(%arg8 : memref<!tpu.dma_semaphore, #tpu.memory_space<semaphore_mem>>)
      } else {
      }
      %mul3A_137 = arith.constant 4096 : i32
      %mul3A_138 = arith.muli %scan3A_103, %mul3A_137 : i32
      %scan3A_139 = arith.constant 0 : i32
      %scan3A_140 = arith.constant 0 : i32
      %scan3A_141 = arith.constant 256 : i32
      %scan3A_142 = arith.addi %scan3A_140, %scan3A_141 : i32
      %scan3A_143 = arith.constant 1 : i32
      scf.for %scan3A_145 = %scan3A_140 to %scan3A_142 step %scan3A_143  : i32 {
        %mul3A_146 = arith.constant 16 : i32
        %mul3A_147 = arith.muli %scan3A_145, %mul3A_146 : i32
        %get3A = arith.constant 0 : i32
        %get3A_148 = arith.constant 0 : i32
        %get3A_149 = arith.index_cast %select_n3A_112 : i32 to index
        %get3A_150 = arith.index_cast %get3A : i32 to index
        %get3A_151 = arith.index_cast %get3A_148 : i32 to index
        %get3A_152 = arith.index_cast %mul3A_147 : i32 to index
        %get3A_153 = tpu.vector_load %arg6[%get3A_149, %get3A_150, %get3A_151, %get3A_152] {strides = array<i32>} : memref<2x3x1x4096xi32, #tpu.memory_space<vmem>>, vector<16xi32>,
        %get3A_154 = arith.constant 1 : i32
        %get3A_155 = arith.constant 0 : i32
        %get3A_156 = arith.index_cast %select_n3A_112 : i32 to index
        %get3A_157 = arith.index_cast %get3A_154 : i32 to index
        %get3A_158 = arith.index_cast %get3A_155 : i32 to index
        %get3A_159 = arith.index_cast %mul3A_147 : i32 to index
        %get3A_160 = tpu.vector_load %arg6[%get3A_156, %get3A_157, %get3A_158, %get3A_159] {strides = array<i32>} : memref<2x3x1x4096xi32, #tpu.memory_space<vmem>>, vector<16xi32>,
        %get3A_161 = arith.constant 2 : i32
        %get3A_162 = arith.constant 0 : i32
        %get3A_163 = arith.index_cast %select_n3A_112 : i32 to index
        %get3A_164 = arith.index_cast %get3A_161 : i32 to index
        %get3A_165 = arith.index_cast %get3A_162 : i32 to index
        %get3A_166 = arith.index_cast %mul3A_147 : i32 to index
        %get3A_167 = tpu.vector_load %arg6[%get3A_163, %get3A_164, %get3A_165, %get3A_166] {strides = array<i32>} : memref<2x3x1x4096xi32, #tpu.memory_space<vmem>>, vector<16xi32>,
        %gather3A = arith.constant 0 : i32
        %gather3A_168 = arith.constant 0 : i32
        %gather3A_169 = tpu.memref_slice %arg5[%gather3A, %gather3A_168] : memref<1x50000xf32, #tpu.memory_space<vmem>> -> memref<1x50000xf32, #tpu.memory_space<vmem>>
        %gather3A_170 = tpu.memref_squeeze %gather3A_169 : memref<1x50000xf32, #tpu.memory_space<vmem>> -> memref<50000xf32, #tpu.memory_space<vmem>>
        %gather3A_171 = tpu.vector_load_idx %gather3A_170[%get3A_153] : memref<50000xf32, #tpu.memory_space<vmem>>[vector<16xi32>], vector<16xf32>,
        %gather3A_172 = arith.constant 0 : i32
        %gather3A_173 = arith.constant 0 : i32
        %gather3A_174 = tpu.memref_slice %arg5[%gather3A_172, %gather3A_173] : memref<1x50000xf32, #tpu.memory_space<vmem>> -> memref<1x50000xf32, #tpu.memory_space<vmem>>
        %gather3A_175 = tpu.memref_squeeze %gather3A_174 : memref<1x50000xf32, #tpu.memory_space<vmem>> -> memref<50000xf32, #tpu.memory_space<vmem>>
        %gather3A_176 = tpu.vector_load_idx %gather3A_175[%get3A_160] : memref<50000xf32, #tpu.memory_space<vmem>>[vector<16xi32>], vector<16xf32>,
        %gather3A_177 = arith.constant 0 : i32
        %gather3A_178 = arith.constant 0 : i32
        %gather3A_179 = tpu.memref_slice %arg5[%gather3A_177, %gather3A_178] : memref<1x50000xf32, #tpu.memory_space<vmem>> -> memref<1x50000xf32, #tpu.memory_space<vmem>>
        %gather3A_180 = tpu.memref_squeeze %gather3A_179 : memref<1x50000xf32, #tpu.memory_space<vmem>> -> memref<50000xf32, #tpu.memory_space<vmem>>
        %gather3A_181 = tpu.vector_load_idx %gather3A_180[%get3A_167] : memref<50000xf32, #tpu.memory_space<vmem>>[vector<16xi32>], vector<16xf32>,
        %max3A = arith.maximumf %gather3A_171, %gather3A_176 : vector<16xf32>
        %max3A_182 = arith.maximumf %max3A, %gather3A_181 : vector<16xf32>
        %sub3A = arith.constant 1.000000e+00 : f32
        %sub3A_183 = vector.broadcast %sub3A : f32 to vector<16xf32>
        %sub3A_184 = arith.subf %sub3A_183, %max3A_182 : vector<16xf32>
        %mul3A_185 = arith.constant 5.000000e-01 : f32
        %mul3A_186 = vector.broadcast %mul3A_185 : f32 to vector<16xf32>
        %mul3A_187 = arith.mulf %sub3A_184, %mul3A_186 : vector<16xf32>
        %swap3A = arith.constant 0 : i32
        %swap3A_188 = arith.index_cast %swap3A : i32 to index
        %swap3A_189 = arith.index_cast %mul3A_147 : i32 to index
        %swap3A_190 = tpu.vector_load %arg7[%swap3A_188, %swap3A_189] {strides = array<i32>} : memref<1x4096xf32, #tpu.memory_space<vmem>>, vector<16xf32>,
        tpu.vector_store %arg7[%swap3A_188, %swap3A_189], %mul3A_187 {strides = array<i32>} : memref<1x4096xf32, #tpu.memory_space<vmem>>, vector<16xf32>,
      }
      %scan3A_144 = arith.constant 256 : i32
      "tpu.region"() ({
        %run_scoped3A_145 = tpu.sem_alloc : memref<!tpu.dma_semaphore, #tpu.memory_space<semaphore_mem>>
        %dma_start3A_146 = arith.constant 0 : i32
        %dma_start3A_147 = arith.constant 0 : i32
        %dma_start3A_148 = tpu.memref_slice %arg7[%dma_start3A_146, %dma_start3A_147] : memref<1x4096xf32, #tpu.memory_space<vmem>> -> memref<1x4096xf32, #tpu.memory_space<vmem>>
        %dma_start3A_149 = tpu.memref_slice %arg4[%add3A_4, %mul3A_138] : memref<64x25088xf32, #tpu.memory_space<hbm>> -> memref<1x4096xf32, #tpu.memory_space<hbm>>
        %dma_start3A_150 = tpu.memref_slice %arg4[%add3A_4, %mul3A_138] : memref<64x25088xf32, #tpu.memory_space<hbm>> -> memref<1x4096xf32, #tpu.memory_space<hbm>>
        %dma_start3A_151 = arith.constant 0 : i32
        %dma_start3A_152 = arith.constant 0 : i32
        %dma_start3A_153 = tpu.memref_slice %arg7[%dma_start3A_151, %dma_start3A_152] : memref<1x4096xf32, #tpu.memory_space<vmem>> -> memref<1x4096xf32, #tpu.memory_space<vmem>>
        tpu.enqueue_dma source(%dma_start3A_153 : memref<1x4096xf32, #tpu.memory_space<vmem>>) target(%dma_start3A_150 : memref<1x4096xf32, #tpu.memory_space<hbm>>) target_semaphore(%run_scoped3A_145 : memref<!tpu.dma_semaphore, #tpu.memory_space<semaphore_mem>>)
        %dma_wait3A_154 = arith.constant 0 : i32
        %dma_wait3A_155 = arith.constant 0 : i32
        %dma_wait3A_156 = tpu.memref_slice %arg7[%dma_wait3A_154, %dma_wait3A_155] : memref<1x4096xf32, #tpu.memory_space<vmem>> -> memref<1x4096xf32, #tpu.memory_space<vmem>>
        %dma_wait3A_157 = tpu.memref_slice %arg4[%add3A_4, %mul3A_138] : memref<64x25088xf32, #tpu.memory_space<hbm>> -> memref<1x4096xf32, #tpu.memory_space<hbm>>
        %dma_wait3A_158 = tpu.memref_slice %arg4[%add3A_4, %mul3A_138] : memref<64x25088xf32, #tpu.memory_space<hbm>> -> memref<1x4096xf32, #tpu.memory_space<hbm>>
        %dma_wait3A_159 = arith.constant 0 : i32
        %dma_wait3A_160 = arith.constant 0 : i32
        %dma_wait3A_161 = tpu.memref_slice %arg7[%dma_wait3A_159, %dma_wait3A_160] : memref<1x4096xf32, #tpu.memory_space<vmem>> -> memref<1x4096xf32, #tpu.memory_space<vmem>>
        tpu.wait_dma2 semaphore(%run_scoped3A_145 : memref<!tpu.dma_semaphore, #tpu.memory_space<semaphore_mem>>) src(%dma_wait3A_161 : memref<1x4096xf32, #tpu.memory_space<vmem>>) dst(%dma_wait3A_158 : memref<1x4096xf32, #tpu.memory_space<hbm>>)
        tpu.yield
      }) : () -> ()
    }
    %scan3A_27 = arith.constant 6 : i32
    %dma_wait3A = arith.constant 0 : i32
    %dma_wait3A_28 = arith.constant 0 : i32
    %dma_wait3A_29 = arith.constant 0 : i32
    %dma_wait3A_30 = arith.constant 0 : i32
    %dma_wait3A_31 = tpu.memref_slice %arg6[%dma_wait3A, %dma_wait3A_28, %dma_wait3A_29, %dma_wait3A_30] : memref<2x3x1x4096xi32, #tpu.memory_space<vmem>> -> memref<1x3x1x512xi32, #tpu.memory_space<vmem>>
    %dma_wait3A_32 = tpu.memref_squeeze %dma_wait3A_31 : memref<1x3x1x512xi32, #tpu.memory_space<vmem>> -> memref<3x1x512xi32, #tpu.memory_space<vmem>>
    %dma_wait3A_33 = arith.constant 0 : i32
    %dma_wait3A_34 = arith.constant 24576 : i32
    %dma_wait3A_35 = tpu.memref_slice %arg3[%dma_wait3A_33, %add3A_4, %dma_wait3A_34] : memref<3x64x25088xi32, #tpu.memory_space<hbm>> -> memref<3x1x512xi32, #tpu.memory_space<hbm>>
    %dma_wait3A_36 = arith.constant 0 : i32
    %dma_wait3A_37 = arith.constant 0 : i32
    %dma_wait3A_38 = arith.constant 0 : i32
    %dma_wait3A_39 = tpu.memref_slice %arg6[%dma_wait3A, %dma_wait3A_36, %dma_wait3A_37, %dma_wait3A_38] : memref<2x3x1x4096xi32, #tpu.memory_space<vmem>> -> memref<1x3x1x512xi32, #tpu.memory_space<vmem>>
    %dma_wait3A_40 = tpu.memref_squeeze %dma_wait3A_39 : memref<1x3x1x512xi32, #tpu.memory_space<vmem>> -> memref<3x1x512xi32, #tpu.memory_space<vmem>>
    %dma_wait3A_41 = arith.constant 0 : i32
    %dma_wait3A_42 = arith.constant 24576 : i32
    %dma_wait3A_43 = tpu.memref_slice %arg3[%dma_wait3A_41, %add3A_4, %dma_wait3A_42] : memref<3x64x25088xi32, #tpu.memory_space<hbm>> -> memref<3x1x512xi32, #tpu.memory_space<hbm>>
    tpu.wait_dma2 semaphore(%arg8 : memref<!tpu.dma_semaphore, #tpu.memory_space<semaphore_mem>>) src(%dma_wait3A_43 : memref<3x1x512xi32, #tpu.memory_space<hbm>>) dst(%dma_wait3A_40 : memref<3x1x512xi32, #tpu.memory_space<vmem>>)
    %scan3A_44 = arith.constant 0 : i32
    %scan3A_45 = arith.constant 0 : i32
    %scan3A_46 = arith.constant 32 : i32
    %scan3A_47 = arith.addi %scan3A_45, %scan3A_46 : i32
    %scan3A_48 = arith.constant 1 : i32
    scf.for %scan3A_103 = %scan3A_45 to %scan3A_47 step %scan3A_48  : i32 {
      %mul3A_104 = arith.constant 16 : i32
      %mul3A_105 = arith.muli %scan3A_103, %mul3A_104 : i32
      %get3A = arith.constant 0 : i32
      %get3A_106 = arith.constant 0 : i32
      %get3A_107 = arith.constant 0 : i32
      %get3A_108 = arith.index_cast %get3A : i32 to index
      %get3A_109 = arith.index_cast %get3A_106 : i32 to index
      %get3A_110 = arith.index_cast %get3A_107 : i32 to index
      %get3A_111 = arith.index_cast %mul3A_105 : i32 to index
      %get3A_112 = tpu.vector_load %arg6[%get3A_108, %get3A_109, %get3A_110, %get3A_111] {strides = array<i32>} : memref<2x3x1x4096xi32, #tpu.memory_space<vmem>>, vector<16xi32>,
      %get3A_113 = arith.constant 0 : i32
      %get3A_114 = arith.constant 1 : i32
      %get3A_115 = arith.constant 0 : i32
      %get3A_116 = arith.index_cast %get3A_113 : i32 to index
      %get3A_117 = arith.index_cast %get3A_114 : i32 to index
      %get3A_118 = arith.index_cast %get3A_115 : i32 to index
      %get3A_119 = arith.index_cast %mul3A_105 : i32 to index
      %get3A_120 = tpu.vector_load %arg6[%get3A_116, %get3A_117, %get3A_118, %get3A_119] {strides = array<i32>} : memref<2x3x1x4096xi32, #tpu.memory_space<vmem>>, vector<16xi32>,
      %get3A_121 = arith.constant 0 : i32
      %get3A_122 = arith.constant 2 : i32
      %get3A_123 = arith.constant 0 : i32
      %get3A_124 = arith.index_cast %get3A_121 : i32 to index
      %get3A_125 = arith.index_cast %get3A_122 : i32 to index
      %get3A_126 = arith.index_cast %get3A_123 : i32 to index
      %get3A_127 = arith.index_cast %mul3A_105 : i32 to index
      %get3A_128 = tpu.vector_load %arg6[%get3A_124, %get3A_125, %get3A_126, %get3A_127] {strides = array<i32>} : memref<2x3x1x4096xi32, #tpu.memory_space<vmem>>, vector<16xi32>,
      %gather3A = arith.constant 0 : i32
      %gather3A_129 = arith.constant 0 : i32
      %gather3A_130 = tpu.memref_slice %arg5[%gather3A, %gather3A_129] : memref<1x50000xf32, #tpu.memory_space<vmem>> -> memref<1x50000xf32, #tpu.memory_space<vmem>>
      %gather3A_131 = tpu.memref_squeeze %gather3A_130 : memref<1x50000xf32, #tpu.memory_space<vmem>> -> memref<50000xf32, #tpu.memory_space<vmem>>
      %gather3A_132 = tpu.vector_load_idx %gather3A_131[%get3A_112] : memref<50000xf32, #tpu.memory_space<vmem>>[vector<16xi32>], vector<16xf32>,
      %gather3A_133 = arith.constant 0 : i32
      %gather3A_134 = arith.constant 0 : i32
      %gather3A_135 = tpu.memref_slice %arg5[%gather3A_133, %gather3A_134] : memref<1x50000xf32, #tpu.memory_space<vmem>> -> memref<1x50000xf32, #tpu.memory_space<vmem>>
      %gather3A_136 = tpu.memref_squeeze %gather3A_135 : memref<1x50000xf32, #tpu.memory_space<vmem>> -> memref<50000xf32, #tpu.memory_space<vmem>>
      %gather3A_137 = tpu.vector_load_idx %gather3A_136[%get3A_120] : memref<50000xf32, #tpu.memory_space<vmem>>[vector<16xi32>], vector<16xf32>,
      %gather3A_138 = arith.constant 0 : i32
      %gather3A_139 = arith.constant 0 : i32
      %gather3A_140 = tpu.memref_slice %arg5[%gather3A_138, %gather3A_139] : memref<1x50000xf32, #tpu.memory_space<vmem>> -> memref<1x50000xf32, #tpu.memory_space<vmem>>
      %gather3A_141 = tpu.memref_squeeze %gather3A_140 : memref<1x50000xf32, #tpu.memory_space<vmem>> -> memref<50000xf32, #tpu.memory_space<vmem>>
      %gather3A_142 = tpu.vector_load_idx %gather3A_141[%get3A_128] : memref<50000xf32, #tpu.memory_space<vmem>>[vector<16xi32>], vector<16xf32>,
      %max3A = arith.maximumf %gather3A_132, %gather3A_137 : vector<16xf32>
      %max3A_143 = arith.maximumf %max3A, %gather3A_142 : vector<16xf32>
      %sub3A = arith.constant 1.000000e+00 : f32
      %sub3A_144 = vector.broadcast %sub3A : f32 to vector<16xf32>
      %sub3A_145 = arith.subf %sub3A_144, %max3A_143 : vector<16xf32>
      %mul3A_146 = arith.constant 5.000000e-01 : f32
      %mul3A_147 = vector.broadcast %mul3A_146 : f32 to vector<16xf32>
      %mul3A_148 = arith.mulf %sub3A_145, %mul3A_147 : vector<16xf32>
      %swap3A = arith.constant 0 : i32
      %swap3A_149 = arith.index_cast %swap3A : i32 to index
      %swap3A_150 = arith.index_cast %mul3A_105 : i32 to index
      %swap3A_151 = tpu.vector_load %arg7[%swap3A_149, %swap3A_150] {strides = array<i32>} : memref<1x4096xf32, #tpu.memory_space<vmem>>, vector<16xf32>,
      tpu.vector_store %arg7[%swap3A_149, %swap3A_150], %mul3A_148 {strides = array<i32>} : memref<1x4096xf32, #tpu.memory_space<vmem>>, vector<16xf32>,
    }
    %scan3A_49 = arith.constant 32 : i32
    "tpu.region"() ({
      %run_scoped3A_103 = tpu.sem_alloc : memref<!tpu.dma_semaphore, #tpu.memory_space<semaphore_mem>>
      %dma_start3A_104 = arith.constant 0 : i32
      %dma_start3A_105 = arith.constant 0 : i32
      %dma_start3A_106 = tpu.memref_slice %arg7[%dma_start3A_104, %dma_start3A_105] : memref<1x4096xf32, #tpu.memory_space<vmem>> -> memref<1x512xf32, #tpu.memory_space<vmem>>
      %dma_start3A_107 = arith.constant 24576 : i32
      %dma_start3A_108 = tpu.memref_slice %arg4[%add3A_4, %dma_start3A_107] : memref<64x25088xf32, #tpu.memory_space<hbm>> -> memref<1x512xf32, #tpu.memory_space<hbm>>
      %dma_start3A_109 = arith.constant 24576 : i32
      %dma_start3A_110 = tpu.memref_slice %arg4[%add3A_4, %dma_start3A_109] : memref<64x25088xf32, #tpu.memory_space<hbm>> -> memref<1x512xf32, #tpu.memory_space<hbm>>
      %dma_start3A_111 = arith.constant 0 : i32
      %dma_start3A_112 = arith.constant 0 : i32
      %dma_start3A_113 = tpu.memref_slice %arg7[%dma_start3A_111, %dma_start3A_112] : memref<1x4096xf32, #tpu.memory_space<vmem>> -> memref<1x512xf32, #tpu.memory_space<vmem>>
      tpu.enqueue_dma source(%dma_start3A_113 : memref<1x512xf32, #tpu.memory_space<vmem>>) target(%dma_start3A_110 : memref<1x512xf32, #tpu.memory_space<hbm>>) target_semaphore(%run_scoped3A_103 : memref<!tpu.dma_semaphore, #tpu.memory_space<semaphore_mem>>)
      %dma_wait3A_114 = arith.constant 0 : i32
      %dma_wait3A_115 = arith.constant 0 : i32
      %dma_wait3A_116 = tpu.memref_slice %arg7[%dma_wait3A_114, %dma_wait3A_115] : memref<1x4096xf32, #tpu.memory_space<vmem>> -> memref<1x512xf32, #tpu.memory_space<vmem>>
      %dma_wait3A_117 = arith.constant 24576 : i32
      %dma_wait3A_118 = tpu.memref_slice %arg4[%add3A_4, %dma_wait3A_117] : memref<64x25088xf32, #tpu.memory_space<hbm>> -> memref<1x512xf32, #tpu.memory_space<hbm>>
      %dma_wait3A_119 = arith.constant 24576 : i32
      %dma_wait3A_120 = tpu.memref_slice %arg4[%add3A_4, %dma_wait3A_119] : memref<64x25088xf32, #tpu.memory_space<hbm>> -> memref<1x512xf32, #tpu.memory_space<hbm>>
      %dma_wait3A_121 = arith.constant 0 : i32
      %dma_wait3A_122 = arith.constant 0 : i32
      %dma_wait3A_123 = tpu.memref_slice %arg7[%dma_wait3A_121, %dma_wait3A_122] : memref<1x4096xf32, #tpu.memory_space<vmem>> -> memref<1x512xf32, #tpu.memory_space<vmem>>
      tpu.wait_dma2 semaphore(%run_scoped3A_103 : memref<!tpu.dma_semaphore, #tpu.memory_space<semaphore_mem>>) src(%dma_wait3A_123 : memref<1x512xf32, #tpu.memory_space<vmem>>) dst(%dma_wait3A_120 : memref<1x512xf32, #tpu.memory_space<hbm>>)
      tpu.yield
    }) : () -> ()
    %mul3A_50 = arith.constant 2 : i32
    %mul3A_51 = arith.muli %add3A, %mul3A_50 : i32
    %add3A_52 = arith.constant 1 : i32
    %add3A_53 = arith.addi %mul3A_51, %add3A_52 : i32
    %mul3A_54 = arith.constant 50000 : i32
    %mul3A_55 = arith.muli %add3A_53, %mul3A_54 : i32
    %run_scoped3A_56 = arith.constant 0 : i32
    "tpu.region"() ({
      %run_scoped3A_103 = tpu.sem_alloc : memref<!tpu.dma_semaphore, #tpu.memory_space<semaphore_mem>>
      %dma_start3A_104 = arith.constant 0 : i32
      %dma_start3A_105 = tpu.memref_slice %arg5[%run_scoped3A_56, %dma_start3A_104] : memref<1x50000xf32, #tpu.memory_space<vmem>> -> memref<1x50000xf32, #tpu.memory_space<vmem>>
      %dma_start3A_106 = tpu.memref_squeeze %dma_start3A_105 : memref<1x50000xf32, #tpu.memory_space<vmem>> -> memref<50000xf32, #tpu.memory_space<vmem>>
      %dma_start3A_107 = tpu.memref_slice %arg2[%mul3A_55] : memref<3200000xf32, #tpu.memory_space<hbm>> -> memref<50000xf32, #tpu.memory_space<hbm>>
      %dma_start3A_108 = arith.constant 0 : i32
      %dma_start3A_109 = tpu.memref_slice %arg5[%run_scoped3A_56, %dma_start3A_108] : memref<1x50000xf32, #tpu.memory_space<vmem>> -> memref<1x50000xf32, #tpu.memory_space<vmem>>
      %dma_start3A_110 = tpu.memref_squeeze %dma_start3A_109 : memref<1x50000xf32, #tpu.memory_space<vmem>> -> memref<50000xf32, #tpu.memory_space<vmem>>
      %dma_start3A_111 = tpu.memref_slice %arg2[%mul3A_55] : memref<3200000xf32, #tpu.memory_space<hbm>> -> memref<50000xf32, #tpu.memory_space<hbm>>
      tpu.enqueue_dma source(%dma_start3A_111 : memref<50000xf32, #tpu.memory_space<hbm>>) target(%dma_start3A_110 : memref<50000xf32, #tpu.memory_space<vmem>>) target_semaphore(%run_scoped3A_103 : memref<!tpu.dma_semaphore, #tpu.memory_space<semaphore_mem>>)
      %dma_wait3A_112 = arith.constant 0 : i32
      %dma_wait3A_113 = tpu.memref_slice %arg5[%run_scoped3A_56, %dma_wait3A_112] : memref<1x50000xf32, #tpu.memory_space<vmem>> -> memref<1x50000xf32, #tpu.memory_space<vmem>>
      %dma_wait3A_114 = tpu.memref_squeeze %dma_wait3A_113 : memref<1x50000xf32, #tpu.memory_space<vmem>> -> memref<50000xf32, #tpu.memory_space<vmem>>
      %dma_wait3A_115 = tpu.memref_slice %arg2[%mul3A_55] : memref<3200000xf32, #tpu.memory_space<hbm>> -> memref<50000xf32, #tpu.memory_space<hbm>>
      %dma_wait3A_116 = arith.constant 0 : i32
      %dma_wait3A_117 = tpu.memref_slice %arg5[%run_scoped3A_56, %dma_wait3A_116] : memref<1x50000xf32, #tpu.memory_space<vmem>> -> memref<1x50000xf32, #tpu.memory_space<vmem>>
      %dma_wait3A_118 = tpu.memref_squeeze %dma_wait3A_117 : memref<1x50000xf32, #tpu.memory_space<vmem>> -> memref<50000xf32, #tpu.memory_space<vmem>>
      %dma_wait3A_119 = tpu.memref_slice %arg2[%mul3A_55] : memref<3200000xf32, #tpu.memory_space<hbm>> -> memref<50000xf32, #tpu.memory_space<hbm>>
      tpu.wait_dma2 semaphore(%run_scoped3A_103 : memref<!tpu.dma_semaphore, #tpu.memory_space<semaphore_mem>>) src(%dma_wait3A_119 : memref<50000xf32, #tpu.memory_space<hbm>>) dst(%dma_wait3A_118 : memref<50000xf32, #tpu.memory_space<vmem>>)
      tpu.yield
    }) : () -> ()
    %dma_start3A_57 = arith.constant 0 : i32
    %dma_start3A_58 = arith.constant 0 : i32
    %dma_start3A_59 = arith.constant 0 : i32
    %dma_start3A_60 = arith.constant 0 : i32
    %dma_start3A_61 = tpu.memref_slice %arg6[%dma_start3A_57, %dma_start3A_58, %dma_start3A_59, %dma_start3A_60] : memref<2x3x1x4096xi32, #tpu.memory_space<vmem>> -> memref<1x3x1x4096xi32, #tpu.memory_space<vmem>>
    %dma_start3A_62 = tpu.memref_squeeze %dma_start3A_61 : memref<1x3x1x4096xi32, #tpu.memory_space<vmem>> -> memref<3x1x4096xi32, #tpu.memory_space<vmem>>
    %dma_start3A_63 = arith.constant 0 : i32
    %dma_start3A_64 = arith.constant 0 : i32
    %dma_start3A_65 = tpu.memref_slice %arg3[%dma_start3A_63, %add3A_53, %dma_start3A_64] : memref<3x64x25088xi32, #tpu.memory_space<hbm>> -> memref<3x1x4096xi32, #tpu.memory_space<hbm>>
    %dma_start3A_66 = arith.constant 0 : i32
    %dma_start3A_67 = arith.constant 0 : i32
    %dma_start3A_68 = arith.constant 0 : i32
    %dma_start3A_69 = tpu.memref_slice %arg6[%dma_start3A_57, %dma_start3A_66, %dma_start3A_67, %dma_start3A_68] : memref<2x3x1x4096xi32, #tpu.memory_space<vmem>> -> memref<1x3x1x4096xi32, #tpu.memory_space<vmem>>
    %dma_start3A_70 = tpu.memref_squeeze %dma_start3A_69 : memref<1x3x1x4096xi32, #tpu.memory_space<vmem>> -> memref<3x1x4096xi32, #tpu.memory_space<vmem>>
    %dma_start3A_71 = arith.constant 0 : i32
    %dma_start3A_72 = arith.constant 0 : i32
    %dma_start3A_73 = tpu.memref_slice %arg3[%dma_start3A_71, %add3A_53, %dma_start3A_72] : memref<3x64x25088xi32, #tpu.memory_space<hbm>> -> memref<3x1x4096xi32, #tpu.memory_space<hbm>>
    tpu.enqueue_dma source(%dma_start3A_73 : memref<3x1x4096xi32, #tpu.memory_space<hbm>>) target(%dma_start3A_70 : memref<3x1x4096xi32, #tpu.memory_space<vmem>>) target_semaphore(%arg8 : memref<!tpu.dma_semaphore, #tpu.memory_space<semaphore_mem>>)
    %scan3A_74 = arith.constant 0 : i32
    %scan3A_75 = arith.constant 0 : i32
    %scan3A_76 = arith.constant 6 : i32
    %scan3A_77 = arith.addi %scan3A_75, %scan3A_76 : i32
    %scan3A_78 = arith.constant 1 : i32
    scf.for %scan3A_103 = %scan3A_75 to %scan3A_77 step %scan3A_78  : i32 {
      %jit3A = arith.constant 2 : i32
      %eq3A = arith.constant 0 : i32
      %eq3A_104 = arith.cmpi eq, %jit3A, %eq3A : i32
      %jit3A_105 = arith.constant 1 : i32
      %select_n3A = arith.select %eq3A_104, %jit3A_105, %jit3A : i32
      %rem3A = arith.remsi %scan3A_103, %select_n3A : i32
      %ne3A = arith.constant 0 : i32
      %ne3A_106 = arith.cmpi ne, %rem3A, %ne3A : i32
      %lt3A = arith.constant 0 : i32
      %lt3A_107 = arith.cmpi slt, %rem3A, %lt3A : i32
      %lt3A_108 = arith.constant 0 : i32
      %lt3A_109 = arith.cmpi slt, %select_n3A, %lt3A_108 : i32
      %ne3A_110 = arith.xori %lt3A_107, %lt3A_109 : i1
      %and3A = arith.andi %ne3A_110, %ne3A_106 : i1
      %add3A_111 = arith.addi %rem3A, %select_n3A : i32
      %select_n3A_112 = arith.select %and3A, %add3A_111, %rem3A : i32
      %mul3A_113 = arith.constant 4096 : i32
      %mul3A_114 = arith.muli %scan3A_103, %mul3A_113 : i32
      %dma_wait3A_115 = arith.constant 0 : i32
      %dma_wait3A_116 = arith.constant 0 : i32
      %dma_wait3A_117 = arith.constant 0 : i32
      %dma_wait3A_118 = tpu.memref_slice %arg6[%select_n3A_112, %dma_wait3A_115, %dma_wait3A_116, %dma_wait3A_117] : memref<2x3x1x4096xi32, #tpu.memory_space<vmem>> -> memref<1x3x1x4096xi32, #tpu.memory_space<vmem>>
      %dma_wait3A_119 = tpu.memref_squeeze %dma_wait3A_118 : memref<1x3x1x4096xi32, #tpu.memory_space<vmem>> -> memref<3x1x4096xi32, #tpu.memory_space<vmem>>
      %dma_wait3A_120 = arith.constant 0 : i32
      %dma_wait3A_121 = tpu.memref_slice %arg3[%dma_wait3A_120, %add3A_53, %mul3A_114] : memref<3x64x25088xi32, #tpu.memory_space<hbm>> -> memref<3x1x4096xi32, #tpu.memory_space<hbm>>
      %dma_wait3A_122 = arith.constant 0 : i32
      %dma_wait3A_123 = arith.constant 0 : i32
      %dma_wait3A_124 = arith.constant 0 : i32
      %dma_wait3A_125 = tpu.memref_slice %arg6[%select_n3A_112, %dma_wait3A_122, %dma_wait3A_123, %dma_wait3A_124] : memref<2x3x1x4096xi32, #tpu.memory_space<vmem>> -> memref<1x3x1x4096xi32, #tpu.memory_space<vmem>>
      %dma_wait3A_126 = tpu.memref_squeeze %dma_wait3A_125 : memref<1x3x1x4096xi32, #tpu.memory_space<vmem>> -> memref<3x1x4096xi32, #tpu.memory_space<vmem>>
      %dma_wait3A_127 = arith.constant 0 : i32
      %dma_wait3A_128 = tpu.memref_slice %arg3[%dma_wait3A_127, %add3A_53, %mul3A_114] : memref<3x64x25088xi32, #tpu.memory_space<hbm>> -> memref<3x1x4096xi32, #tpu.memory_space<hbm>>
      tpu.wait_dma2 semaphore(%arg8 : memref<!tpu.dma_semaphore, #tpu.memory_space<semaphore_mem>>) src(%dma_wait3A_128 : memref<3x1x4096xi32, #tpu.memory_space<hbm>>) dst(%dma_wait3A_126 : memref<3x1x4096xi32, #tpu.memory_space<vmem>>)
      %lt3A_129 = arith.constant 5 : i32
      %lt3A_130 = arith.cmpi slt, %scan3A_103, %lt3A_129 : i32
      %convert_element_type3A = arith.extui %lt3A_130 : i1 to i32
      %cond3A = arith.constant 0 : i32
      %cond3A_131 = arith.cmpi ne, %convert_element_type3A, %cond3A : i32
      scf.if %cond3A_131 {
        %add3A_145 = arith.constant 1 : i32
        %add3A_146 = arith.addi %scan3A_103, %add3A_145 : i32
        %mul3A_147 = arith.constant 4096 : i32
        %mul3A_148 = arith.muli %add3A_146, %mul3A_147 : i32
        %sub3A = arith.constant 1 : i32
        %sub3A_149 = arith.subi %sub3A, %select_n3A_112 : i32
        %dma_start3A_150 = arith.constant 0 : i32
        %dma_start3A_151 = arith.constant 0 : i32
        %dma_start3A_152 = arith.constant 0 : i32
        %dma_start3A_153 = tpu.memref_slice %arg6[%sub3A_149, %dma_start3A_150, %dma_start3A_151, %dma_start3A_152] : memref<2x3x1x4096xi32, #tpu.memory_space<vmem>> -> memref<1x3x1x4096xi32, #tpu.memory_space<vmem>>
        %dma_start3A_154 = tpu.memref_squeeze %dma_start3A_153 : memref<1x3x1x4096xi32, #tpu.memory_space<vmem>> -> memref<3x1x4096xi32, #tpu.memory_space<vmem>>
        %dma_start3A_155 = arith.constant 0 : i32
        %dma_start3A_156 = tpu.memref_slice %arg3[%dma_start3A_155, %add3A_53, %mul3A_148] : memref<3x64x25088xi32, #tpu.memory_space<hbm>> -> memref<3x1x4096xi32, #tpu.memory_space<hbm>>
        %dma_start3A_157 = arith.constant 0 : i32
        %dma_start3A_158 = arith.constant 0 : i32
        %dma_start3A_159 = arith.constant 0 : i32
        %dma_start3A_160 = tpu.memref_slice %arg6[%sub3A_149, %dma_start3A_157, %dma_start3A_158, %dma_start3A_159] : memref<2x3x1x4096xi32, #tpu.memory_space<vmem>> -> memref<1x3x1x4096xi32, #tpu.memory_space<vmem>>
        %dma_start3A_161 = tpu.memref_squeeze %dma_start3A_160 : memref<1x3x1x4096xi32, #tpu.memory_space<vmem>> -> memref<3x1x4096xi32, #tpu.memory_space<vmem>>
        %dma_start3A_162 = arith.constant 0 : i32
        %dma_start3A_163 = tpu.memref_slice %arg3[%dma_start3A_162, %add3A_53, %mul3A_148] : memref<3x64x25088xi32, #tpu.memory_space<hbm>> -> memref<3x1x4096xi32, #tpu.memory_space<hbm>>
        tpu.enqueue_dma source(%dma_start3A_163 : memref<3x1x4096xi32, #tpu.memory_space<hbm>>) target(%dma_start3A_161 : memref<3x1x4096xi32, #tpu.memory_space<vmem>>) target_semaphore(%arg8 : memref<!tpu.dma_semaphore, #tpu.memory_space<semaphore_mem>>)
      } else {
      }
      %eq3A_132 = arith.constant 5 : i32
      %eq3A_133 = arith.cmpi eq, %scan3A_103, %eq3A_132 : i32
      %convert_element_type3A_134 = arith.extui %eq3A_133 : i1 to i32
      %cond3A_135 = arith.constant 0 : i32
      %cond3A_136 = arith.cmpi ne, %convert_element_type3A_134, %cond3A_135 : i32
      scf.if %cond3A_136 {
        %sub3A = arith.constant 1 : i32
        %sub3A_145 = arith.subi %sub3A, %select_n3A_112 : i32
        %dma_start3A_146 = arith.constant 0 : i32
        %dma_start3A_147 = arith.constant 0 : i32
        %dma_start3A_148 = arith.constant 0 : i32
        %dma_start3A_149 = tpu.memref_slice %arg6[%sub3A_145, %dma_start3A_146, %dma_start3A_147, %dma_start3A_148] : memref<2x3x1x4096xi32, #tpu.memory_space<vmem>> -> memref<1x3x1x512xi32, #tpu.memory_space<vmem>>
        %dma_start3A_150 = tpu.memref_squeeze %dma_start3A_149 : memref<1x3x1x512xi32, #tpu.memory_space<vmem>> -> memref<3x1x512xi32, #tpu.memory_space<vmem>>
        %dma_start3A_151 = arith.constant 0 : i32
        %dma_start3A_152 = arith.constant 24576 : i32
        %dma_start3A_153 = tpu.memref_slice %arg3[%dma_start3A_151, %add3A_53, %dma_start3A_152] : memref<3x64x25088xi32, #tpu.memory_space<hbm>> -> memref<3x1x512xi32, #tpu.memory_space<hbm>>
        %dma_start3A_154 = arith.constant 0 : i32
        %dma_start3A_155 = arith.constant 0 : i32
        %dma_start3A_156 = arith.constant 0 : i32
        %dma_start3A_157 = tpu.memref_slice %arg6[%sub3A_145, %dma_start3A_154, %dma_start3A_155, %dma_start3A_156] : memref<2x3x1x4096xi32, #tpu.memory_space<vmem>> -> memref<1x3x1x512xi32, #tpu.memory_space<vmem>>
        %dma_start3A_158 = tpu.memref_squeeze %dma_start3A_157 : memref<1x3x1x512xi32, #tpu.memory_space<vmem>> -> memref<3x1x512xi32, #tpu.memory_space<vmem>>
        %dma_start3A_159 = arith.constant 0 : i32
        %dma_start3A_160 = arith.constant 24576 : i32
        %dma_start3A_161 = tpu.memref_slice %arg3[%dma_start3A_159, %add3A_53, %dma_start3A_160] : memref<3x64x25088xi32, #tpu.memory_space<hbm>> -> memref<3x1x512xi32, #tpu.memory_space<hbm>>
        tpu.enqueue_dma source(%dma_start3A_161 : memref<3x1x512xi32, #tpu.memory_space<hbm>>) target(%dma_start3A_158 : memref<3x1x512xi32, #tpu.memory_space<vmem>>) target_semaphore(%arg8 : memref<!tpu.dma_semaphore, #tpu.memory_space<semaphore_mem>>)
      } else {
      }
      %mul3A_137 = arith.constant 4096 : i32
      %mul3A_138 = arith.muli %scan3A_103, %mul3A_137 : i32
      %scan3A_139 = arith.constant 0 : i32
      %scan3A_140 = arith.constant 0 : i32
      %scan3A_141 = arith.constant 256 : i32
      %scan3A_142 = arith.addi %scan3A_140, %scan3A_141 : i32
      %scan3A_143 = arith.constant 1 : i32
      scf.for %scan3A_145 = %scan3A_140 to %scan3A_142 step %scan3A_143  : i32 {
        %mul3A_146 = arith.constant 16 : i32
        %mul3A_147 = arith.muli %scan3A_145, %mul3A_146 : i32
        %get3A = arith.constant 0 : i32
        %get3A_148 = arith.constant 0 : i32
        %get3A_149 = arith.index_cast %select_n3A_112 : i32 to index
        %get3A_150 = arith.index_cast %get3A : i32 to index
        %get3A_151 = arith.index_cast %get3A_148 : i32 to index
        %get3A_152 = arith.index_cast %mul3A_147 : i32 to index
        %get3A_153 = tpu.vector_load %arg6[%get3A_149, %get3A_150, %get3A_151, %get3A_152] {strides = array<i32>} : memref<2x3x1x4096xi32, #tpu.memory_space<vmem>>, vector<16xi32>,
        %get3A_154 = arith.constant 1 : i32
        %get3A_155 = arith.constant 0 : i32
        %get3A_156 = arith.index_cast %select_n3A_112 : i32 to index
        %get3A_157 = arith.index_cast %get3A_154 : i32 to index
        %get3A_158 = arith.index_cast %get3A_155 : i32 to index
        %get3A_159 = arith.index_cast %mul3A_147 : i32 to index
        %get3A_160 = tpu.vector_load %arg6[%get3A_156, %get3A_157, %get3A_158, %get3A_159] {strides = array<i32>} : memref<2x3x1x4096xi32, #tpu.memory_space<vmem>>, vector<16xi32>,
        %get3A_161 = arith.constant 2 : i32
        %get3A_162 = arith.constant 0 : i32
        %get3A_163 = arith.index_cast %select_n3A_112 : i32 to index
        %get3A_164 = arith.index_cast %get3A_161 : i32 to index
        %get3A_165 = arith.index_cast %get3A_162 : i32 to index
        %get3A_166 = arith.index_cast %mul3A_147 : i32 to index
        %get3A_167 = tpu.vector_load %arg6[%get3A_163, %get3A_164, %get3A_165, %get3A_166] {strides = array<i32>} : memref<2x3x1x4096xi32, #tpu.memory_space<vmem>>, vector<16xi32>,
        %gather3A = arith.constant 0 : i32
        %gather3A_168 = arith.constant 0 : i32
        %gather3A_169 = tpu.memref_slice %arg5[%gather3A, %gather3A_168] : memref<1x50000xf32, #tpu.memory_space<vmem>> -> memref<1x50000xf32, #tpu.memory_space<vmem>>
        %gather3A_170 = tpu.memref_squeeze %gather3A_169 : memref<1x50000xf32, #tpu.memory_space<vmem>> -> memref<50000xf32, #tpu.memory_space<vmem>>
        %gather3A_171 = tpu.vector_load_idx %gather3A_170[%get3A_153] : memref<50000xf32, #tpu.memory_space<vmem>>[vector<16xi32>], vector<16xf32>,
        %gather3A_172 = arith.constant 0 : i32
        %gather3A_173 = arith.constant 0 : i32
        %gather3A_174 = tpu.memref_slice %arg5[%gather3A_172, %gather3A_173] : memref<1x50000xf32, #tpu.memory_space<vmem>> -> memref<1x50000xf32, #tpu.memory_space<vmem>>
        %gather3A_175 = tpu.memref_squeeze %gather3A_174 : memref<1x50000xf32, #tpu.memory_space<vmem>> -> memref<50000xf32, #tpu.memory_space<vmem>>
        %gather3A_176 = tpu.vector_load_idx %gather3A_175[%get3A_160] : memref<50000xf32, #tpu.memory_space<vmem>>[vector<16xi32>], vector<16xf32>,
        %gather3A_177 = arith.constant 0 : i32
        %gather3A_178 = arith.constant 0 : i32
        %gather3A_179 = tpu.memref_slice %arg5[%gather3A_177, %gather3A_178] : memref<1x50000xf32, #tpu.memory_space<vmem>> -> memref<1x50000xf32, #tpu.memory_space<vmem>>
        %gather3A_180 = tpu.memref_squeeze %gather3A_179 : memref<1x50000xf32, #tpu.memory_space<vmem>> -> memref<50000xf32, #tpu.memory_space<vmem>>
        %gather3A_181 = tpu.vector_load_idx %gather3A_180[%get3A_167] : memref<50000xf32, #tpu.memory_space<vmem>>[vector<16xi32>], vector<16xf32>,
        %max3A = arith.maximumf %gather3A_171, %gather3A_176 : vector<16xf32>
        %max3A_182 = arith.maximumf %max3A, %gather3A_181 : vector<16xf32>
        %sub3A = arith.constant 1.000000e+00 : f32
        %sub3A_183 = vector.broadcast %sub3A : f32 to vector<16xf32>
        %sub3A_184 = arith.subf %sub3A_183, %max3A_182 : vector<16xf32>
        %mul3A_185 = arith.constant 5.000000e-01 : f32
        %mul3A_186 = vector.broadcast %mul3A_185 : f32 to vector<16xf32>
        %mul3A_187 = arith.mulf %sub3A_184, %mul3A_186 : vector<16xf32>
        %swap3A = arith.constant 0 : i32
        %swap3A_188 = arith.index_cast %swap3A : i32 to index
        %swap3A_189 = arith.index_cast %mul3A_147 : i32 to index
        %swap3A_190 = tpu.vector_load %arg7[%swap3A_188, %swap3A_189] {strides = array<i32>} : memref<1x4096xf32, #tpu.memory_space<vmem>>, vector<16xf32>,
        tpu.vector_store %arg7[%swap3A_188, %swap3A_189], %mul3A_187 {strides = array<i32>} : memref<1x4096xf32, #tpu.memory_space<vmem>>, vector<16xf32>,
      }
      %scan3A_144 = arith.constant 256 : i32
      "tpu.region"() ({
        %run_scoped3A_145 = tpu.sem_alloc : memref<!tpu.dma_semaphore, #tpu.memory_space<semaphore_mem>>
        %dma_start3A_146 = arith.constant 0 : i32
        %dma_start3A_147 = arith.constant 0 : i32
        %dma_start3A_148 = tpu.memref_slice %arg7[%dma_start3A_146, %dma_start3A_147] : memref<1x4096xf32, #tpu.memory_space<vmem>> -> memref<1x4096xf32, #tpu.memory_space<vmem>>
        %dma_start3A_149 = tpu.memref_slice %arg4[%add3A_53, %mul3A_138] : memref<64x25088xf32, #tpu.memory_space<hbm>> -> memref<1x4096xf32, #tpu.memory_space<hbm>>
        %dma_start3A_150 = tpu.memref_slice %arg4[%add3A_53, %mul3A_138] : memref<64x25088xf32, #tpu.memory_space<hbm>> -> memref<1x4096xf32, #tpu.memory_space<hbm>>
        %dma_start3A_151 = arith.constant 0 : i32
        %dma_start3A_152 = arith.constant 0 : i32
        %dma_start3A_153 = tpu.memref_slice %arg7[%dma_start3A_151, %dma_start3A_152] : memref<1x4096xf32, #tpu.memory_space<vmem>> -> memref<1x4096xf32, #tpu.memory_space<vmem>>
        tpu.enqueue_dma source(%dma_start3A_153 : memref<1x4096xf32, #tpu.memory_space<vmem>>) target(%dma_start3A_150 : memref<1x4096xf32, #tpu.memory_space<hbm>>) target_semaphore(%run_scoped3A_145 : memref<!tpu.dma_semaphore, #tpu.memory_space<semaphore_mem>>)
        %dma_wait3A_154 = arith.constant 0 : i32
        %dma_wait3A_155 = arith.constant 0 : i32
        %dma_wait3A_156 = tpu.memref_slice %arg7[%dma_wait3A_154, %dma_wait3A_155] : memref<1x4096xf32, #tpu.memory_space<vmem>> -> memref<1x4096xf32, #tpu.memory_space<vmem>>
        %dma_wait3A_157 = tpu.memref_slice %arg4[%add3A_53, %mul3A_138] : memref<64x25088xf32, #tpu.memory_space<hbm>> -> memref<1x4096xf32, #tpu.memory_space<hbm>>
        %dma_wait3A_158 = tpu.memref_slice %arg4[%add3A_53, %mul3A_138] : memref<64x25088xf32, #tpu.memory_space<hbm>> -> memref<1x4096xf32, #tpu.memory_space<hbm>>
        %dma_wait3A_159 = arith.constant 0 : i32
        %dma_wait3A_160 = arith.constant 0 : i32
        %dma_wait3A_161 = tpu.memref_slice %arg7[%dma_wait3A_159, %dma_wait3A_160] : memref<1x4096xf32, #tpu.memory_space<vmem>> -> memref<1x4096xf32, #tpu.memory_space<vmem>>
        tpu.wait_dma2 semaphore(%run_scoped3A_145 : memref<!tpu.dma_semaphore, #tpu.memory_space<semaphore_mem>>) src(%dma_wait3A_161 : memref<1x4096xf32, #tpu.memory_space<vmem>>) dst(%dma_wait3A_158 : memref<1x4096xf32, #tpu.memory_space<hbm>>)
        tpu.yield
      }) : () -> ()
    }
    %scan3A_79 = arith.constant 6 : i32
    %dma_wait3A_80 = arith.constant 0 : i32
    %dma_wait3A_81 = arith.constant 0 : i32
    %dma_wait3A_82 = arith.constant 0 : i32
    %dma_wait3A_83 = arith.constant 0 : i32
    %dma_wait3A_84 = tpu.memref_slice %arg6[%dma_wait3A_80, %dma_wait3A_81, %dma_wait3A_82, %dma_wait3A_83] : memref<2x3x1x4096xi32, #tpu.memory_space<vmem>> -> memref<1x3x1x512xi32, #tpu.memory_space<vmem>>
    %dma_wait3A_85 = tpu.memref_squeeze %dma_wait3A_84 : memref<1x3x1x512xi32, #tpu.memory_space<vmem>> -> memref<3x1x512xi32, #tpu.memory_space<vmem>>
    %dma_wait3A_86 = arith.constant 0 : i32
    %dma_wait3A_87 = arith.constant 24576 : i32
    %dma_wait3A_88 = tpu.memref_slice %arg3[%dma_wait3A_86, %add3A_53, %dma_wait3A_87] : memref<3x64x25088xi32, #tpu.memory_space<hbm>> -> memref<3x1x512xi32, #tpu.memory_space<hbm>>
    %dma_wait3A_89 = arith.constant 0 : i32
    %dma_wait3A_90 = arith.constant 0 : i32
    %dma_wait3A_91 = arith.constant 0 : i32
    %dma_wait3A_92 = tpu.memref_slice %arg6[%dma_wait3A_80, %dma_wait3A_89, %dma_wait3A_90, %dma_wait3A_91] : memref<2x3x1x4096xi32, #tpu.memory_space<vmem>> -> memref<1x3x1x512xi32, #tpu.memory_space<vmem>>
    %dma_wait3A_93 = tpu.memref_squeeze %dma_wait3A_92 : memref<1x3x1x512xi32, #tpu.memory_space<vmem>> -> memref<3x1x512xi32, #tpu.memory_space<vmem>>
    %dma_wait3A_94 = arith.constant 0 : i32
    %dma_wait3A_95 = arith.constant 24576 : i32
    %dma_wait3A_96 = tpu.memref_slice %arg3[%dma_wait3A_94, %add3A_53, %dma_wait3A_95] : memref<3x64x25088xi32, #tpu.memory_space<hbm>> -> memref<3x1x512xi32, #tpu.memory_space<hbm>>
    tpu.wait_dma2 semaphore(%arg8 : memref<!tpu.dma_semaphore, #tpu.memory_space<semaphore_mem>>) src(%dma_wait3A_96 : memref<3x1x512xi32, #tpu.memory_space<hbm>>) dst(%dma_wait3A_93 : memref<3x1x512xi32, #tpu.memory_space<vmem>>)
    %scan3A_97 = arith.constant 0 : i32
    %scan3A_98 = arith.constant 0 : i32
    %scan3A_99 = arith.constant 32 : i32
    %scan3A_100 = arith.addi %scan3A_98, %scan3A_99 : i32
    %scan3A_101 = arith.constant 1 : i32
    scf.for %scan3A_103 = %scan3A_98 to %scan3A_100 step %scan3A_101  : i32 {
      %mul3A_104 = arith.constant 16 : i32
      %mul3A_105 = arith.muli %scan3A_103, %mul3A_104 : i32
      %get3A = arith.constant 0 : i32
      %get3A_106 = arith.constant 0 : i32
      %get3A_107 = arith.constant 0 : i32
      %get3A_108 = arith.index_cast %get3A : i32 to index
      %get3A_109 = arith.index_cast %get3A_106 : i32 to index
      %get3A_110 = arith.index_cast %get3A_107 : i32 to index
      %get3A_111 = arith.index_cast %mul3A_105 : i32 to index
      %get3A_112 = tpu.vector_load %arg6[%get3A_108, %get3A_109, %get3A_110, %get3A_111] {strides = array<i32>} : memref<2x3x1x4096xi32, #tpu.memory_space<vmem>>, vector<16xi32>,
      %get3A_113 = arith.constant 0 : i32
      %get3A_114 = arith.constant 1 : i32
      %get3A_115 = arith.constant 0 : i32
      %get3A_116 = arith.index_cast %get3A_113 : i32 to index
      %get3A_117 = arith.index_cast %get3A_114 : i32 to index
      %get3A_118 = arith.index_cast %get3A_115 : i32 to index
      %get3A_119 = arith.index_cast %mul3A_105 : i32 to index
      %get3A_120 = tpu.vector_load %arg6[%get3A_116, %get3A_117, %get3A_118, %get3A_119] {strides = array<i32>} : memref<2x3x1x4096xi32, #tpu.memory_space<vmem>>, vector<16xi32>,
      %get3A_121 = arith.constant 0 : i32
      %get3A_122 = arith.constant 2 : i32
      %get3A_123 = arith.constant 0 : i32
      %get3A_124 = arith.index_cast %get3A_121 : i32 to index
      %get3A_125 = arith.index_cast %get3A_122 : i32 to index
      %get3A_126 = arith.index_cast %get3A_123 : i32 to index
      %get3A_127 = arith.index_cast %mul3A_105 : i32 to index
      %get3A_128 = tpu.vector_load %arg6[%get3A_124, %get3A_125, %get3A_126, %get3A_127] {strides = array<i32>} : memref<2x3x1x4096xi32, #tpu.memory_space<vmem>>, vector<16xi32>,
      %gather3A = arith.constant 0 : i32
      %gather3A_129 = arith.constant 0 : i32
      %gather3A_130 = tpu.memref_slice %arg5[%gather3A, %gather3A_129] : memref<1x50000xf32, #tpu.memory_space<vmem>> -> memref<1x50000xf32, #tpu.memory_space<vmem>>
      %gather3A_131 = tpu.memref_squeeze %gather3A_130 : memref<1x50000xf32, #tpu.memory_space<vmem>> -> memref<50000xf32, #tpu.memory_space<vmem>>
      %gather3A_132 = tpu.vector_load_idx %gather3A_131[%get3A_112] : memref<50000xf32, #tpu.memory_space<vmem>>[vector<16xi32>], vector<16xf32>,
      %gather3A_133 = arith.constant 0 : i32
      %gather3A_134 = arith.constant 0 : i32
      %gather3A_135 = tpu.memref_slice %arg5[%gather3A_133, %gather3A_134] : memref<1x50000xf32, #tpu.memory_space<vmem>> -> memref<1x50000xf32, #tpu.memory_space<vmem>>
      %gather3A_136 = tpu.memref_squeeze %gather3A_135 : memref<1x50000xf32, #tpu.memory_space<vmem>> -> memref<50000xf32, #tpu.memory_space<vmem>>
      %gather3A_137 = tpu.vector_load_idx %gather3A_136[%get3A_120] : memref<50000xf32, #tpu.memory_space<vmem>>[vector<16xi32>], vector<16xf32>,
      %gather3A_138 = arith.constant 0 : i32
      %gather3A_139 = arith.constant 0 : i32
      %gather3A_140 = tpu.memref_slice %arg5[%gather3A_138, %gather3A_139] : memref<1x50000xf32, #tpu.memory_space<vmem>> -> memref<1x50000xf32, #tpu.memory_space<vmem>>
      %gather3A_141 = tpu.memref_squeeze %gather3A_140 : memref<1x50000xf32, #tpu.memory_space<vmem>> -> memref<50000xf32, #tpu.memory_space<vmem>>
      %gather3A_142 = tpu.vector_load_idx %gather3A_141[%get3A_128] : memref<50000xf32, #tpu.memory_space<vmem>>[vector<16xi32>], vector<16xf32>,
      %max3A = arith.maximumf %gather3A_132, %gather3A_137 : vector<16xf32>
      %max3A_143 = arith.maximumf %max3A, %gather3A_142 : vector<16xf32>
      %sub3A = arith.constant 1.000000e+00 : f32
      %sub3A_144 = vector.broadcast %sub3A : f32 to vector<16xf32>
      %sub3A_145 = arith.subf %sub3A_144, %max3A_143 : vector<16xf32>
      %mul3A_146 = arith.constant 5.000000e-01 : f32
      %mul3A_147 = vector.broadcast %mul3A_146 : f32 to vector<16xf32>
      %mul3A_148 = arith.mulf %sub3A_145, %mul3A_147 : vector<16xf32>
      %swap3A = arith.constant 0 : i32
      %swap3A_149 = arith.index_cast %swap3A : i32 to index
      %swap3A_150 = arith.index_cast %mul3A_105 : i32 to index
      %swap3A_151 = tpu.vector_load %arg7[%swap3A_149, %swap3A_150] {strides = array<i32>} : memref<1x4096xf32, #tpu.memory_space<vmem>>, vector<16xf32>,
      tpu.vector_store %arg7[%swap3A_149, %swap3A_150], %mul3A_148 {strides = array<i32>} : memref<1x4096xf32, #tpu.memory_space<vmem>>, vector<16xf32>,
    }
    %scan3A_102 = arith.constant 32 : i32
    "tpu.region"() ({
      %run_scoped3A_103 = tpu.sem_alloc : memref<!tpu.dma_semaphore, #tpu.memory_space<semaphore_mem>>
      %dma_start3A_104 = arith.constant 0 : i32
      %dma_start3A_105 = arith.constant 0 : i32
      %dma_start3A_106 = tpu.memref_slice %arg7[%dma_start3A_104, %dma_start3A_105] : memref<1x4096xf32, #tpu.memory_space<vmem>> -> memref<1x512xf32, #tpu.memory_space<vmem>>
      %dma_start3A_107 = arith.constant 24576 : i32
      %dma_start3A_108 = tpu.memref_slice %arg4[%add3A_53, %dma_start3A_107] : memref<64x25088xf32, #tpu.memory_space<hbm>> -> memref<1x512xf32, #tpu.memory_space<hbm>>
      %dma_start3A_109 = arith.constant 24576 : i32
      %dma_start3A_110 = tpu.memref_slice %arg4[%add3A_53, %dma_start3A_109] : memref<64x25088xf32, #tpu.memory_space<hbm>> -> memref<1x512xf32, #tpu.memory_space<hbm>>
      %dma_start3A_111 = arith.constant 0 : i32
      %dma_start3A_112 = arith.constant 0 : i32
      %dma_start3A_113 = tpu.memref_slice %arg7[%dma_start3A_111, %dma_start3A_112] : memref<1x4096xf32, #tpu.memory_space<vmem>> -> memref<1x512xf32, #tpu.memory_space<vmem>>
      tpu.enqueue_dma source(%dma_start3A_113 : memref<1x512xf32, #tpu.memory_space<vmem>>) target(%dma_start3A_110 : memref<1x512xf32, #tpu.memory_space<hbm>>) target_semaphore(%run_scoped3A_103 : memref<!tpu.dma_semaphore, #tpu.memory_space<semaphore_mem>>)
      %dma_wait3A_114 = arith.constant 0 : i32
      %dma_wait3A_115 = arith.constant 0 : i32
      %dma_wait3A_116 = tpu.memref_slice %arg7[%dma_wait3A_114, %dma_wait3A_115] : memref<1x4096xf32, #tpu.memory_space<vmem>> -> memref<1x512xf32, #tpu.memory_space<vmem>>
      %dma_wait3A_117 = arith.constant 24576 : i32
      %dma_wait3A_118 = tpu.memref_slice %arg4[%add3A_53, %dma_wait3A_117] : memref<64x25088xf32, #tpu.memory_space<hbm>> -> memref<1x512xf32, #tpu.memory_space<hbm>>
      %dma_wait3A_119 = arith.constant 24576 : i32
      %dma_wait3A_120 = tpu.memref_slice %arg4[%add3A_53, %dma_wait3A_119] : memref<64x25088xf32, #tpu.memory_space<hbm>> -> memref<1x512xf32, #tpu.memory_space<hbm>>
      %dma_wait3A_121 = arith.constant 0 : i32
      %dma_wait3A_122 = arith.constant 0 : i32
      %dma_wait3A_123 = tpu.memref_slice %arg7[%dma_wait3A_121, %dma_wait3A_122] : memref<1x4096xf32, #tpu.memory_space<vmem>> -> memref<1x512xf32, #tpu.memory_space<vmem>>
      tpu.wait_dma2 semaphore(%run_scoped3A_103 : memref<!tpu.dma_semaphore, #tpu.memory_space<semaphore_mem>>) src(%dma_wait3A_123 : memref<1x512xf32, #tpu.memory_space<vmem>>) dst(%dma_wait3A_120 : memref<1x512xf32, #tpu.memory_space<hbm>>)
      tpu.yield
    }) : () -> ()
    return
  }
}

#map = affine_map<(d0, d1) -> (0)>
#map1 = affine_map<(d0, d1) -> (0, 0, 0)>
#map2 = affine_map<(d0, d1) -> (0, 0)>
module attributes {stable_mosaic.version = 14 : i64} {
  func.func @_lambda_(%arg0: i32, %arg1: i32, %arg2: memref<3200000xf32, #tpu.memory_space<hbm>>, %arg3: memref<3x64x25088xi32, #tpu.memory_space<hbm>>, %arg4: memref<64x25088xf32, #tpu.memory_space<hbm>>, %arg5: memref<1x50000xf32, #tpu.memory_space<vmem>>, %arg6: memref<2x3x1x4096xi32, #tpu.memory_space<vmem>>, %arg7: memref<1x4096xf32, #tpu.memory_space<vmem>>, %arg8: memref<!tpu.dma_semaphore, #tpu.memory_space<semaphore_mem>>) attributes {dimension_semantics = [#tpu.dimension_semantics<core_parallel>, #tpu.dimension_semantics<subcore_parallel>], iteration_bounds = array<i64: 2, 16>, scalar_prefetch = 0 : i64, scratch_operands = 4 : i64, tpu.core_type = #tpu.core_type<sc_vector_subcore>, window_params = [{transform_indices = #map}, {transform_indices = #map1}, {transform_indices = #map2}]} {
    %mul3A = arith.constant 2 : i32
    %mul3A_0 = arith.muli %arg1, %mul3A : i32
    %add3A = arith.addi %mul3A_0, %arg0 : i32
    %mul3A_1 = arith.constant 2 : i32
    %mul3A_2 = arith.muli %add3A, %mul3A_1 : i32
    %add3A_3 = arith.constant 0 : i32
    %add3A_4 = arith.addi %mul3A_2, %add3A_3 : i32
    %mul3A_5 = arith.constant 50000 : i32
    %mul3A_6 = arith.muli %add3A_4, %mul3A_5 : i32
    %run_scoped3A = arith.constant 0 : i32
    "tpu.region"() ({
      %run_scoped3A_103 = tpu.sem_alloc : memref<!tpu.dma_semaphore, #tpu.memory_space<semaphore_mem>>
      %dma_start3A_104 = arith.constant 0 : i32
      %dma_start3A_105 = tpu.memref_slice %arg5[%run_scoped3A, %dma_start3A_104] : memref<1x50000xf32, #tpu.memory_space<vmem>> -> memref<1x50000xf32, #tpu.memory_space<vmem>>
      %dma_start3A_106 = tpu.memref_squeeze %dma_start3A_105 : memref<1x50000xf32, #tpu.memory_space<vmem>> -> memref<50000xf32, #tpu.memory_space<vmem>>
      %dma_start3A_107 = tpu.memref_slice %arg2[%mul3A_6] : memref<3200000xf32, #tpu.memory_space<hbm>> -> memref<50000xf32, #tpu.memory_space<hbm>>
      %dma_start3A_108 = arith.constant 0 : i32
      %dma_start3A_109 = tpu.memref_slice %arg5[%run_scoped3A, %dma_start3A_108] : memref<1x50000xf32, #tpu.memory_space<vmem>> -> memref<1x50000xf32, #tpu.memory_space<vmem>>
      %dma_start3A_110 = tpu.memref_squeeze %dma_start3A_109 : memref<1x50000xf32, #tpu.memory_space<vmem>> -> memref<50000xf32, #tpu.memory_space<vmem>>
      %dma_start3A_111 = tpu.memref_slice %arg2[%mul3A_6] : memref<3200000xf32, #tpu.memory_space<hbm>> -> memref<50000xf32, #tpu.memory_space<hbm>>
      tpu.enqueue_dma source(%dma_start3A_111 : memref<50000xf32, #tpu.memory_space<hbm>>) target(%dma_start3A_110 : memref<50000xf32, #tpu.memory_space<vmem>>) target_semaphore(%run_scoped3A_103 : memref<!tpu.dma_semaphore, #tpu.memory_space<semaphore_mem>>)
      %dma_wait3A_112 = arith.constant 0 : i32
      %dma_wait3A_113 = tpu.memref_slice %arg5[%run_scoped3A, %dma_wait3A_112] : memref<1x50000xf32, #tpu.memory_space<vmem>> -> memref<1x50000xf32, #tpu.memory_space<vmem>>
      %dma_wait3A_114 = tpu.memref_squeeze %dma_wait3A_113 : memref<1x50000xf32, #tpu.memory_space<vmem>> -> memref<50000xf32, #tpu.memory_space<vmem>>
      %dma_wait3A_115 = tpu.memref_slice %arg2[%mul3A_6] : memref<3200000xf32, #tpu.memory_space<hbm>> -> memref<50000xf32, #tpu.memory_space<hbm>>
      %dma_wait3A_116 = arith.constant 0 : i32
      %dma_wait3A_117 = tpu.memref_slice %arg5[%run_scoped3A, %dma_wait3A_116] : memref<1x50000xf32, #tpu.memory_space<vmem>> -> memref<1x50000xf32, #tpu.memory_space<vmem>>
      %dma_wait3A_118 = tpu.memref_squeeze %dma_wait3A_117 : memref<1x50000xf32, #tpu.memory_space<vmem>> -> memref<50000xf32, #tpu.memory_space<vmem>>
      %dma_wait3A_119 = tpu.memref_slice %arg2[%mul3A_6] : memref<3200000xf32, #tpu.memory_space<hbm>> -> memref<50000xf32, #tpu.memory_space<hbm>>
      tpu.wait_dma2 semaphore(%run_scoped3A_103 : memref<!tpu.dma_semaphore, #tpu.memory_space<semaphore_mem>>) src(%dma_wait3A_119 : memref<50000xf32, #tpu.memory_space<hbm>>) dst(%dma_wait3A_118 : memref<50000xf32, #tpu.memory_space<vmem>>)
      tpu.yield
    }) : () -> ()
    %dma_start3A = arith.constant 0 : i32
    %dma_start3A_7 = arith.constant 0 : i32
    %dma_start3A_8 = arith.constant 0 : i32
    %dma_start3A_9 = arith.constant 0 : i32
    %dma_start3A_10 = tpu.memref_slice %arg6[%dma_start3A, %dma_start3A_7, %dma_start3A_8, %dma_start3A_9] : memref<2x3x1x4096xi32, #tpu.memory_space<vmem>> -> memref<1x3x1x4096xi32, #tpu.memory_space<vmem>>
    %dma_start3A_11 = tpu.memref_squeeze %dma_start3A_10 : memref<1x3x1x4096xi32, #tpu.memory_space<vmem>> -> memref<3x1x4096xi32, #tpu.memory_space<vmem>>
    %dma_start3A_12 = arith.constant 0 : i32
    %dma_start3A_13 = arith.constant 0 : i32
    %dma_start3A_14 = tpu.memref_slice %arg3[%dma_start3A_12, %add3A_4, %dma_start3A_13] : memref<3x64x25088xi32, #tpu.memory_space<hbm>> -> memref<3x1x4096xi32, #tpu.memory_space<hbm>>
    %dma_start3A_15 = arith.constant 0 : i32
    %dma_start3A_16 = arith.constant 0 : i32
    %dma_start3A_17 = arith.constant 0 : i32
    %dma_start3A_18 = tpu.memref_slice %arg6[%dma_start3A, %dma_start3A_15, %dma_start3A_16, %dma_start3A_17] : memref<2x3x1x4096xi32, #tpu.memory_space<vmem>> -> memref<1x3x1x4096xi32, #tpu.memory_space<vmem>>
    %dma_start3A_19 = tpu.memref_squeeze %dma_start3A_18 : memref<1x3x1x4096xi32, #tpu.memory_space<vmem>> -> memref<3x1x4096xi32, #tpu.memory_space<vmem>>
    %dma_start3A_20 = arith.constant 0 : i32
    %dma_start3A_21 = arith.constant 0 : i32
    %dma_start3A_22 = tpu.memref_slice %arg3[%dma_start3A_20, %add3A_4, %dma_start3A_21] : memref<3x64x25088xi32, #tpu.memory_space<hbm>> -> memref<3x1x4096xi32, #tpu.memory_space<hbm>>
    tpu.enqueue_dma source(%dma_start3A_22 : memref<3x1x4096xi32, #tpu.memory_space<hbm>>) target(%dma_start3A_19 : memref<3x1x4096xi32, #tpu.memory_space<vmem>>) target_semaphore(%arg8 : memref<!tpu.dma_semaphore, #tpu.memory_space<semaphore_mem>>)
    %scan3A = arith.constant 0 : i32
    %scan3A_23 = arith.constant 0 : i32
    %scan3A_24 = arith.constant 6 : i32
    %scan3A_25 = arith.addi %scan3A_23, %scan3A_24 : i32
    %scan3A_26 = arith.constant 1 : i32
    scf.for %scan3A_103 = %scan3A_23 to %scan3A_25 step %scan3A_26  : i32 {
      %jit3A = arith.constant 2 : i32
      %eq3A = arith.constant 0 : i32
      %eq3A_104 = arith.cmpi eq, %jit3A, %eq3A : i32
      %jit3A_105 = arith.constant 1 : i32
      %select_n3A = arith.select %eq3A_104, %jit3A_105, %jit3A : i32
      %rem3A = arith.remsi %scan3A_103, %select_n3A : i32
      %ne3A = arith.constant 0 : i32
      %ne3A_106 = arith.cmpi ne, %rem3A, %ne3A : i32
      %lt3A = arith.constant 0 : i32
      %lt3A_107 = arith.cmpi slt, %rem3A, %lt3A : i32
      %lt3A_108 = arith.constant 0 : i32
      %lt3A_109 = arith.cmpi slt, %select_n3A, %lt3A_108 : i32
      %ne3A_110 = arith.xori %lt3A_107, %lt3A_109 : i1
      %and3A = arith.andi %ne3A_110, %ne3A_106 : i1
      %add3A_111 = arith.addi %rem3A, %select_n3A : i32
      %select_n3A_112 = arith.select %and3A, %add3A_111, %rem3A : i32
      %mul3A_113 = arith.constant 4096 : i32
      %mul3A_114 = arith.muli %scan3A_103, %mul3A_113 : i32
      %dma_wait3A_115 = arith.constant 0 : i32
      %dma_wait3A_116 = arith.constant 0 : i32
      %dma_wait3A_117 = arith.constant 0 : i32
      %dma_wait3A_118 = tpu.memref_slice %arg6[%select_n3A_112, %dma_wait3A_115, %dma_wait3A_116, %dma_wait3A_117] : memref<2x3x1x4096xi32, #tpu.memory_space<vmem>> -> memref<1x3x1x4096xi32, #tpu.memory_space<vmem>>
      %dma_wait3A_119 = tpu.memref_squeeze %dma_wait3A_118 : memref<1x3x1x4096xi32, #tpu.memory_space<vmem>> -> memref<3x1x4096xi32, #tpu.memory_space<vmem>>
      %dma_wait3A_120 = arith.constant 0 : i32
      %dma_wait3A_121 = tpu.memref_slice %arg3[%dma_wait3A_120, %add3A_4, %mul3A_114] : memref<3x64x25088xi32, #tpu.memory_space<hbm>> -> memref<3x1x4096xi32, #tpu.memory_space<hbm>>
      %dma_wait3A_122 = arith.constant 0 : i32
      %dma_wait3A_123 = arith.constant 0 : i32
      %dma_wait3A_124 = arith.constant 0 : i32
      %dma_wait3A_125 = tpu.memref_slice %arg6[%select_n3A_112, %dma_wait3A_122, %dma_wait3A_123, %dma_wait3A_124] : memref<2x3x1x4096xi32, #tpu.memory_space<vmem>> -> memref<1x3x1x4096xi32, #tpu.memory_space<vmem>>
      %dma_wait3A_126 = tpu.memref_squeeze %dma_wait3A_125 : memref<1x3x1x4096xi32, #tpu.memory_space<vmem>> -> memref<3x1x4096xi32, #tpu.memory_space<vmem>>
      %dma_wait3A_127 = arith.constant 0 : i32
      %dma_wait3A_128 = tpu.memref_slice %arg3[%dma_wait3A_127, %add3A_4, %mul3A_114] : memref<3x64x25088xi32, #tpu.memory_space<hbm>> -> memref<3x1x4096xi32, #tpu.memory_space<hbm>>
      tpu.wait_dma2 semaphore(%arg8 : memref<!tpu.dma_semaphore, #tpu.memory_space<semaphore_mem>>) src(%dma_wait3A_128 : memref<3x1x4096xi32, #tpu.memory_space<hbm>>) dst(%dma_wait3A_126 : memref<3x1x4096xi32, #tpu.memory_space<vmem>>)
      %lt3A_129 = arith.constant 5 : i32
      %lt3A_130 = arith.cmpi slt, %scan3A_103, %lt3A_129 : i32
      %convert_element_type3A = arith.extui %lt3A_130 : i1 to i32
      %cond3A = arith.constant 0 : i32
      %cond3A_131 = arith.cmpi ne, %convert_element_type3A, %cond3A : i32
      scf.if %cond3A_131 {
        %add3A_145 = arith.constant 1 : i32
        %add3A_146 = arith.addi %scan3A_103, %add3A_145 : i32
        %mul3A_147 = arith.constant 4096 : i32
        %mul3A_148 = arith.muli %add3A_146, %mul3A_147 : i32
        %sub3A = arith.constant 1 : i32
        %sub3A_149 = arith.subi %sub3A, %select_n3A_112 : i32
        %dma_start3A_150 = arith.constant 0 : i32
        %dma_start3A_151 = arith.constant 0 : i32
        %dma_start3A_152 = arith.constant 0 : i32
        %dma_start3A_153 = tpu.memref_slice %arg6[%sub3A_149, %dma_start3A_150, %dma_start3A_151, %dma_start3A_152] : memref<2x3x1x4096xi32, #tpu.memory_space<vmem>> -> memref<1x3x1x4096xi32, #tpu.memory_space<vmem>>
        %dma_start3A_154 = tpu.memref_squeeze %dma_start3A_153 : memref<1x3x1x4096xi32, #tpu.memory_space<vmem>> -> memref<3x1x4096xi32, #tpu.memory_space<vmem>>
        %dma_start3A_155 = arith.constant 0 : i32
        %dma_start3A_156 = tpu.memref_slice %arg3[%dma_start3A_155, %add3A_4, %mul3A_148] : memref<3x64x25088xi32, #tpu.memory_space<hbm>> -> memref<3x1x4096xi32, #tpu.memory_space<hbm>>
        %dma_start3A_157 = arith.constant 0 : i32
        %dma_start3A_158 = arith.constant 0 : i32
        %dma_start3A_159 = arith.constant 0 : i32
        %dma_start3A_160 = tpu.memref_slice %arg6[%sub3A_149, %dma_start3A_157, %dma_start3A_158, %dma_start3A_159] : memref<2x3x1x4096xi32, #tpu.memory_space<vmem>> -> memref<1x3x1x4096xi32, #tpu.memory_space<vmem>>
        %dma_start3A_161 = tpu.memref_squeeze %dma_start3A_160 : memref<1x3x1x4096xi32, #tpu.memory_space<vmem>> -> memref<3x1x4096xi32, #tpu.memory_space<vmem>>
        %dma_start3A_162 = arith.constant 0 : i32
        %dma_start3A_163 = tpu.memref_slice %arg3[%dma_start3A_162, %add3A_4, %mul3A_148] : memref<3x64x25088xi32, #tpu.memory_space<hbm>> -> memref<3x1x4096xi32, #tpu.memory_space<hbm>>
        tpu.enqueue_dma source(%dma_start3A_163 : memref<3x1x4096xi32, #tpu.memory_space<hbm>>) target(%dma_start3A_161 : memref<3x1x4096xi32, #tpu.memory_space<vmem>>) target_semaphore(%arg8 : memref<!tpu.dma_semaphore, #tpu.memory_space<semaphore_mem>>)
      } else {
      }
      %eq3A_132 = arith.constant 5 : i32
      %eq3A_133 = arith.cmpi eq, %scan3A_103, %eq3A_132 : i32
      %convert_element_type3A_134 = arith.extui %eq3A_133 : i1 to i32
      %cond3A_135 = arith.constant 0 : i32
      %cond3A_136 = arith.cmpi ne, %convert_element_type3A_134, %cond3A_135 : i32
      scf.if %cond3A_136 {
        %sub3A = arith.constant 1 : i32
        %sub3A_145 = arith.subi %sub3A, %select_n3A_112 : i32
        %dma_start3A_146 = arith.constant 0 : i32
        %dma_start3A_147 = arith.constant 0 : i32
        %dma_start3A_148 = arith.constant 0 : i32
        %dma_start3A_149 = tpu.memref_slice %arg6[%sub3A_145, %dma_start3A_146, %dma_start3A_147, %dma_start3A_148] : memref<2x3x1x4096xi32, #tpu.memory_space<vmem>> -> memref<1x3x1x512xi32, #tpu.memory_space<vmem>>
        %dma_start3A_150 = tpu.memref_squeeze %dma_start3A_149 : memref<1x3x1x512xi32, #tpu.memory_space<vmem>> -> memref<3x1x512xi32, #tpu.memory_space<vmem>>
        %dma_start3A_151 = arith.constant 0 : i32
        %dma_start3A_152 = arith.constant 24576 : i32
        %dma_start3A_153 = tpu.memref_slice %arg3[%dma_start3A_151, %add3A_4, %dma_start3A_152] : memref<3x64x25088xi32, #tpu.memory_space<hbm>> -> memref<3x1x512xi32, #tpu.memory_space<hbm>>
        %dma_start3A_154 = arith.constant 0 : i32
        %dma_start3A_155 = arith.constant 0 : i32
        %dma_start3A_156 = arith.constant 0 : i32
        %dma_start3A_157 = tpu.memref_slice %arg6[%sub3A_145, %dma_start3A_154, %dma_start3A_155, %dma_start3A_156] : memref<2x3x1x4096xi32, #tpu.memory_space<vmem>> -> memref<1x3x1x512xi32, #tpu.memory_space<vmem>>
        %dma_start3A_158 = tpu.memref_squeeze %dma_start3A_157 : memref<1x3x1x512xi32, #tpu.memory_space<vmem>> -> memref<3x1x512xi32, #tpu.memory_space<vmem>>
        %dma_start3A_159 = arith.constant 0 : i32
        %dma_start3A_160 = arith.constant 24576 : i32
        %dma_start3A_161 = tpu.memref_slice %arg3[%dma_start3A_159, %add3A_4, %dma_start3A_160] : memref<3x64x25088xi32, #tpu.memory_space<hbm>> -> memref<3x1x512xi32, #tpu.memory_space<hbm>>
        tpu.enqueue_dma source(%dma_start3A_161 : memref<3x1x512xi32, #tpu.memory_space<hbm>>) target(%dma_start3A_158 : memref<3x1x512xi32, #tpu.memory_space<vmem>>) target_semaphore(%arg8 : memref<!tpu.dma_semaphore, #tpu.memory_space<semaphore_mem>>)
      } else {
      }
      %mul3A_137 = arith.constant 4096 : i32
      %mul3A_138 = arith.muli %scan3A_103, %mul3A_137 : i32
      %scan3A_139 = arith.constant 0 : i32
      %scan3A_140 = arith.constant 0 : i32
      %scan3A_141 = arith.constant 256 : i32
      %scan3A_142 = arith.addi %scan3A_140, %scan3A_141 : i32
      %scan3A_143 = arith.constant 1 : i32
      scf.for %scan3A_145 = %scan3A_140 to %scan3A_142 step %scan3A_143  : i32 {
        %mul3A_146 = arith.constant 16 : i32
        %mul3A_147 = arith.muli %scan3A_145, %mul3A_146 : i32
        %get3A = arith.constant 0 : i32
        %get3A_148 = arith.constant 0 : i32
        %get3A_149 = arith.index_cast %select_n3A_112 : i32 to index
        %get3A_150 = arith.index_cast %get3A : i32 to index
        %get3A_151 = arith.index_cast %get3A_148 : i32 to index
        %get3A_152 = arith.index_cast %mul3A_147 : i32 to index
        %get3A_153 = tpu.vector_load %arg6[%get3A_149, %get3A_150, %get3A_151, %get3A_152] {strides = array<i32>} : memref<2x3x1x4096xi32, #tpu.memory_space<vmem>>, vector<16xi32>,
        %get3A_154 = arith.constant 1 : i32
        %get3A_155 = arith.constant 0 : i32
        %get3A_156 = arith.index_cast %select_n3A_112 : i32 to index
        %get3A_157 = arith.index_cast %get3A_154 : i32 to index
        %get3A_158 = arith.index_cast %get3A_155 : i32 to index
        %get3A_159 = arith.index_cast %mul3A_147 : i32 to index
        %get3A_160 = tpu.vector_load %arg6[%get3A_156, %get3A_157, %get3A_158, %get3A_159] {strides = array<i32>} : memref<2x3x1x4096xi32, #tpu.memory_space<vmem>>, vector<16xi32>,
        %get3A_161 = arith.constant 2 : i32
        %get3A_162 = arith.constant 0 : i32
        %get3A_163 = arith.index_cast %select_n3A_112 : i32 to index
        %get3A_164 = arith.index_cast %get3A_161 : i32 to index
        %get3A_165 = arith.index_cast %get3A_162 : i32 to index
        %get3A_166 = arith.index_cast %mul3A_147 : i32 to index
        %get3A_167 = tpu.vector_load %arg6[%get3A_163, %get3A_164, %get3A_165, %get3A_166] {strides = array<i32>} : memref<2x3x1x4096xi32, #tpu.memory_space<vmem>>, vector<16xi32>,
        %gather3A = arith.constant 0 : i32
        %gather3A_168 = arith.constant 0 : i32
        %gather3A_169 = tpu.memref_slice %arg5[%gather3A, %gather3A_168] : memref<1x50000xf32, #tpu.memory_space<vmem>> -> memref<1x50000xf32, #tpu.memory_space<vmem>>
        %gather3A_170 = tpu.memref_squeeze %gather3A_169 : memref<1x50000xf32, #tpu.memory_space<vmem>> -> memref<50000xf32, #tpu.memory_space<vmem>>
        %gather3A_171 = tpu.vector_load_idx %gather3A_170[%get3A_153] : memref<50000xf32, #tpu.memory_space<vmem>>[vector<16xi32>], vector<16xf32>,
        %gather3A_172 = arith.constant 0 : i32
        %gather3A_173 = arith.constant 0 : i32
        %gather3A_174 = tpu.memref_slice %arg5[%gather3A_172, %gather3A_173] : memref<1x50000xf32, #tpu.memory_space<vmem>> -> memref<1x50000xf32, #tpu.memory_space<vmem>>
        %gather3A_175 = tpu.memref_squeeze %gather3A_174 : memref<1x50000xf32, #tpu.memory_space<vmem>> -> memref<50000xf32, #tpu.memory_space<vmem>>
        %gather3A_176 = tpu.vector_load_idx %gather3A_175[%get3A_160] : memref<50000xf32, #tpu.memory_space<vmem>>[vector<16xi32>], vector<16xf32>,
        %gather3A_177 = arith.constant 0 : i32
        %gather3A_178 = arith.constant 0 : i32
        %gather3A_179 = tpu.memref_slice %arg5[%gather3A_177, %gather3A_178] : memref<1x50000xf32, #tpu.memory_space<vmem>> -> memref<1x50000xf32, #tpu.memory_space<vmem>>
        %gather3A_180 = tpu.memref_squeeze %gather3A_179 : memref<1x50000xf32, #tpu.memory_space<vmem>> -> memref<50000xf32, #tpu.memory_space<vmem>>
        %gather3A_181 = tpu.vector_load_idx %gather3A_180[%get3A_167] : memref<50000xf32, #tpu.memory_space<vmem>>[vector<16xi32>], vector<16xf32>,
        %max3A = arith.maximumf %gather3A_171, %gather3A_176 : vector<16xf32>
        %max3A_182 = arith.maximumf %max3A, %gather3A_181 : vector<16xf32>
        %sub3A = arith.constant 1.000000e+00 : f32
        %sub3A_183 = vector.broadcast %sub3A : f32 to vector<16xf32>
        %sub3A_184 = arith.subf %sub3A_183, %max3A_182 : vector<16xf32>
        %mul3A_185 = arith.constant 5.000000e-01 : f32
        %mul3A_186 = vector.broadcast %mul3A_185 : f32 to vector<16xf32>
        %mul3A_187 = arith.mulf %sub3A_184, %mul3A_186 : vector<16xf32>
        %swap3A = arith.constant 0 : i32
        %swap3A_188 = arith.index_cast %swap3A : i32 to index
        %swap3A_189 = arith.index_cast %mul3A_147 : i32 to index
        %swap3A_190 = tpu.vector_load %arg7[%swap3A_188, %swap3A_189] {strides = array<i32>} : memref<1x4096xf32, #tpu.memory_space<vmem>>, vector<16xf32>,
        tpu.vector_store %arg7[%swap3A_188, %swap3A_189], %mul3A_187 {strides = array<i32>} : memref<1x4096xf32, #tpu.memory_space<vmem>>, vector<16xf32>,
      }
      %scan3A_144 = arith.constant 256 : i32
      "tpu.region"() ({
        %run_scoped3A_145 = tpu.sem_alloc : memref<!tpu.dma_semaphore, #tpu.memory_space<semaphore_mem>>
        %dma_start3A_146 = arith.constant 0 : i32
        %dma_start3A_147 = arith.constant 0 : i32
        %dma_start3A_148 = tpu.memref_slice %arg7[%dma_start3A_146, %dma_start3A_147] : memref<1x4096xf32, #tpu.memory_space<vmem>> -> memref<1x4096xf32, #tpu.memory_space<vmem>>
        %dma_start3A_149 = tpu.memref_slice %arg4[%add3A_4, %mul3A_138] : memref<64x25088xf32, #tpu.memory_space<hbm>> -> memref<1x4096xf32, #tpu.memory_space<hbm>>
        %dma_start3A_150 = tpu.memref_slice %arg4[%add3A_4, %mul3A_138] : memref<64x25088xf32, #tpu.memory_space<hbm>> -> memref<1x4096xf32, #tpu.memory_space<hbm>>
        %dma_start3A_151 = arith.constant 0 : i32
        %dma_start3A_152 = arith.constant 0 : i32
        %dma_start3A_153 = tpu.memref_slice %arg7[%dma_start3A_151, %dma_start3A_152] : memref<1x4096xf32, #tpu.memory_space<vmem>> -> memref<1x4096xf32, #tpu.memory_space<vmem>>
        tpu.enqueue_dma source(%dma_start3A_153 : memref<1x4096xf32, #tpu.memory_space<vmem>>) target(%dma_start3A_150 : memref<1x4096xf32, #tpu.memory_space<hbm>>) target_semaphore(%run_scoped3A_145 : memref<!tpu.dma_semaphore, #tpu.memory_space<semaphore_mem>>)
        %dma_wait3A_154 = arith.constant 0 : i32
        %dma_wait3A_155 = arith.constant 0 : i32
        %dma_wait3A_156 = tpu.memref_slice %arg7[%dma_wait3A_154, %dma_wait3A_155] : memref<1x4096xf32, #tpu.memory_space<vmem>> -> memref<1x4096xf32, #tpu.memory_space<vmem>>
        %dma_wait3A_157 = tpu.memref_slice %arg4[%add3A_4, %mul3A_138] : memref<64x25088xf32, #tpu.memory_space<hbm>> -> memref<1x4096xf32, #tpu.memory_space<hbm>>
        %dma_wait3A_158 = tpu.memref_slice %arg4[%add3A_4, %mul3A_138] : memref<64x25088xf32, #tpu.memory_space<hbm>> -> memref<1x4096xf32, #tpu.memory_space<hbm>>
        %dma_wait3A_159 = arith.constant 0 : i32
        %dma_wait3A_160 = arith.constant 0 : i32
        %dma_wait3A_161 = tpu.memref_slice %arg7[%dma_wait3A_159, %dma_wait3A_160] : memref<1x4096xf32, #tpu.memory_space<vmem>> -> memref<1x4096xf32, #tpu.memory_space<vmem>>
        tpu.wait_dma2 semaphore(%run_scoped3A_145 : memref<!tpu.dma_semaphore, #tpu.memory_space<semaphore_mem>>) src(%dma_wait3A_161 : memref<1x4096xf32, #tpu.memory_space<vmem>>) dst(%dma_wait3A_158 : memref<1x4096xf32, #tpu.memory_space<hbm>>)
        tpu.yield
      }) : () -> ()
    }
    %scan3A_27 = arith.constant 6 : i32
    %dma_wait3A = arith.constant 0 : i32
    %dma_wait3A_28 = arith.constant 0 : i32
    %dma_wait3A_29 = arith.constant 0 : i32
    %dma_wait3A_30 = arith.constant 0 : i32
    %dma_wait3A_31 = tpu.memref_slice %arg6[%dma_wait3A, %dma_wait3A_28, %dma_wait3A_29, %dma_wait3A_30] : memref<2x3x1x4096xi32, #tpu.memory_space<vmem>> -> memref<1x3x1x512xi32, #tpu.memory_space<vmem>>
    %dma_wait3A_32 = tpu.memref_squeeze %dma_wait3A_31 : memref<1x3x1x512xi32, #tpu.memory_space<vmem>> -> memref<3x1x512xi32, #tpu.memory_space<vmem>>
    %dma_wait3A_33 = arith.constant 0 : i32
    %dma_wait3A_34 = arith.constant 24576 : i32
    %dma_wait3A_35 = tpu.memref_slice %arg3[%dma_wait3A_33, %add3A_4, %dma_wait3A_34] : memref<3x64x25088xi32, #tpu.memory_space<hbm>> -> memref<3x1x512xi32, #tpu.memory_space<hbm>>
    %dma_wait3A_36 = arith.constant 0 : i32
    %dma_wait3A_37 = arith.constant 0 : i32
    %dma_wait3A_38 = arith.constant 0 : i32
    %dma_wait3A_39 = tpu.memref_slice %arg6[%dma_wait3A, %dma_wait3A_36, %dma_wait3A_37, %dma_wait3A_38] : memref<2x3x1x4096xi32, #tpu.memory_space<vmem>> -> memref<1x3x1x512xi32, #tpu.memory_space<vmem>>
    %dma_wait3A_40 = tpu.memref_squeeze %dma_wait3A_39 : memref<1x3x1x512xi32, #tpu.memory_space<vmem>> -> memref<3x1x512xi32, #tpu.memory_space<vmem>>
    %dma_wait3A_41 = arith.constant 0 : i32
    %dma_wait3A_42 = arith.constant 24576 : i32
    %dma_wait3A_43 = tpu.memref_slice %arg3[%dma_wait3A_41, %add3A_4, %dma_wait3A_42] : memref<3x64x25088xi32, #tpu.memory_space<hbm>> -> memref<3x1x512xi32, #tpu.memory_space<hbm>>
    tpu.wait_dma2 semaphore(%arg8 : memref<!tpu.dma_semaphore, #tpu.memory_space<semaphore_mem>>) src(%dma_wait3A_43 : memref<3x1x512xi32, #tpu.memory_space<hbm>>) dst(%dma_wait3A_40 : memref<3x1x512xi32, #tpu.memory_space<vmem>>)
    %scan3A_44 = arith.constant 0 : i32
    %scan3A_45 = arith.constant 0 : i32
    %scan3A_46 = arith.constant 32 : i32
    %scan3A_47 = arith.addi %scan3A_45, %scan3A_46 : i32
    %scan3A_48 = arith.constant 1 : i32
    scf.for %scan3A_103 = %scan3A_45 to %scan3A_47 step %scan3A_48  : i32 {
      %mul3A_104 = arith.constant 16 : i32
      %mul3A_105 = arith.muli %scan3A_103, %mul3A_104 : i32
      %get3A = arith.constant 0 : i32
      %get3A_106 = arith.constant 0 : i32
      %get3A_107 = arith.constant 0 : i32
      %get3A_108 = arith.index_cast %get3A : i32 to index
      %get3A_109 = arith.index_cast %get3A_106 : i32 to index
      %get3A_110 = arith.index_cast %get3A_107 : i32 to index
      %get3A_111 = arith.index_cast %mul3A_105 : i32 to index
      %get3A_112 = tpu.vector_load %arg6[%get3A_108, %get3A_109, %get3A_110, %get3A_111] {strides = array<i32>} : memref<2x3x1x4096xi32, #tpu.memory_space<vmem>>, vector<16xi32>,
      %get3A_113 = arith.constant 0 : i32
      %get3A_114 = arith.constant 1 : i32
      %get3A_115 = arith.constant 0 : i32
      %get3A_116 = arith.index_cast %get3A_113 : i32 to index
      %get3A_117 = arith.index_cast %get3A_114 : i32 to index
      %get3A_118 = arith.index_cast %get3A_115 : i32 to index
      %get3A_119 = arith.index_cast %mul3A_105 : i32 to index
      %get3A_120 = tpu.vector_load %arg6[%get3A_116, %get3A_117, %get3A_118, %get3A_119] {strides = array<i32>} : memref<2x3x1x4096xi32, #tpu.memory_space<vmem>>, vector<16xi32>,
      %get3A_121 = arith.constant 0 : i32
      %get3A_122 = arith.constant 2 : i32
      %get3A_123 = arith.constant 0 : i32
      %get3A_124 = arith.index_cast %get3A_121 : i32 to index
      %get3A_125 = arith.index_cast %get3A_122 : i32 to index
      %get3A_126 = arith.index_cast %get3A_123 : i32 to index
      %get3A_127 = arith.index_cast %mul3A_105 : i32 to index
      %get3A_128 = tpu.vector_load %arg6[%get3A_124, %get3A_125, %get3A_126, %get3A_127] {strides = array<i32>} : memref<2x3x1x4096xi32, #tpu.memory_space<vmem>>, vector<16xi32>,
      %gather3A = arith.constant 0 : i32
      %gather3A_129 = arith.constant 0 : i32
      %gather3A_130 = tpu.memref_slice %arg5[%gather3A, %gather3A_129] : memref<1x50000xf32, #tpu.memory_space<vmem>> -> memref<1x50000xf32, #tpu.memory_space<vmem>>
      %gather3A_131 = tpu.memref_squeeze %gather3A_130 : memref<1x50000xf32, #tpu.memory_space<vmem>> -> memref<50000xf32, #tpu.memory_space<vmem>>
      %gather3A_132 = tpu.vector_load_idx %gather3A_131[%get3A_112] : memref<50000xf32, #tpu.memory_space<vmem>>[vector<16xi32>], vector<16xf32>,
      %gather3A_133 = arith.constant 0 : i32
      %gather3A_134 = arith.constant 0 : i32
      %gather3A_135 = tpu.memref_slice %arg5[%gather3A_133, %gather3A_134] : memref<1x50000xf32, #tpu.memory_space<vmem>> -> memref<1x50000xf32, #tpu.memory_space<vmem>>
      %gather3A_136 = tpu.memref_squeeze %gather3A_135 : memref<1x50000xf32, #tpu.memory_space<vmem>> -> memref<50000xf32, #tpu.memory_space<vmem>>
      %gather3A_137 = tpu.vector_load_idx %gather3A_136[%get3A_120] : memref<50000xf32, #tpu.memory_space<vmem>>[vector<16xi32>], vector<16xf32>,
      %gather3A_138 = arith.constant 0 : i32
      %gather3A_139 = arith.constant 0 : i32
      %gather3A_140 = tpu.memref_slice %arg5[%gather3A_138, %gather3A_139] : memref<1x50000xf32, #tpu.memory_space<vmem>> -> memref<1x50000xf32, #tpu.memory_space<vmem>>
      %gather3A_141 = tpu.memref_squeeze %gather3A_140 : memref<1x50000xf32, #tpu.memory_space<vmem>> -> memref<50000xf32, #tpu.memory_space<vmem>>
      %gather3A_142 = tpu.vector_load_idx %gather3A_141[%get3A_128] : memref<50000xf32, #tpu.memory_space<vmem>>[vector<16xi32>], vector<16xf32>,
      %max3A = arith.maximumf %gather3A_132, %gather3A_137 : vector<16xf32>
      %max3A_143 = arith.maximumf %max3A, %gather3A_142 : vector<16xf32>
      %sub3A = arith.constant 1.000000e+00 : f32
      %sub3A_144 = vector.broadcast %sub3A : f32 to vector<16xf32>
      %sub3A_145 = arith.subf %sub3A_144, %max3A_143 : vector<16xf32>
      %mul3A_146 = arith.constant 5.000000e-01 : f32
      %mul3A_147 = vector.broadcast %mul3A_146 : f32 to vector<16xf32>
      %mul3A_148 = arith.mulf %sub3A_145, %mul3A_147 : vector<16xf32>
      %swap3A = arith.constant 0 : i32
      %swap3A_149 = arith.index_cast %swap3A : i32 to index
      %swap3A_150 = arith.index_cast %mul3A_105 : i32 to index
      %swap3A_151 = tpu.vector_load %arg7[%swap3A_149, %swap3A_150] {strides = array<i32>} : memref<1x4096xf32, #tpu.memory_space<vmem>>, vector<16xf32>,
      tpu.vector_store %arg7[%swap3A_149, %swap3A_150], %mul3A_148 {strides = array<i32>} : memref<1x4096xf32, #tpu.memory_space<vmem>>, vector<16xf32>,
    }
    %scan3A_49 = arith.constant 32 : i32
    "tpu.region"() ({
      %run_scoped3A_103 = tpu.sem_alloc : memref<!tpu.dma_semaphore, #tpu.memory_space<semaphore_mem>>
      %dma_start3A_104 = arith.constant 0 : i32
      %dma_start3A_105 = arith.constant 0 : i32
      %dma_start3A_106 = tpu.memref_slice %arg7[%dma_start3A_104, %dma_start3A_105] : memref<1x4096xf32, #tpu.memory_space<vmem>> -> memref<1x512xf32, #tpu.memory_space<vmem>>
      %dma_start3A_107 = arith.constant 24576 : i32
      %dma_start3A_108 = tpu.memref_slice %arg4[%add3A_4, %dma_start3A_107] : memref<64x25088xf32, #tpu.memory_space<hbm>> -> memref<1x512xf32, #tpu.memory_space<hbm>>
      %dma_start3A_109 = arith.constant 24576 : i32
      %dma_start3A_110 = tpu.memref_slice %arg4[%add3A_4, %dma_start3A_109] : memref<64x25088xf32, #tpu.memory_space<hbm>> -> memref<1x512xf32, #tpu.memory_space<hbm>>
      %dma_start3A_111 = arith.constant 0 : i32
      %dma_start3A_112 = arith.constant 0 : i32
      %dma_start3A_113 = tpu.memref_slice %arg7[%dma_start3A_111, %dma_start3A_112] : memref<1x4096xf32, #tpu.memory_space<vmem>> -> memref<1x512xf32, #tpu.memory_space<vmem>>
      tpu.enqueue_dma source(%dma_start3A_113 : memref<1x512xf32, #tpu.memory_space<vmem>>) target(%dma_start3A_110 : memref<1x512xf32, #tpu.memory_space<hbm>>) target_semaphore(%run_scoped3A_103 : memref<!tpu.dma_semaphore, #tpu.memory_space<semaphore_mem>>)
      %dma_wait3A_114 = arith.constant 0 : i32
      %dma_wait3A_115 = arith.constant 0 : i32
      %dma_wait3A_116 = tpu.memref_slice %arg7[%dma_wait3A_114, %dma_wait3A_115] : memref<1x4096xf32, #tpu.memory_space<vmem>> -> memref<1x512xf32, #tpu.memory_space<vmem>>
      %dma_wait3A_117 = arith.constant 24576 : i32
      %dma_wait3A_118 = tpu.memref_slice %arg4[%add3A_4, %dma_wait3A_117] : memref<64x25088xf32, #tpu.memory_space<hbm>> -> memref<1x512xf32, #tpu.memory_space<hbm>>
      %dma_wait3A_119 = arith.constant 24576 : i32
      %dma_wait3A_120 = tpu.memref_slice %arg4[%add3A_4, %dma_wait3A_119] : memref<64x25088xf32, #tpu.memory_space<hbm>> -> memref<1x512xf32, #tpu.memory_space<hbm>>
      %dma_wait3A_121 = arith.constant 0 : i32
      %dma_wait3A_122 = arith.constant 0 : i32
      %dma_wait3A_123 = tpu.memref_slice %arg7[%dma_wait3A_121, %dma_wait3A_122] : memref<1x4096xf32, #tpu.memory_space<vmem>> -> memref<1x512xf32, #tpu.memory_space<vmem>>
      tpu.wait_dma2 semaphore(%run_scoped3A_103 : memref<!tpu.dma_semaphore, #tpu.memory_space<semaphore_mem>>) src(%dma_wait3A_123 : memref<1x512xf32, #tpu.memory_space<vmem>>) dst(%dma_wait3A_120 : memref<1x512xf32, #tpu.memory_space<hbm>>)
      tpu.yield
    }) : () -> ()
    %mul3A_50 = arith.constant 2 : i32
    %mul3A_51 = arith.muli %add3A, %mul3A_50 : i32
    %add3A_52 = arith.constant 1 : i32
    %add3A_53 = arith.addi %mul3A_51, %add3A_52 : i32
    %mul3A_54 = arith.constant 50000 : i32
    %mul3A_55 = arith.muli %add3A_53, %mul3A_54 : i32
    %run_scoped3A_56 = arith.constant 0 : i32
    "tpu.region"() ({
      %run_scoped3A_103 = tpu.sem_alloc : memref<!tpu.dma_semaphore, #tpu.memory_space<semaphore_mem>>
      %dma_start3A_104 = arith.constant 0 : i32
      %dma_start3A_105 = tpu.memref_slice %arg5[%run_scoped3A_56, %dma_start3A_104] : memref<1x50000xf32, #tpu.memory_space<vmem>> -> memref<1x50000xf32, #tpu.memory_space<vmem>>
      %dma_start3A_106 = tpu.memref_squeeze %dma_start3A_105 : memref<1x50000xf32, #tpu.memory_space<vmem>> -> memref<50000xf32, #tpu.memory_space<vmem>>
      %dma_start3A_107 = tpu.memref_slice %arg2[%mul3A_55] : memref<3200000xf32, #tpu.memory_space<hbm>> -> memref<50000xf32, #tpu.memory_space<hbm>>
      %dma_start3A_108 = arith.constant 0 : i32
      %dma_start3A_109 = tpu.memref_slice %arg5[%run_scoped3A_56, %dma_start3A_108] : memref<1x50000xf32, #tpu.memory_space<vmem>> -> memref<1x50000xf32, #tpu.memory_space<vmem>>
      %dma_start3A_110 = tpu.memref_squeeze %dma_start3A_109 : memref<1x50000xf32, #tpu.memory_space<vmem>> -> memref<50000xf32, #tpu.memory_space<vmem>>
      %dma_start3A_111 = tpu.memref_slice %arg2[%mul3A_55] : memref<3200000xf32, #tpu.memory_space<hbm>> -> memref<50000xf32, #tpu.memory_space<hbm>>
      tpu.enqueue_dma source(%dma_start3A_111 : memref<50000xf32, #tpu.memory_space<hbm>>) target(%dma_start3A_110 : memref<50000xf32, #tpu.memory_space<vmem>>) target_semaphore(%run_scoped3A_103 : memref<!tpu.dma_semaphore, #tpu.memory_space<semaphore_mem>>)
      %dma_wait3A_112 = arith.constant 0 : i32
      %dma_wait3A_113 = tpu.memref_slice %arg5[%run_scoped3A_56, %dma_wait3A_112] : memref<1x50000xf32, #tpu.memory_space<vmem>> -> memref<1x50000xf32, #tpu.memory_space<vmem>>
      %dma_wait3A_114 = tpu.memref_squeeze %dma_wait3A_113 : memref<1x50000xf32, #tpu.memory_space<vmem>> -> memref<50000xf32, #tpu.memory_space<vmem>>
      %dma_wait3A_115 = tpu.memref_slice %arg2[%mul3A_55] : memref<3200000xf32, #tpu.memory_space<hbm>> -> memref<50000xf32, #tpu.memory_space<hbm>>
      %dma_wait3A_116 = arith.constant 0 : i32
      %dma_wait3A_117 = tpu.memref_slice %arg5[%run_scoped3A_56, %dma_wait3A_116] : memref<1x50000xf32, #tpu.memory_space<vmem>> -> memref<1x50000xf32, #tpu.memory_space<vmem>>
      %dma_wait3A_118 = tpu.memref_squeeze %dma_wait3A_117 : memref<1x50000xf32, #tpu.memory_space<vmem>> -> memref<50000xf32, #tpu.memory_space<vmem>>
      %dma_wait3A_119 = tpu.memref_slice %arg2[%mul3A_55] : memref<3200000xf32, #tpu.memory_space<hbm>> -> memref<50000xf32, #tpu.memory_space<hbm>>
      tpu.wait_dma2 semaphore(%run_scoped3A_103 : memref<!tpu.dma_semaphore, #tpu.memory_space<semaphore_mem>>) src(%dma_wait3A_119 : memref<50000xf32, #tpu.memory_space<hbm>>) dst(%dma_wait3A_118 : memref<50000xf32, #tpu.memory_space<vmem>>)
      tpu.yield
    }) : () -> ()
    %dma_start3A_57 = arith.constant 0 : i32
    %dma_start3A_58 = arith.constant 0 : i32
    %dma_start3A_59 = arith.constant 0 : i32
    %dma_start3A_60 = arith.constant 0 : i32
    %dma_start3A_61 = tpu.memref_slice %arg6[%dma_start3A_57, %dma_start3A_58, %dma_start3A_59, %dma_start3A_60] : memref<2x3x1x4096xi32, #tpu.memory_space<vmem>> -> memref<1x3x1x4096xi32, #tpu.memory_space<vmem>>
    %dma_start3A_62 = tpu.memref_squeeze %dma_start3A_61 : memref<1x3x1x4096xi32, #tpu.memory_space<vmem>> -> memref<3x1x4096xi32, #tpu.memory_space<vmem>>
    %dma_start3A_63 = arith.constant 0 : i32
    %dma_start3A_64 = arith.constant 0 : i32
    %dma_start3A_65 = tpu.memref_slice %arg3[%dma_start3A_63, %add3A_53, %dma_start3A_64] : memref<3x64x25088xi32, #tpu.memory_space<hbm>> -> memref<3x1x4096xi32, #tpu.memory_space<hbm>>
    %dma_start3A_66 = arith.constant 0 : i32
    %dma_start3A_67 = arith.constant 0 : i32
    %dma_start3A_68 = arith.constant 0 : i32
    %dma_start3A_69 = tpu.memref_slice %arg6[%dma_start3A_57, %dma_start3A_66, %dma_start3A_67, %dma_start3A_68] : memref<2x3x1x4096xi32, #tpu.memory_space<vmem>> -> memref<1x3x1x4096xi32, #tpu.memory_space<vmem>>
    %dma_start3A_70 = tpu.memref_squeeze %dma_start3A_69 : memref<1x3x1x4096xi32, #tpu.memory_space<vmem>> -> memref<3x1x4096xi32, #tpu.memory_space<vmem>>
    %dma_start3A_71 = arith.constant 0 : i32
    %dma_start3A_72 = arith.constant 0 : i32
    %dma_start3A_73 = tpu.memref_slice %arg3[%dma_start3A_71, %add3A_53, %dma_start3A_72] : memref<3x64x25088xi32, #tpu.memory_space<hbm>> -> memref<3x1x4096xi32, #tpu.memory_space<hbm>>
    tpu.enqueue_dma source(%dma_start3A_73 : memref<3x1x4096xi32, #tpu.memory_space<hbm>>) target(%dma_start3A_70 : memref<3x1x4096xi32, #tpu.memory_space<vmem>>) target_semaphore(%arg8 : memref<!tpu.dma_semaphore, #tpu.memory_space<semaphore_mem>>)
    %scan3A_74 = arith.constant 0 : i32
    %scan3A_75 = arith.constant 0 : i32
    %scan3A_76 = arith.constant 6 : i32
    %scan3A_77 = arith.addi %scan3A_75, %scan3A_76 : i32
    %scan3A_78 = arith.constant 1 : i32
    scf.for %scan3A_103 = %scan3A_75 to %scan3A_77 step %scan3A_78  : i32 {
      %jit3A = arith.constant 2 : i32
      %eq3A = arith.constant 0 : i32
      %eq3A_104 = arith.cmpi eq, %jit3A, %eq3A : i32
      %jit3A_105 = arith.constant 1 : i32
      %select_n3A = arith.select %eq3A_104, %jit3A_105, %jit3A : i32
      %rem3A = arith.remsi %scan3A_103, %select_n3A : i32
      %ne3A = arith.constant 0 : i32
      %ne3A_106 = arith.cmpi ne, %rem3A, %ne3A : i32
      %lt3A = arith.constant 0 : i32
      %lt3A_107 = arith.cmpi slt, %rem3A, %lt3A : i32
      %lt3A_108 = arith.constant 0 : i32
      %lt3A_109 = arith.cmpi slt, %select_n3A, %lt3A_108 : i32
      %ne3A_110 = arith.xori %lt3A_107, %lt3A_109 : i1
      %and3A = arith.andi %ne3A_110, %ne3A_106 : i1
      %add3A_111 = arith.addi %rem3A, %select_n3A : i32
      %select_n3A_112 = arith.select %and3A, %add3A_111, %rem3A : i32
      %mul3A_113 = arith.constant 4096 : i32
      %mul3A_114 = arith.muli %scan3A_103, %mul3A_113 : i32
      %dma_wait3A_115 = arith.constant 0 : i32
      %dma_wait3A_116 = arith.constant 0 : i32
      %dma_wait3A_117 = arith.constant 0 : i32
      %dma_wait3A_118 = tpu.memref_slice %arg6[%select_n3A_112, %dma_wait3A_115, %dma_wait3A_116, %dma_wait3A_117] : memref<2x3x1x4096xi32, #tpu.memory_space<vmem>> -> memref<1x3x1x4096xi32, #tpu.memory_space<vmem>>
      %dma_wait3A_119 = tpu.memref_squeeze %dma_wait3A_118 : memref<1x3x1x4096xi32, #tpu.memory_space<vmem>> -> memref<3x1x4096xi32, #tpu.memory_space<vmem>>
      %dma_wait3A_120 = arith.constant 0 : i32
      %dma_wait3A_121 = tpu.memref_slice %arg3[%dma_wait3A_120, %add3A_53, %mul3A_114] : memref<3x64x25088xi32, #tpu.memory_space<hbm>> -> memref<3x1x4096xi32, #tpu.memory_space<hbm>>
      %dma_wait3A_122 = arith.constant 0 : i32
      %dma_wait3A_123 = arith.constant 0 : i32
      %dma_wait3A_124 = arith.constant 0 : i32
      %dma_wait3A_125 = tpu.memref_slice %arg6[%select_n3A_112, %dma_wait3A_122, %dma_wait3A_123, %dma_wait3A_124] : memref<2x3x1x4096xi32, #tpu.memory_space<vmem>> -> memref<1x3x1x4096xi32, #tpu.memory_space<vmem>>
      %dma_wait3A_126 = tpu.memref_squeeze %dma_wait3A_125 : memref<1x3x1x4096xi32, #tpu.memory_space<vmem>> -> memref<3x1x4096xi32, #tpu.memory_space<vmem>>
      %dma_wait3A_127 = arith.constant 0 : i32
      %dma_wait3A_128 = tpu.memref_slice %arg3[%dma_wait3A_127, %add3A_53, %mul3A_114] : memref<3x64x25088xi32, #tpu.memory_space<hbm>> -> memref<3x1x4096xi32, #tpu.memory_space<hbm>>
      tpu.wait_dma2 semaphore(%arg8 : memref<!tpu.dma_semaphore, #tpu.memory_space<semaphore_mem>>) src(%dma_wait3A_128 : memref<3x1x4096xi32, #tpu.memory_space<hbm>>) dst(%dma_wait3A_126 : memref<3x1x4096xi32, #tpu.memory_space<vmem>>)
      %lt3A_129 = arith.constant 5 : i32
      %lt3A_130 = arith.cmpi slt, %scan3A_103, %lt3A_129 : i32
      %convert_element_type3A = arith.extui %lt3A_130 : i1 to i32
      %cond3A = arith.constant 0 : i32
      %cond3A_131 = arith.cmpi ne, %convert_element_type3A, %cond3A : i32
      scf.if %cond3A_131 {
        %add3A_145 = arith.constant 1 : i32
        %add3A_146 = arith.addi %scan3A_103, %add3A_145 : i32
        %mul3A_147 = arith.constant 4096 : i32
        %mul3A_148 = arith.muli %add3A_146, %mul3A_147 : i32
        %sub3A = arith.constant 1 : i32
        %sub3A_149 = arith.subi %sub3A, %select_n3A_112 : i32
        %dma_start3A_150 = arith.constant 0 : i32
        %dma_start3A_151 = arith.constant 0 : i32
        %dma_start3A_152 = arith.constant 0 : i32
        %dma_start3A_153 = tpu.memref_slice %arg6[%sub3A_149, %dma_start3A_150, %dma_start3A_151, %dma_start3A_152] : memref<2x3x1x4096xi32, #tpu.memory_space<vmem>> -> memref<1x3x1x4096xi32, #tpu.memory_space<vmem>>
        %dma_start3A_154 = tpu.memref_squeeze %dma_start3A_153 : memref<1x3x1x4096xi32, #tpu.memory_space<vmem>> -> memref<3x1x4096xi32, #tpu.memory_space<vmem>>
        %dma_start3A_155 = arith.constant 0 : i32
        %dma_start3A_156 = tpu.memref_slice %arg3[%dma_start3A_155, %add3A_53, %mul3A_148] : memref<3x64x25088xi32, #tpu.memory_space<hbm>> -> memref<3x1x4096xi32, #tpu.memory_space<hbm>>
        %dma_start3A_157 = arith.constant 0 : i32
        %dma_start3A_158 = arith.constant 0 : i32
        %dma_start3A_159 = arith.constant 0 : i32
        %dma_start3A_160 = tpu.memref_slice %arg6[%sub3A_149, %dma_start3A_157, %dma_start3A_158, %dma_start3A_159] : memref<2x3x1x4096xi32, #tpu.memory_space<vmem>> -> memref<1x3x1x4096xi32, #tpu.memory_space<vmem>>
        %dma_start3A_161 = tpu.memref_squeeze %dma_start3A_160 : memref<1x3x1x4096xi32, #tpu.memory_space<vmem>> -> memref<3x1x4096xi32, #tpu.memory_space<vmem>>
        %dma_start3A_162 = arith.constant 0 : i32
        %dma_start3A_163 = tpu.memref_slice %arg3[%dma_start3A_162, %add3A_53, %mul3A_148] : memref<3x64x25088xi32, #tpu.memory_space<hbm>> -> memref<3x1x4096xi32, #tpu.memory_space<hbm>>
        tpu.enqueue_dma source(%dma_start3A_163 : memref<3x1x4096xi32, #tpu.memory_space<hbm>>) target(%dma_start3A_161 : memref<3x1x4096xi32, #tpu.memory_space<vmem>>) target_semaphore(%arg8 : memref<!tpu.dma_semaphore, #tpu.memory_space<semaphore_mem>>)
      } else {
      }
      %eq3A_132 = arith.constant 5 : i32
      %eq3A_133 = arith.cmpi eq, %scan3A_103, %eq3A_132 : i32
      %convert_element_type3A_134 = arith.extui %eq3A_133 : i1 to i32
      %cond3A_135 = arith.constant 0 : i32
      %cond3A_136 = arith.cmpi ne, %convert_element_type3A_134, %cond3A_135 : i32
      scf.if %cond3A_136 {
        %sub3A = arith.constant 1 : i32
        %sub3A_145 = arith.subi %sub3A, %select_n3A_112 : i32
        %dma_start3A_146 = arith.constant 0 : i32
        %dma_start3A_147 = arith.constant 0 : i32
        %dma_start3A_148 = arith.constant 0 : i32
        %dma_start3A_149 = tpu.memref_slice %arg6[%sub3A_145, %dma_start3A_146, %dma_start3A_147, %dma_start3A_148] : memref<2x3x1x4096xi32, #tpu.memory_space<vmem>> -> memref<1x3x1x512xi32, #tpu.memory_space<vmem>>
        %dma_start3A_150 = tpu.memref_squeeze %dma_start3A_149 : memref<1x3x1x512xi32, #tpu.memory_space<vmem>> -> memref<3x1x512xi32, #tpu.memory_space<vmem>>
        %dma_start3A_151 = arith.constant 0 : i32
        %dma_start3A_152 = arith.constant 24576 : i32
        %dma_start3A_153 = tpu.memref_slice %arg3[%dma_start3A_151, %add3A_53, %dma_start3A_152] : memref<3x64x25088xi32, #tpu.memory_space<hbm>> -> memref<3x1x512xi32, #tpu.memory_space<hbm>>
        %dma_start3A_154 = arith.constant 0 : i32
        %dma_start3A_155 = arith.constant 0 : i32
        %dma_start3A_156 = arith.constant 0 : i32
        %dma_start3A_157 = tpu.memref_slice %arg6[%sub3A_145, %dma_start3A_154, %dma_start3A_155, %dma_start3A_156] : memref<2x3x1x4096xi32, #tpu.memory_space<vmem>> -> memref<1x3x1x512xi32, #tpu.memory_space<vmem>>
        %dma_start3A_158 = tpu.memref_squeeze %dma_start3A_157 : memref<1x3x1x512xi32, #tpu.memory_space<vmem>> -> memref<3x1x512xi32, #tpu.memory_space<vmem>>
        %dma_start3A_159 = arith.constant 0 : i32
        %dma_start3A_160 = arith.constant 24576 : i32
        %dma_start3A_161 = tpu.memref_slice %arg3[%dma_start3A_159, %add3A_53, %dma_start3A_160] : memref<3x64x25088xi32, #tpu.memory_space<hbm>> -> memref<3x1x512xi32, #tpu.memory_space<hbm>>
        tpu.enqueue_dma source(%dma_start3A_161 : memref<3x1x512xi32, #tpu.memory_space<hbm>>) target(%dma_start3A_158 : memref<3x1x512xi32, #tpu.memory_space<vmem>>) target_semaphore(%arg8 : memref<!tpu.dma_semaphore, #tpu.memory_space<semaphore_mem>>)
      } else {
      }
      %mul3A_137 = arith.constant 4096 : i32
      %mul3A_138 = arith.muli %scan3A_103, %mul3A_137 : i32
      %scan3A_139 = arith.constant 0 : i32
      %scan3A_140 = arith.constant 0 : i32
      %scan3A_141 = arith.constant 256 : i32
      %scan3A_142 = arith.addi %scan3A_140, %scan3A_141 : i32
      %scan3A_143 = arith.constant 1 : i32
      scf.for %scan3A_145 = %scan3A_140 to %scan3A_142 step %scan3A_143  : i32 {
        %mul3A_146 = arith.constant 16 : i32
        %mul3A_147 = arith.muli %scan3A_145, %mul3A_146 : i32
        %get3A = arith.constant 0 : i32
        %get3A_148 = arith.constant 0 : i32
        %get3A_149 = arith.index_cast %select_n3A_112 : i32 to index
        %get3A_150 = arith.index_cast %get3A : i32 to index
        %get3A_151 = arith.index_cast %get3A_148 : i32 to index
        %get3A_152 = arith.index_cast %mul3A_147 : i32 to index
        %get3A_153 = tpu.vector_load %arg6[%get3A_149, %get3A_150, %get3A_151, %get3A_152] {strides = array<i32>} : memref<2x3x1x4096xi32, #tpu.memory_space<vmem>>, vector<16xi32>,
        %get3A_154 = arith.constant 1 : i32
        %get3A_155 = arith.constant 0 : i32
        %get3A_156 = arith.index_cast %select_n3A_112 : i32 to index
        %get3A_157 = arith.index_cast %get3A_154 : i32 to index
        %get3A_158 = arith.index_cast %get3A_155 : i32 to index
        %get3A_159 = arith.index_cast %mul3A_147 : i32 to index
        %get3A_160 = tpu.vector_load %arg6[%get3A_156, %get3A_157, %get3A_158, %get3A_159] {strides = array<i32>} : memref<2x3x1x4096xi32, #tpu.memory_space<vmem>>, vector<16xi32>,
        %get3A_161 = arith.constant 2 : i32
        %get3A_162 = arith.constant 0 : i32
        %get3A_163 = arith.index_cast %select_n3A_112 : i32 to index
        %get3A_164 = arith.index_cast %get3A_161 : i32 to index
        %get3A_165 = arith.index_cast %get3A_162 : i32 to index
        %get3A_166 = arith.index_cast %mul3A_147 : i32 to index
        %get3A_167 = tpu.vector_load %arg6[%get3A_163, %get3A_164, %get3A_165, %get3A_166] {strides = array<i32>} : memref<2x3x1x4096xi32, #tpu.memory_space<vmem>>, vector<16xi32>,
        %gather3A = arith.constant 0 : i32
        %gather3A_168 = arith.constant 0 : i32
        %gather3A_169 = tpu.memref_slice %arg5[%gather3A, %gather3A_168] : memref<1x50000xf32, #tpu.memory_space<vmem>> -> memref<1x50000xf32, #tpu.memory_space<vmem>>
        %gather3A_170 = tpu.memref_squeeze %gather3A_169 : memref<1x50000xf32, #tpu.memory_space<vmem>> -> memref<50000xf32, #tpu.memory_space<vmem>>
        %gather3A_171 = tpu.vector_load_idx %gather3A_170[%get3A_153] : memref<50000xf32, #tpu.memory_space<vmem>>[vector<16xi32>], vector<16xf32>,
        %gather3A_172 = arith.constant 0 : i32
        %gather3A_173 = arith.constant 0 : i32
        %gather3A_174 = tpu.memref_slice %arg5[%gather3A_172, %gather3A_173] : memref<1x50000xf32, #tpu.memory_space<vmem>> -> memref<1x50000xf32, #tpu.memory_space<vmem>>
        %gather3A_175 = tpu.memref_squeeze %gather3A_174 : memref<1x50000xf32, #tpu.memory_space<vmem>> -> memref<50000xf32, #tpu.memory_space<vmem>>
        %gather3A_176 = tpu.vector_load_idx %gather3A_175[%get3A_160] : memref<50000xf32, #tpu.memory_space<vmem>>[vector<16xi32>], vector<16xf32>,
        %gather3A_177 = arith.constant 0 : i32
        %gather3A_178 = arith.constant 0 : i32
        %gather3A_179 = tpu.memref_slice %arg5[%gather3A_177, %gather3A_178] : memref<1x50000xf32, #tpu.memory_space<vmem>> -> memref<1x50000xf32, #tpu.memory_space<vmem>>
        %gather3A_180 = tpu.memref_squeeze %gather3A_179 : memref<1x50000xf32, #tpu.memory_space<vmem>> -> memref<50000xf32, #tpu.memory_space<vmem>>
        %gather3A_181 = tpu.vector_load_idx %gather3A_180[%get3A_167] : memref<50000xf32, #tpu.memory_space<vmem>>[vector<16xi32>], vector<16xf32>,
        %max3A = arith.maximumf %gather3A_171, %gather3A_176 : vector<16xf32>
        %max3A_182 = arith.maximumf %max3A, %gather3A_181 : vector<16xf32>
        %sub3A = arith.constant 1.000000e+00 : f32
        %sub3A_183 = vector.broadcast %sub3A : f32 to vector<16xf32>
        %sub3A_184 = arith.subf %sub3A_183, %max3A_182 : vector<16xf32>
        %mul3A_185 = arith.constant 5.000000e-01 : f32
        %mul3A_186 = vector.broadcast %mul3A_185 : f32 to vector<16xf32>
        %mul3A_187 = arith.mulf %sub3A_184, %mul3A_186 : vector<16xf32>
        %swap3A = arith.constant 0 : i32
        %swap3A_188 = arith.index_cast %swap3A : i32 to index
        %swap3A_189 = arith.index_cast %mul3A_147 : i32 to index
        %swap3A_190 = tpu.vector_load %arg7[%swap3A_188, %swap3A_189] {strides = array<i32>} : memref<1x4096xf32, #tpu.memory_space<vmem>>, vector<16xf32>,
        tpu.vector_store %arg7[%swap3A_188, %swap3A_189], %mul3A_187 {strides = array<i32>} : memref<1x4096xf32, #tpu.memory_space<vmem>>, vector<16xf32>,
      }
      %scan3A_144 = arith.constant 256 : i32
      "tpu.region"() ({
        %run_scoped3A_145 = tpu.sem_alloc : memref<!tpu.dma_semaphore, #tpu.memory_space<semaphore_mem>>
        %dma_start3A_146 = arith.constant 0 : i32
        %dma_start3A_147 = arith.constant 0 : i32
        %dma_start3A_148 = tpu.memref_slice %arg7[%dma_start3A_146, %dma_start3A_147] : memref<1x4096xf32, #tpu.memory_space<vmem>> -> memref<1x4096xf32, #tpu.memory_space<vmem>>
        %dma_start3A_149 = tpu.memref_slice %arg4[%add3A_53, %mul3A_138] : memref<64x25088xf32, #tpu.memory_space<hbm>> -> memref<1x4096xf32, #tpu.memory_space<hbm>>
        %dma_start3A_150 = tpu.memref_slice %arg4[%add3A_53, %mul3A_138] : memref<64x25088xf32, #tpu.memory_space<hbm>> -> memref<1x4096xf32, #tpu.memory_space<hbm>>
        %dma_start3A_151 = arith.constant 0 : i32
        %dma_start3A_152 = arith.constant 0 : i32
        %dma_start3A_153 = tpu.memref_slice %arg7[%dma_start3A_151, %dma_start3A_152] : memref<1x4096xf32, #tpu.memory_space<vmem>> -> memref<1x4096xf32, #tpu.memory_space<vmem>>
        tpu.enqueue_dma source(%dma_start3A_153 : memref<1x4096xf32, #tpu.memory_space<vmem>>) target(%dma_start3A_150 : memref<1x4096xf32, #tpu.memory_space<hbm>>) target_semaphore(%run_scoped3A_145 : memref<!tpu.dma_semaphore, #tpu.memory_space<semaphore_mem>>)
        %dma_wait3A_154 = arith.constant 0 : i32
        %dma_wait3A_155 = arith.constant 0 : i32
        %dma_wait3A_156 = tpu.memref_slice %arg7[%dma_wait3A_154, %dma_wait3A_155] : memref<1x4096xf32, #tpu.memory_space<vmem>> -> memref<1x4096xf32, #tpu.memory_space<vmem>>
        %dma_wait3A_157 = tpu.memref_slice %arg4[%add3A_53, %mul3A_138] : memref<64x25088xf32, #tpu.memory_space<hbm>> -> memref<1x4096xf32, #tpu.memory_space<hbm>>
        %dma_wait3A_158 = tpu.memref_slice %arg4[%add3A_53, %mul3A_138] : memref<64x25088xf32, #tpu.memory_space<hbm>> -> memref<1x4096xf32, #tpu.memory_space<hbm>>
        %dma_wait3A_159 = arith.constant 0 : i32
        %dma_wait3A_160 = arith.constant 0 : i32
        %dma_wait3A_161 = tpu.memref_slice %arg7[%dma_wait3A_159, %dma_wait3A_160] : memref<1x4096xf32, #tpu.memory_space<vmem>> -> memref<1x4096xf32, #tpu.memory_space<vmem>>
        tpu.wait_dma2 semaphore(%run_scoped3A_145 : memref<!tpu.dma_semaphore, #tpu.memory_space<semaphore_mem>>) src(%dma_wait3A_161 : memref<1x4096xf32, #tpu.memory_space<vmem>>) dst(%dma_wait3A_158 : memref<1x4096xf32, #tpu.memory_space<hbm>>)
        tpu.yield
      }) : () -> ()
    }
    %scan3A_79 = arith.constant 6 : i32
    %dma_wait3A_80 = arith.constant 0 : i32
    %dma_wait3A_81 = arith.constant 0 : i32
    %dma_wait3A_82 = arith.constant 0 : i32
    %dma_wait3A_83 = arith.constant 0 : i32
    %dma_wait3A_84 = tpu.memref_slice %arg6[%dma_wait3A_80, %dma_wait3A_81, %dma_wait3A_82, %dma_wait3A_83] : memref<2x3x1x4096xi32, #tpu.memory_space<vmem>> -> memref<1x3x1x512xi32, #tpu.memory_space<vmem>>
    %dma_wait3A_85 = tpu.memref_squeeze %dma_wait3A_84 : memref<1x3x1x512xi32, #tpu.memory_space<vmem>> -> memref<3x1x512xi32, #tpu.memory_space<vmem>>
    %dma_wait3A_86 = arith.constant 0 : i32
    %dma_wait3A_87 = arith.constant 24576 : i32
    %dma_wait3A_88 = tpu.memref_slice %arg3[%dma_wait3A_86, %add3A_53, %dma_wait3A_87] : memref<3x64x25088xi32, #tpu.memory_space<hbm>> -> memref<3x1x512xi32, #tpu.memory_space<hbm>>
    %dma_wait3A_89 = arith.constant 0 : i32
    %dma_wait3A_90 = arith.constant 0 : i32
    %dma_wait3A_91 = arith.constant 0 : i32
    %dma_wait3A_92 = tpu.memref_slice %arg6[%dma_wait3A_80, %dma_wait3A_89, %dma_wait3A_90, %dma_wait3A_91] : memref<2x3x1x4096xi32, #tpu.memory_space<vmem>> -> memref<1x3x1x512xi32, #tpu.memory_space<vmem>>
    %dma_wait3A_93 = tpu.memref_squeeze %dma_wait3A_92 : memref<1x3x1x512xi32, #tpu.memory_space<vmem>> -> memref<3x1x512xi32, #tpu.memory_space<vmem>>
    %dma_wait3A_94 = arith.constant 0 : i32
    %dma_wait3A_95 = arith.constant 24576 : i32
    %dma_wait3A_96 = tpu.memref_slice %arg3[%dma_wait3A_94, %add3A_53, %dma_wait3A_95] : memref<3x64x25088xi32, #tpu.memory_space<hbm>> -> memref<3x1x512xi32, #tpu.memory_space<hbm>>
    tpu.wait_dma2 semaphore(%arg8 : memref<!tpu.dma_semaphore, #tpu.memory_space<semaphore_mem>>) src(%dma_wait3A_96 : memref<3x1x512xi32, #tpu.memory_space<hbm>>) dst(%dma_wait3A_93 : memref<3x1x512xi32, #tpu.memory_space<vmem>>)
    %scan3A_97 = arith.constant 0 : i32
    %scan3A_98 = arith.constant 0 : i32
    %scan3A_99 = arith.constant 32 : i32
    %scan3A_100 = arith.addi %scan3A_98, %scan3A_99 : i32
    %scan3A_101 = arith.constant 1 : i32
    scf.for %scan3A_103 = %scan3A_98 to %scan3A_100 step %scan3A_101  : i32 {
      %mul3A_104 = arith.constant 16 : i32
      %mul3A_105 = arith.muli %scan3A_103, %mul3A_104 : i32
      %get3A = arith.constant 0 : i32
      %get3A_106 = arith.constant 0 : i32
      %get3A_107 = arith.constant 0 : i32
      %get3A_108 = arith.index_cast %get3A : i32 to index
      %get3A_109 = arith.index_cast %get3A_106 : i32 to index
      %get3A_110 = arith.index_cast %get3A_107 : i32 to index
      %get3A_111 = arith.index_cast %mul3A_105 : i32 to index
      %get3A_112 = tpu.vector_load %arg6[%get3A_108, %get3A_109, %get3A_110, %get3A_111] {strides = array<i32>} : memref<2x3x1x4096xi32, #tpu.memory_space<vmem>>, vector<16xi32>,
      %get3A_113 = arith.constant 0 : i32
      %get3A_114 = arith.constant 1 : i32
      %get3A_115 = arith.constant 0 : i32
      %get3A_116 = arith.index_cast %get3A_113 : i32 to index
      %get3A_117 = arith.index_cast %get3A_114 : i32 to index
      %get3A_118 = arith.index_cast %get3A_115 : i32 to index
      %get3A_119 = arith.index_cast %mul3A_105 : i32 to index
      %get3A_120 = tpu.vector_load %arg6[%get3A_116, %get3A_117, %get3A_118, %get3A_119] {strides = array<i32>} : memref<2x3x1x4096xi32, #tpu.memory_space<vmem>>, vector<16xi32>,
      %get3A_121 = arith.constant 0 : i32
      %get3A_122 = arith.constant 2 : i32
      %get3A_123 = arith.constant 0 : i32
      %get3A_124 = arith.index_cast %get3A_121 : i32 to index
      %get3A_125 = arith.index_cast %get3A_122 : i32 to index
      %get3A_126 = arith.index_cast %get3A_123 : i32 to index
      %get3A_127 = arith.index_cast %mul3A_105 : i32 to index
      %get3A_128 = tpu.vector_load %arg6[%get3A_124, %get3A_125, %get3A_126, %get3A_127] {strides = array<i32>} : memref<2x3x1x4096xi32, #tpu.memory_space<vmem>>, vector<16xi32>,
      %gather3A = arith.constant 0 : i32
      %gather3A_129 = arith.constant 0 : i32
      %gather3A_130 = tpu.memref_slice %arg5[%gather3A, %gather3A_129] : memref<1x50000xf32, #tpu.memory_space<vmem>> -> memref<1x50000xf32, #tpu.memory_space<vmem>>
      %gather3A_131 = tpu.memref_squeeze %gather3A_130 : memref<1x50000xf32, #tpu.memory_space<vmem>> -> memref<50000xf32, #tpu.memory_space<vmem>>
      %gather3A_132 = tpu.vector_load_idx %gather3A_131[%get3A_112] : memref<50000xf32, #tpu.memory_space<vmem>>[vector<16xi32>], vector<16xf32>,
      %gather3A_133 = arith.constant 0 : i32
      %gather3A_134 = arith.constant 0 : i32
      %gather3A_135 = tpu.memref_slice %arg5[%gather3A_133, %gather3A_134] : memref<1x50000xf32, #tpu.memory_space<vmem>> -> memref<1x50000xf32, #tpu.memory_space<vmem>>
      %gather3A_136 = tpu.memref_squeeze %gather3A_135 : memref<1x50000xf32, #tpu.memory_space<vmem>> -> memref<50000xf32, #tpu.memory_space<vmem>>
      %gather3A_137 = tpu.vector_load_idx %gather3A_136[%get3A_120] : memref<50000xf32, #tpu.memory_space<vmem>>[vector<16xi32>], vector<16xf32>,
      %gather3A_138 = arith.constant 0 : i32
      %gather3A_139 = arith.constant 0 : i32
      %gather3A_140 = tpu.memref_slice %arg5[%gather3A_138, %gather3A_139] : memref<1x50000xf32, #tpu.memory_space<vmem>> -> memref<1x50000xf32, #tpu.memory_space<vmem>>
      %gather3A_141 = tpu.memref_squeeze %gather3A_140 : memref<1x50000xf32, #tpu.memory_space<vmem>> -> memref<50000xf32, #tpu.memory_space<vmem>>
      %gather3A_142 = tpu.vector_load_idx %gather3A_141[%get3A_128] : memref<50000xf32, #tpu.memory_space<vmem>>[vector<16xi32>], vector<16xf32>,
      %max3A = arith.maximumf %gather3A_132, %gather3A_137 : vector<16xf32>
      %max3A_143 = arith.maximumf %max3A, %gather3A_142 : vector<16xf32>
      %sub3A = arith.constant 1.000000e+00 : f32
      %sub3A_144 = vector.broadcast %sub3A : f32 to vector<16xf32>
      %sub3A_145 = arith.subf %sub3A_144, %max3A_143 : vector<16xf32>
      %mul3A_146 = arith.constant 5.000000e-01 : f32
      %mul3A_147 = vector.broadcast %mul3A_146 : f32 to vector<16xf32>
      %mul3A_148 = arith.mulf %sub3A_145, %mul3A_147 : vector<16xf32>
      %swap3A = arith.constant 0 : i32
      %swap3A_149 = arith.index_cast %swap3A : i32 to index
      %swap3A_150 = arith.index_cast %mul3A_105 : i32 to index
      %swap3A_151 = tpu.vector_load %arg7[%swap3A_149, %swap3A_150] {strides = array<i32>} : memref<1x4096xf32, #tpu.memory_space<vmem>>, vector<16xf32>,
      tpu.vector_store %arg7[%swap3A_149, %swap3A_150], %mul3A_148 {strides = array<i32>} : memref<1x4096xf32, #tpu.memory_space<vmem>>, vector<16xf32>,
    }
    %scan3A_102 = arith.constant 32 : i32
    "tpu.region"() ({
      %run_scoped3A_103 = tpu.sem_alloc : memref<!tpu.dma_semaphore, #tpu.memory_space<semaphore_mem>>
      %dma_start3A_104 = arith.constant 0 : i32
      %dma_start3A_105 = arith.constant 0 : i32
      %dma_start3A_106 = tpu.memref_slice %arg7[%dma_start3A_104, %dma_start3A_105] : memref<1x4096xf32, #tpu.memory_space<vmem>> -> memref<1x512xf32, #tpu.memory_space<vmem>>
      %dma_start3A_107 = arith.constant 24576 : i32
      %dma_start3A_108 = tpu.memref_slice %arg4[%add3A_53, %dma_start3A_107] : memref<64x25088xf32, #tpu.memory_space<hbm>> -> memref<1x512xf32, #tpu.memory_space<hbm>>
      %dma_start3A_109 = arith.constant 24576 : i32
      %dma_start3A_110 = tpu.memref_slice %arg4[%add3A_53, %dma_start3A_109] : memref<64x25088xf32, #tpu.memory_space<hbm>> -> memref<1x512xf32, #tpu.memory_space<hbm>>
      %dma_start3A_111 = arith.constant 0 : i32
      %dma_start3A_112 = arith.constant 0 : i32
      %dma_start3A_113 = tpu.memref_slice %arg7[%dma_start3A_111, %dma_start3A_112] : memref<1x4096xf32, #tpu.memory_space<vmem>> -> memref<1x512xf32, #tpu.memory_space<vmem>>
      tpu.enqueue_dma source(%dma_start3A_113 : memref<1x512xf32, #tpu.memory_space<vmem>>) target(%dma_start3A_110 : memref<1x512xf32, #tpu.memory_space<hbm>>) target_semaphore(%run_scoped3A_103 : memref<!tpu.dma_semaphore, #tpu.memory_space<semaphore_mem>>)
      %dma_wait3A_114 = arith.constant 0 : i32
      %dma_wait3A_115 = arith.constant 0 : i32
      %dma_wait3A_116 = tpu.memref_slice %arg7[%dma_wait3A_114, %dma_wait3A_115] : memref<1x4096xf32, #tpu.memory_space<vmem>> -> memref<1x512xf32, #tpu.memory_space<vmem>>
      %dma_wait3A_117 = arith.constant 24576 : i32
      %dma_wait3A_118 = tpu.memref_slice %arg4[%add3A_53, %dma_wait3A_117] : memref<64x25088xf32, #tpu.memory_space<hbm>> -> memref<1x512xf32, #tpu.memory_space<hbm>>
      %dma_wait3A_119 = arith.constant 24576 : i32
      %dma_wait3A_120 = tpu.memref_slice %arg4[%add3A_53, %dma_wait3A_119] : memref<64x25088xf32, #tpu.memory_space<hbm>> -> memref<1x512xf32, #tpu.memory_space<hbm>>
      %dma_wait3A_121 = arith.constant 0 : i32
      %dma_wait3A_122 = arith.constant 0 : i32
      %dma_wait3A_123 = tpu.memref_slice %arg7[%dma_wait3A_121, %dma_wait3A_122] : memref<1x4096xf32, #tpu.memory_space<vmem>> -> memref<1x512xf32, #tpu.memory_space<vmem>>
      tpu.wait_dma2 semaphore(%run_scoped3A_103 : memref<!tpu.dma_semaphore, #tpu.memory_space<semaphore_mem>>) src(%dma_wait3A_123 : memref<1x512xf32, #tpu.memory_space<vmem>>) dst(%dma_wait3A_120 : memref<1x512xf32, #tpu.memory_space<hbm>>)
      tpu.yield
    }) : () -> ()
    return
  }
}

#map = affine_map<(d0, d1) -> (0)>
#map1 = affine_map<(d0, d1) -> (0, 0, 0)>
#map2 = affine_map<(d0, d1) -> (0, 0)>
module attributes {stable_mosaic.version = 14 : i64} {
  func.func @_lambda_(%arg0: i32, %arg1: i32, %arg2: memref<3200000xf32, #tpu.memory_space<hbm>>, %arg3: memref<3x64x24736xi32, #tpu.memory_space<hbm>>, %arg4: memref<64x24736xf32, #tpu.memory_space<hbm>>, %arg5: memref<1x50000xf32, #tpu.memory_space<vmem>>, %arg6: memref<2x3x1x4096xi32, #tpu.memory_space<vmem>>, %arg7: memref<1x4096xf32, #tpu.memory_space<vmem>>, %arg8: memref<!tpu.dma_semaphore, #tpu.memory_space<semaphore_mem>>) attributes {dimension_semantics = [#tpu.dimension_semantics<core_parallel>, #tpu.dimension_semantics<subcore_parallel>], iteration_bounds = array<i64: 2, 16>, scalar_prefetch = 0 : i64, scratch_operands = 4 : i64, tpu.core_type = #tpu.core_type<sc_vector_subcore>, window_params = [{transform_indices = #map}, {transform_indices = #map1}, {transform_indices = #map2}]} {
    %mul3A = arith.constant 2 : i32
    %mul3A_0 = arith.muli %arg1, %mul3A : i32
    %add3A = arith.addi %mul3A_0, %arg0 : i32
    %mul3A_1 = arith.constant 2 : i32
    %mul3A_2 = arith.muli %add3A, %mul3A_1 : i32
    %add3A_3 = arith.constant 0 : i32
    %add3A_4 = arith.addi %mul3A_2, %add3A_3 : i32
    %mul3A_5 = arith.constant 50000 : i32
    %mul3A_6 = arith.muli %add3A_4, %mul3A_5 : i32
    %run_scoped3A = arith.constant 0 : i32
    "tpu.region"() ({
      %run_scoped3A_103 = tpu.sem_alloc : memref<!tpu.dma_semaphore, #tpu.memory_space<semaphore_mem>>
      %dma_start3A_104 = arith.constant 0 : i32
      %dma_start3A_105 = tpu.memref_slice %arg5[%run_scoped3A, %dma_start3A_104] : memref<1x50000xf32, #tpu.memory_space<vmem>> -> memref<1x50000xf32, #tpu.memory_space<vmem>>
      %dma_start3A_106 = tpu.memref_squeeze %dma_start3A_105 : memref<1x50000xf32, #tpu.memory_space<vmem>> -> memref<50000xf32, #tpu.memory_space<vmem>>
      %dma_start3A_107 = tpu.memref_slice %arg2[%mul3A_6] : memref<3200000xf32, #tpu.memory_space<hbm>> -> memref<50000xf32, #tpu.memory_space<hbm>>
      %dma_start3A_108 = arith.constant 0 : i32
      %dma_start3A_109 = tpu.memref_slice %arg5[%run_scoped3A, %dma_start3A_108] : memref<1x50000xf32, #tpu.memory_space<vmem>> -> memref<1x50000xf32, #tpu.memory_space<vmem>>
      %dma_start3A_110 = tpu.memref_squeeze %dma_start3A_109 : memref<1x50000xf32, #tpu.memory_space<vmem>> -> memref<50000xf32, #tpu.memory_space<vmem>>
      %dma_start3A_111 = tpu.memref_slice %arg2[%mul3A_6] : memref<3200000xf32, #tpu.memory_space<hbm>> -> memref<50000xf32, #tpu.memory_space<hbm>>
      tpu.enqueue_dma source(%dma_start3A_111 : memref<50000xf32, #tpu.memory_space<hbm>>) target(%dma_start3A_110 : memref<50000xf32, #tpu.memory_space<vmem>>) target_semaphore(%run_scoped3A_103 : memref<!tpu.dma_semaphore, #tpu.memory_space<semaphore_mem>>)
      %dma_wait3A_112 = arith.constant 0 : i32
      %dma_wait3A_113 = tpu.memref_slice %arg5[%run_scoped3A, %dma_wait3A_112] : memref<1x50000xf32, #tpu.memory_space<vmem>> -> memref<1x50000xf32, #tpu.memory_space<vmem>>
      %dma_wait3A_114 = tpu.memref_squeeze %dma_wait3A_113 : memref<1x50000xf32, #tpu.memory_space<vmem>> -> memref<50000xf32, #tpu.memory_space<vmem>>
      %dma_wait3A_115 = tpu.memref_slice %arg2[%mul3A_6] : memref<3200000xf32, #tpu.memory_space<hbm>> -> memref<50000xf32, #tpu.memory_space<hbm>>
      %dma_wait3A_116 = arith.constant 0 : i32
      %dma_wait3A_117 = tpu.memref_slice %arg5[%run_scoped3A, %dma_wait3A_116] : memref<1x50000xf32, #tpu.memory_space<vmem>> -> memref<1x50000xf32, #tpu.memory_space<vmem>>
      %dma_wait3A_118 = tpu.memref_squeeze %dma_wait3A_117 : memref<1x50000xf32, #tpu.memory_space<vmem>> -> memref<50000xf32, #tpu.memory_space<vmem>>
      %dma_wait3A_119 = tpu.memref_slice %arg2[%mul3A_6] : memref<3200000xf32, #tpu.memory_space<hbm>> -> memref<50000xf32, #tpu.memory_space<hbm>>
      tpu.wait_dma2 semaphore(%run_scoped3A_103 : memref<!tpu.dma_semaphore, #tpu.memory_space<semaphore_mem>>) src(%dma_wait3A_119 : memref<50000xf32, #tpu.memory_space<hbm>>) dst(%dma_wait3A_118 : memref<50000xf32, #tpu.memory_space<vmem>>)
      tpu.yield
    }) : () -> ()
    %dma_start3A = arith.constant 0 : i32
    %dma_start3A_7 = arith.constant 0 : i32
    %dma_start3A_8 = arith.constant 0 : i32
    %dma_start3A_9 = arith.constant 0 : i32
    %dma_start3A_10 = tpu.memref_slice %arg6[%dma_start3A, %dma_start3A_7, %dma_start3A_8, %dma_start3A_9] : memref<2x3x1x4096xi32, #tpu.memory_space<vmem>> -> memref<1x3x1x4096xi32, #tpu.memory_space<vmem>>
    %dma_start3A_11 = tpu.memref_squeeze %dma_start3A_10 : memref<1x3x1x4096xi32, #tpu.memory_space<vmem>> -> memref<3x1x4096xi32, #tpu.memory_space<vmem>>
    %dma_start3A_12 = arith.constant 0 : i32
    %dma_start3A_13 = arith.constant 0 : i32
    %dma_start3A_14 = tpu.memref_slice %arg3[%dma_start3A_12, %add3A_4, %dma_start3A_13] : memref<3x64x24736xi32, #tpu.memory_space<hbm>> -> memref<3x1x4096xi32, #tpu.memory_space<hbm>>
    %dma_start3A_15 = arith.constant 0 : i32
    %dma_start3A_16 = arith.constant 0 : i32
    %dma_start3A_17 = arith.constant 0 : i32
    %dma_start3A_18 = tpu.memref_slice %arg6[%dma_start3A, %dma_start3A_15, %dma_start3A_16, %dma_start3A_17] : memref<2x3x1x4096xi32, #tpu.memory_space<vmem>> -> memref<1x3x1x4096xi32, #tpu.memory_space<vmem>>
    %dma_start3A_19 = tpu.memref_squeeze %dma_start3A_18 : memref<1x3x1x4096xi32, #tpu.memory_space<vmem>> -> memref<3x1x4096xi32, #tpu.memory_space<vmem>>
    %dma_start3A_20 = arith.constant 0 : i32
    %dma_start3A_21 = arith.constant 0 : i32
    %dma_start3A_22 = tpu.memref_slice %arg3[%dma_start3A_20, %add3A_4, %dma_start3A_21] : memref<3x64x24736xi32, #tpu.memory_space<hbm>> -> memref<3x1x4096xi32, #tpu.memory_space<hbm>>
    tpu.enqueue_dma source(%dma_start3A_22 : memref<3x1x4096xi32, #tpu.memory_space<hbm>>) target(%dma_start3A_19 : memref<3x1x4096xi32, #tpu.memory_space<vmem>>) target_semaphore(%arg8 : memref<!tpu.dma_semaphore, #tpu.memory_space<semaphore_mem>>)
    %scan3A = arith.constant 0 : i32
    %scan3A_23 = arith.constant 0 : i32
    %scan3A_24 = arith.constant 6 : i32
    %scan3A_25 = arith.addi %scan3A_23, %scan3A_24 : i32
    %scan3A_26 = arith.constant 1 : i32
    scf.for %scan3A_103 = %scan3A_23 to %scan3A_25 step %scan3A_26  : i32 {
      %jit3A = arith.constant 2 : i32
      %eq3A = arith.constant 0 : i32
      %eq3A_104 = arith.cmpi eq, %jit3A, %eq3A : i32
      %jit3A_105 = arith.constant 1 : i32
      %select_n3A = arith.select %eq3A_104, %jit3A_105, %jit3A : i32
      %rem3A = arith.remsi %scan3A_103, %select_n3A : i32
      %ne3A = arith.constant 0 : i32
      %ne3A_106 = arith.cmpi ne, %rem3A, %ne3A : i32
      %lt3A = arith.constant 0 : i32
      %lt3A_107 = arith.cmpi slt, %rem3A, %lt3A : i32
      %lt3A_108 = arith.constant 0 : i32
      %lt3A_109 = arith.cmpi slt, %select_n3A, %lt3A_108 : i32
      %ne3A_110 = arith.xori %lt3A_107, %lt3A_109 : i1
      %and3A = arith.andi %ne3A_110, %ne3A_106 : i1
      %add3A_111 = arith.addi %rem3A, %select_n3A : i32
      %select_n3A_112 = arith.select %and3A, %add3A_111, %rem3A : i32
      %mul3A_113 = arith.constant 4096 : i32
      %mul3A_114 = arith.muli %scan3A_103, %mul3A_113 : i32
      %dma_wait3A_115 = arith.constant 0 : i32
      %dma_wait3A_116 = arith.constant 0 : i32
      %dma_wait3A_117 = arith.constant 0 : i32
      %dma_wait3A_118 = tpu.memref_slice %arg6[%select_n3A_112, %dma_wait3A_115, %dma_wait3A_116, %dma_wait3A_117] : memref<2x3x1x4096xi32, #tpu.memory_space<vmem>> -> memref<1x3x1x4096xi32, #tpu.memory_space<vmem>>
      %dma_wait3A_119 = tpu.memref_squeeze %dma_wait3A_118 : memref<1x3x1x4096xi32, #tpu.memory_space<vmem>> -> memref<3x1x4096xi32, #tpu.memory_space<vmem>>
      %dma_wait3A_120 = arith.constant 0 : i32
      %dma_wait3A_121 = tpu.memref_slice %arg3[%dma_wait3A_120, %add3A_4, %mul3A_114] : memref<3x64x24736xi32, #tpu.memory_space<hbm>> -> memref<3x1x4096xi32, #tpu.memory_space<hbm>>
      %dma_wait3A_122 = arith.constant 0 : i32
      %dma_wait3A_123 = arith.constant 0 : i32
      %dma_wait3A_124 = arith.constant 0 : i32
      %dma_wait3A_125 = tpu.memref_slice %arg6[%select_n3A_112, %dma_wait3A_122, %dma_wait3A_123, %dma_wait3A_124] : memref<2x3x1x4096xi32, #tpu.memory_space<vmem>> -> memref<1x3x1x4096xi32, #tpu.memory_space<vmem>>
      %dma_wait3A_126 = tpu.memref_squeeze %dma_wait3A_125 : memref<1x3x1x4096xi32, #tpu.memory_space<vmem>> -> memref<3x1x4096xi32, #tpu.memory_space<vmem>>
      %dma_wait3A_127 = arith.constant 0 : i32
      %dma_wait3A_128 = tpu.memref_slice %arg3[%dma_wait3A_127, %add3A_4, %mul3A_114] : memref<3x64x24736xi32, #tpu.memory_space<hbm>> -> memref<3x1x4096xi32, #tpu.memory_space<hbm>>
      tpu.wait_dma2 semaphore(%arg8 : memref<!tpu.dma_semaphore, #tpu.memory_space<semaphore_mem>>) src(%dma_wait3A_128 : memref<3x1x4096xi32, #tpu.memory_space<hbm>>) dst(%dma_wait3A_126 : memref<3x1x4096xi32, #tpu.memory_space<vmem>>)
      %lt3A_129 = arith.constant 5 : i32
      %lt3A_130 = arith.cmpi slt, %scan3A_103, %lt3A_129 : i32
      %convert_element_type3A = arith.extui %lt3A_130 : i1 to i32
      %cond3A = arith.constant 0 : i32
      %cond3A_131 = arith.cmpi ne, %convert_element_type3A, %cond3A : i32
      scf.if %cond3A_131 {
        %add3A_145 = arith.constant 1 : i32
        %add3A_146 = arith.addi %scan3A_103, %add3A_145 : i32
        %mul3A_147 = arith.constant 4096 : i32
        %mul3A_148 = arith.muli %add3A_146, %mul3A_147 : i32
        %sub3A = arith.constant 1 : i32
        %sub3A_149 = arith.subi %sub3A, %select_n3A_112 : i32
        %dma_start3A_150 = arith.constant 0 : i32
        %dma_start3A_151 = arith.constant 0 : i32
        %dma_start3A_152 = arith.constant 0 : i32
        %dma_start3A_153 = tpu.memref_slice %arg6[%sub3A_149, %dma_start3A_150, %dma_start3A_151, %dma_start3A_152] : memref<2x3x1x4096xi32, #tpu.memory_space<vmem>> -> memref<1x3x1x4096xi32, #tpu.memory_space<vmem>>
        %dma_start3A_154 = tpu.memref_squeeze %dma_start3A_153 : memref<1x3x1x4096xi32, #tpu.memory_space<vmem>> -> memref<3x1x4096xi32, #tpu.memory_space<vmem>>
        %dma_start3A_155 = arith.constant 0 : i32
        %dma_start3A_156 = tpu.memref_slice %arg3[%dma_start3A_155, %add3A_4, %mul3A_148] : memref<3x64x24736xi32, #tpu.memory_space<hbm>> -> memref<3x1x4096xi32, #tpu.memory_space<hbm>>
        %dma_start3A_157 = arith.constant 0 : i32
        %dma_start3A_158 = arith.constant 0 : i32
        %dma_start3A_159 = arith.constant 0 : i32
        %dma_start3A_160 = tpu.memref_slice %arg6[%sub3A_149, %dma_start3A_157, %dma_start3A_158, %dma_start3A_159] : memref<2x3x1x4096xi32, #tpu.memory_space<vmem>> -> memref<1x3x1x4096xi32, #tpu.memory_space<vmem>>
        %dma_start3A_161 = tpu.memref_squeeze %dma_start3A_160 : memref<1x3x1x4096xi32, #tpu.memory_space<vmem>> -> memref<3x1x4096xi32, #tpu.memory_space<vmem>>
        %dma_start3A_162 = arith.constant 0 : i32
        %dma_start3A_163 = tpu.memref_slice %arg3[%dma_start3A_162, %add3A_4, %mul3A_148] : memref<3x64x24736xi32, #tpu.memory_space<hbm>> -> memref<3x1x4096xi32, #tpu.memory_space<hbm>>
        tpu.enqueue_dma source(%dma_start3A_163 : memref<3x1x4096xi32, #tpu.memory_space<hbm>>) target(%dma_start3A_161 : memref<3x1x4096xi32, #tpu.memory_space<vmem>>) target_semaphore(%arg8 : memref<!tpu.dma_semaphore, #tpu.memory_space<semaphore_mem>>)
      } else {
      }
      %eq3A_132 = arith.constant 5 : i32
      %eq3A_133 = arith.cmpi eq, %scan3A_103, %eq3A_132 : i32
      %convert_element_type3A_134 = arith.extui %eq3A_133 : i1 to i32
      %cond3A_135 = arith.constant 0 : i32
      %cond3A_136 = arith.cmpi ne, %convert_element_type3A_134, %cond3A_135 : i32
      scf.if %cond3A_136 {
        %sub3A = arith.constant 1 : i32
        %sub3A_145 = arith.subi %sub3A, %select_n3A_112 : i32
        %dma_start3A_146 = arith.constant 0 : i32
        %dma_start3A_147 = arith.constant 0 : i32
        %dma_start3A_148 = arith.constant 0 : i32
        %dma_start3A_149 = tpu.memref_slice %arg6[%sub3A_145, %dma_start3A_146, %dma_start3A_147, %dma_start3A_148] : memref<2x3x1x4096xi32, #tpu.memory_space<vmem>> -> memref<1x3x1x160xi32, #tpu.memory_space<vmem>>
        %dma_start3A_150 = tpu.memref_squeeze %dma_start3A_149 : memref<1x3x1x160xi32, #tpu.memory_space<vmem>> -> memref<3x1x160xi32, #tpu.memory_space<vmem>>
        %dma_start3A_151 = arith.constant 0 : i32
        %dma_start3A_152 = arith.constant 24576 : i32
        %dma_start3A_153 = tpu.memref_slice %arg3[%dma_start3A_151, %add3A_4, %dma_start3A_152] : memref<3x64x24736xi32, #tpu.memory_space<hbm>> -> memref<3x1x160xi32, #tpu.memory_space<hbm>>
        %dma_start3A_154 = arith.constant 0 : i32
        %dma_start3A_155 = arith.constant 0 : i32
        %dma_start3A_156 = arith.constant 0 : i32
        %dma_start3A_157 = tpu.memref_slice %arg6[%sub3A_145, %dma_start3A_154, %dma_start3A_155, %dma_start3A_156] : memref<2x3x1x4096xi32, #tpu.memory_space<vmem>> -> memref<1x3x1x160xi32, #tpu.memory_space<vmem>>
        %dma_start3A_158 = tpu.memref_squeeze %dma_start3A_157 : memref<1x3x1x160xi32, #tpu.memory_space<vmem>> -> memref<3x1x160xi32, #tpu.memory_space<vmem>>
        %dma_start3A_159 = arith.constant 0 : i32
        %dma_start3A_160 = arith.constant 24576 : i32
        %dma_start3A_161 = tpu.memref_slice %arg3[%dma_start3A_159, %add3A_4, %dma_start3A_160] : memref<3x64x24736xi32, #tpu.memory_space<hbm>> -> memref<3x1x160xi32, #tpu.memory_space<hbm>>
        tpu.enqueue_dma source(%dma_start3A_161 : memref<3x1x160xi32, #tpu.memory_space<hbm>>) target(%dma_start3A_158 : memref<3x1x160xi32, #tpu.memory_space<vmem>>) target_semaphore(%arg8 : memref<!tpu.dma_semaphore, #tpu.memory_space<semaphore_mem>>)
      } else {
      }
      %mul3A_137 = arith.constant 4096 : i32
      %mul3A_138 = arith.muli %scan3A_103, %mul3A_137 : i32
      %scan3A_139 = arith.constant 0 : i32
      %scan3A_140 = arith.constant 0 : i32
      %scan3A_141 = arith.constant 256 : i32
      %scan3A_142 = arith.addi %scan3A_140, %scan3A_141 : i32
      %scan3A_143 = arith.constant 1 : i32
      scf.for %scan3A_145 = %scan3A_140 to %scan3A_142 step %scan3A_143  : i32 {
        %mul3A_146 = arith.constant 16 : i32
        %mul3A_147 = arith.muli %scan3A_145, %mul3A_146 : i32
        %get3A = arith.constant 0 : i32
        %get3A_148 = arith.constant 0 : i32
        %get3A_149 = arith.index_cast %select_n3A_112 : i32 to index
        %get3A_150 = arith.index_cast %get3A : i32 to index
        %get3A_151 = arith.index_cast %get3A_148 : i32 to index
        %get3A_152 = arith.index_cast %mul3A_147 : i32 to index
        %get3A_153 = tpu.vector_load %arg6[%get3A_149, %get3A_150, %get3A_151, %get3A_152] {strides = array<i32>} : memref<2x3x1x4096xi32, #tpu.memory_space<vmem>>, vector<16xi32>,
        %get3A_154 = arith.constant 1 : i32
        %get3A_155 = arith.constant 0 : i32
        %get3A_156 = arith.index_cast %select_n3A_112 : i32 to index
        %get3A_157 = arith.index_cast %get3A_154 : i32 to index
        %get3A_158 = arith.index_cast %get3A_155 : i32 to index
        %get3A_159 = arith.index_cast %mul3A_147 : i32 to index
        %get3A_160 = tpu.vector_load %arg6[%get3A_156, %get3A_157, %get3A_158, %get3A_159] {strides = array<i32>} : memref<2x3x1x4096xi32, #tpu.memory_space<vmem>>, vector<16xi32>,
        %get3A_161 = arith.constant 2 : i32
        %get3A_162 = arith.constant 0 : i32
        %get3A_163 = arith.index_cast %select_n3A_112 : i32 to index
        %get3A_164 = arith.index_cast %get3A_161 : i32 to index
        %get3A_165 = arith.index_cast %get3A_162 : i32 to index
        %get3A_166 = arith.index_cast %mul3A_147 : i32 to index
        %get3A_167 = tpu.vector_load %arg6[%get3A_163, %get3A_164, %get3A_165, %get3A_166] {strides = array<i32>} : memref<2x3x1x4096xi32, #tpu.memory_space<vmem>>, vector<16xi32>,
        %gather3A = arith.constant 0 : i32
        %gather3A_168 = arith.constant 0 : i32
        %gather3A_169 = tpu.memref_slice %arg5[%gather3A, %gather3A_168] : memref<1x50000xf32, #tpu.memory_space<vmem>> -> memref<1x50000xf32, #tpu.memory_space<vmem>>
        %gather3A_170 = tpu.memref_squeeze %gather3A_169 : memref<1x50000xf32, #tpu.memory_space<vmem>> -> memref<50000xf32, #tpu.memory_space<vmem>>
        %gather3A_171 = tpu.vector_load_idx %gather3A_170[%get3A_153] : memref<50000xf32, #tpu.memory_space<vmem>>[vector<16xi32>], vector<16xf32>,
        %gather3A_172 = arith.constant 0 : i32
        %gather3A_173 = arith.constant 0 : i32
        %gather3A_174 = tpu.memref_slice %arg5[%gather3A_172, %gather3A_173] : memref<1x50000xf32, #tpu.memory_space<vmem>> -> memref<1x50000xf32, #tpu.memory_space<vmem>>
        %gather3A_175 = tpu.memref_squeeze %gather3A_174 : memref<1x50000xf32, #tpu.memory_space<vmem>> -> memref<50000xf32, #tpu.memory_space<vmem>>
        %gather3A_176 = tpu.vector_load_idx %gather3A_175[%get3A_160] : memref<50000xf32, #tpu.memory_space<vmem>>[vector<16xi32>], vector<16xf32>,
        %gather3A_177 = arith.constant 0 : i32
        %gather3A_178 = arith.constant 0 : i32
        %gather3A_179 = tpu.memref_slice %arg5[%gather3A_177, %gather3A_178] : memref<1x50000xf32, #tpu.memory_space<vmem>> -> memref<1x50000xf32, #tpu.memory_space<vmem>>
        %gather3A_180 = tpu.memref_squeeze %gather3A_179 : memref<1x50000xf32, #tpu.memory_space<vmem>> -> memref<50000xf32, #tpu.memory_space<vmem>>
        %gather3A_181 = tpu.vector_load_idx %gather3A_180[%get3A_167] : memref<50000xf32, #tpu.memory_space<vmem>>[vector<16xi32>], vector<16xf32>,
        %max3A = arith.maximumf %gather3A_171, %gather3A_176 : vector<16xf32>
        %max3A_182 = arith.maximumf %max3A, %gather3A_181 : vector<16xf32>
        %sub3A = arith.constant 1.000000e+00 : f32
        %sub3A_183 = vector.broadcast %sub3A : f32 to vector<16xf32>
        %sub3A_184 = arith.subf %sub3A_183, %max3A_182 : vector<16xf32>
        %mul3A_185 = arith.constant 5.000000e-01 : f32
        %mul3A_186 = vector.broadcast %mul3A_185 : f32 to vector<16xf32>
        %mul3A_187 = arith.mulf %sub3A_184, %mul3A_186 : vector<16xf32>
        %swap3A = arith.constant 0 : i32
        %swap3A_188 = arith.index_cast %swap3A : i32 to index
        %swap3A_189 = arith.index_cast %mul3A_147 : i32 to index
        %swap3A_190 = tpu.vector_load %arg7[%swap3A_188, %swap3A_189] {strides = array<i32>} : memref<1x4096xf32, #tpu.memory_space<vmem>>, vector<16xf32>,
        tpu.vector_store %arg7[%swap3A_188, %swap3A_189], %mul3A_187 {strides = array<i32>} : memref<1x4096xf32, #tpu.memory_space<vmem>>, vector<16xf32>,
      }
      %scan3A_144 = arith.constant 256 : i32
      "tpu.region"() ({
        %run_scoped3A_145 = tpu.sem_alloc : memref<!tpu.dma_semaphore, #tpu.memory_space<semaphore_mem>>
        %dma_start3A_146 = arith.constant 0 : i32
        %dma_start3A_147 = arith.constant 0 : i32
        %dma_start3A_148 = tpu.memref_slice %arg7[%dma_start3A_146, %dma_start3A_147] : memref<1x4096xf32, #tpu.memory_space<vmem>> -> memref<1x4096xf32, #tpu.memory_space<vmem>>
        %dma_start3A_149 = tpu.memref_slice %arg4[%add3A_4, %mul3A_138] : memref<64x24736xf32, #tpu.memory_space<hbm>> -> memref<1x4096xf32, #tpu.memory_space<hbm>>
        %dma_start3A_150 = tpu.memref_slice %arg4[%add3A_4, %mul3A_138] : memref<64x24736xf32, #tpu.memory_space<hbm>> -> memref<1x4096xf32, #tpu.memory_space<hbm>>
        %dma_start3A_151 = arith.constant 0 : i32
        %dma_start3A_152 = arith.constant 0 : i32
        %dma_start3A_153 = tpu.memref_slice %arg7[%dma_start3A_151, %dma_start3A_152] : memref<1x4096xf32, #tpu.memory_space<vmem>> -> memref<1x4096xf32, #tpu.memory_space<vmem>>
        tpu.enqueue_dma source(%dma_start3A_153 : memref<1x4096xf32, #tpu.memory_space<vmem>>) target(%dma_start3A_150 : memref<1x4096xf32, #tpu.memory_space<hbm>>) target_semaphore(%run_scoped3A_145 : memref<!tpu.dma_semaphore, #tpu.memory_space<semaphore_mem>>)
        %dma_wait3A_154 = arith.constant 0 : i32
        %dma_wait3A_155 = arith.constant 0 : i32
        %dma_wait3A_156 = tpu.memref_slice %arg7[%dma_wait3A_154, %dma_wait3A_155] : memref<1x4096xf32, #tpu.memory_space<vmem>> -> memref<1x4096xf32, #tpu.memory_space<vmem>>
        %dma_wait3A_157 = tpu.memref_slice %arg4[%add3A_4, %mul3A_138] : memref<64x24736xf32, #tpu.memory_space<hbm>> -> memref<1x4096xf32, #tpu.memory_space<hbm>>
        %dma_wait3A_158 = tpu.memref_slice %arg4[%add3A_4, %mul3A_138] : memref<64x24736xf32, #tpu.memory_space<hbm>> -> memref<1x4096xf32, #tpu.memory_space<hbm>>
        %dma_wait3A_159 = arith.constant 0 : i32
        %dma_wait3A_160 = arith.constant 0 : i32
        %dma_wait3A_161 = tpu.memref_slice %arg7[%dma_wait3A_159, %dma_wait3A_160] : memref<1x4096xf32, #tpu.memory_space<vmem>> -> memref<1x4096xf32, #tpu.memory_space<vmem>>
        tpu.wait_dma2 semaphore(%run_scoped3A_145 : memref<!tpu.dma_semaphore, #tpu.memory_space<semaphore_mem>>) src(%dma_wait3A_161 : memref<1x4096xf32, #tpu.memory_space<vmem>>) dst(%dma_wait3A_158 : memref<1x4096xf32, #tpu.memory_space<hbm>>)
        tpu.yield
      }) : () -> ()
    }
    %scan3A_27 = arith.constant 6 : i32
    %dma_wait3A = arith.constant 0 : i32
    %dma_wait3A_28 = arith.constant 0 : i32
    %dma_wait3A_29 = arith.constant 0 : i32
    %dma_wait3A_30 = arith.constant 0 : i32
    %dma_wait3A_31 = tpu.memref_slice %arg6[%dma_wait3A, %dma_wait3A_28, %dma_wait3A_29, %dma_wait3A_30] : memref<2x3x1x4096xi32, #tpu.memory_space<vmem>> -> memref<1x3x1x160xi32, #tpu.memory_space<vmem>>
    %dma_wait3A_32 = tpu.memref_squeeze %dma_wait3A_31 : memref<1x3x1x160xi32, #tpu.memory_space<vmem>> -> memref<3x1x160xi32, #tpu.memory_space<vmem>>
    %dma_wait3A_33 = arith.constant 0 : i32
    %dma_wait3A_34 = arith.constant 24576 : i32
    %dma_wait3A_35 = tpu.memref_slice %arg3[%dma_wait3A_33, %add3A_4, %dma_wait3A_34] : memref<3x64x24736xi32, #tpu.memory_space<hbm>> -> memref<3x1x160xi32, #tpu.memory_space<hbm>>
    %dma_wait3A_36 = arith.constant 0 : i32
    %dma_wait3A_37 = arith.constant 0 : i32
    %dma_wait3A_38 = arith.constant 0 : i32
    %dma_wait3A_39 = tpu.memref_slice %arg6[%dma_wait3A, %dma_wait3A_36, %dma_wait3A_37, %dma_wait3A_38] : memref<2x3x1x4096xi32, #tpu.memory_space<vmem>> -> memref<1x3x1x160xi32, #tpu.memory_space<vmem>>
    %dma_wait3A_40 = tpu.memref_squeeze %dma_wait3A_39 : memref<1x3x1x160xi32, #tpu.memory_space<vmem>> -> memref<3x1x160xi32, #tpu.memory_space<vmem>>
    %dma_wait3A_41 = arith.constant 0 : i32
    %dma_wait3A_42 = arith.constant 24576 : i32
    %dma_wait3A_43 = tpu.memref_slice %arg3[%dma_wait3A_41, %add3A_4, %dma_wait3A_42] : memref<3x64x24736xi32, #tpu.memory_space<hbm>> -> memref<3x1x160xi32, #tpu.memory_space<hbm>>
    tpu.wait_dma2 semaphore(%arg8 : memref<!tpu.dma_semaphore, #tpu.memory_space<semaphore_mem>>) src(%dma_wait3A_43 : memref<3x1x160xi32, #tpu.memory_space<hbm>>) dst(%dma_wait3A_40 : memref<3x1x160xi32, #tpu.memory_space<vmem>>)
    %scan3A_44 = arith.constant 0 : i32
    %scan3A_45 = arith.constant 0 : i32
    %scan3A_46 = arith.constant 10 : i32
    %scan3A_47 = arith.addi %scan3A_45, %scan3A_46 : i32
    %scan3A_48 = arith.constant 1 : i32
    scf.for %scan3A_103 = %scan3A_45 to %scan3A_47 step %scan3A_48  : i32 {
      %mul3A_104 = arith.constant 16 : i32
      %mul3A_105 = arith.muli %scan3A_103, %mul3A_104 : i32
      %get3A = arith.constant 0 : i32
      %get3A_106 = arith.constant 0 : i32
      %get3A_107 = arith.constant 0 : i32
      %get3A_108 = arith.index_cast %get3A : i32 to index
      %get3A_109 = arith.index_cast %get3A_106 : i32 to index
      %get3A_110 = arith.index_cast %get3A_107 : i32 to index
      %get3A_111 = arith.index_cast %mul3A_105 : i32 to index
      %get3A_112 = tpu.vector_load %arg6[%get3A_108, %get3A_109, %get3A_110, %get3A_111] {strides = array<i32>} : memref<2x3x1x4096xi32, #tpu.memory_space<vmem>>, vector<16xi32>,
      %get3A_113 = arith.constant 0 : i32
      %get3A_114 = arith.constant 1 : i32
      %get3A_115 = arith.constant 0 : i32
      %get3A_116 = arith.index_cast %get3A_113 : i32 to index
      %get3A_117 = arith.index_cast %get3A_114 : i32 to index
      %get3A_118 = arith.index_cast %get3A_115 : i32 to index
      %get3A_119 = arith.index_cast %mul3A_105 : i32 to index
      %get3A_120 = tpu.vector_load %arg6[%get3A_116, %get3A_117, %get3A_118, %get3A_119] {strides = array<i32>} : memref<2x3x1x4096xi32, #tpu.memory_space<vmem>>, vector<16xi32>,
      %get3A_121 = arith.constant 0 : i32
      %get3A_122 = arith.constant 2 : i32
      %get3A_123 = arith.constant 0 : i32
      %get3A_124 = arith.index_cast %get3A_121 : i32 to index
      %get3A_125 = arith.index_cast %get3A_122 : i32 to index
      %get3A_126 = arith.index_cast %get3A_123 : i32 to index
      %get3A_127 = arith.index_cast %mul3A_105 : i32 to index
      %get3A_128 = tpu.vector_load %arg6[%get3A_124, %get3A_125, %get3A_126, %get3A_127] {strides = array<i32>} : memref<2x3x1x4096xi32, #tpu.memory_space<vmem>>, vector<16xi32>,
      %gather3A = arith.constant 0 : i32
      %gather3A_129 = arith.constant 0 : i32
      %gather3A_130 = tpu.memref_slice %arg5[%gather3A, %gather3A_129] : memref<1x50000xf32, #tpu.memory_space<vmem>> -> memref<1x50000xf32, #tpu.memory_space<vmem>>
      %gather3A_131 = tpu.memref_squeeze %gather3A_130 : memref<1x50000xf32, #tpu.memory_space<vmem>> -> memref<50000xf32, #tpu.memory_space<vmem>>
      %gather3A_132 = tpu.vector_load_idx %gather3A_131[%get3A_112] : memref<50000xf32, #tpu.memory_space<vmem>>[vector<16xi32>], vector<16xf32>,
      %gather3A_133 = arith.constant 0 : i32
      %gather3A_134 = arith.constant 0 : i32
      %gather3A_135 = tpu.memref_slice %arg5[%gather3A_133, %gather3A_134] : memref<1x50000xf32, #tpu.memory_space<vmem>> -> memref<1x50000xf32, #tpu.memory_space<vmem>>
      %gather3A_136 = tpu.memref_squeeze %gather3A_135 : memref<1x50000xf32, #tpu.memory_space<vmem>> -> memref<50000xf32, #tpu.memory_space<vmem>>
      %gather3A_137 = tpu.vector_load_idx %gather3A_136[%get3A_120] : memref<50000xf32, #tpu.memory_space<vmem>>[vector<16xi32>], vector<16xf32>,
      %gather3A_138 = arith.constant 0 : i32
      %gather3A_139 = arith.constant 0 : i32
      %gather3A_140 = tpu.memref_slice %arg5[%gather3A_138, %gather3A_139] : memref<1x50000xf32, #tpu.memory_space<vmem>> -> memref<1x50000xf32, #tpu.memory_space<vmem>>
      %gather3A_141 = tpu.memref_squeeze %gather3A_140 : memref<1x50000xf32, #tpu.memory_space<vmem>> -> memref<50000xf32, #tpu.memory_space<vmem>>
      %gather3A_142 = tpu.vector_load_idx %gather3A_141[%get3A_128] : memref<50000xf32, #tpu.memory_space<vmem>>[vector<16xi32>], vector<16xf32>,
      %max3A = arith.maximumf %gather3A_132, %gather3A_137 : vector<16xf32>
      %max3A_143 = arith.maximumf %max3A, %gather3A_142 : vector<16xf32>
      %sub3A = arith.constant 1.000000e+00 : f32
      %sub3A_144 = vector.broadcast %sub3A : f32 to vector<16xf32>
      %sub3A_145 = arith.subf %sub3A_144, %max3A_143 : vector<16xf32>
      %mul3A_146 = arith.constant 5.000000e-01 : f32
      %mul3A_147 = vector.broadcast %mul3A_146 : f32 to vector<16xf32>
      %mul3A_148 = arith.mulf %sub3A_145, %mul3A_147 : vector<16xf32>
      %swap3A = arith.constant 0 : i32
      %swap3A_149 = arith.index_cast %swap3A : i32 to index
      %swap3A_150 = arith.index_cast %mul3A_105 : i32 to index
      %swap3A_151 = tpu.vector_load %arg7[%swap3A_149, %swap3A_150] {strides = array<i32>} : memref<1x4096xf32, #tpu.memory_space<vmem>>, vector<16xf32>,
      tpu.vector_store %arg7[%swap3A_149, %swap3A_150], %mul3A_148 {strides = array<i32>} : memref<1x4096xf32, #tpu.memory_space<vmem>>, vector<16xf32>,
    }
    %scan3A_49 = arith.constant 10 : i32
    "tpu.region"() ({
      %run_scoped3A_103 = tpu.sem_alloc : memref<!tpu.dma_semaphore, #tpu.memory_space<semaphore_mem>>
      %dma_start3A_104 = arith.constant 0 : i32
      %dma_start3A_105 = arith.constant 0 : i32
      %dma_start3A_106 = tpu.memref_slice %arg7[%dma_start3A_104, %dma_start3A_105] : memref<1x4096xf32, #tpu.memory_space<vmem>> -> memref<1x160xf32, #tpu.memory_space<vmem>>
      %dma_start3A_107 = arith.constant 24576 : i32
      %dma_start3A_108 = tpu.memref_slice %arg4[%add3A_4, %dma_start3A_107] : memref<64x24736xf32, #tpu.memory_space<hbm>> -> memref<1x160xf32, #tpu.memory_space<hbm>>
      %dma_start3A_109 = arith.constant 24576 : i32
      %dma_start3A_110 = tpu.memref_slice %arg4[%add3A_4, %dma_start3A_109] : memref<64x24736xf32, #tpu.memory_space<hbm>> -> memref<1x160xf32, #tpu.memory_space<hbm>>
      %dma_start3A_111 = arith.constant 0 : i32
      %dma_start3A_112 = arith.constant 0 : i32
      %dma_start3A_113 = tpu.memref_slice %arg7[%dma_start3A_111, %dma_start3A_112] : memref<1x4096xf32, #tpu.memory_space<vmem>> -> memref<1x160xf32, #tpu.memory_space<vmem>>
      tpu.enqueue_dma source(%dma_start3A_113 : memref<1x160xf32, #tpu.memory_space<vmem>>) target(%dma_start3A_110 : memref<1x160xf32, #tpu.memory_space<hbm>>) target_semaphore(%run_scoped3A_103 : memref<!tpu.dma_semaphore, #tpu.memory_space<semaphore_mem>>)
      %dma_wait3A_114 = arith.constant 0 : i32
      %dma_wait3A_115 = arith.constant 0 : i32
      %dma_wait3A_116 = tpu.memref_slice %arg7[%dma_wait3A_114, %dma_wait3A_115] : memref<1x4096xf32, #tpu.memory_space<vmem>> -> memref<1x160xf32, #tpu.memory_space<vmem>>
      %dma_wait3A_117 = arith.constant 24576 : i32
      %dma_wait3A_118 = tpu.memref_slice %arg4[%add3A_4, %dma_wait3A_117] : memref<64x24736xf32, #tpu.memory_space<hbm>> -> memref<1x160xf32, #tpu.memory_space<hbm>>
      %dma_wait3A_119 = arith.constant 24576 : i32
      %dma_wait3A_120 = tpu.memref_slice %arg4[%add3A_4, %dma_wait3A_119] : memref<64x24736xf32, #tpu.memory_space<hbm>> -> memref<1x160xf32, #tpu.memory_space<hbm>>
      %dma_wait3A_121 = arith.constant 0 : i32
      %dma_wait3A_122 = arith.constant 0 : i32
      %dma_wait3A_123 = tpu.memref_slice %arg7[%dma_wait3A_121, %dma_wait3A_122] : memref<1x4096xf32, #tpu.memory_space<vmem>> -> memref<1x160xf32, #tpu.memory_space<vmem>>
      tpu.wait_dma2 semaphore(%run_scoped3A_103 : memref<!tpu.dma_semaphore, #tpu.memory_space<semaphore_mem>>) src(%dma_wait3A_123 : memref<1x160xf32, #tpu.memory_space<vmem>>) dst(%dma_wait3A_120 : memref<1x160xf32, #tpu.memory_space<hbm>>)
      tpu.yield
    }) : () -> ()
    %mul3A_50 = arith.constant 2 : i32
    %mul3A_51 = arith.muli %add3A, %mul3A_50 : i32
    %add3A_52 = arith.constant 1 : i32
    %add3A_53 = arith.addi %mul3A_51, %add3A_52 : i32
    %mul3A_54 = arith.constant 50000 : i32
    %mul3A_55 = arith.muli %add3A_53, %mul3A_54 : i32
    %run_scoped3A_56 = arith.constant 0 : i32
    "tpu.region"() ({
      %run_scoped3A_103 = tpu.sem_alloc : memref<!tpu.dma_semaphore, #tpu.memory_space<semaphore_mem>>
      %dma_start3A_104 = arith.constant 0 : i32
      %dma_start3A_105 = tpu.memref_slice %arg5[%run_scoped3A_56, %dma_start3A_104] : memref<1x50000xf32, #tpu.memory_space<vmem>> -> memref<1x50000xf32, #tpu.memory_space<vmem>>
      %dma_start3A_106 = tpu.memref_squeeze %dma_start3A_105 : memref<1x50000xf32, #tpu.memory_space<vmem>> -> memref<50000xf32, #tpu.memory_space<vmem>>
      %dma_start3A_107 = tpu.memref_slice %arg2[%mul3A_55] : memref<3200000xf32, #tpu.memory_space<hbm>> -> memref<50000xf32, #tpu.memory_space<hbm>>
      %dma_start3A_108 = arith.constant 0 : i32
      %dma_start3A_109 = tpu.memref_slice %arg5[%run_scoped3A_56, %dma_start3A_108] : memref<1x50000xf32, #tpu.memory_space<vmem>> -> memref<1x50000xf32, #tpu.memory_space<vmem>>
      %dma_start3A_110 = tpu.memref_squeeze %dma_start3A_109 : memref<1x50000xf32, #tpu.memory_space<vmem>> -> memref<50000xf32, #tpu.memory_space<vmem>>
      %dma_start3A_111 = tpu.memref_slice %arg2[%mul3A_55] : memref<3200000xf32, #tpu.memory_space<hbm>> -> memref<50000xf32, #tpu.memory_space<hbm>>
      tpu.enqueue_dma source(%dma_start3A_111 : memref<50000xf32, #tpu.memory_space<hbm>>) target(%dma_start3A_110 : memref<50000xf32, #tpu.memory_space<vmem>>) target_semaphore(%run_scoped3A_103 : memref<!tpu.dma_semaphore, #tpu.memory_space<semaphore_mem>>)
      %dma_wait3A_112 = arith.constant 0 : i32
      %dma_wait3A_113 = tpu.memref_slice %arg5[%run_scoped3A_56, %dma_wait3A_112] : memref<1x50000xf32, #tpu.memory_space<vmem>> -> memref<1x50000xf32, #tpu.memory_space<vmem>>
      %dma_wait3A_114 = tpu.memref_squeeze %dma_wait3A_113 : memref<1x50000xf32, #tpu.memory_space<vmem>> -> memref<50000xf32, #tpu.memory_space<vmem>>
      %dma_wait3A_115 = tpu.memref_slice %arg2[%mul3A_55] : memref<3200000xf32, #tpu.memory_space<hbm>> -> memref<50000xf32, #tpu.memory_space<hbm>>
      %dma_wait3A_116 = arith.constant 0 : i32
      %dma_wait3A_117 = tpu.memref_slice %arg5[%run_scoped3A_56, %dma_wait3A_116] : memref<1x50000xf32, #tpu.memory_space<vmem>> -> memref<1x50000xf32, #tpu.memory_space<vmem>>
      %dma_wait3A_118 = tpu.memref_squeeze %dma_wait3A_117 : memref<1x50000xf32, #tpu.memory_space<vmem>> -> memref<50000xf32, #tpu.memory_space<vmem>>
      %dma_wait3A_119 = tpu.memref_slice %arg2[%mul3A_55] : memref<3200000xf32, #tpu.memory_space<hbm>> -> memref<50000xf32, #tpu.memory_space<hbm>>
      tpu.wait_dma2 semaphore(%run_scoped3A_103 : memref<!tpu.dma_semaphore, #tpu.memory_space<semaphore_mem>>) src(%dma_wait3A_119 : memref<50000xf32, #tpu.memory_space<hbm>>) dst(%dma_wait3A_118 : memref<50000xf32, #tpu.memory_space<vmem>>)
      tpu.yield
    }) : () -> ()
    %dma_start3A_57 = arith.constant 0 : i32
    %dma_start3A_58 = arith.constant 0 : i32
    %dma_start3A_59 = arith.constant 0 : i32
    %dma_start3A_60 = arith.constant 0 : i32
    %dma_start3A_61 = tpu.memref_slice %arg6[%dma_start3A_57, %dma_start3A_58, %dma_start3A_59, %dma_start3A_60] : memref<2x3x1x4096xi32, #tpu.memory_space<vmem>> -> memref<1x3x1x4096xi32, #tpu.memory_space<vmem>>
    %dma_start3A_62 = tpu.memref_squeeze %dma_start3A_61 : memref<1x3x1x4096xi32, #tpu.memory_space<vmem>> -> memref<3x1x4096xi32, #tpu.memory_space<vmem>>
    %dma_start3A_63 = arith.constant 0 : i32
    %dma_start3A_64 = arith.constant 0 : i32
    %dma_start3A_65 = tpu.memref_slice %arg3[%dma_start3A_63, %add3A_53, %dma_start3A_64] : memref<3x64x24736xi32, #tpu.memory_space<hbm>> -> memref<3x1x4096xi32, #tpu.memory_space<hbm>>
    %dma_start3A_66 = arith.constant 0 : i32
    %dma_start3A_67 = arith.constant 0 : i32
    %dma_start3A_68 = arith.constant 0 : i32
    %dma_start3A_69 = tpu.memref_slice %arg6[%dma_start3A_57, %dma_start3A_66, %dma_start3A_67, %dma_start3A_68] : memref<2x3x1x4096xi32, #tpu.memory_space<vmem>> -> memref<1x3x1x4096xi32, #tpu.memory_space<vmem>>
    %dma_start3A_70 = tpu.memref_squeeze %dma_start3A_69 : memref<1x3x1x4096xi32, #tpu.memory_space<vmem>> -> memref<3x1x4096xi32, #tpu.memory_space<vmem>>
    %dma_start3A_71 = arith.constant 0 : i32
    %dma_start3A_72 = arith.constant 0 : i32
    %dma_start3A_73 = tpu.memref_slice %arg3[%dma_start3A_71, %add3A_53, %dma_start3A_72] : memref<3x64x24736xi32, #tpu.memory_space<hbm>> -> memref<3x1x4096xi32, #tpu.memory_space<hbm>>
    tpu.enqueue_dma source(%dma_start3A_73 : memref<3x1x4096xi32, #tpu.memory_space<hbm>>) target(%dma_start3A_70 : memref<3x1x4096xi32, #tpu.memory_space<vmem>>) target_semaphore(%arg8 : memref<!tpu.dma_semaphore, #tpu.memory_space<semaphore_mem>>)
    %scan3A_74 = arith.constant 0 : i32
    %scan3A_75 = arith.constant 0 : i32
    %scan3A_76 = arith.constant 6 : i32
    %scan3A_77 = arith.addi %scan3A_75, %scan3A_76 : i32
    %scan3A_78 = arith.constant 1 : i32
    scf.for %scan3A_103 = %scan3A_75 to %scan3A_77 step %scan3A_78  : i32 {
      %jit3A = arith.constant 2 : i32
      %eq3A = arith.constant 0 : i32
      %eq3A_104 = arith.cmpi eq, %jit3A, %eq3A : i32
      %jit3A_105 = arith.constant 1 : i32
      %select_n3A = arith.select %eq3A_104, %jit3A_105, %jit3A : i32
      %rem3A = arith.remsi %scan3A_103, %select_n3A : i32
      %ne3A = arith.constant 0 : i32
      %ne3A_106 = arith.cmpi ne, %rem3A, %ne3A : i32
      %lt3A = arith.constant 0 : i32
      %lt3A_107 = arith.cmpi slt, %rem3A, %lt3A : i32
      %lt3A_108 = arith.constant 0 : i32
      %lt3A_109 = arith.cmpi slt, %select_n3A, %lt3A_108 : i32
      %ne3A_110 = arith.xori %lt3A_107, %lt3A_109 : i1
      %and3A = arith.andi %ne3A_110, %ne3A_106 : i1
      %add3A_111 = arith.addi %rem3A, %select_n3A : i32
      %select_n3A_112 = arith.select %and3A, %add3A_111, %rem3A : i32
      %mul3A_113 = arith.constant 4096 : i32
      %mul3A_114 = arith.muli %scan3A_103, %mul3A_113 : i32
      %dma_wait3A_115 = arith.constant 0 : i32
      %dma_wait3A_116 = arith.constant 0 : i32
      %dma_wait3A_117 = arith.constant 0 : i32
      %dma_wait3A_118 = tpu.memref_slice %arg6[%select_n3A_112, %dma_wait3A_115, %dma_wait3A_116, %dma_wait3A_117] : memref<2x3x1x4096xi32, #tpu.memory_space<vmem>> -> memref<1x3x1x4096xi32, #tpu.memory_space<vmem>>
      %dma_wait3A_119 = tpu.memref_squeeze %dma_wait3A_118 : memref<1x3x1x4096xi32, #tpu.memory_space<vmem>> -> memref<3x1x4096xi32, #tpu.memory_space<vmem>>
      %dma_wait3A_120 = arith.constant 0 : i32
      %dma_wait3A_121 = tpu.memref_slice %arg3[%dma_wait3A_120, %add3A_53, %mul3A_114] : memref<3x64x24736xi32, #tpu.memory_space<hbm>> -> memref<3x1x4096xi32, #tpu.memory_space<hbm>>
      %dma_wait3A_122 = arith.constant 0 : i32
      %dma_wait3A_123 = arith.constant 0 : i32
      %dma_wait3A_124 = arith.constant 0 : i32
      %dma_wait3A_125 = tpu.memref_slice %arg6[%select_n3A_112, %dma_wait3A_122, %dma_wait3A_123, %dma_wait3A_124] : memref<2x3x1x4096xi32, #tpu.memory_space<vmem>> -> memref<1x3x1x4096xi32, #tpu.memory_space<vmem>>
      %dma_wait3A_126 = tpu.memref_squeeze %dma_wait3A_125 : memref<1x3x1x4096xi32, #tpu.memory_space<vmem>> -> memref<3x1x4096xi32, #tpu.memory_space<vmem>>
      %dma_wait3A_127 = arith.constant 0 : i32
      %dma_wait3A_128 = tpu.memref_slice %arg3[%dma_wait3A_127, %add3A_53, %mul3A_114] : memref<3x64x24736xi32, #tpu.memory_space<hbm>> -> memref<3x1x4096xi32, #tpu.memory_space<hbm>>
      tpu.wait_dma2 semaphore(%arg8 : memref<!tpu.dma_semaphore, #tpu.memory_space<semaphore_mem>>) src(%dma_wait3A_128 : memref<3x1x4096xi32, #tpu.memory_space<hbm>>) dst(%dma_wait3A_126 : memref<3x1x4096xi32, #tpu.memory_space<vmem>>)
      %lt3A_129 = arith.constant 5 : i32
      %lt3A_130 = arith.cmpi slt, %scan3A_103, %lt3A_129 : i32
      %convert_element_type3A = arith.extui %lt3A_130 : i1 to i32
      %cond3A = arith.constant 0 : i32
      %cond3A_131 = arith.cmpi ne, %convert_element_type3A, %cond3A : i32
      scf.if %cond3A_131 {
        %add3A_145 = arith.constant 1 : i32
        %add3A_146 = arith.addi %scan3A_103, %add3A_145 : i32
        %mul3A_147 = arith.constant 4096 : i32
        %mul3A_148 = arith.muli %add3A_146, %mul3A_147 : i32
        %sub3A = arith.constant 1 : i32
        %sub3A_149 = arith.subi %sub3A, %select_n3A_112 : i32
        %dma_start3A_150 = arith.constant 0 : i32
        %dma_start3A_151 = arith.constant 0 : i32
        %dma_start3A_152 = arith.constant 0 : i32
        %dma_start3A_153 = tpu.memref_slice %arg6[%sub3A_149, %dma_start3A_150, %dma_start3A_151, %dma_start3A_152] : memref<2x3x1x4096xi32, #tpu.memory_space<vmem>> -> memref<1x3x1x4096xi32, #tpu.memory_space<vmem>>
        %dma_start3A_154 = tpu.memref_squeeze %dma_start3A_153 : memref<1x3x1x4096xi32, #tpu.memory_space<vmem>> -> memref<3x1x4096xi32, #tpu.memory_space<vmem>>
        %dma_start3A_155 = arith.constant 0 : i32
        %dma_start3A_156 = tpu.memref_slice %arg3[%dma_start3A_155, %add3A_53, %mul3A_148] : memref<3x64x24736xi32, #tpu.memory_space<hbm>> -> memref<3x1x4096xi32, #tpu.memory_space<hbm>>
        %dma_start3A_157 = arith.constant 0 : i32
        %dma_start3A_158 = arith.constant 0 : i32
        %dma_start3A_159 = arith.constant 0 : i32
        %dma_start3A_160 = tpu.memref_slice %arg6[%sub3A_149, %dma_start3A_157, %dma_start3A_158, %dma_start3A_159] : memref<2x3x1x4096xi32, #tpu.memory_space<vmem>> -> memref<1x3x1x4096xi32, #tpu.memory_space<vmem>>
        %dma_start3A_161 = tpu.memref_squeeze %dma_start3A_160 : memref<1x3x1x4096xi32, #tpu.memory_space<vmem>> -> memref<3x1x4096xi32, #tpu.memory_space<vmem>>
        %dma_start3A_162 = arith.constant 0 : i32
        %dma_start3A_163 = tpu.memref_slice %arg3[%dma_start3A_162, %add3A_53, %mul3A_148] : memref<3x64x24736xi32, #tpu.memory_space<hbm>> -> memref<3x1x4096xi32, #tpu.memory_space<hbm>>
        tpu.enqueue_dma source(%dma_start3A_163 : memref<3x1x4096xi32, #tpu.memory_space<hbm>>) target(%dma_start3A_161 : memref<3x1x4096xi32, #tpu.memory_space<vmem>>) target_semaphore(%arg8 : memref<!tpu.dma_semaphore, #tpu.memory_space<semaphore_mem>>)
      } else {
      }
      %eq3A_132 = arith.constant 5 : i32
      %eq3A_133 = arith.cmpi eq, %scan3A_103, %eq3A_132 : i32
      %convert_element_type3A_134 = arith.extui %eq3A_133 : i1 to i32
      %cond3A_135 = arith.constant 0 : i32
      %cond3A_136 = arith.cmpi ne, %convert_element_type3A_134, %cond3A_135 : i32
      scf.if %cond3A_136 {
        %sub3A = arith.constant 1 : i32
        %sub3A_145 = arith.subi %sub3A, %select_n3A_112 : i32
        %dma_start3A_146 = arith.constant 0 : i32
        %dma_start3A_147 = arith.constant 0 : i32
        %dma_start3A_148 = arith.constant 0 : i32
        %dma_start3A_149 = tpu.memref_slice %arg6[%sub3A_145, %dma_start3A_146, %dma_start3A_147, %dma_start3A_148] : memref<2x3x1x4096xi32, #tpu.memory_space<vmem>> -> memref<1x3x1x160xi32, #tpu.memory_space<vmem>>
        %dma_start3A_150 = tpu.memref_squeeze %dma_start3A_149 : memref<1x3x1x160xi32, #tpu.memory_space<vmem>> -> memref<3x1x160xi32, #tpu.memory_space<vmem>>
        %dma_start3A_151 = arith.constant 0 : i32
        %dma_start3A_152 = arith.constant 24576 : i32
        %dma_start3A_153 = tpu.memref_slice %arg3[%dma_start3A_151, %add3A_53, %dma_start3A_152] : memref<3x64x24736xi32, #tpu.memory_space<hbm>> -> memref<3x1x160xi32, #tpu.memory_space<hbm>>
        %dma_start3A_154 = arith.constant 0 : i32
        %dma_start3A_155 = arith.constant 0 : i32
        %dma_start3A_156 = arith.constant 0 : i32
        %dma_start3A_157 = tpu.memref_slice %arg6[%sub3A_145, %dma_start3A_154, %dma_start3A_155, %dma_start3A_156] : memref<2x3x1x4096xi32, #tpu.memory_space<vmem>> -> memref<1x3x1x160xi32, #tpu.memory_space<vmem>>
        %dma_start3A_158 = tpu.memref_squeeze %dma_start3A_157 : memref<1x3x1x160xi32, #tpu.memory_space<vmem>> -> memref<3x1x160xi32, #tpu.memory_space<vmem>>
        %dma_start3A_159 = arith.constant 0 : i32
        %dma_start3A_160 = arith.constant 24576 : i32
        %dma_start3A_161 = tpu.memref_slice %arg3[%dma_start3A_159, %add3A_53, %dma_start3A_160] : memref<3x64x24736xi32, #tpu.memory_space<hbm>> -> memref<3x1x160xi32, #tpu.memory_space<hbm>>
        tpu.enqueue_dma source(%dma_start3A_161 : memref<3x1x160xi32, #tpu.memory_space<hbm>>) target(%dma_start3A_158 : memref<3x1x160xi32, #tpu.memory_space<vmem>>) target_semaphore(%arg8 : memref<!tpu.dma_semaphore, #tpu.memory_space<semaphore_mem>>)
      } else {
      }
      %mul3A_137 = arith.constant 4096 : i32
      %mul3A_138 = arith.muli %scan3A_103, %mul3A_137 : i32
      %scan3A_139 = arith.constant 0 : i32
      %scan3A_140 = arith.constant 0 : i32
      %scan3A_141 = arith.constant 256 : i32
      %scan3A_142 = arith.addi %scan3A_140, %scan3A_141 : i32
      %scan3A_143 = arith.constant 1 : i32
      scf.for %scan3A_145 = %scan3A_140 to %scan3A_142 step %scan3A_143  : i32 {
        %mul3A_146 = arith.constant 16 : i32
        %mul3A_147 = arith.muli %scan3A_145, %mul3A_146 : i32
        %get3A = arith.constant 0 : i32
        %get3A_148 = arith.constant 0 : i32
        %get3A_149 = arith.index_cast %select_n3A_112 : i32 to index
        %get3A_150 = arith.index_cast %get3A : i32 to index
        %get3A_151 = arith.index_cast %get3A_148 : i32 to index
        %get3A_152 = arith.index_cast %mul3A_147 : i32 to index
        %get3A_153 = tpu.vector_load %arg6[%get3A_149, %get3A_150, %get3A_151, %get3A_152] {strides = array<i32>} : memref<2x3x1x4096xi32, #tpu.memory_space<vmem>>, vector<16xi32>,
        %get3A_154 = arith.constant 1 : i32
        %get3A_155 = arith.constant 0 : i32
        %get3A_156 = arith.index_cast %select_n3A_112 : i32 to index
        %get3A_157 = arith.index_cast %get3A_154 : i32 to index
        %get3A_158 = arith.index_cast %get3A_155 : i32 to index
        %get3A_159 = arith.index_cast %mul3A_147 : i32 to index
        %get3A_160 = tpu.vector_load %arg6[%get3A_156, %get3A_157, %get3A_158, %get3A_159] {strides = array<i32>} : memref<2x3x1x4096xi32, #tpu.memory_space<vmem>>, vector<16xi32>,
        %get3A_161 = arith.constant 2 : i32
        %get3A_162 = arith.constant 0 : i32
        %get3A_163 = arith.index_cast %select_n3A_112 : i32 to index
        %get3A_164 = arith.index_cast %get3A_161 : i32 to index
        %get3A_165 = arith.index_cast %get3A_162 : i32 to index
        %get3A_166 = arith.index_cast %mul3A_147 : i32 to index
        %get3A_167 = tpu.vector_load %arg6[%get3A_163, %get3A_164, %get3A_165, %get3A_166] {strides = array<i32>} : memref<2x3x1x4096xi32, #tpu.memory_space<vmem>>, vector<16xi32>,
        %gather3A = arith.constant 0 : i32
        %gather3A_168 = arith.constant 0 : i32
        %gather3A_169 = tpu.memref_slice %arg5[%gather3A, %gather3A_168] : memref<1x50000xf32, #tpu.memory_space<vmem>> -> memref<1x50000xf32, #tpu.memory_space<vmem>>
        %gather3A_170 = tpu.memref_squeeze %gather3A_169 : memref<1x50000xf32, #tpu.memory_space<vmem>> -> memref<50000xf32, #tpu.memory_space<vmem>>
        %gather3A_171 = tpu.vector_load_idx %gather3A_170[%get3A_153] : memref<50000xf32, #tpu.memory_space<vmem>>[vector<16xi32>], vector<16xf32>,
        %gather3A_172 = arith.constant 0 : i32
        %gather3A_173 = arith.constant 0 : i32
        %gather3A_174 = tpu.memref_slice %arg5[%gather3A_172, %gather3A_173] : memref<1x50000xf32, #tpu.memory_space<vmem>> -> memref<1x50000xf32, #tpu.memory_space<vmem>>
        %gather3A_175 = tpu.memref_squeeze %gather3A_174 : memref<1x50000xf32, #tpu.memory_space<vmem>> -> memref<50000xf32, #tpu.memory_space<vmem>>
        %gather3A_176 = tpu.vector_load_idx %gather3A_175[%get3A_160] : memref<50000xf32, #tpu.memory_space<vmem>>[vector<16xi32>], vector<16xf32>,
        %gather3A_177 = arith.constant 0 : i32
        %gather3A_178 = arith.constant 0 : i32
        %gather3A_179 = tpu.memref_slice %arg5[%gather3A_177, %gather3A_178] : memref<1x50000xf32, #tpu.memory_space<vmem>> -> memref<1x50000xf32, #tpu.memory_space<vmem>>
        %gather3A_180 = tpu.memref_squeeze %gather3A_179 : memref<1x50000xf32, #tpu.memory_space<vmem>> -> memref<50000xf32, #tpu.memory_space<vmem>>
        %gather3A_181 = tpu.vector_load_idx %gather3A_180[%get3A_167] : memref<50000xf32, #tpu.memory_space<vmem>>[vector<16xi32>], vector<16xf32>,
        %max3A = arith.maximumf %gather3A_171, %gather3A_176 : vector<16xf32>
        %max3A_182 = arith.maximumf %max3A, %gather3A_181 : vector<16xf32>
        %sub3A = arith.constant 1.000000e+00 : f32
        %sub3A_183 = vector.broadcast %sub3A : f32 to vector<16xf32>
        %sub3A_184 = arith.subf %sub3A_183, %max3A_182 : vector<16xf32>
        %mul3A_185 = arith.constant 5.000000e-01 : f32
        %mul3A_186 = vector.broadcast %mul3A_185 : f32 to vector<16xf32>
        %mul3A_187 = arith.mulf %sub3A_184, %mul3A_186 : vector<16xf32>
        %swap3A = arith.constant 0 : i32
        %swap3A_188 = arith.index_cast %swap3A : i32 to index
        %swap3A_189 = arith.index_cast %mul3A_147 : i32 to index
        %swap3A_190 = tpu.vector_load %arg7[%swap3A_188, %swap3A_189] {strides = array<i32>} : memref<1x4096xf32, #tpu.memory_space<vmem>>, vector<16xf32>,
        tpu.vector_store %arg7[%swap3A_188, %swap3A_189], %mul3A_187 {strides = array<i32>} : memref<1x4096xf32, #tpu.memory_space<vmem>>, vector<16xf32>,
      }
      %scan3A_144 = arith.constant 256 : i32
      "tpu.region"() ({
        %run_scoped3A_145 = tpu.sem_alloc : memref<!tpu.dma_semaphore, #tpu.memory_space<semaphore_mem>>
        %dma_start3A_146 = arith.constant 0 : i32
        %dma_start3A_147 = arith.constant 0 : i32
        %dma_start3A_148 = tpu.memref_slice %arg7[%dma_start3A_146, %dma_start3A_147] : memref<1x4096xf32, #tpu.memory_space<vmem>> -> memref<1x4096xf32, #tpu.memory_space<vmem>>
        %dma_start3A_149 = tpu.memref_slice %arg4[%add3A_53, %mul3A_138] : memref<64x24736xf32, #tpu.memory_space<hbm>> -> memref<1x4096xf32, #tpu.memory_space<hbm>>
        %dma_start3A_150 = tpu.memref_slice %arg4[%add3A_53, %mul3A_138] : memref<64x24736xf32, #tpu.memory_space<hbm>> -> memref<1x4096xf32, #tpu.memory_space<hbm>>
        %dma_start3A_151 = arith.constant 0 : i32
        %dma_start3A_152 = arith.constant 0 : i32
        %dma_start3A_153 = tpu.memref_slice %arg7[%dma_start3A_151, %dma_start3A_152] : memref<1x4096xf32, #tpu.memory_space<vmem>> -> memref<1x4096xf32, #tpu.memory_space<vmem>>
        tpu.enqueue_dma source(%dma_start3A_153 : memref<1x4096xf32, #tpu.memory_space<vmem>>) target(%dma_start3A_150 : memref<1x4096xf32, #tpu.memory_space<hbm>>) target_semaphore(%run_scoped3A_145 : memref<!tpu.dma_semaphore, #tpu.memory_space<semaphore_mem>>)
        %dma_wait3A_154 = arith.constant 0 : i32
        %dma_wait3A_155 = arith.constant 0 : i32
        %dma_wait3A_156 = tpu.memref_slice %arg7[%dma_wait3A_154, %dma_wait3A_155] : memref<1x4096xf32, #tpu.memory_space<vmem>> -> memref<1x4096xf32, #tpu.memory_space<vmem>>
        %dma_wait3A_157 = tpu.memref_slice %arg4[%add3A_53, %mul3A_138] : memref<64x24736xf32, #tpu.memory_space<hbm>> -> memref<1x4096xf32, #tpu.memory_space<hbm>>
        %dma_wait3A_158 = tpu.memref_slice %arg4[%add3A_53, %mul3A_138] : memref<64x24736xf32, #tpu.memory_space<hbm>> -> memref<1x4096xf32, #tpu.memory_space<hbm>>
        %dma_wait3A_159 = arith.constant 0 : i32
        %dma_wait3A_160 = arith.constant 0 : i32
        %dma_wait3A_161 = tpu.memref_slice %arg7[%dma_wait3A_159, %dma_wait3A_160] : memref<1x4096xf32, #tpu.memory_space<vmem>> -> memref<1x4096xf32, #tpu.memory_space<vmem>>
        tpu.wait_dma2 semaphore(%run_scoped3A_145 : memref<!tpu.dma_semaphore, #tpu.memory_space<semaphore_mem>>) src(%dma_wait3A_161 : memref<1x4096xf32, #tpu.memory_space<vmem>>) dst(%dma_wait3A_158 : memref<1x4096xf32, #tpu.memory_space<hbm>>)
        tpu.yield
      }) : () -> ()
    }
    %scan3A_79 = arith.constant 6 : i32
    %dma_wait3A_80 = arith.constant 0 : i32
    %dma_wait3A_81 = arith.constant 0 : i32
    %dma_wait3A_82 = arith.constant 0 : i32
    %dma_wait3A_83 = arith.constant 0 : i32
    %dma_wait3A_84 = tpu.memref_slice %arg6[%dma_wait3A_80, %dma_wait3A_81, %dma_wait3A_82, %dma_wait3A_83] : memref<2x3x1x4096xi32, #tpu.memory_space<vmem>> -> memref<1x3x1x160xi32, #tpu.memory_space<vmem>>
    %dma_wait3A_85 = tpu.memref_squeeze %dma_wait3A_84 : memref<1x3x1x160xi32, #tpu.memory_space<vmem>> -> memref<3x1x160xi32, #tpu.memory_space<vmem>>
    %dma_wait3A_86 = arith.constant 0 : i32
    %dma_wait3A_87 = arith.constant 24576 : i32
    %dma_wait3A_88 = tpu.memref_slice %arg3[%dma_wait3A_86, %add3A_53, %dma_wait3A_87] : memref<3x64x24736xi32, #tpu.memory_space<hbm>> -> memref<3x1x160xi32, #tpu.memory_space<hbm>>
    %dma_wait3A_89 = arith.constant 0 : i32
    %dma_wait3A_90 = arith.constant 0 : i32
    %dma_wait3A_91 = arith.constant 0 : i32
    %dma_wait3A_92 = tpu.memref_slice %arg6[%dma_wait3A_80, %dma_wait3A_89, %dma_wait3A_90, %dma_wait3A_91] : memref<2x3x1x4096xi32, #tpu.memory_space<vmem>> -> memref<1x3x1x160xi32, #tpu.memory_space<vmem>>
    %dma_wait3A_93 = tpu.memref_squeeze %dma_wait3A_92 : memref<1x3x1x160xi32, #tpu.memory_space<vmem>> -> memref<3x1x160xi32, #tpu.memory_space<vmem>>
    %dma_wait3A_94 = arith.constant 0 : i32
    %dma_wait3A_95 = arith.constant 24576 : i32
    %dma_wait3A_96 = tpu.memref_slice %arg3[%dma_wait3A_94, %add3A_53, %dma_wait3A_95] : memref<3x64x24736xi32, #tpu.memory_space<hbm>> -> memref<3x1x160xi32, #tpu.memory_space<hbm>>
    tpu.wait_dma2 semaphore(%arg8 : memref<!tpu.dma_semaphore, #tpu.memory_space<semaphore_mem>>) src(%dma_wait3A_96 : memref<3x1x160xi32, #tpu.memory_space<hbm>>) dst(%dma_wait3A_93 : memref<3x1x160xi32, #tpu.memory_space<vmem>>)
    %scan3A_97 = arith.constant 0 : i32
    %scan3A_98 = arith.constant 0 : i32
    %scan3A_99 = arith.constant 10 : i32
    %scan3A_100 = arith.addi %scan3A_98, %scan3A_99 : i32
    %scan3A_101 = arith.constant 1 : i32
    scf.for %scan3A_103 = %scan3A_98 to %scan3A_100 step %scan3A_101  : i32 {
      %mul3A_104 = arith.constant 16 : i32
      %mul3A_105 = arith.muli %scan3A_103, %mul3A_104 : i32
      %get3A = arith.constant 0 : i32
      %get3A_106 = arith.constant 0 : i32
      %get3A_107 = arith.constant 0 : i32
      %get3A_108 = arith.index_cast %get3A : i32 to index
      %get3A_109 = arith.index_cast %get3A_106 : i32 to index
      %get3A_110 = arith.index_cast %get3A_107 : i32 to index
      %get3A_111 = arith.index_cast %mul3A_105 : i32 to index
      %get3A_112 = tpu.vector_load %arg6[%get3A_108, %get3A_109, %get3A_110, %get3A_111] {strides = array<i32>} : memref<2x3x1x4096xi32, #tpu.memory_space<vmem>>, vector<16xi32>,
      %get3A_113 = arith.constant 0 : i32
      %get3A_114 = arith.constant 1 : i32
      %get3A_115 = arith.constant 0 : i32
      %get3A_116 = arith.index_cast %get3A_113 : i32 to index
      %get3A_117 = arith.index_cast %get3A_114 : i32 to index
      %get3A_118 = arith.index_cast %get3A_115 : i32 to index
      %get3A_119 = arith.index_cast %mul3A_105 : i32 to index
      %get3A_120 = tpu.vector_load %arg6[%get3A_116, %get3A_117, %get3A_118, %get3A_119] {strides = array<i32>} : memref<2x3x1x4096xi32, #tpu.memory_space<vmem>>, vector<16xi32>,
      %get3A_121 = arith.constant 0 : i32
      %get3A_122 = arith.constant 2 : i32
      %get3A_123 = arith.constant 0 : i32
      %get3A_124 = arith.index_cast %get3A_121 : i32 to index
      %get3A_125 = arith.index_cast %get3A_122 : i32 to index
      %get3A_126 = arith.index_cast %get3A_123 : i32 to index
      %get3A_127 = arith.index_cast %mul3A_105 : i32 to index
      %get3A_128 = tpu.vector_load %arg6[%get3A_124, %get3A_125, %get3A_126, %get3A_127] {strides = array<i32>} : memref<2x3x1x4096xi32, #tpu.memory_space<vmem>>, vector<16xi32>,
      %gather3A = arith.constant 0 : i32
      %gather3A_129 = arith.constant 0 : i32
      %gather3A_130 = tpu.memref_slice %arg5[%gather3A, %gather3A_129] : memref<1x50000xf32, #tpu.memory_space<vmem>> -> memref<1x50000xf32, #tpu.memory_space<vmem>>
      %gather3A_131 = tpu.memref_squeeze %gather3A_130 : memref<1x50000xf32, #tpu.memory_space<vmem>> -> memref<50000xf32, #tpu.memory_space<vmem>>
      %gather3A_132 = tpu.vector_load_idx %gather3A_131[%get3A_112] : memref<50000xf32, #tpu.memory_space<vmem>>[vector<16xi32>], vector<16xf32>,
      %gather3A_133 = arith.constant 0 : i32
      %gather3A_134 = arith.constant 0 : i32
      %gather3A_135 = tpu.memref_slice %arg5[%gather3A_133, %gather3A_134] : memref<1x50000xf32, #tpu.memory_space<vmem>> -> memref<1x50000xf32, #tpu.memory_space<vmem>>
      %gather3A_136 = tpu.memref_squeeze %gather3A_135 : memref<1x50000xf32, #tpu.memory_space<vmem>> -> memref<50000xf32, #tpu.memory_space<vmem>>
      %gather3A_137 = tpu.vector_load_idx %gather3A_136[%get3A_120] : memref<50000xf32, #tpu.memory_space<vmem>>[vector<16xi32>], vector<16xf32>,
      %gather3A_138 = arith.constant 0 : i32
      %gather3A_139 = arith.constant 0 : i32
      %gather3A_140 = tpu.memref_slice %arg5[%gather3A_138, %gather3A_139] : memref<1x50000xf32, #tpu.memory_space<vmem>> -> memref<1x50000xf32, #tpu.memory_space<vmem>>
      %gather3A_141 = tpu.memref_squeeze %gather3A_140 : memref<1x50000xf32, #tpu.memory_space<vmem>> -> memref<50000xf32, #tpu.memory_space<vmem>>
      %gather3A_142 = tpu.vector_load_idx %gather3A_141[%get3A_128] : memref<50000xf32, #tpu.memory_space<vmem>>[vector<16xi32>], vector<16xf32>,
      %max3A = arith.maximumf %gather3A_132, %gather3A_137 : vector<16xf32>
      %max3A_143 = arith.maximumf %max3A, %gather3A_142 : vector<16xf32>
      %sub3A = arith.constant 1.000000e+00 : f32
      %sub3A_144 = vector.broadcast %sub3A : f32 to vector<16xf32>
      %sub3A_145 = arith.subf %sub3A_144, %max3A_143 : vector<16xf32>
      %mul3A_146 = arith.constant 5.000000e-01 : f32
      %mul3A_147 = vector.broadcast %mul3A_146 : f32 to vector<16xf32>
      %mul3A_148 = arith.mulf %sub3A_145, %mul3A_147 : vector<16xf32>
      %swap3A = arith.constant 0 : i32
      %swap3A_149 = arith.index_cast %swap3A : i32 to index
      %swap3A_150 = arith.index_cast %mul3A_105 : i32 to index
      %swap3A_151 = tpu.vector_load %arg7[%swap3A_149, %swap3A_150] {strides = array<i32>} : memref<1x4096xf32, #tpu.memory_space<vmem>>, vector<16xf32>,
      tpu.vector_store %arg7[%swap3A_149, %swap3A_150], %mul3A_148 {strides = array<i32>} : memref<1x4096xf32, #tpu.memory_space<vmem>>, vector<16xf32>,
    }
    %scan3A_102 = arith.constant 10 : i32
    "tpu.region"() ({
      %run_scoped3A_103 = tpu.sem_alloc : memref<!tpu.dma_semaphore, #tpu.memory_space<semaphore_mem>>
      %dma_start3A_104 = arith.constant 0 : i32
      %dma_start3A_105 = arith.constant 0 : i32
      %dma_start3A_106 = tpu.memref_slice %arg7[%dma_start3A_104, %dma_start3A_105] : memref<1x4096xf32, #tpu.memory_space<vmem>> -> memref<1x160xf32, #tpu.memory_space<vmem>>
      %dma_start3A_107 = arith.constant 24576 : i32
      %dma_start3A_108 = tpu.memref_slice %arg4[%add3A_53, %dma_start3A_107] : memref<64x24736xf32, #tpu.memory_space<hbm>> -> memref<1x160xf32, #tpu.memory_space<hbm>>
      %dma_start3A_109 = arith.constant 24576 : i32
      %dma_start3A_110 = tpu.memref_slice %arg4[%add3A_53, %dma_start3A_109] : memref<64x24736xf32, #tpu.memory_space<hbm>> -> memref<1x160xf32, #tpu.memory_space<hbm>>
      %dma_start3A_111 = arith.constant 0 : i32
      %dma_start3A_112 = arith.constant 0 : i32
      %dma_start3A_113 = tpu.memref_slice %arg7[%dma_start3A_111, %dma_start3A_112] : memref<1x4096xf32, #tpu.memory_space<vmem>> -> memref<1x160xf32, #tpu.memory_space<vmem>>
      tpu.enqueue_dma source(%dma_start3A_113 : memref<1x160xf32, #tpu.memory_space<vmem>>) target(%dma_start3A_110 : memref<1x160xf32, #tpu.memory_space<hbm>>) target_semaphore(%run_scoped3A_103 : memref<!tpu.dma_semaphore, #tpu.memory_space<semaphore_mem>>)
      %dma_wait3A_114 = arith.constant 0 : i32
      %dma_wait3A_115 = arith.constant 0 : i32
      %dma_wait3A_116 = tpu.memref_slice %arg7[%dma_wait3A_114, %dma_wait3A_115] : memref<1x4096xf32, #tpu.memory_space<vmem>> -> memref<1x160xf32, #tpu.memory_space<vmem>>
      %dma_wait3A_117 = arith.constant 24576 : i32
      %dma_wait3A_118 = tpu.memref_slice %arg4[%add3A_53, %dma_wait3A_117] : memref<64x24736xf32, #tpu.memory_space<hbm>> -> memref<1x160xf32, #tpu.memory_space<hbm>>
      %dma_wait3A_119 = arith.constant 24576 : i32
      %dma_wait3A_120 = tpu.memref_slice %arg4[%add3A_53, %dma_wait3A_119] : memref<64x24736xf32, #tpu.memory_space<hbm>> -> memref<1x160xf32, #tpu.memory_space<hbm>>
      %dma_wait3A_121 = arith.constant 0 : i32
      %dma_wait3A_122 = arith.constant 0 : i32
      %dma_wait3A_123 = tpu.memref_slice %arg7[%dma_wait3A_121, %dma_wait3A_122] : memref<1x4096xf32, #tpu.memory_space<vmem>> -> memref<1x160xf32, #tpu.memory_space<vmem>>
      tpu.wait_dma2 semaphore(%run_scoped3A_103 : memref<!tpu.dma_semaphore, #tpu.memory_space<semaphore_mem>>) src(%dma_wait3A_123 : memref<1x160xf32, #tpu.memory_space<vmem>>) dst(%dma_wait3A_120 : memref<1x160xf32, #tpu.memory_space<hbm>>)
      tpu.yield
    }) : () -> ()
    return
  }
}

</mosaic_0001>

<sc_bundles>
// kernel: kernel.12.cloned.1.call-start
scs
__scs_entry_jumppad:
0x0: {  	(pc) =	sbr.rel $0x88, $3  }
0x1: {  	(tag) =	ssettag $0x0;
	lr =	simm.s32 $0x1  }
0x2: {  	[smem:$0x3F9E] =	sst lr;
	_ =	strace $0xD0000000  }
0x3: {  	_ = 	snop  }
0x4: {  	_ = 	snop  }
0x5: {  	_ = 	snop  }
0x6: {  	_ = 	snop  }
0x7: {  	_ = 	snop  }
__scs_overlays_trampoline_lowered:
0x8: {  	[smem:$0x3FAD] =	sst s0  }
0x9: {  	[smem:$0x3FAE] =	sst s1  }
0xa: {  	[smem:$0x3FAF] =	sst s2  }
0xb: {  	[smem:$0x3FB0] =	sst s3  }
0xc: {  	[smem:$0x3FB1] =	sst s4  }
0xd: {  	[smem:$0x3FB2] =	sst s5  }
0xe: {  	[smem:$0x3FB3] =	sst s6  }
0xf: {  	[smem:$0x3FB4] =	sst s7  }
0x10: {  	[smem:$0x3FB5] =	sst s8  }
0x11: {  	[smem:$0x3FB6] =	sst s9;
	s0 =	simm.s32 @!p0 $0x0  }
0x12: {  	s1 =	sld [smem:$0x3F9C];
	s0 =	simm.s32 @p0 $0x1  }
0x13: {  	[smem:$0x3FB7] =	sst s0;
	s0 =	simm.s32 @!p1 $0x0  }
0x14: {  	s2 =	sld [smem:$0x3F9B];
	s0 =	simm.s32 @p1 $0x1  }
0x15: {  	[smem:$0x3FB8] =	sst s0;
	s0 =	simm.s32 @!p2 $0x0  }
0x16: {  	s3 =	sld [smem:$0x3FDB];
	s0 =	simm.s32 @p2 $0x1  }
0x17: {  	s4 =	simm.s32 $0x1BF5;
	[smem:$0x3FBA] =	sst s0  }
0x18: {  	s0 =	sld [smem:$0x3F9D];
	_ =	swait.ge [sflag:s4], $0x0  }
0x19: {  	s7 =	sld [smem:$0x3F9E]  }
0x1a: {  	s8 =	sadd.s32 $0xFFFFE003, lr  }
0x1b: {  	s9 =	sadd.s32 $0xFFFFFEF7, lr;
	s5 =	simm.s32 $0xFFFFFFFF;
	p2 =	slt.u32 s8, $0xFFFFF086  }
0x1c: {  	p1 =	slt.u32 s9, $0xF7A;
	s5 =	simm.s32 @!p2 $0x0  }
0x1d: {  	s5 =	simm.s32 @p1 $0x1;
	p0 =	seq.s32 s7, s2  }
0x1e: {  	s7 =	smul.u32 @!p0 $0xF7A, s2;
	p2 =	seq.s32 @!p0 s5, $0x0  }
0x1f: {  	s9 =	smul.u32 $0xF7A, s1;
	s8 =	simm.s32 @!p0 $0x1BF5;
	p2 =	por !p2, p0  }
0x20: {  	[sflag:s8] =	ssyncset.s32 @!p0 $0xFFFFF086;
	s6 =	sadd.s32 @!p0 s3, s7;
	s7 =	simm.s32 @!p0 $0x108  }
0x21: {  	s3 =	sadd.s32 s3, s9;
	s6 =	sadd.s32 @!p0 $0x88, s6;
	s7 =	simm.s32 @p2 $0x1082  }
0x22: {  	[simem:s7], [sflag:s8] =	dma.local @!p0 [hbm:s6], $0xF7A  }
0x23: {  	s9 =	sor.u32 $0xD0000000, s2;
	s6 =	simm.s32 $0x108;
	_ =	swait.ge @!p0 [sflag:s8], $0x0  }
0x24: {  	s3 =	sadd.s32 $0x88, s3;
	s6 =	simm.s32 @!p1 $0x1082;
	[sflag:s4] =	ssyncset.s32 $0xFFFFF086  }
0x25: {  	[simem:s6], [sflag:s4] =	dma.local [hbm:s3], $0xF7A  }
0x26: {  	[smem:$0x3F9E] =	sst s1;
	(tag) =	ssettag s2;
	_ =	strace s9  }
0x27: {  	s1 =	sld [smem:$0x3FAE]  }
0x28: {  	s2 =	sld [smem:$0x3FAF]  }
0x29: {  	s4 =	sld [smem:$0x3FB1]  }
0x2a: {  	p0 =	seq.s32 s5, $0x0;
	s5 =	sld [smem:$0x3FB2]  }
0x2b: {  	s6 =	sld [smem:$0x3FB3]  }
0x2c: {  	s7 =	sld [smem:$0x3FB4]  }
0x2d: {  	s3 =	simm.s32 $0x108;
	s8 =	sld [smem:$0x3FB5]  }
0x2e: {  	s3 =	simm.s32 @!p0 $0x1082;
	s9 =	sld [smem:$0x3FB6]  }
0x2f: {  	lr =	sadd.s32 s0, s3;
	s0 =	sld [smem:$0x3FAD]  }
0x30: {  	s3 =	sld [smem:$0x3FB0]  }
0x31: {  	[smem:$0x3FB9] =	sst s10  }
0x32: {  	s10 =	sld [smem:$0x3FB7];
	_ =	sdelay $0x3  }
0x33: {  	p0 =	seq.s32 s10, $0x1;
	s10 =	sld [smem:$0x3FB9];
	_ =	sdelay $0x3  }
0x34: {  	[smem:$0x3FB9] =	sst s10  }
0x35: {  	s10 =	sld [smem:$0x3FB8];
	_ =	sdelay $0x3  }
0x36: {  	p1 =	seq.s32 s10, $0x1;
	s10 =	sld [smem:$0x3FB9];
	_ =	sdelay $0x3  }
0x37: {  	[smem:$0x3FB9] =	sst s10  }
0x38: {  	s10 =	sld [smem:$0x3FBA]  }
0x39: {  	_ = 	snop;
	(pc) =	sbr.ind lr, $3  }
0x3a: {  	_ = 	snop  }
0x3b: {  	_ = 	snop  }
0x3c: {  	p2 =	seq.s32 s10, $0x1;
	s10 =	sld [smem:$0x3FB9]  }
0x3d: {  	_ =	shalt  }
0x3e: {  	_ =	shalt  }
0x3f: {  	_ =	shalt  }
0x40: {  	_ =	shalt  }
0x41: {  	_ =	shalt  }
0x42: {  	_ =	shalt  }
0x43: {  	_ =	shalt  }
0x44: {  	_ =	shalt  }
0x45: {  	_ =	shalt  }
0x46: {  	_ =	shalt  }
0x47: {  	_ =	shalt  }
0x48: {  	_ =	shalt  }
0x49: {  	_ =	shalt  }
0x4a: {  	_ =	shalt  }
0x4b: {  	_ =	shalt  }
0x4c: {  	_ =	shalt  }
0x4d: {  	_ =	shalt  }
0x4e: {  	_ =	shalt  }
0x4f: {  	_ =	shalt  }
0x50: {  	_ =	shalt  }
0x51: {  	_ =	shalt  }
0x52: {  	_ =	shalt  }
0x53: {  	_ =	shalt  }
0x54: {  	_ =	shalt  }
0x55: {  	_ =	shalt  }
0x56: {  	_ =	shalt  }
0x57: {  	_ =	shalt  }
0x58: {  	_ =	shalt  }
0x59: {  	_ =	shalt  }
0x5a: {  	_ =	shalt  }
0x5b: {  	_ =	shalt  }
0x5c: {  	_ =	shalt  }
0x5d: {  	_ =	shalt  }
0x5e: {  	_ =	shalt  }
0x5f: {  	_ =	shalt  }
0x60: {  	_ =	shalt  }
0x61: {  	_ =	shalt  }
0x62: {  	_ =	shalt  }
0x63: {  	_ =	shalt  }
0x64: {  	_ =	shalt  }
0x65: {  	_ =	shalt  }
0x66: {  	_ =	shalt  }
0x67: {  	_ =	shalt  }
0x68: {  	_ =	shalt  }
0x69: {  	_ =	shalt  }
0x6a: {  	_ =	shalt  }
0x6b: {  	_ =	shalt  }
0x6c: {  	_ =	shalt  }
0x6d: {  	_ =	shalt  }
0x6e: {  	_ =	shalt  }
0x6f: {  	_ =	shalt  }
0x70: {  	_ =	shalt  }
0x71: {  	_ =	shalt  }
0x72: {  	_ =	shalt  }
0x73: {  	_ =	shalt  }
0x74: {  	_ =	shalt  }
0x75: {  	_ =	shalt  }
0x76: {  	_ =	shalt  }
0x77: {  	_ =	shalt  }
0x78: {  	_ =	shalt  }
0x79: {  	_ =	shalt  }
0x7a: {  	_ =	shalt  }
0x7b: {  	_ =	shalt  }
0x7c: {  	_ =	shalt  }
0x7d: {  	_ =	shalt  }
0x7e: {  	_ =	shalt  }
0x7f: {  	_ =	shalt  }
0x80: {  	_ =	shalt  }
0x81: {  	_ =	shalt  }
0x82: {  	_ =	shalt  }
0x83: {  	_ =	shalt  }
0x84: {  	_ =	shalt  }
0x85: {  	_ =	shalt  }
0x86: {  	_ =	shalt  }
0x87: {  	_ =	shalt  }
.Lfunc_end0:
.L_simem_size_0:
called_computation.2_lowered:
.L_overlay_start_0:
0x88: {  	s2 =	sld [smem:$0x3FD9]  }
0x89: {  	s3 =	sld [smem:$0x3FFE];
	_ =	sdelay $0x1  }
0x8a: {  	s1 =	srdreg.scid  }
0x8b: {  	s0 =	sand.u32 $0x1, s1  }
0x8c: {  	s17 =	sshll.u32 s0, $0xA;
	s2 =	sadd.s32 s3, s2  }
0x8d: {  	s2 =	sadd.s32 s2, s17  }
0x8e: {  	[smem:$0x3FC5] =	sst s2  }
0x8f: {  	_ = 	snop  }
0x90: {  	(tm) =	ssettm $0x1  }
0x91: {  	s18 =	sld [smem:$0x3FFB];
	_ =	sdelay $0x3  }
0x92: {  	_ =	strace s18  }
0x93: {  	s2 =	sld [smem:$0x3FFC];
	_ =	sdelay $0x3  }
0x94: {  	_ =	strace s2  }
0x95: {  	s2 =	sld [smem:$0x3FFD];
	_ =	sdelay $0x3  }
0x96: {  	_ =	strace s2  }
0x97: {  	_ =	strace $0x8FFFFFFF  }
0x98: {  	s19 =	sld [smem:$0x3FDB];
	_ =	sdelay $0x1  }
0x99: {  	s20 =	simm.s32 $_scs_section_size  }
0x9a: {  	s4 =	simm.s32 $_size__tile_overlayer_lowered;
	s5 =	simm.s32 $_tile_overlayer_lowered  }
0x9b: {  	s6 =	simm.s32 $0x1BFF;
	s21 =	sshll.u32 s5, $0x1;
	s3 =	sadd.s32 s20, s19  }
0x9c: {  	s22 =	simm.s32 $0x0;
	s4 =	sshll.u32 s4, $0x1;
	s5 =	sadd.s32 s21, s3  }
0x9d: {  	[timem:s22], [sflag:s6] =	dma.local [hbm:s5], s4  }
0x9e: {  	_ =	swait.ge [sflag:s6], s4  }
0x9f: {  	s4 =	ssub.s32 $0x0, s4;
	[sflag:s6] =	ssyncset.done $0x0  }
0xa0: {  	[sflag:s6] =	ssyncadd.s32 s4;
	_ =	sdelay $0x1  }
0xa1: {  	s23 =	simm.s32 $0x1B8B  }
0xa2: {  	_ =	swait.ge [sflag:s23], $0x1  }
0xa3: {  	[sflag:s23] =	ssyncset.done $0x0  }
0xa4: {  	[sflag:s23] =	ssyncadd.s32 $0xFFFFFFFF  }
0xa5: {  	s4 =	sld [smem:$0x0]  }
0xa6: {  	s5 =	sand.u32 $0xFFFFFFFE, s1  }
0xa7: {  	p0 =	sne.s32 s1, s5  }
0xa8: {  	s5 =	sshll.u32 @p0 s5, $0xE  }
0xa9: {  	s5 =	sadd.s32 @p0 $0x11B8D, s5;
	s6 =	sshll.u32 @p0 s4, $0x11  }
0xaa: {  	s5 =	sor.u32 @p0 s6, s5  }
0xab: {  	[sflag:s5] =	ssyncadd.remote.s32 @p0 $0x1;
	_ =	sdelay $0x1  }
0xac: {  	s5 =	simm.s32 @p0 $0x1B8D  }
0xad: {  	_ =	swait.eq @p0 [sflag:s5], $0x1  }
0xae: {  	[sflag:s5] =	ssyncadd.s32 @p0 $0xFFFFFFFF  }
0xaf: {  	s6 =	sshll.u32 @!p0 s1, $0xE  }
0xb0: {  	s6 =	sor.u32 @!p0 $0x4000, s6;
	s5 =	simm.s32 @!p0 $0x1B8D  }
0xb1: {  	s4 =	sshll.u32 @!p0 s4, $0x11;
	s6 =	sadd.s32 @!p0 $0x11B8D, s6;
	_ =	swait.eq @!p0 [sflag:s5], $0x1  }
0xb2: {  	s4 =	sor.u32 @!p0 s4, s6;
	[sflag:s5] =	ssyncadd.s32 @!p0 $0xFFFFFFFF  }
0xb3: {  	s25 =	simm.s32 $0x1B8E;
	s24 =	sld [smem:$0x3FFE];
	[sflag:s4] =	ssyncadd.remote.s32 @!p0 $0x1  }
0xb4: {  	s26 =	simm.s32 $execute0_lowered;
	[smem:$0x3FD2] =	sst s25  }
0xb5: {  	s5 =	sshll.u32 s26, $0x1;
	_ =	strace $0x80000049;
	[dreg:$0x1] =	wrdreg $0xFFFFFFFF  }
0xb6: {  	s28 =	simm.s32 $_size_execute0_lowered;
	s3 =	sadd.s32 s3, s5;
	[dreg:$0x0] =	wrdreg $0x0  }
0xb7: {  	s5 =	sshll.u32 s28, $0x1;
	[dreg:$0x2] =	wrdreg s3  }
0xb8: {  	[dreg:$0x3] =	wrdreg s5  }
0xb9: {  	[dreg:$0x4] =	wrdreg $0xC0  }
0xba: {  	_ =	task [dreg:s22], $0x5FFFF  }
0xbb: {  	[dreg:$0x1] =	wrdreg $0xFFFFFFFF  }
0xbc: {  	[dreg:$0x0] =	wrdreg $0x60  }
0xbd: {  	[dreg:$0x2] =	wrdreg s24  }
0xbe: {  	[dreg:$0x3] =	wrdreg $0xB  }
0xbf: {  	_ =	task.clear_ibuf [dreg:s22], $0x4FFFF;
	_ =	strace $0x90000049  }
0xc0: {  	s29 =	simm.s32 $0xB;
	_ =	strace $0x8000004B  }
0xc1: {  	_ =	swait.ge [sflag:s29], $0x1  }
0xc2: {  	[sflag:s29] =	ssyncadd.s32 $0xFFFFFFFF  }
0xc3: {  	_ =	strace $0x9000004B  }
0xc4: {  	_ =	sfence  }
0xc5: {  	s30 =	sld [smem:$0x0];
	_ =	sdelay $0x2  }
0xc6: {  	s31 =	sshll.u32 s1, $0xD;
	s1 =	sshrl.u32 s1, $0x2  }
0xc7: {  	s4 =	sand.u32 $0x4000, s31;
	s1 =	sadd.s32 s1, s30  }
0xc8: {  	s0 =	sor.u32 s4, s0;
	s1 =	sshll.u32 s1, $0x11  }
0xc9: {  	s0 =	sor.u32 s1, s0  }
0xca: {  	s0 =	sadd.s32 $0x8F2B, s0  }
0xcb: {  	[sflag:s0] =	ssyncadd.remote.s32 $0x1  }
0xcc: {  	_ =	sfence.sel $0xFFFF  }
0xcd: {  	[dreg:$0x0] =	wrdreg $0xFFFFFFFF;
	(pc) =	sbr.abs _section_cstart, $3  }
0xce: {  	[dreg:$0x1] =	wrdreg $0xFFFFFFFF  }
0xcf: {  	_ =	task.clear_ibuf [dreg:s22], $0x2FFFF;
	_ =	strace $0x9FFFFFFF  }
0xd0: {  	(tm) =	ssettm $0x7FFFFFFF  }
0xd1: {  	_ =	shalt  }
tec
execute0_lowered:
.L_overlay_start_1:
0x0: {  	(tag) =	ssettag $0x1  }
0x1: {  	s5 =	rddreg [dreg:$0x0]  }
0x2: {  	s0 =	rddreg [dreg:$0x1];
	s2 =	simm.s32 $0x0;
	s3 =	srdreg.scid  }
0x3: {  	s1 =	stileid.u32;
	s18 =	simm.s32 $0x2;
	s19 =	simm.s32 $0x1000  }
0x4: {  	s20 =	simm.s32 $0x188000;
	s21 =	simm.s32 $0xC350;
	s22 =	simm.s32 $0x1  }
0x5: {  	s23 =	simm.s32 $0x12350;
	s3 =	sand.u32 $0x1, s3;
	s4 =	sshll.u32 s1, $0x1  }
0x6: {  	s24 =	simm.s32 $0x0;
	[smem:$0x7FF] =	sst s2;
	s6 =	sor.u32 s3, s4  }
0x7: {  	s12 =	sadd.s32 $0x1600, s5;
	s7 =	ssub.s32 $0x2, s3;
	s8 =	smul.u32 $0x30D4, s6  }
0x8: {  	s9 =	sshrl.u32 s7, $0x1;
	s4 =	smul.u32 $0xC400, s6;
	s31 =	sshllo.u32 s6, $0x1  }
0x9: {  	_ =	strace $0x8000004A;
	s17 =	ssub.s32 s7, s9;
	s7 =	smul.u32 $0x6200, s31  }
0xa: {  	s3 =	sadd.s32 $0x63200, s5;
	s5 =	sadd.s32 $0xF6200, s5;
	s13 =	smul.u32 $0x186A, s31  }
0xb: {  	s6 =	sadd.s32 s12, s8;
	s10 =	sshrl.u32 s4, $0x3;
	s9 =	sadd.s32 $0x1000, s4  }
0xc: {  	s17 =	smax.u32 s17, $0x1;
	s8 =	sadd.s32 s3, s10;
	s11 =	sadd.s32 $0xC00, s10  }
0xd: {  	s14 =	sshrl.u32 s7, $0x3;
	s12 =	sadd.s32 s12, s13;
	s10 =	sadd.s32 s3, s11  }
0xe: {  	s11 =	sadd.s32 s5, s11;
	s16 =	sadd.s32 $0xC00, s14;
	s13 =	sadd.s32 s3, s14  }
0xf: {  	s14 =	sadd.s32 $0x1000, s7;
	s15 =	sadd.s32 s3, s16;
	s16 =	sadd.s32 s5, s16  }
.LBB2_1:
0x10: {  	[tilespmem:s2], [sflag:$0x2] =	stream.linear.gather [hbm4b:s6+s2], $0xC350, $0x38;
	[tilespmem:$0x13350] =	vst v63  }
0x11: {  	_ =	swait.ge [sflag:s18], $0xC350  }
0x12: {  	[sflag:s18] =	ssyncset.done $0x0  }
0x13: {  	p0 =	por $0x0, $0x0;
	s25 =	simm.s32 $0x0;
	[sflag:s18] =	ssyncadd.s32 $0xFFFF3CB0  }
0x14: {  	[tilespmem:s21], [sflag:$0x1] =	stream.strided.gather [hbm4b:s8+s19], $0x3000, s20, s19, $0x38;
	[tilespmem:$0x13350] =	vst v63  }
.LBB2_2:
0x15: {  	s26 =	simm.s32 $0x1;
	_ =	swait.ge [sflag:s22], $0x3000  }
0x16: {  	p1 =	seq.s32 s25, $0x5;
	s26 =	simm.s32 @!p0 $0x0;
	[sflag:s22] =	ssyncset.done $0x0  }
0x17: {  	s28 =	simm.s32 @p1 $0x0;
	s29 =	simm.s32 @p1 $0xC350;
	[sflag:s22] =	ssyncadd.s32 $0xFFFFD000  }
0x18: {  	[tilespmem:s29], [sflag:$0x1] =	stream.linear.gather @p1 [hbm4b:s10+s28], $0x200, $0x38;
	[tilespmem:$0x13350] =	vst v63  }
0x19: {  	s30 =	simm.s32 @p1 $0xD350;
	s31 =	simm.s32 @p1 $0xE350;
	s29 =	sadd.s32 @p1 $0x31000, s10  }
0x1a: {  	[tilespmem:s30], [sflag:$0x1] =	stream.linear.gather @p1 [hbm4b:s29+s28], $0x200, $0x38;
	[tilespmem:$0x13350] =	vst v63  }
0x1b: {  	s26 =	smul.u32 $0xC000, s26;
	s29 =	sand.u32 $0x1, s25;
	s30 =	sadd.s32 @p1 $0x62000, s10  }
0x1c: {  	[tilespmem:s31], [sflag:$0x1] =	stream.linear.gather @p1 [hbm4b:s30+s28], $0x200, $0x38;
	[tilespmem:$0x13350] =	vst v63  }
0x1d: {  	s28 =	sxor.u32 @!p1 $0x1, s29  }
0x1e: {  	s26 =	sshrl.u32 s26, $0x2;
	s28 =	smul.u32 @!p1 $0xC000, s28  }
0x1f: {  	s26 =	sadd.s32 $0xD350, s26;
	s29 =	sshll.u32 @!p1 s25, $0xC  }
0x20: {  	v0 =	vmov s26;
	s29 =	sadd.s32 @!p1 s29, s9;
	s28 =	sshrl.u32 @!p1 s28, $0x2  }
0x21: {  	s26 =	sor.u32 @!p1 $0xC350, s28;
	s28 =	sshrl.u32 @!p1 s29, $0x3  }
0x22: {  	s30 =	simm.s32 @!p1 $0x188000;
	s29 =	simm.s32 @!p1 $0x1000;
	s28 =	sadd.s32 @!p1 s3, s28  }
0x23: {  	[tilespmem:s26], [sflag:$0x1] =	stream.strided.gather @!p1 [hbm4b:s28+s29], $0x3000, s30, s29, $0x38;
	[tilespmem:$0x13350] =	vst v63  }
0x24: {  	s26 =	simm.s32 $0x0  }
0x25: {  	s28 =	simm.s32 $0x40;
	v1 =	vld.idx.msk [tilespmem:v0+s26+$0xFFFFF000 ss:$0x1], $0xffff  }
.LBB2_3:
0x26: {  	p1 =	sne.s32 s28, $0x3FC0;
	v2 =	vld.idx.msk [tilespmem:v0+s26+$0x0 ss:$0x1], $0xffff  }
0x27: {  	v3 =	vld.idx.msk [tilespmem:v0+s26+$0x1000 ss:$0x1], $0xffff;
	_ =	sdelay $0x5  }
0x28: {  	v1 =	vld.idx.msk [tilespmem:v1+s2+$0x0], $0xffff  }
0x29: {  	v2 =	vld.idx.msk [tilespmem:v2+s2+$0x0], $0xffff  }
0x2a: {  	v3 =	vld.idx.msk [tilespmem:v3+s2+$0x0], $0xffff;
	_ =	sdelay $0x4  }
0x2b: {  	v1 =	vmax.f32 v1, v2  }
0x2c: {  	v1 =	vmax.f32 v1, v3  }
0x2d: {  	v1 =	vsub.f32 $1.000000000e+00, v1  }
.Ltmp0:
0x2e: {  	(pc) =	sbr.rel @p1 .LBB2_3-.Ltmp0, $3  }
0x2f: {  	v1 =	vmul.f32 $5.000000000e-01, v1;
	_ =	sdelay $0x1  }
0x30: {  	[tilespmem:s26+$0x12350] =	vst v1;
	s26 =	sshra.s32 s28, $0x2  }
0x31: {  	s28 =	sadd.s32 $0x40, s28;
	v1 =	vld.idx.msk [tilespmem:v0+s26+$0xFFFFF000 ss:$0x1], $0xffff  }
0x32: {  	_ =	sdelay $0x3  }
0x33: {  	v2 =	vld.idx.msk [tilespmem:v0+s26+$0x0 ss:$0x1], $0xffff  }
0x34: {  	v63 =	vld.idx.msk [tilespmem:v0+s26+$0x1000 ss:$0x1], $0xffff;
	_ =	sdelay $0x5  }
0x35: {  	v1 =	vld.idx.msk [tilespmem:v1+s2+$0x0], $0xffff  }
0x36: {  	v2 =	vld.idx.msk [tilespmem:v2+s2+$0x0], $0xffff  }
0x37: {  	v0 =	vld.idx.msk [tilespmem:v63+s2+$0x0], $0xffff;
	_ =	sdelay $0x3  }
0x38: {  	v1 =	vmax.f32 v1, v2  }
0x39: {  	v0 =	vmax.f32 v1, v0  }
0x3a: {  	v0 =	vsub.f32 $1.000000000e+00, v0  }
0x3b: {  	s28 =	sshll.u32 s25, $0xC  }
0x3c: {  	s25 =	sadd.s32 $0x1, s25;
	s28 =	sadd.s32 s4, s28;
	v0 =	vmul.f32 $5.000000000e-01, v0  }
0x3d: {  	p1 =	sne.s32 s25, $0x6;
	s28 =	sshrl.u32 s28, $0x3  }
.Ltmp1:
0x3e: {  	s31 =	sadd.s32 s5, s28;
	[tilespmem:s26+$0x12350] =	vst v0;
	(pc) =	sbr.rel @p1 .LBB2_2-.Ltmp1, $4  }
0x3f: {  	[hbm4b:s31+s2] =	stream.linear.scatter [tilespmem:s23], [sflag:$0x2], $0x1000, $0x38;
	[tilespmem:$0x13350] =	vst v63  }
0x40: {  	_ =	swait.ge [sflag:s18], $0x1000  }
0x41: {  	[sflag:s18] =	ssyncset.done $0x0  }
0x42: {  	p0 =	por !p0, !p0;
	[sflag:s18] =	ssyncadd.s32 $0xFFFFF000  }
0x43: {  	_ =	swait.ge [sflag:s22], $0x600  }
0x44: {  	[sflag:s22] =	ssyncset.done $0x0  }
0x45: {  	s25 =	simm.s32 $0x0;
	[sflag:s22] =	ssyncadd.s32 $0xFFFFFA00  }
0x46: {  	v0 =	vld [tilespmem:s25+$0xD350]  }
0x47: {  	v2 =	vld [tilespmem:s25+$0xC350]  }
0x48: {  	v4 =	vld [tilespmem:s25+$0xE350];
	_ =	sdelay $0x5  }
0x49: {  	v1 =	vld.idx.msk [tilespmem:v0+s2+$0x0], $0xffff  }
0x4a: {  	v3 =	vld.idx.msk [tilespmem:v2+s2+$0x0], $0xffff  }
0x4b: {  	v2 =	vld.idx.msk [tilespmem:v4+s2+$0x0], $0xffff;
	_ =	sdelay $0x1  }
0x4c: {  	s26 =	simm.s32 $0x10  }
0x4d: {  	s28 =	simm.s32 $0x80;
	v0 =	vld [tilespmem:s26+$0xD350]  }
.LBB2_6:
0x4e: {  	p0 =	sne.s32 s28, $0x7C0;
	v4 =	vld [tilespmem:s26+$0xC350];
	v1 =	vmax.f32 v3, v1  }
0x4f: {  	v5 =	vld [tilespmem:s26+$0xE350];
	v1 =	vmax.f32 v1, v2  }
0x50: {  	v1 =	vsub.f32 $1.000000000e+00, v1;
	_ =	sdelay $0x1  }
0x51: {  	v1 =	vmul.f32 $5.000000000e-01, v1;
	_ =	sdelay $0x1  }
0x52: {  	[tilespmem:s25+$0x12350] =	vst v1;
	s25 =	smov.u32 s26  }
0x53: {  	v1 =	vld.idx.msk [tilespmem:v0+s2+$0x0], $0xffff  }
0x54: {  	v3 =	vld.idx.msk [tilespmem:v4+s2+$0x0], $0xffff  }
.Ltmp2:
0x55: {  	v2 =	vld.idx.msk [tilespmem:v5+s2+$0x0], $0xffff;
	(pc) =	sbr.rel @p0 .LBB2_6-.Ltmp2, $3  }
0x56: {  	_ =	sdelay $0x1  }
0x57: {  	s26 =	sshra.s32 s28, $0x2  }
0x58: {  	s28 =	sadd.s32 $0x40, s28;
	v0 =	vld [tilespmem:s26+$0xD350]  }
0x59: {  	_ = 	snop  }
0x5a: {  	v4 =	vld [tilespmem:s26+$0xC350];
	v1 =	vmax.f32 v3, v1  }
0x5b: {  	v62 =	vld [tilespmem:s26+$0xE350];
	v1 =	vmax.f32 v1, v2  }
0x5c: {  	v1 =	vsub.f32 $1.000000000e+00, v1;
	_ =	sdelay $0x1  }
0x5d: {  	v1 =	vmul.f32 $5.000000000e-01, v1;
	_ =	sdelay $0x1  }
0x5e: {  	[tilespmem:s25+$0x12350] =	vst v1  }
0x5f: {  	v0 =	vld.idx.msk [tilespmem:v0+s2+$0x0], $0xffff  }
0x60: {  	v1 =	vld.idx.msk [tilespmem:v4+s2+$0x0], $0xffff  }
0x61: {  	v63 =	vld.idx.msk [tilespmem:v62+s2+$0x0], $0xffff;
	_ =	sdelay $0x3  }
0x62: {  	v0 =	vmax.f32 v1, v0  }
0x63: {  	v0 =	vmax.f32 v0, v63  }
0x64: {  	v0 =	vsub.f32 $1.000000000e+00, v0;
	_ =	sdelay $0x1  }
0x65: {  	v0 =	vmul.f32 $5.000000000e-01, v0;
	_ =	sdelay $0x1  }
0x66: {  	s25 =	simm.s32 $0x0;
	[tilespmem:s26+$0x12350] =	vst v0  }
0x67: {  	[hbm4b:s11+s25] =	stream.linear.scatter [tilespmem:s23], [sflag:$0x2], $0x200, $0x38;
	[tilespmem:$0x13350] =	vst v63  }
0x68: {  	_ =	swait.ge [sflag:s18], $0x200  }
0x69: {  	[sflag:s18] =	ssyncset.done $0x0  }
0x6a: {  	[sflag:s18] =	ssyncadd.s32 $0xFFFFFE00  }
0x6b: {  	[tilespmem:s25], [sflag:$0x2] =	stream.linear.gather [hbm4b:s12+s25], $0xC350, $0x38;
	[tilespmem:$0x13350] =	vst v63  }
0x6c: {  	_ =	swait.ge [sflag:s18], $0xC350  }
0x6d: {  	[sflag:s18] =	ssyncset.done $0x0  }
0x6e: {  	p0 =	por $0x0, $0x0;
	[sflag:s18] =	ssyncadd.s32 $0xFFFF3CB0  }
0x6f: {  	[tilespmem:s21], [sflag:$0x1] =	stream.strided.gather [hbm4b:s13+s19], $0x3000, s20, s19, $0x38;
	[tilespmem:$0x13350] =	vst v63  }
.LBB2_8:
0x70: {  	s26 =	simm.s32 $0x1;
	_ =	swait.ge [sflag:s22], $0x3000  }
0x71: {  	p1 =	seq.s32 s25, $0x5;
	s26 =	simm.s32 @!p0 $0x0;
	[sflag:s22] =	ssyncset.done $0x0  }
0x72: {  	s28 =	simm.s32 @p1 $0x0;
	s29 =	simm.s32 @p1 $0xC350;
	[sflag:s22] =	ssyncadd.s32 $0xFFFFD000  }
0x73: {  	[tilespmem:s29], [sflag:$0x1] =	stream.linear.gather @p1 [hbm4b:s15+s28], $0x200, $0x38;
	[tilespmem:$0x13350] =	vst v63  }
0x74: {  	s30 =	simm.s32 @p1 $0xD350;
	s31 =	simm.s32 @p1 $0xE350;
	s29 =	sadd.s32 @p1 $0x31000, s15  }
0x75: {  	[tilespmem:s30], [sflag:$0x1] =	stream.linear.gather @p1 [hbm4b:s29+s28], $0x200, $0x38;
	[tilespmem:$0x13350] =	vst v63  }
0x76: {  	s26 =	smul.u32 $0xC000, s26;
	s29 =	sand.u32 $0x1, s25;
	s30 =	sadd.s32 @p1 $0x62000, s15  }
0x77: {  	[tilespmem:s31], [sflag:$0x1] =	stream.linear.gather @p1 [hbm4b:s30+s28], $0x200, $0x38;
	[tilespmem:$0x13350] =	vst v63  }
0x78: {  	s28 =	sxor.u32 @!p1 $0x1, s29  }
0x79: {  	s26 =	sshrl.u32 s26, $0x2;
	s28 =	smul.u32 @!p1 $0xC000, s28  }
0x7a: {  	s26 =	sadd.s32 $0xD350, s26;
	s29 =	sshll.u32 @!p1 s25, $0xC  }
0x7b: {  	v0 =	vmov s26;
	s29 =	sadd.s32 @!p1 s29, s14;
	s28 =	sshrl.u32 @!p1 s28, $0x2  }
0x7c: {  	s26 =	sor.u32 @!p1 $0xC350, s28;
	s28 =	sshrl.u32 @!p1 s29, $0x3  }
0x7d: {  	s30 =	simm.s32 @!p1 $0x188000;
	s29 =	simm.s32 @!p1 $0x1000;
	s28 =	sadd.s32 @!p1 s3, s28  }
0x7e: {  	[tilespmem:s26], [sflag:$0x1] =	stream.strided.gather @!p1 [hbm4b:s28+s29], $0x3000, s30, s29, $0x38;
	[tilespmem:$0x13350] =	vst v63  }
0x7f: {  	s26 =	simm.s32 $0x0  }
0x80: {  	s28 =	simm.s32 $0x40;
	v1 =	vld.idx.msk [tilespmem:v0+s26+$0xFFFFF000 ss:$0x1], $0xffff  }
.LBB2_9:
0x81: {  	p1 =	sne.s32 s28, $0x3FC0;
	v2 =	vld.idx.msk [tilespmem:v0+s26+$0x0 ss:$0x1], $0xffff  }
0x82: {  	v3 =	vld.idx.msk [tilespmem:v0+s26+$0x1000 ss:$0x1], $0xffff;
	_ =	sdelay $0x5  }
0x83: {  	v1 =	vld.idx.msk [tilespmem:v1+s2+$0x0], $0xffff  }
0x84: {  	v2 =	vld.idx.msk [tilespmem:v2+s2+$0x0], $0xffff  }
0x85: {  	v3 =	vld.idx.msk [tilespmem:v3+s2+$0x0], $0xffff;
	_ =	sdelay $0x4  }
0x86: {  	v1 =	vmax.f32 v1, v2  }
0x87: {  	v1 =	vmax.f32 v1, v3  }
0x88: {  	v1 =	vsub.f32 $1.000000000e+00, v1  }
.Ltmp3:
0x89: {  	(pc) =	sbr.rel @p1 .LBB2_9-.Ltmp3, $3  }
0x8a: {  	v1 =	vmul.f32 $5.000000000e-01, v1;
	_ =	sdelay $0x1  }
0x8b: {  	[tilespmem:s26+$0x12350] =	vst v1;
	s26 =	sshra.s32 s28, $0x2  }
0x8c: {  	s28 =	sadd.s32 $0x40, s28;
	v1 =	vld.idx.msk [tilespmem:v0+s26+$0xFFFFF000 ss:$0x1], $0xffff  }
0x8d: {  	_ =	sdelay $0x3  }
0x8e: {  	v2 =	vld.idx.msk [tilespmem:v0+s26+$0x0 ss:$0x1], $0xffff  }
0x8f: {  	v63 =	vld.idx.msk [tilespmem:v0+s26+$0x1000 ss:$0x1], $0xffff;
	_ =	sdelay $0x5  }
0x90: {  	v1 =	vld.idx.msk [tilespmem:v1+s2+$0x0], $0xffff  }
0x91: {  	v2 =	vld.idx.msk [tilespmem:v2+s2+$0x0], $0xffff  }
0x92: {  	v0 =	vld.idx.msk [tilespmem:v63+s2+$0x0], $0xffff;
	_ =	sdelay $0x3  }
0x93: {  	v1 =	vmax.f32 v1, v2  }
0x94: {  	v0 =	vmax.f32 v1, v0  }
0x95: {  	v0 =	vsub.f32 $1.000000000e+00, v0  }
0x96: {  	s28 =	sshll.u32 s25, $0xC  }
0x97: {  	s25 =	sadd.s32 $0x1, s25;
	s28 =	sadd.s32 s7, s28;
	v0 =	vmul.f32 $5.000000000e-01, v0  }
0x98: {  	p1 =	sne.s32 s25, $0x6;
	s28 =	sshrl.u32 s28, $0x3  }
.Ltmp4:
0x99: {  	s31 =	sadd.s32 s5, s28;
	[tilespmem:s26+$0x12350] =	vst v0;
	(pc) =	sbr.rel @p1 .LBB2_8-.Ltmp4, $4  }
0x9a: {  	[hbm4b:s31+s2] =	stream.linear.scatter [tilespmem:s23], [sflag:$0x2], $0x1000, $0x38;
	[tilespmem:$0x13350] =	vst v63  }
0x9b: {  	_ =	swait.ge [sflag:s18], $0x1000  }
0x9c: {  	[sflag:s18] =	ssyncset.done $0x0  }
0x9d: {  	p0 =	por !p0, !p0;
	[sflag:s18] =	ssyncadd.s32 $0xFFFFF000  }
0x9e: {  	_ =	swait.ge [sflag:s22], $0x600  }
0x9f: {  	[sflag:s22] =	ssyncset.done $0x0  }
0xa0: {  	s25 =	simm.s32 $0x0;
	[sflag:s22] =	ssyncadd.s32 $0xFFFFFA00  }
0xa1: {  	v0 =	vld [tilespmem:s25+$0xD350]  }
0xa2: {  	v2 =	vld [tilespmem:s25+$0xC350]  }
0xa3: {  	v4 =	vld [tilespmem:s25+$0xE350];
	_ =	sdelay $0x5  }
0xa4: {  	v1 =	vld.idx.msk [tilespmem:v0+s2+$0x0], $0xffff  }
0xa5: {  	v3 =	vld.idx.msk [tilespmem:v2+s2+$0x0], $0xffff  }
0xa6: {  	v2 =	vld.idx.msk [tilespmem:v4+s2+$0x0], $0xffff;
	_ =	sdelay $0x1  }
0xa7: {  	s26 =	simm.s32 $0x10  }
0xa8: {  	s28 =	simm.s32 $0x80;
	v0 =	vld [tilespmem:s26+$0xD350]  }
.LBB2_12:
0xa9: {  	p0 =	sne.s32 s28, $0x7C0;
	v4 =	vld [tilespmem:s26+$0xC350];
	v1 =	vmax.f32 v3, v1  }
0xaa: {  	v5 =	vld [tilespmem:s26+$0xE350];
	v1 =	vmax.f32 v1, v2  }
0xab: {  	v1 =	vsub.f32 $1.000000000e+00, v1;
	_ =	sdelay $0x1  }
0xac: {  	v1 =	vmul.f32 $5.000000000e-01, v1;
	_ =	sdelay $0x1  }
0xad: {  	[tilespmem:s25+$0x12350] =	vst v1;
	s25 =	smov.u32 s26  }
0xae: {  	v1 =	vld.idx.msk [tilespmem:v0+s2+$0x0], $0xffff  }
0xaf: {  	v3 =	vld.idx.msk [tilespmem:v4+s2+$0x0], $0xffff  }
.Ltmp5:
0xb0: {  	v2 =	vld.idx.msk [tilespmem:v5+s2+$0x0], $0xffff;
	(pc) =	sbr.rel @p0 .LBB2_12-.Ltmp5, $3  }
0xb1: {  	_ =	sdelay $0x1  }
0xb2: {  	s26 =	sshra.s32 s28, $0x2  }
0xb3: {  	s28 =	sadd.s32 $0x40, s28;
	v0 =	vld [tilespmem:s26+$0xD350]  }
0xb4: {  	_ = 	snop  }
0xb5: {  	v4 =	vld [tilespmem:s26+$0xC350];
	v1 =	vmax.f32 v3, v1  }
0xb6: {  	v62 =	vld [tilespmem:s26+$0xE350];
	v1 =	vmax.f32 v1, v2  }
0xb7: {  	v1 =	vsub.f32 $1.000000000e+00, v1;
	_ =	sdelay $0x1  }
0xb8: {  	v1 =	vmul.f32 $5.000000000e-01, v1;
	_ =	sdelay $0x1  }
0xb9: {  	[tilespmem:s25+$0x12350] =	vst v1  }
0xba: {  	v0 =	vld.idx.msk [tilespmem:v0+s2+$0x0], $0xffff  }
0xbb: {  	v1 =	vld.idx.msk [tilespmem:v4+s2+$0x0], $0xffff  }
0xbc: {  	v63 =	vld.idx.msk [tilespmem:v62+s2+$0x0], $0xffff;
	_ =	sdelay $0x3  }
0xbd: {  	v0 =	vmax.f32 v1, v0  }
0xbe: {  	v0 =	vmax.f32 v0, v63  }
0xbf: {  	v0 =	vsub.f32 $1.000000000e+00, v0;
	_ =	sdelay $0x1  }
0xc0: {  	s24 =	sadd.s32 $0x1, s24;
	v0 =	vmul.f32 $5.000000000e-01, v0  }
0xc1: {  	p0 =	sne.s32 s24, s17  }
.Ltmp6:
0xc2: {  	[tilespmem:s26+$0x12350] =	vst v0;
	(pc) =	sbr.rel @p0 .LBB2_1-.Ltmp6, $4  }
0xc3: {  	[hbm4b:s16+s2] =	stream.linear.scatter [tilespmem:s23], [sflag:$0x2], $0x200, $0x38;
	[tilespmem:$0x13350] =	vst v63  }
0xc4: {  	_ =	swait.ge [sflag:s18], $0x200  }
0xc5: {  	[sflag:s18] =	ssyncset.done $0x0  }
0xc6: {  	[sflag:s18] =	ssyncadd.s32 $0xFFFFFE00  }
0xc7: {  	_ =	sfence.sel $0x180000  }
0xc8: {  	[bflag:$0x0] =	sbarrier.arrive $0xFFFF  }
0xc9: {  	p0 =	sne.s32 s1, $0x0;
	_ =	strace $0x9000004A  }
0xca: {  	s0 =	sadd.s32 @!p0 $0x100000, s0;
	[bflag:$0x2] =	sbarrier.arrive $0xFFFF  }
0xcb: {  	[sflag:s0] =	ssyncadd.tile.s32 @!p0 $0x1;
	_ =	shalt  }
.Lfunc_end2:
_tile_overlayer_lowered:
.L_overlay_start_2:
0xcc: {  	(tag) =	ssettag $0x2  }
0xcd: {  	s0 =	rddreg [dreg:$0x0];
	s2 =	stileid.u32  }
0xce: {  	s1 =	rddreg [dreg:$0x1];
	p0 =	sne.s32 s2, $0x0  }
0xcf: {  	s3 =	rddreg [dreg:$0x2];
	[bflag:$0x3] =	sbarrier.arrive $0xFFFF;
	s2 =	simm.s32 @!p0 $0x1C02  }
0xd0: {  	[timem:s3], [sflag:s2] =	dma.local @!p0 [hbm:s0], s1  }
0xd1: {  	s0 =	simm.s32 @!p0 $0x2  }
0xd2: {  	_ =	swait.ge @!p0 [sflag:s0], s1  }
0xd3: {  	s1 =	ssub.s32 @!p0 $0x0, s1;
	[sflag:s0] =	ssyncset.done @!p0 $0x0  }
0xd4: {  	[sflag:s0] =	ssyncadd.s32 @!p0 s1  }
0xd5: {  	[bflag:$0x3] =	sbarrier.arrive $0xFFFF  }
0xd6: {  	_ =	shalt  }

// kernel: kernel.15.cloned.1.call-start
scs
__scs_entry_jumppad:
0x0: {  	(pc) =	sbr.rel $0x88, $3  }
0x1: {  	(tag) =	ssettag $0x0;
	lr =	simm.s32 $0x1  }
0x2: {  	[smem:$0x3F9E] =	sst lr;
	_ =	strace $0xD0000000  }
0x3: {  	_ = 	snop  }
0x4: {  	_ = 	snop  }
0x5: {  	_ = 	snop  }
0x6: {  	_ = 	snop  }
0x7: {  	_ = 	snop  }
__scs_overlays_trampoline_lowered:
0x8: {  	[smem:$0x3FAD] =	sst s0  }
0x9: {  	[smem:$0x3FAE] =	sst s1  }
0xa: {  	[smem:$0x3FAF] =	sst s2  }
0xb: {  	[smem:$0x3FB0] =	sst s3  }
0xc: {  	[smem:$0x3FB1] =	sst s4  }
0xd: {  	[smem:$0x3FB2] =	sst s5  }
0xe: {  	[smem:$0x3FB3] =	sst s6  }
0xf: {  	[smem:$0x3FB4] =	sst s7  }
0x10: {  	[smem:$0x3FB5] =	sst s8  }
0x11: {  	[smem:$0x3FB6] =	sst s9;
	s0 =	simm.s32 @!p0 $0x0  }
0x12: {  	s1 =	sld [smem:$0x3F9C];
	s0 =	simm.s32 @p0 $0x1  }
0x13: {  	[smem:$0x3FB7] =	sst s0;
	s0 =	simm.s32 @!p1 $0x0  }
0x14: {  	s2 =	sld [smem:$0x3F9B];
	s0 =	simm.s32 @p1 $0x1  }
0x15: {  	[smem:$0x3FB8] =	sst s0;
	s0 =	simm.s32 @!p2 $0x0  }
0x16: {  	s3 =	sld [smem:$0x3FDB];
	s0 =	simm.s32 @p2 $0x1  }
0x17: {  	s4 =	simm.s32 $0x1BF5;
	[smem:$0x3FBA] =	sst s0  }
0x18: {  	s0 =	sld [smem:$0x3F9D];
	_ =	swait.ge [sflag:s4], $0x0  }
0x19: {  	s7 =	sld [smem:$0x3F9E]  }
0x1a: {  	s8 =	sadd.s32 $0xFFFFE003, lr  }
0x1b: {  	s9 =	sadd.s32 $0xFFFFFEF7, lr;
	s5 =	simm.s32 $0xFFFFFFFF;
	p2 =	slt.u32 s8, $0xFFFFF086  }
0x1c: {  	p1 =	slt.u32 s9, $0xF7A;
	s5 =	simm.s32 @!p2 $0x0  }
0x1d: {  	s5 =	simm.s32 @p1 $0x1;
	p0 =	seq.s32 s7, s2  }
0x1e: {  	s7 =	smul.u32 @!p0 $0xF7A, s2;
	p2 =	seq.s32 @!p0 s5, $0x0  }
0x1f: {  	s9 =	smul.u32 $0xF7A, s1;
	s8 =	simm.s32 @!p0 $0x1BF5;
	p2 =	por !p2, p0  }
0x20: {  	[sflag:s8] =	ssyncset.s32 @!p0 $0xFFFFF086;
	s6 =	sadd.s32 @!p0 s3, s7;
	s7 =	simm.s32 @!p0 $0x108  }
0x21: {  	s3 =	sadd.s32 s3, s9;
	s6 =	sadd.s32 @!p0 $0x88, s6;
	s7 =	simm.s32 @p2 $0x1082  }
0x22: {  	[simem:s7], [sflag:s8] =	dma.local @!p0 [hbm:s6], $0xF7A  }
0x23: {  	s9 =	sor.u32 $0xD0000000, s2;
	s6 =	simm.s32 $0x108;
	_ =	swait.ge @!p0 [sflag:s8], $0x0  }
0x24: {  	s3 =	sadd.s32 $0x88, s3;
	s6 =	simm.s32 @!p1 $0x1082;
	[sflag:s4] =	ssyncset.s32 $0xFFFFF086  }
0x25: {  	[simem:s6], [sflag:s4] =	dma.local [hbm:s3], $0xF7A  }
0x26: {  	[smem:$0x3F9E] =	sst s1;
	(tag) =	ssettag s2;
	_ =	strace s9  }
0x27: {  	s1 =	sld [smem:$0x3FAE]  }
0x28: {  	s2 =	sld [smem:$0x3FAF]  }
0x29: {  	s4 =	sld [smem:$0x3FB1]  }
0x2a: {  	p0 =	seq.s32 s5, $0x0;
	s5 =	sld [smem:$0x3FB2]  }
0x2b: {  	s6 =	sld [smem:$0x3FB3]  }
0x2c: {  	s7 =	sld [smem:$0x3FB4]  }
0x2d: {  	s3 =	simm.s32 $0x108;
	s8 =	sld [smem:$0x3FB5]  }
0x2e: {  	s3 =	simm.s32 @!p0 $0x1082;
	s9 =	sld [smem:$0x3FB6]  }
0x2f: {  	lr =	sadd.s32 s0, s3;
	s0 =	sld [smem:$0x3FAD]  }
0x30: {  	s3 =	sld [smem:$0x3FB0]  }
0x31: {  	[smem:$0x3FB9] =	sst s10  }
0x32: {  	s10 =	sld [smem:$0x3FB7];
	_ =	sdelay $0x3  }
0x33: {  	p0 =	seq.s32 s10, $0x1;
	s10 =	sld [smem:$0x3FB9];
	_ =	sdelay $0x3  }
0x34: {  	[smem:$0x3FB9] =	sst s10  }
0x35: {  	s10 =	sld [smem:$0x3FB8];
	_ =	sdelay $0x3  }
0x36: {  	p1 =	seq.s32 s10, $0x1;
	s10 =	sld [smem:$0x3FB9];
	_ =	sdelay $0x3  }
0x37: {  	[smem:$0x3FB9] =	sst s10  }
0x38: {  	s10 =	sld [smem:$0x3FBA]  }
0x39: {  	_ = 	snop;
	(pc) =	sbr.ind lr, $3  }
0x3a: {  	_ = 	snop  }
0x3b: {  	_ = 	snop  }
0x3c: {  	p2 =	seq.s32 s10, $0x1;
	s10 =	sld [smem:$0x3FB9]  }
0x3d: {  	_ =	shalt  }
0x3e: {  	_ =	shalt  }
0x3f: {  	_ =	shalt  }
0x40: {  	_ =	shalt  }
0x41: {  	_ =	shalt  }
0x42: {  	_ =	shalt  }
0x43: {  	_ =	shalt  }
0x44: {  	_ =	shalt  }
0x45: {  	_ =	shalt  }
0x46: {  	_ =	shalt  }
0x47: {  	_ =	shalt  }
0x48: {  	_ =	shalt  }
0x49: {  	_ =	shalt  }
0x4a: {  	_ =	shalt  }
0x4b: {  	_ =	shalt  }
0x4c: {  	_ =	shalt  }
0x4d: {  	_ =	shalt  }
0x4e: {  	_ =	shalt  }
0x4f: {  	_ =	shalt  }
0x50: {  	_ =	shalt  }
0x51: {  	_ =	shalt  }
0x52: {  	_ =	shalt  }
0x53: {  	_ =	shalt  }
0x54: {  	_ =	shalt  }
0x55: {  	_ =	shalt  }
0x56: {  	_ =	shalt  }
0x57: {  	_ =	shalt  }
0x58: {  	_ =	shalt  }
0x59: {  	_ =	shalt  }
0x5a: {  	_ =	shalt  }
0x5b: {  	_ =	shalt  }
0x5c: {  	_ =	shalt  }
0x5d: {  	_ =	shalt  }
0x5e: {  	_ =	shalt  }
0x5f: {  	_ =	shalt  }
0x60: {  	_ =	shalt  }
0x61: {  	_ =	shalt  }
0x62: {  	_ =	shalt  }
0x63: {  	_ =	shalt  }
0x64: {  	_ =	shalt  }
0x65: {  	_ =	shalt  }
0x66: {  	_ =	shalt  }
0x67: {  	_ =	shalt  }
0x68: {  	_ =	shalt  }
0x69: {  	_ =	shalt  }
0x6a: {  	_ =	shalt  }
0x6b: {  	_ =	shalt  }
0x6c: {  	_ =	shalt  }
0x6d: {  	_ =	shalt  }
0x6e: {  	_ =	shalt  }
0x6f: {  	_ =	shalt  }
0x70: {  	_ =	shalt  }
0x71: {  	_ =	shalt  }
0x72: {  	_ =	shalt  }
0x73: {  	_ =	shalt  }
0x74: {  	_ =	shalt  }
0x75: {  	_ =	shalt  }
0x76: {  	_ =	shalt  }
0x77: {  	_ =	shalt  }
0x78: {  	_ =	shalt  }
0x79: {  	_ =	shalt  }
0x7a: {  	_ =	shalt  }
0x7b: {  	_ =	shalt  }
0x7c: {  	_ =	shalt  }
0x7d: {  	_ =	shalt  }
0x7e: {  	_ =	shalt  }
0x7f: {  	_ =	shalt  }
0x80: {  	_ =	shalt  }
0x81: {  	_ =	shalt  }
0x82: {  	_ =	shalt  }
0x83: {  	_ =	shalt  }
0x84: {  	_ =	shalt  }
0x85: {  	_ =	shalt  }
0x86: {  	_ =	shalt  }
0x87: {  	_ =	shalt  }
.Lfunc_end0:
.L_simem_size_0:
called_computation.3_lowered:
.L_overlay_start_0:
0x88: {  	s2 =	sld [smem:$0x3FD9]  }
0x89: {  	s3 =	sld [smem:$0x3FFE];
	_ =	sdelay $0x1  }
0x8a: {  	s1 =	srdreg.scid  }
0x8b: {  	s0 =	sand.u32 $0x1, s1  }
0x8c: {  	s16 =	sshll.u32 s0, $0xA;
	s2 =	sadd.s32 s3, s2  }
0x8d: {  	s2 =	sadd.s32 s2, s16  }
0x8e: {  	[smem:$0x3FC5] =	sst s2  }
0x8f: {  	_ = 	snop  }
0x90: {  	(tm) =	ssettm $0x1  }
0x91: {  	s17 =	sld [smem:$0x3FFB];
	_ =	sdelay $0x3  }
0x92: {  	_ =	strace s17  }
0x93: {  	s2 =	sld [smem:$0x3FFC];
	_ =	sdelay $0x3  }
0x94: {  	_ =	strace s2  }
0x95: {  	s2 =	sld [smem:$0x3FFD];
	_ =	sdelay $0x3  }
0x96: {  	_ =	strace s2  }
0x97: {  	_ =	strace $0x8FFFFFFF  }
0x98: {  	s18 =	sld [smem:$0x3FDB];
	_ =	sdelay $0x1  }
0x99: {  	s19 =	simm.s32 $_scs_section_size  }
0x9a: {  	s4 =	simm.s32 $_size__tile_overlayer_lowered;
	s5 =	simm.s32 $_tile_overlayer_lowered  }
0x9b: {  	s22 =	simm.s32 $0x1BFF;
	s21 =	sshll.u32 s5, $0x1;
	s2 =	sadd.s32 s19, s18  }
0x9c: {  	s6 =	simm.s32 $0x0;
	s20 =	sshll.u32 s4, $0x1;
	s4 =	sadd.s32 s21, s2  }
0x9d: {  	[timem:s6], [sflag:s22] =	dma.local [hbm:s4], s20  }
0x9e: {  	_ =	swait.ge [sflag:s22], s20  }
0x9f: {  	s3 =	ssub.s32 $0x0, s20;
	[sflag:s22] =	ssyncset.done $0x0  }
0xa0: {  	[sflag:s22] =	ssyncadd.s32 s3;
	_ =	sdelay $0x1  }
0xa1: {  	s23 =	simm.s32 $0x1B8B  }
0xa2: {  	_ =	swait.ge [sflag:s23], $0x1  }
0xa3: {  	[sflag:s23] =	ssyncset.done $0x0  }
0xa4: {  	s25 =	simm.s32 $0x1B8E;
	s24 =	sld [smem:$0x3FFE];
	[sflag:s23] =	ssyncadd.s32 $0xFFFFFFFF  }
0xa5: {  	s26 =	simm.s32 $execute0_lowered;
	[smem:$0x3FD2] =	sst s25  }
0xa6: {  	s4 =	sshll.u32 s26, $0x1;
	_ =	strace $0x80000046;
	[dreg:$0x1] =	wrdreg $0xFFFFFFFF  }
0xa7: {  	s28 =	simm.s32 $_size_execute0_lowered;
	s2 =	sadd.s32 s2, s4;
	[dreg:$0x0] =	wrdreg $0x0  }
0xa8: {  	s4 =	sshll.u32 s28, $0x1;
	[dreg:$0x2] =	wrdreg s2  }
0xa9: {  	[dreg:$0x3] =	wrdreg s4  }
0xaa: {  	[dreg:$0x4] =	wrdreg $0xC0  }
0xab: {  	_ =	task [dreg:s6], $0x5FFFF  }
0xac: {  	[dreg:$0x1] =	wrdreg $0xFFFFFFFF  }
0xad: {  	[dreg:$0x0] =	wrdreg $0x60  }
0xae: {  	[dreg:$0x2] =	wrdreg s24  }
0xaf: {  	[dreg:$0x3] =	wrdreg $0xC  }
0xb0: {  	_ =	task.clear_ibuf [dreg:s6], $0x4FFFF;
	_ =	strace $0x90000046  }
0xb1: {  	s29 =	simm.s32 $0xC;
	_ =	strace $0x80000048  }
0xb2: {  	_ =	swait.ge [sflag:s29], $0x1  }
0xb3: {  	[sflag:s29] =	ssyncadd.s32 $0xFFFFFFFF  }
0xb4: {  	_ =	strace $0x90000048  }
0xb5: {  	_ =	sfence  }
0xb6: {  	s30 =	sld [smem:$0x0];
	_ =	sdelay $0x2  }
0xb7: {  	s31 =	sshll.u32 s1, $0xD;
	s1 =	sshrl.u32 s1, $0x2  }
0xb8: {  	s3 =	sand.u32 $0x4000, s31;
	s1 =	sadd.s32 s1, s30  }
0xb9: {  	s0 =	sor.u32 s3, s0;
	s1 =	sshll.u32 s1, $0x11  }
0xba: {  	s0 =	sor.u32 s1, s0  }
0xbb: {  	s0 =	sadd.s32 $0x8F2B, s0  }
0xbc: {  	[sflag:s0] =	ssyncadd.remote.s32 $0x1  }
0xbd: {  	_ =	sfence.sel $0xFFFF  }
0xbe: {  	[dreg:$0x0] =	wrdreg $0xFFFFFFFF;
	(pc) =	sbr.abs _section_cstart, $3  }
0xbf: {  	[dreg:$0x1] =	wrdreg $0xFFFFFFFF  }
0xc0: {  	_ =	task.clear_ibuf [dreg:s6], $0x2FFFF;
	_ =	strace $0x9FFFFFFF  }
0xc1: {  	(tm) =	ssettm $0x7FFFFFFF  }
tec
execute0_lowered:
.L_overlay_start_1:
0x0: {  	(tag) =	ssettag $0x1  }
0x1: {  	s5 =	rddreg [dreg:$0x0]  }
0x2: {  	s0 =	rddreg [dreg:$0x1];
	s2 =	simm.s32 $0x0;
	s3 =	srdreg.scid  }
0x3: {  	s1 =	stileid.u32;
	s18 =	simm.s32 $0x2;
	s19 =	simm.s32 $0x1000  }
0x4: {  	s20 =	simm.s32 $0x182800;
	s21 =	simm.s32 $0xC350;
	s22 =	simm.s32 $0x1  }
0x5: {  	s23 =	simm.s32 $0x12350;
	s3 =	sand.u32 $0x1, s3;
	s4 =	sshll.u32 s1, $0x1  }
0x6: {  	s24 =	simm.s32 $0x0;
	[smem:$0x7FF] =	sst s2;
	s6 =	sor.u32 s3, s4  }
0x7: {  	_ =	strace $0x80000047;
	s7 =	ssub.s32 $0x2, s3;
	s8 =	smul.u32 $0x30D4, s6  }
0x8: {  	s9 =	sshrl.u32 s7, $0x1;
	s4 =	smul.u32 $0xC140, s6;
	s31 =	sshllo.u32 s6, $0x1  }
0x9: {  	s3 =	sadd.s32 $0x2ADA00, s5;
	s17 =	ssub.s32 s7, s9;
	s7 =	smul.u32 $0x60A0, s31  }
0xa: {  	s12 =	sadd.s32 $0x1600, s5;
	s5 =	sadd.s32 $0x33EA00, s5;
	s13 =	smul.u32 $0x186A, s31  }
0xb: {  	s6 =	sadd.s32 s12, s8;
	s10 =	sshrl.u32 s4, $0x3;
	s9 =	sadd.s32 $0x1000, s4  }
0xc: {  	s17 =	smax.u32 s17, $0x1;
	s8 =	sadd.s32 s3, s10;
	s11 =	sadd.s32 $0xC00, s10  }
0xd: {  	s14 =	sshrl.u32 s7, $0x3;
	s12 =	sadd.s32 s12, s13;
	s10 =	sadd.s32 s3, s11  }
0xe: {  	s11 =	sadd.s32 s5, s11;
	s16 =	sadd.s32 $0xC00, s14;
	s13 =	sadd.s32 s3, s14  }
0xf: {  	s14 =	sadd.s32 $0x1000, s7;
	s15 =	sadd.s32 s3, s16;
	s16 =	sadd.s32 s5, s16  }
.LBB2_1:
0x10: {  	[tilespmem:s2], [sflag:$0x2] =	stream.linear.gather [hbm4b:s6+s2], $0xC350, $0x38;
	[tilespmem:$0x13350] =	vst v63  }
0x11: {  	_ =	swait.ge [sflag:s18], $0xC350  }
0x12: {  	[sflag:s18] =	ssyncset.done $0x0  }
0x13: {  	p0 =	por $0x0, $0x0;
	s25 =	simm.s32 $0x0;
	[sflag:s18] =	ssyncadd.s32 $0xFFFF3CB0  }
0x14: {  	[tilespmem:s21], [sflag:$0x1] =	stream.strided.gather [hbm4b:s8+s19], $0x3000, s20, s19, $0x38;
	[tilespmem:$0x13350] =	vst v63  }
.LBB2_2:
0x15: {  	s26 =	simm.s32 $0x1;
	_ =	swait.ge [sflag:s22], $0x3000  }
0x16: {  	p1 =	seq.s32 s25, $0x5;
	s26 =	simm.s32 @!p0 $0x0;
	[sflag:s22] =	ssyncset.done $0x0  }
0x17: {  	s28 =	simm.s32 @p1 $0x0;
	s29 =	simm.s32 @p1 $0xC350;
	[sflag:s22] =	ssyncadd.s32 $0xFFFFD000  }
0x18: {  	[tilespmem:s29], [sflag:$0x1] =	stream.linear.gather @p1 [hbm4b:s10+s28], $0xA0, $0x38;
	[tilespmem:$0x13350] =	vst v63  }
0x19: {  	s30 =	simm.s32 @p1 $0xD350;
	s31 =	simm.s32 @p1 $0xE350;
	s29 =	sadd.s32 @p1 $0x30500, s10  }
0x1a: {  	[tilespmem:s30], [sflag:$0x1] =	stream.linear.gather @p1 [hbm4b:s29+s28], $0xA0, $0x38;
	[tilespmem:$0x13350] =	vst v63  }
0x1b: {  	s26 =	smul.u32 $0xC000, s26;
	s29 =	sand.u32 $0x1, s25;
	s30 =	sadd.s32 @p1 $0x60A00, s10  }
0x1c: {  	[tilespmem:s31], [sflag:$0x1] =	stream.linear.gather @p1 [hbm4b:s30+s28], $0xA0, $0x38;
	[tilespmem:$0x13350] =	vst v63  }
0x1d: {  	s28 =	sxor.u32 @!p1 $0x1, s29  }
0x1e: {  	s26 =	sshrl.u32 s26, $0x2;
	s28 =	smul.u32 @!p1 $0xC000, s28  }
0x1f: {  	s26 =	sadd.s32 $0xD350, s26;
	s29 =	sshll.u32 @!p1 s25, $0xC  }
0x20: {  	v0 =	vmov s26;
	s29 =	sadd.s32 @!p1 s29, s9;
	s28 =	sshrl.u32 @!p1 s28, $0x2  }
0x21: {  	s26 =	sor.u32 @!p1 $0xC350, s28;
	s28 =	sshrl.u32 @!p1 s29, $0x3  }
0x22: {  	s30 =	simm.s32 @!p1 $0x182800;
	s29 =	simm.s32 @!p1 $0x1000;
	s28 =	sadd.s32 @!p1 s3, s28  }
0x23: {  	[tilespmem:s26], [sflag:$0x1] =	stream.strided.gather @!p1 [hbm4b:s28+s29], $0x3000, s30, s29, $0x38;
	[tilespmem:$0x13350] =	vst v63  }
0x24: {  	s26 =	simm.s32 $0x0  }
0x25: {  	s28 =	simm.s32 $0x40;
	v1 =	vld.idx.msk [tilespmem:v0+s26+$0xFFFFF000 ss:$0x1], $0xffff  }
.LBB2_3:
0x26: {  	p1 =	sne.s32 s28, $0x3FC0;
	v2 =	vld.idx.msk [tilespmem:v0+s26+$0x0 ss:$0x1], $0xffff  }
0x27: {  	v3 =	vld.idx.msk [tilespmem:v0+s26+$0x1000 ss:$0x1], $0xffff;
	_ =	sdelay $0x5  }
0x28: {  	v1 =	vld.idx.msk [tilespmem:v1+s2+$0x0], $0xffff  }
0x29: {  	v2 =	vld.idx.msk [tilespmem:v2+s2+$0x0], $0xffff  }
0x2a: {  	v3 =	vld.idx.msk [tilespmem:v3+s2+$0x0], $0xffff;
	_ =	sdelay $0x4  }
0x2b: {  	v1 =	vmax.f32 v1, v2  }
0x2c: {  	v1 =	vmax.f32 v1, v3  }
0x2d: {  	v1 =	vsub.f32 $1.000000000e+00, v1  }
.Ltmp0:
0x2e: {  	(pc) =	sbr.rel @p1 .LBB2_3-.Ltmp0, $3  }
0x2f: {  	v1 =	vmul.f32 $5.000000000e-01, v1;
	_ =	sdelay $0x1  }
0x30: {  	[tilespmem:s26+$0x12350] =	vst v1;
	s26 =	sshra.s32 s28, $0x2  }
0x31: {  	s28 =	sadd.s32 $0x40, s28;
	v1 =	vld.idx.msk [tilespmem:v0+s26+$0xFFFFF000 ss:$0x1], $0xffff  }
0x32: {  	_ =	sdelay $0x3  }
0x33: {  	v2 =	vld.idx.msk [tilespmem:v0+s26+$0x0 ss:$0x1], $0xffff  }
0x34: {  	v63 =	vld.idx.msk [tilespmem:v0+s26+$0x1000 ss:$0x1], $0xffff;
	_ =	sdelay $0x5  }
0x35: {  	v1 =	vld.idx.msk [tilespmem:v1+s2+$0x0], $0xffff  }
0x36: {  	v2 =	vld.idx.msk [tilespmem:v2+s2+$0x0], $0xffff  }
0x37: {  	v0 =	vld.idx.msk [tilespmem:v63+s2+$0x0], $0xffff;
	_ =	sdelay $0x3  }
0x38: {  	v1 =	vmax.f32 v1, v2  }
0x39: {  	v0 =	vmax.f32 v1, v0  }
0x3a: {  	v0 =	vsub.f32 $1.000000000e+00, v0  }
0x3b: {  	s28 =	sshll.u32 s25, $0xC  }
0x3c: {  	s25 =	sadd.s32 $0x1, s25;
	s28 =	sadd.s32 s4, s28;
	v0 =	vmul.f32 $5.000000000e-01, v0  }
0x3d: {  	p1 =	sne.s32 s25, $0x6;
	s28 =	sshrl.u32 s28, $0x3  }
.Ltmp1:
0x3e: {  	s31 =	sadd.s32 s5, s28;
	[tilespmem:s26+$0x12350] =	vst v0;
	(pc) =	sbr.rel @p1 .LBB2_2-.Ltmp1, $4  }
0x3f: {  	[hbm4b:s31+s2] =	stream.linear.scatter [tilespmem:s23], [sflag:$0x2], $0x1000, $0x38;
	[tilespmem:$0x13350] =	vst v63  }
0x40: {  	_ =	swait.ge [sflag:s18], $0x1000  }
0x41: {  	[sflag:s18] =	ssyncset.done $0x0  }
0x42: {  	p0 =	por !p0, !p0;
	[sflag:s18] =	ssyncadd.s32 $0xFFFFF000  }
0x43: {  	_ =	swait.ge [sflag:s22], $0x1E0  }
0x44: {  	[sflag:s22] =	ssyncset.done $0x0  }
0x45: {  	[sflag:s22] =	ssyncadd.s32 $0xFFFFFE20  }
0x46: {  	v0 =	vld [tilespmem:$0xC350]  }
0x47: {  	v1 =	vld [tilespmem:$0xD350]  }
0x48: {  	v2 =	vld [tilespmem:$0xE350];
	_ =	sdelay $0x4  }
0x49: {  	s25 =	simm.s32 $0x0  }
0x4a: {  	v0 =	vld.idx.msk [tilespmem:v0+s25+$0x0], $0xffff  }
0x4b: {  	v1 =	vld.idx.msk [tilespmem:v1+s25+$0x0], $0xffff  }
0x4c: {  	v2 =	vld.idx.msk [tilespmem:v2+s25+$0x0], $0xffff;
	_ =	sdelay $0x2  }
0x4d: {  	v3 =	vld [tilespmem:$0xC360]  }
0x4e: {  	v38 =	vld [tilespmem:$0xD360];
	v0 =	vmax.f32 v0, v1  }
0x4f: {  	v39 =	vld [tilespmem:$0xE360];
	v0 =	vmax.f32 v0, v2  }
0x50: {  	v0 =	vsub.f32 $1.000000000e+00, v0;
	_ =	sdelay $0x1  }
0x51: {  	v0 =	vmul.f32 $5.000000000e-01, v0;
	_ =	sdelay $0x1  }
0x52: {  	[tilespmem:$0x12350] =	vst v0  }
0x53: {  	v0 =	vld.idx.msk [tilespmem:v3+s25+$0x0], $0xffff  }
0x54: {  	v1 =	vld.idx.msk [tilespmem:v38+s25+$0x0], $0xffff  }
0x55: {  	v2 =	vld.idx.msk [tilespmem:v39+s25+$0x0], $0xffff;
	_ =	sdelay $0x2  }
0x56: {  	v40 =	vld [tilespmem:$0xC370]  }
0x57: {  	v41 =	vld [tilespmem:$0xD370];
	v0 =	vmax.f32 v0, v1  }
0x58: {  	v42 =	vld [tilespmem:$0xE370];
	v0 =	vmax.f32 v0, v2  }
0x59: {  	v0 =	vsub.f32 $1.000000000e+00, v0;
	_ =	sdelay $0x1  }
0x5a: {  	v0 =	vmul.f32 $5.000000000e-01, v0;
	_ =	sdelay $0x1  }
0x5b: {  	[tilespmem:$0x12360] =	vst v0  }
0x5c: {  	v0 =	vld.idx.msk [tilespmem:v40+s25+$0x0], $0xffff  }
0x5d: {  	v1 =	vld.idx.msk [tilespmem:v41+s25+$0x0], $0xffff  }
0x5e: {  	v2 =	vld.idx.msk [tilespmem:v42+s25+$0x0], $0xffff;
	_ =	sdelay $0x2  }
0x5f: {  	v43 =	vld [tilespmem:$0xC380]  }
0x60: {  	v44 =	vld [tilespmem:$0xD380];
	v0 =	vmax.f32 v0, v1  }
0x61: {  	v45 =	vld [tilespmem:$0xE380];
	v0 =	vmax.f32 v0, v2  }
0x62: {  	v0 =	vsub.f32 $1.000000000e+00, v0;
	_ =	sdelay $0x1  }
0x63: {  	v0 =	vmul.f32 $5.000000000e-01, v0;
	_ =	sdelay $0x1  }
0x64: {  	[tilespmem:$0x12370] =	vst v0  }
0x65: {  	v0 =	vld.idx.msk [tilespmem:v43+s25+$0x0], $0xffff  }
0x66: {  	v1 =	vld.idx.msk [tilespmem:v44+s25+$0x0], $0xffff  }
0x67: {  	v2 =	vld.idx.msk [tilespmem:v45+s25+$0x0], $0xffff;
	_ =	sdelay $0x2  }
0x68: {  	v46 =	vld [tilespmem:$0xC390]  }
0x69: {  	v47 =	vld [tilespmem:$0xD390];
	v0 =	vmax.f32 v0, v1  }
0x6a: {  	v48 =	vld [tilespmem:$0xE390];
	v0 =	vmax.f32 v0, v2  }
0x6b: {  	v0 =	vsub.f32 $1.000000000e+00, v0;
	_ =	sdelay $0x1  }
0x6c: {  	v0 =	vmul.f32 $5.000000000e-01, v0;
	_ =	sdelay $0x1  }
0x6d: {  	[tilespmem:$0x12380] =	vst v0  }
0x6e: {  	v0 =	vld.idx.msk [tilespmem:v46+s25+$0x0], $0xffff  }
0x6f: {  	v1 =	vld.idx.msk [tilespmem:v47+s25+$0x0], $0xffff  }
0x70: {  	v2 =	vld.idx.msk [tilespmem:v48+s25+$0x0], $0xffff;
	_ =	sdelay $0x2  }
0x71: {  	v49 =	vld [tilespmem:$0xC3A0]  }
0x72: {  	v50 =	vld [tilespmem:$0xD3A0];
	v0 =	vmax.f32 v0, v1  }
0x73: {  	v51 =	vld [tilespmem:$0xE3A0];
	v0 =	vmax.f32 v0, v2  }
0x74: {  	v0 =	vsub.f32 $1.000000000e+00, v0;
	_ =	sdelay $0x1  }
0x75: {  	v0 =	vmul.f32 $5.000000000e-01, v0;
	_ =	sdelay $0x1  }
0x76: {  	[tilespmem:$0x12390] =	vst v0  }
0x77: {  	v0 =	vld.idx.msk [tilespmem:v49+s25+$0x0], $0xffff  }
0x78: {  	v1 =	vld.idx.msk [tilespmem:v50+s25+$0x0], $0xffff  }
0x79: {  	v2 =	vld.idx.msk [tilespmem:v51+s25+$0x0], $0xffff;
	_ =	sdelay $0x2  }
0x7a: {  	v52 =	vld [tilespmem:$0xC3B0]  }
0x7b: {  	v53 =	vld [tilespmem:$0xD3B0];
	v0 =	vmax.f32 v0, v1  }
0x7c: {  	v54 =	vld [tilespmem:$0xE3B0];
	v0 =	vmax.f32 v0, v2  }
0x7d: {  	v0 =	vsub.f32 $1.000000000e+00, v0;
	_ =	sdelay $0x1  }
0x7e: {  	v0 =	vmul.f32 $5.000000000e-01, v0;
	_ =	sdelay $0x1  }
0x7f: {  	[tilespmem:$0x123A0] =	vst v0  }
0x80: {  	v0 =	vld.idx.msk [tilespmem:v52+s25+$0x0], $0xffff  }
0x81: {  	v1 =	vld.idx.msk [tilespmem:v53+s25+$0x0], $0xffff  }
0x82: {  	v2 =	vld.idx.msk [tilespmem:v54+s25+$0x0], $0xffff;
	_ =	sdelay $0x2  }
0x83: {  	v55 =	vld [tilespmem:$0xC3C0]  }
0x84: {  	v56 =	vld [tilespmem:$0xD3C0];
	v0 =	vmax.f32 v0, v1  }
0x85: {  	v57 =	vld [tilespmem:$0xE3C0];
	v0 =	vmax.f32 v0, v2  }
0x86: {  	v0 =	vsub.f32 $1.000000000e+00, v0;
	_ =	sdelay $0x1  }
0x87: {  	v0 =	vmul.f32 $5.000000000e-01, v0;
	_ =	sdelay $0x1  }
0x88: {  	[tilespmem:$0x123B0] =	vst v0  }
0x89: {  	v0 =	vld.idx.msk [tilespmem:v55+s25+$0x0], $0xffff  }
0x8a: {  	v1 =	vld.idx.msk [tilespmem:v56+s25+$0x0], $0xffff  }
0x8b: {  	v2 =	vld.idx.msk [tilespmem:v57+s25+$0x0], $0xffff;
	_ =	sdelay $0x2  }
0x8c: {  	v58 =	vld [tilespmem:$0xC3D0]  }
0x8d: {  	v59 =	vld [tilespmem:$0xD3D0];
	v0 =	vmax.f32 v0, v1  }
0x8e: {  	v60 =	vld [tilespmem:$0xE3D0];
	v0 =	vmax.f32 v0, v2  }
0x8f: {  	v0 =	vsub.f32 $1.000000000e+00, v0;
	_ =	sdelay $0x1  }
0x90: {  	v0 =	vmul.f32 $5.000000000e-01, v0;
	_ =	sdelay $0x1  }
0x91: {  	[tilespmem:$0x123C0] =	vst v0  }
0x92: {  	v0 =	vld.idx.msk [tilespmem:v58+s25+$0x0], $0xffff  }
0x93: {  	v1 =	vld.idx.msk [tilespmem:v59+s25+$0x0], $0xffff  }
0x94: {  	v2 =	vld.idx.msk [tilespmem:v60+s25+$0x0], $0xffff;
	_ =	sdelay $0x2  }
0x95: {  	v61 =	vld [tilespmem:$0xC3E0]  }
0x96: {  	v62 =	vld [tilespmem:$0xD3E0];
	v0 =	vmax.f32 v0, v1  }
0x97: {  	v63 =	vld [tilespmem:$0xE3E0];
	v0 =	vmax.f32 v0, v2  }
0x98: {  	v0 =	vsub.f32 $1.000000000e+00, v0;
	_ =	sdelay $0x1  }
0x99: {  	v0 =	vmul.f32 $5.000000000e-01, v0;
	_ =	sdelay $0x1  }
0x9a: {  	[tilespmem:$0x123D0] =	vst v0  }
0x9b: {  	v0 =	vld.idx.msk [tilespmem:v61+s25+$0x0], $0xffff  }
0x9c: {  	v1 =	vld.idx.msk [tilespmem:v62+s25+$0x0], $0xffff  }
0x9d: {  	v2 =	vld.idx.msk [tilespmem:v63+s25+$0x0], $0xffff;
	_ =	sdelay $0x3  }
0x9e: {  	v0 =	vmax.f32 v0, v1  }
0x9f: {  	v0 =	vmax.f32 v0, v2  }
0xa0: {  	v0 =	vsub.f32 $1.000000000e+00, v0;
	_ =	sdelay $0x1  }
0xa1: {  	v0 =	vmul.f32 $5.000000000e-01, v0;
	_ =	sdelay $0x1  }
0xa2: {  	[tilespmem:$0x123E0] =	vst v0  }
0xa3: {  	[hbm4b:s11+s25] =	stream.linear.scatter [tilespmem:s23], [sflag:$0x2], $0xA0, $0x38;
	[tilespmem:$0x13350] =	vst v63  }
0xa4: {  	_ =	swait.ge [sflag:s18], $0xA0  }
0xa5: {  	[sflag:s18] =	ssyncset.done $0x0  }
0xa6: {  	[sflag:s18] =	ssyncadd.s32 $0xFFFFFF60  }
0xa7: {  	[tilespmem:s25], [sflag:$0x2] =	stream.linear.gather [hbm4b:s12+s25], $0xC350, $0x38;
	[tilespmem:$0x13350] =	vst v63  }
0xa8: {  	_ =	swait.ge [sflag:s18], $0xC350  }
0xa9: {  	[sflag:s18] =	ssyncset.done $0x0  }
0xaa: {  	p0 =	por $0x0, $0x0;
	[sflag:s18] =	ssyncadd.s32 $0xFFFF3CB0  }
0xab: {  	[tilespmem:s21], [sflag:$0x1] =	stream.strided.gather [hbm4b:s13+s19], $0x3000, s20, s19, $0x38;
	[tilespmem:$0x13350] =	vst v63  }
.LBB2_6:
0xac: {  	s26 =	simm.s32 $0x1;
	_ =	swait.ge [sflag:s22], $0x3000  }
0xad: {  	p1 =	seq.s32 s25, $0x5;
	s26 =	simm.s32 @!p0 $0x0;
	[sflag:s22] =	ssyncset.done $0x0  }
0xae: {  	s28 =	simm.s32 @p1 $0x0;
	s29 =	simm.s32 @p1 $0xC350;
	[sflag:s22] =	ssyncadd.s32 $0xFFFFD000  }
0xaf: {  	[tilespmem:s29], [sflag:$0x1] =	stream.linear.gather @p1 [hbm4b:s15+s28], $0xA0, $0x38;
	[tilespmem:$0x13350] =	vst v63  }
0xb0: {  	s30 =	simm.s32 @p1 $0xD350;
	s31 =	simm.s32 @p1 $0xE350;
	s29 =	sadd.s32 @p1 $0x30500, s15  }
0xb1: {  	[tilespmem:s30], [sflag:$0x1] =	stream.linear.gather @p1 [hbm4b:s29+s28], $0xA0, $0x38;
	[tilespmem:$0x13350] =	vst v63  }
0xb2: {  	s26 =	smul.u32 $0xC000, s26;
	s29 =	sand.u32 $0x1, s25;
	s30 =	sadd.s32 @p1 $0x60A00, s15  }
0xb3: {  	[tilespmem:s31], [sflag:$0x1] =	stream.linear.gather @p1 [hbm4b:s30+s28], $0xA0, $0x38;
	[tilespmem:$0x13350] =	vst v63  }
0xb4: {  	s28 =	sxor.u32 @!p1 $0x1, s29  }
0xb5: {  	s26 =	sshrl.u32 s26, $0x2;
	s28 =	smul.u32 @!p1 $0xC000, s28  }
0xb6: {  	s26 =	sadd.s32 $0xD350, s26;
	s29 =	sshll.u32 @!p1 s25, $0xC  }
0xb7: {  	v0 =	vmov s26;
	s29 =	sadd.s32 @!p1 s29, s14;
	s28 =	sshrl.u32 @!p1 s28, $0x2  }
0xb8: {  	s26 =	sor.u32 @!p1 $0xC350, s28;
	s28 =	sshrl.u32 @!p1 s29, $0x3  }
0xb9: {  	s30 =	simm.s32 @!p1 $0x182800;
	s29 =	simm.s32 @!p1 $0x1000;
	s28 =	sadd.s32 @!p1 s3, s28  }
0xba: {  	[tilespmem:s26], [sflag:$0x1] =	stream.strided.gather @!p1 [hbm4b:s28+s29], $0x3000, s30, s29, $0x38;
	[tilespmem:$0x13350] =	vst v63  }
0xbb: {  	s26 =	simm.s32 $0x0  }
0xbc: {  	s28 =	simm.s32 $0x40;
	v1 =	vld.idx.msk [tilespmem:v0+s26+$0xFFFFF000 ss:$0x1], $0xffff  }
.LBB2_7:
0xbd: {  	p1 =	sne.s32 s28, $0x3FC0;
	v2 =	vld.idx.msk [tilespmem:v0+s26+$0x0 ss:$0x1], $0xffff  }
0xbe: {  	v3 =	vld.idx.msk [tilespmem:v0+s26+$0x1000 ss:$0x1], $0xffff;
	_ =	sdelay $0x5  }
0xbf: {  	v1 =	vld.idx.msk [tilespmem:v1+s2+$0x0], $0xffff  }
0xc0: {  	v2 =	vld.idx.msk [tilespmem:v2+s2+$0x0], $0xffff  }
0xc1: {  	v3 =	vld.idx.msk [tilespmem:v3+s2+$0x0], $0xffff;
	_ =	sdelay $0x4  }
0xc2: {  	v1 =	vmax.f32 v1, v2  }
0xc3: {  	v1 =	vmax.f32 v1, v3  }
0xc4: {  	v1 =	vsub.f32 $1.000000000e+00, v1  }
.Ltmp2:
0xc5: {  	(pc) =	sbr.rel @p1 .LBB2_7-.Ltmp2, $3  }
0xc6: {  	v1 =	vmul.f32 $5.000000000e-01, v1;
	_ =	sdelay $0x1  }
0xc7: {  	[tilespmem:s26+$0x12350] =	vst v1;
	s26 =	sshra.s32 s28, $0x2  }
0xc8: {  	s28 =	sadd.s32 $0x40, s28;
	v1 =	vld.idx.msk [tilespmem:v0+s26+$0xFFFFF000 ss:$0x1], $0xffff  }
0xc9: {  	_ =	sdelay $0x3  }
0xca: {  	v2 =	vld.idx.msk [tilespmem:v0+s26+$0x0 ss:$0x1], $0xffff  }
0xcb: {  	v63 =	vld.idx.msk [tilespmem:v0+s26+$0x1000 ss:$0x1], $0xffff;
	_ =	sdelay $0x5  }
0xcc: {  	v1 =	vld.idx.msk [tilespmem:v1+s2+$0x0], $0xffff  }
0xcd: {  	v2 =	vld.idx.msk [tilespmem:v2+s2+$0x0], $0xffff  }
0xce: {  	v0 =	vld.idx.msk [tilespmem:v63+s2+$0x0], $0xffff;
	_ =	sdelay $0x3  }
0xcf: {  	v1 =	vmax.f32 v1, v2  }
0xd0: {  	v0 =	vmax.f32 v1, v0  }
0xd1: {  	v0 =	vsub.f32 $1.000000000e+00, v0  }
0xd2: {  	s28 =	sshll.u32 s25, $0xC  }
0xd3: {  	s25 =	sadd.s32 $0x1, s25;
	s28 =	sadd.s32 s7, s28;
	v0 =	vmul.f32 $5.000000000e-01, v0  }
0xd4: {  	p1 =	sne.s32 s25, $0x6;
	s28 =	sshrl.u32 s28, $0x3  }
.Ltmp3:
0xd5: {  	s31 =	sadd.s32 s5, s28;
	[tilespmem:s26+$0x12350] =	vst v0;
	(pc) =	sbr.rel @p1 .LBB2_6-.Ltmp3, $4  }
0xd6: {  	[hbm4b:s31+s2] =	stream.linear.scatter [tilespmem:s23], [sflag:$0x2], $0x1000, $0x38;
	[tilespmem:$0x13350] =	vst v63  }
0xd7: {  	_ =	swait.ge [sflag:s18], $0x1000  }
0xd8: {  	[sflag:s18] =	ssyncset.done $0x0  }
0xd9: {  	p0 =	por !p0, !p0;
	[sflag:s18] =	ssyncadd.s32 $0xFFFFF000  }
0xda: {  	_ =	swait.ge [sflag:s22], $0x1E0  }
0xdb: {  	[sflag:s22] =	ssyncset.done $0x0  }
0xdc: {  	[sflag:s22] =	ssyncadd.s32 $0xFFFFFE20  }
0xdd: {  	v0 =	vld [tilespmem:$0xC350]  }
0xde: {  	v1 =	vld [tilespmem:$0xD350]  }
0xdf: {  	v2 =	vld [tilespmem:$0xE350];
	_ =	sdelay $0x5  }
0xe0: {  	v0 =	vld.idx.msk [tilespmem:v0+s2+$0x0], $0xffff  }
0xe1: {  	v1 =	vld.idx.msk [tilespmem:v1+s2+$0x0], $0xffff  }
0xe2: {  	v2 =	vld.idx.msk [tilespmem:v2+s2+$0x0], $0xffff;
	_ =	sdelay $0x2  }
0xe3: {  	v3 =	vld [tilespmem:$0xC360]  }
0xe4: {  	v38 =	vld [tilespmem:$0xD360];
	v0 =	vmax.f32 v0, v1  }
0xe5: {  	v39 =	vld [tilespmem:$0xE360];
	v0 =	vmax.f32 v0, v2  }
0xe6: {  	v0 =	vsub.f32 $1.000000000e+00, v0;
	_ =	sdelay $0x1  }
0xe7: {  	v0 =	vmul.f32 $5.000000000e-01, v0;
	_ =	sdelay $0x1  }
0xe8: {  	[tilespmem:$0x12350] =	vst v0  }
0xe9: {  	v0 =	vld.idx.msk [tilespmem:v3+s2+$0x0], $0xffff  }
0xea: {  	v1 =	vld.idx.msk [tilespmem:v38+s2+$0x0], $0xffff  }
0xeb: {  	v2 =	vld.idx.msk [tilespmem:v39+s2+$0x0], $0xffff;
	_ =	sdelay $0x2  }
0xec: {  	v40 =	vld [tilespmem:$0xC370]  }
0xed: {  	v41 =	vld [tilespmem:$0xD370];
	v0 =	vmax.f32 v0, v1  }
0xee: {  	v42 =	vld [tilespmem:$0xE370];
	v0 =	vmax.f32 v0, v2  }
0xef: {  	v0 =	vsub.f32 $1.000000000e+00, v0;
	_ =	sdelay $0x1  }
0xf0: {  	v0 =	vmul.f32 $5.000000000e-01, v0;
	_ =	sdelay $0x1  }
0xf1: {  	[tilespmem:$0x12360] =	vst v0  }
0xf2: {  	v0 =	vld.idx.msk [tilespmem:v40+s2+$0x0], $0xffff  }
0xf3: {  	v1 =	vld.idx.msk [tilespmem:v41+s2+$0x0], $0xffff  }
0xf4: {  	v2 =	vld.idx.msk [tilespmem:v42+s2+$0x0], $0xffff;
	_ =	sdelay $0x2  }
0xf5: {  	v43 =	vld [tilespmem:$0xC380]  }
0xf6: {  	v44 =	vld [tilespmem:$0xD380];
	v0 =	vmax.f32 v0, v1  }
0xf7: {  	v45 =	vld [tilespmem:$0xE380];
	v0 =	vmax.f32 v0, v2  }
0xf8: {  	v0 =	vsub.f32 $1.000000000e+00, v0;
	_ =	sdelay $0x1  }
0xf9: {  	v0 =	vmul.f32 $5.000000000e-01, v0;
	_ =	sdelay $0x1  }
0xfa: {  	[tilespmem:$0x12370] =	vst v0  }
0xfb: {  	v0 =	vld.idx.msk [tilespmem:v43+s2+$0x0], $0xffff  }
0xfc: {  	v1 =	vld.idx.msk [tilespmem:v44+s2+$0x0], $0xffff  }
0xfd: {  	v2 =	vld.idx.msk [tilespmem:v45+s2+$0x0], $0xffff;
	_ =	sdelay $0x2  }
0xfe: {  	v46 =	vld [tilespmem:$0xC390]  }
0xff: {  	v47 =	vld [tilespmem:$0xD390];
	v0 =	vmax.f32 v0, v1  }
0x100: {  	v48 =	vld [tilespmem:$0xE390];
	v0 =	vmax.f32 v0, v2  }
0x101: {  	v0 =	vsub.f32 $1.000000000e+00, v0;
	_ =	sdelay $0x1  }
0x102: {  	v0 =	vmul.f32 $5.000000000e-01, v0;
	_ =	sdelay $0x1  }
0x103: {  	[tilespmem:$0x12380] =	vst v0  }
0x104: {  	v0 =	vld.idx.msk [tilespmem:v46+s2+$0x0], $0xffff  }
0x105: {  	v1 =	vld.idx.msk [tilespmem:v47+s2+$0x0], $0xffff  }
0x106: {  	v2 =	vld.idx.msk [tilespmem:v48+s2+$0x0], $0xffff;
	_ =	sdelay $0x2  }
0x107: {  	v49 =	vld [tilespmem:$0xC3A0]  }
0x108: {  	v50 =	vld [tilespmem:$0xD3A0];
	v0 =	vmax.f32 v0, v1  }
0x109: {  	v51 =	vld [tilespmem:$0xE3A0];
	v0 =	vmax.f32 v0, v2  }
0x10a: {  	v0 =	vsub.f32 $1.000000000e+00, v0;
	_ =	sdelay $0x1  }
0x10b: {  	v0 =	vmul.f32 $5.000000000e-01, v0;
	_ =	sdelay $0x1  }
0x10c: {  	[tilespmem:$0x12390] =	vst v0  }
0x10d: {  	v0 =	vld.idx.msk [tilespmem:v49+s2+$0x0], $0xffff  }
0x10e: {  	v1 =	vld.idx.msk [tilespmem:v50+s2+$0x0], $0xffff  }
0x10f: {  	v2 =	vld.idx.msk [tilespmem:v51+s2+$0x0], $0xffff;
	_ =	sdelay $0x2  }
0x110: {  	v52 =	vld [tilespmem:$0xC3B0]  }
0x111: {  	v53 =	vld [tilespmem:$0xD3B0];
	v0 =	vmax.f32 v0, v1  }
0x112: {  	v54 =	vld [tilespmem:$0xE3B0];
	v0 =	vmax.f32 v0, v2  }
0x113: {  	v0 =	vsub.f32 $1.000000000e+00, v0;
	_ =	sdelay $0x1  }
0x114: {  	v0 =	vmul.f32 $5.000000000e-01, v0;
	_ =	sdelay $0x1  }
0x115: {  	[tilespmem:$0x123A0] =	vst v0  }
0x116: {  	v0 =	vld.idx.msk [tilespmem:v52+s2+$0x0], $0xffff  }
0x117: {  	v1 =	vld.idx.msk [tilespmem:v53+s2+$0x0], $0xffff  }
0x118: {  	v2 =	vld.idx.msk [tilespmem:v54+s2+$0x0], $0xffff;
	_ =	sdelay $0x2  }
0x119: {  	v55 =	vld [tilespmem:$0xC3C0]  }
0x11a: {  	v56 =	vld [tilespmem:$0xD3C0];
	v0 =	vmax.f32 v0, v1  }
0x11b: {  	v57 =	vld [tilespmem:$0xE3C0];
	v0 =	vmax.f32 v0, v2  }
0x11c: {  	v0 =	vsub.f32 $1.000000000e+00, v0;
	_ =	sdelay $0x1  }
0x11d: {  	v0 =	vmul.f32 $5.000000000e-01, v0;
	_ =	sdelay $0x1  }
0x11e: {  	[tilespmem:$0x123B0] =	vst v0  }
0x11f: {  	v0 =	vld.idx.msk [tilespmem:v55+s2+$0x0], $0xffff  }
0x120: {  	v1 =	vld.idx.msk [tilespmem:v56+s2+$0x0], $0xffff  }
0x121: {  	v2 =	vld.idx.msk [tilespmem:v57+s2+$0x0], $0xffff;
	_ =	sdelay $0x2  }
0x122: {  	v58 =	vld [tilespmem:$0xC3D0]  }
0x123: {  	v59 =	vld [tilespmem:$0xD3D0];
	v0 =	vmax.f32 v0, v1  }
0x124: {  	v60 =	vld [tilespmem:$0xE3D0];
	v0 =	vmax.f32 v0, v2  }
0x125: {  	v0 =	vsub.f32 $1.000000000e+00, v0;
	_ =	sdelay $0x1  }
0x126: {  	v0 =	vmul.f32 $5.000000000e-01, v0;
	_ =	sdelay $0x1  }
0x127: {  	[tilespmem:$0x123C0] =	vst v0  }
0x128: {  	v0 =	vld.idx.msk [tilespmem:v58+s2+$0x0], $0xffff  }
0x129: {  	v1 =	vld.idx.msk [tilespmem:v59+s2+$0x0], $0xffff  }
0x12a: {  	v2 =	vld.idx.msk [tilespmem:v60+s2+$0x0], $0xffff;
	_ =	sdelay $0x2  }
0x12b: {  	v61 =	vld [tilespmem:$0xC3E0]  }
0x12c: {  	v62 =	vld [tilespmem:$0xD3E0];
	v0 =	vmax.f32 v0, v1  }
0x12d: {  	v63 =	vld [tilespmem:$0xE3E0];
	v0 =	vmax.f32 v0, v2  }
0x12e: {  	v0 =	vsub.f32 $1.000000000e+00, v0;
	_ =	sdelay $0x1  }
0x12f: {  	v0 =	vmul.f32 $5.000000000e-01, v0;
	_ =	sdelay $0x1  }
0x130: {  	[tilespmem:$0x123D0] =	vst v0  }
0x131: {  	v0 =	vld.idx.msk [tilespmem:v61+s2+$0x0], $0xffff  }
0x132: {  	v1 =	vld.idx.msk [tilespmem:v62+s2+$0x0], $0xffff  }
0x133: {  	v2 =	vld.idx.msk [tilespmem:v63+s2+$0x0], $0xffff;
	_ =	sdelay $0x3  }
0x134: {  	v0 =	vmax.f32 v0, v1  }
0x135: {  	v0 =	vmax.f32 v0, v2  }
0x136: {  	v0 =	vsub.f32 $1.000000000e+00, v0;
	_ =	sdelay $0x1  }
0x137: {  	s24 =	sadd.s32 $0x1, s24;
	v0 =	vmul.f32 $5.000000000e-01, v0  }
0x138: {  	p0 =	sne.s32 s24, s17  }
.Ltmp4:
0x139: {  	[tilespmem:$0x123E0] =	vst v0;
	(pc) =	sbr.rel @p0 .LBB2_1-.Ltmp4, $4  }
0x13a: {  	[hbm4b:s16+s2] =	stream.linear.scatter [tilespmem:s23], [sflag:$0x2], $0xA0, $0x38;
	[tilespmem:$0x13350] =	vst v63  }
0x13b: {  	_ =	swait.ge [sflag:s18], $0xA0  }
0x13c: {  	[sflag:s18] =	ssyncset.done $0x0  }
0x13d: {  	[sflag:s18] =	ssyncadd.s32 $0xFFFFFF60  }
0x13e: {  	_ =	sfence.sel $0x180000  }
0x13f: {  	[bflag:$0x0] =	sbarrier.arrive $0xFFFF  }
0x140: {  	p0 =	sne.s32 s1, $0x0;
	_ =	strace $0x90000047  }
0x141: {  	s0 =	sadd.s32 @!p0 $0x100000, s0;
	[bflag:$0x2] =	sbarrier.arrive $0xFFFF  }
0x142: {  	[sflag:s0] =	ssyncadd.tile.s32 @!p0 $0x1;
	_ =	shalt  }
.Lfunc_end2:
_tile_overlayer_lowered:
.L_overlay_start_2:
0x143: {  	(tag) =	ssettag $0x2  }
0x144: {  	s0 =	rddreg [dreg:$0x0];
	s2 =	stileid.u32  }
0x145: {  	s1 =	rddreg [dreg:$0x1];
	p0 =	sne.s32 s2, $0x0  }
0x146: {  	s3 =	rddreg [dreg:$0x2];
	[bflag:$0x3] =	sbarrier.arrive $0xFFFF;
	s2 =	simm.s32 @!p0 $0x1C02  }
0x147: {  	[timem:s3], [sflag:s2] =	dma.local @!p0 [hbm:s0], s1  }
0x148: {  	s0 =	simm.s32 @!p0 $0x2  }
0x149: {  	_ =	swait.ge @!p0 [sflag:s0], s1  }
0x14a: {  	s1 =	ssub.s32 @!p0 $0x0, s1;
	[sflag:s0] =	ssyncset.done @!p0 $0x0  }
0x14b: {  	[sflag:s0] =	ssyncadd.s32 @!p0 s1  }
0x14c: {  	[bflag:$0x3] =	sbarrier.arrive $0xFFFF  }
0x14d: {  	_ =	shalt  }

// kernel: kernel.6.cloned.1.call-start
scs
__scs_entry_jumppad:
0x0: {  	(pc) =	sbr.rel $0x88, $3  }
0x1: {  	(tag) =	ssettag $0x0;
	lr =	simm.s32 $0x1  }
0x2: {  	[smem:$0x3F9E] =	sst lr;
	_ =	strace $0xD0000000  }
0x3: {  	_ = 	snop  }
0x4: {  	_ = 	snop  }
0x5: {  	_ = 	snop  }
0x6: {  	_ = 	snop  }
0x7: {  	_ = 	snop  }
__scs_overlays_trampoline_lowered:
0x8: {  	[smem:$0x3FAD] =	sst s0  }
0x9: {  	[smem:$0x3FAE] =	sst s1  }
0xa: {  	[smem:$0x3FAF] =	sst s2  }
0xb: {  	[smem:$0x3FB0] =	sst s3  }
0xc: {  	[smem:$0x3FB1] =	sst s4  }
0xd: {  	[smem:$0x3FB2] =	sst s5  }
0xe: {  	[smem:$0x3FB3] =	sst s6  }
0xf: {  	[smem:$0x3FB4] =	sst s7  }
0x10: {  	[smem:$0x3FB5] =	sst s8  }
0x11: {  	[smem:$0x3FB6] =	sst s9;
	s0 =	simm.s32 @!p0 $0x0  }
0x12: {  	s1 =	sld [smem:$0x3F9C];
	s0 =	simm.s32 @p0 $0x1  }
0x13: {  	[smem:$0x3FB7] =	sst s0;
	s0 =	simm.s32 @!p1 $0x0  }
0x14: {  	s2 =	sld [smem:$0x3F9B];
	s0 =	simm.s32 @p1 $0x1  }
0x15: {  	[smem:$0x3FB8] =	sst s0;
	s0 =	simm.s32 @!p2 $0x0  }
0x16: {  	s3 =	sld [smem:$0x3FDB];
	s0 =	simm.s32 @p2 $0x1  }
0x17: {  	s4 =	simm.s32 $0x1BF5;
	[smem:$0x3FBA] =	sst s0  }
0x18: {  	s0 =	sld [smem:$0x3F9D];
	_ =	swait.ge [sflag:s4], $0x0  }
0x19: {  	s7 =	sld [smem:$0x3F9E]  }
0x1a: {  	s8 =	sadd.s32 $0xFFFFE003, lr  }
0x1b: {  	s9 =	sadd.s32 $0xFFFFFEF7, lr;
	s5 =	simm.s32 $0xFFFFFFFF;
	p2 =	slt.u32 s8, $0xFFFFF086  }
0x1c: {  	p1 =	slt.u32 s9, $0xF7A;
	s5 =	simm.s32 @!p2 $0x0  }
0x1d: {  	s5 =	simm.s32 @p1 $0x1;
	p0 =	seq.s32 s7, s2  }
0x1e: {  	s7 =	smul.u32 @!p0 $0xF7A, s2;
	p2 =	seq.s32 @!p0 s5, $0x0  }
0x1f: {  	s9 =	smul.u32 $0xF7A, s1;
	s8 =	simm.s32 @!p0 $0x1BF5;
	p2 =	por !p2, p0  }
0x20: {  	[sflag:s8] =	ssyncset.s32 @!p0 $0xFFFFF086;
	s6 =	sadd.s32 @!p0 s3, s7;
	s7 =	simm.s32 @!p0 $0x108  }
0x21: {  	s3 =	sadd.s32 s3, s9;
	s6 =	sadd.s32 @!p0 $0x88, s6;
	s7 =	simm.s32 @p2 $0x1082  }
0x22: {  	[simem:s7], [sflag:s8] =	dma.local @!p0 [hbm:s6], $0xF7A  }
0x23: {  	s9 =	sor.u32 $0xD0000000, s2;
	s6 =	simm.s32 $0x108;
	_ =	swait.ge @!p0 [sflag:s8], $0x0  }
0x24: {  	s3 =	sadd.s32 $0x88, s3;
	s6 =	simm.s32 @!p1 $0x1082;
	[sflag:s4] =	ssyncset.s32 $0xFFFFF086  }
0x25: {  	[simem:s6], [sflag:s4] =	dma.local [hbm:s3], $0xF7A  }
0x26: {  	[smem:$0x3F9E] =	sst s1;
	(tag) =	ssettag s2;
	_ =	strace s9  }
0x27: {  	s1 =	sld [smem:$0x3FAE]  }
0x28: {  	s2 =	sld [smem:$0x3FAF]  }
0x29: {  	s4 =	sld [smem:$0x3FB1]  }
0x2a: {  	p0 =	seq.s32 s5, $0x0;
	s5 =	sld [smem:$0x3FB2]  }
0x2b: {  	s6 =	sld [smem:$0x3FB3]  }
0x2c: {  	s7 =	sld [smem:$0x3FB4]  }
0x2d: {  	s3 =	simm.s32 $0x108;
	s8 =	sld [smem:$0x3FB5]  }
0x2e: {  	s3 =	simm.s32 @!p0 $0x1082;
	s9 =	sld [smem:$0x3FB6]  }
0x2f: {  	lr =	sadd.s32 s0, s3;
	s0 =	sld [smem:$0x3FAD]  }
0x30: {  	s3 =	sld [smem:$0x3FB0]  }
0x31: {  	[smem:$0x3FB9] =	sst s10  }
0x32: {  	s10 =	sld [smem:$0x3FB7];
	_ =	sdelay $0x3  }
0x33: {  	p0 =	seq.s32 s10, $0x1;
	s10 =	sld [smem:$0x3FB9];
	_ =	sdelay $0x3  }
0x34: {  	[smem:$0x3FB9] =	sst s10  }
0x35: {  	s10 =	sld [smem:$0x3FB8];
	_ =	sdelay $0x3  }
0x36: {  	p1 =	seq.s32 s10, $0x1;
	s10 =	sld [smem:$0x3FB9];
	_ =	sdelay $0x3  }
0x37: {  	[smem:$0x3FB9] =	sst s10  }
0x38: {  	s10 =	sld [smem:$0x3FBA]  }
0x39: {  	_ = 	snop;
	(pc) =	sbr.ind lr, $3  }
0x3a: {  	_ = 	snop  }
0x3b: {  	_ = 	snop  }
0x3c: {  	p2 =	seq.s32 s10, $0x1;
	s10 =	sld [smem:$0x3FB9]  }
0x3d: {  	_ =	shalt  }
0x3e: {  	_ =	shalt  }
0x3f: {  	_ =	shalt  }
0x40: {  	_ =	shalt  }
0x41: {  	_ =	shalt  }
0x42: {  	_ =	shalt  }
0x43: {  	_ =	shalt  }
0x44: {  	_ =	shalt  }
0x45: {  	_ =	shalt  }
0x46: {  	_ =	shalt  }
0x47: {  	_ =	shalt  }
0x48: {  	_ =	shalt  }
0x49: {  	_ =	shalt  }
0x4a: {  	_ =	shalt  }
0x4b: {  	_ =	shalt  }
0x4c: {  	_ =	shalt  }
0x4d: {  	_ =	shalt  }
0x4e: {  	_ =	shalt  }
0x4f: {  	_ =	shalt  }
0x50: {  	_ =	shalt  }
0x51: {  	_ =	shalt  }
0x52: {  	_ =	shalt  }
0x53: {  	_ =	shalt  }
0x54: {  	_ =	shalt  }
0x55: {  	_ =	shalt  }
0x56: {  	_ =	shalt  }
0x57: {  	_ =	shalt  }
0x58: {  	_ =	shalt  }
0x59: {  	_ =	shalt  }
0x5a: {  	_ =	shalt  }
0x5b: {  	_ =	shalt  }
0x5c: {  	_ =	shalt  }
0x5d: {  	_ =	shalt  }
0x5e: {  	_ =	shalt  }
0x5f: {  	_ =	shalt  }
0x60: {  	_ =	shalt  }
0x61: {  	_ =	shalt  }
0x62: {  	_ =	shalt  }
0x63: {  	_ =	shalt  }
0x64: {  	_ =	shalt  }
0x65: {  	_ =	shalt  }
0x66: {  	_ =	shalt  }
0x67: {  	_ =	shalt  }
0x68: {  	_ =	shalt  }
0x69: {  	_ =	shalt  }
0x6a: {  	_ =	shalt  }
0x6b: {  	_ =	shalt  }
0x6c: {  	_ =	shalt  }
0x6d: {  	_ =	shalt  }
0x6e: {  	_ =	shalt  }
0x6f: {  	_ =	shalt  }
0x70: {  	_ =	shalt  }
0x71: {  	_ =	shalt  }
0x72: {  	_ =	shalt  }
0x73: {  	_ =	shalt  }
0x74: {  	_ =	shalt  }
0x75: {  	_ =	shalt  }
0x76: {  	_ =	shalt  }
0x77: {  	_ =	shalt  }
0x78: {  	_ =	shalt  }
0x79: {  	_ =	shalt  }
0x7a: {  	_ =	shalt  }
0x7b: {  	_ =	shalt  }
0x7c: {  	_ =	shalt  }
0x7d: {  	_ =	shalt  }
0x7e: {  	_ =	shalt  }
0x7f: {  	_ =	shalt  }
0x80: {  	_ =	shalt  }
0x81: {  	_ =	shalt  }
0x82: {  	_ =	shalt  }
0x83: {  	_ =	shalt  }
0x84: {  	_ =	shalt  }
0x85: {  	_ =	shalt  }
0x86: {  	_ =	shalt  }
0x87: {  	_ =	shalt  }
.Lfunc_end0:
.L_simem_size_0:
called_computation_lowered:
.L_overlay_start_0:
0x88: {  	s2 =	sld [smem:$0x3FD9]  }
0x89: {  	s3 =	sld [smem:$0x3FFE];
	_ =	sdelay $0x1  }
0x8a: {  	s1 =	srdreg.scid  }
0x8b: {  	s0 =	sand.u32 $0x1, s1  }
0x8c: {  	s17 =	sshll.u32 s0, $0xA;
	s2 =	sadd.s32 s3, s2  }
0x8d: {  	s2 =	sadd.s32 s2, s17  }
0x8e: {  	[smem:$0x3FC5] =	sst s2  }
0x8f: {  	_ = 	snop  }
0x90: {  	(tm) =	ssettm $0x1  }
0x91: {  	s18 =	sld [smem:$0x3FFB];
	_ =	sdelay $0x3  }
0x92: {  	_ =	strace s18  }
0x93: {  	s2 =	sld [smem:$0x3FFC];
	_ =	sdelay $0x3  }
0x94: {  	_ =	strace s2  }
0x95: {  	s2 =	sld [smem:$0x3FFD];
	_ =	sdelay $0x3  }
0x96: {  	_ =	strace s2  }
0x97: {  	_ =	strace $0x8FFFFFFF  }
0x98: {  	s19 =	sld [smem:$0x3FDB];
	_ =	sdelay $0x1  }
0x99: {  	s20 =	simm.s32 $_scs_section_size  }
0x9a: {  	s4 =	simm.s32 $_size__tile_overlayer_lowered;
	s5 =	simm.s32 $_tile_overlayer_lowered  }
0x9b: {  	s6 =	simm.s32 $0x1BFF;
	s21 =	sshll.u32 s5, $0x1;
	s3 =	sadd.s32 s20, s19  }
0x9c: {  	s22 =	simm.s32 $0x0;
	s4 =	sshll.u32 s4, $0x1;
	s5 =	sadd.s32 s21, s3  }
0x9d: {  	[timem:s22], [sflag:s6] =	dma.local [hbm:s5], s4  }
0x9e: {  	_ =	swait.ge [sflag:s6], s4  }
0x9f: {  	s4 =	ssub.s32 $0x0, s4;
	[sflag:s6] =	ssyncset.done $0x0  }
0xa0: {  	[sflag:s6] =	ssyncadd.s32 s4;
	_ =	sdelay $0x1  }
0xa1: {  	s23 =	simm.s32 $0x1B8B  }
0xa2: {  	_ =	swait.ge [sflag:s23], $0x1  }
0xa3: {  	[sflag:s23] =	ssyncset.done $0x0  }
0xa4: {  	[sflag:s23] =	ssyncadd.s32 $0xFFFFFFFF  }
0xa5: {  	s4 =	sld [smem:$0x0]  }
0xa6: {  	s5 =	sand.u32 $0xFFFFFFFE, s1  }
0xa7: {  	p0 =	sne.s32 s1, s5  }
0xa8: {  	s5 =	sshll.u32 @p0 s5, $0xE  }
0xa9: {  	s5 =	sadd.s32 @p0 $0x11B8D, s5;
	s6 =	sshll.u32 @p0 s4, $0x11  }
0xaa: {  	s5 =	sor.u32 @p0 s6, s5  }
0xab: {  	[sflag:s5] =	ssyncadd.remote.s32 @p0 $0x1;
	_ =	sdelay $0x1  }
0xac: {  	s5 =	simm.s32 @p0 $0x1B8D  }
0xad: {  	_ =	swait.eq @p0 [sflag:s5], $0x1  }
0xae: {  	[sflag:s5] =	ssyncadd.s32 @p0 $0xFFFFFFFF  }
0xaf: {  	s6 =	sshll.u32 @!p0 s1, $0xE  }
0xb0: {  	s6 =	sor.u32 @!p0 $0x4000, s6;
	s5 =	simm.s32 @!p0 $0x1B8D  }
0xb1: {  	s4 =	sshll.u32 @!p0 s4, $0x11;
	s6 =	sadd.s32 @!p0 $0x11B8D, s6;
	_ =	swait.eq @!p0 [sflag:s5], $0x1  }
0xb2: {  	s4 =	sor.u32 @!p0 s4, s6;
	[sflag:s5] =	ssyncadd.s32 @!p0 $0xFFFFFFFF  }
0xb3: {  	s25 =	simm.s32 $0x1B8E;
	s24 =	sld [smem:$0x3FFE];
	[sflag:s4] =	ssyncadd.remote.s32 @!p0 $0x1  }
0xb4: {  	s26 =	simm.s32 $execute0_lowered;
	[smem:$0x3FD2] =	sst s25  }
0xb5: {  	s5 =	sshll.u32 s26, $0x1;
	_ =	strace $0x8000004F;
	[dreg:$0x1] =	wrdreg $0xFFFFFFFF  }
0xb6: {  	s28 =	simm.s32 $_size_execute0_lowered;
	s3 =	sadd.s32 s3, s5;
	[dreg:$0x0] =	wrdreg $0x0  }
0xb7: {  	s5 =	sshll.u32 s28, $0x1;
	[dreg:$0x2] =	wrdreg s3  }
0xb8: {  	[dreg:$0x3] =	wrdreg s5  }
0xb9: {  	[dreg:$0x4] =	wrdreg $0xC0  }
0xba: {  	_ =	task [dreg:s22], $0x5FFFF  }
0xbb: {  	[dreg:$0x1] =	wrdreg $0xFFFFFFFF  }
0xbc: {  	[dreg:$0x0] =	wrdreg $0x60  }
0xbd: {  	[dreg:$0x2] =	wrdreg s24  }
0xbe: {  	[dreg:$0x3] =	wrdreg $0x9  }
0xbf: {  	_ =	task.clear_ibuf [dreg:s22], $0x4FFFF;
	_ =	strace $0x9000004F  }
0xc0: {  	s29 =	simm.s32 $0x9;
	_ =	strace $0x80000051  }
0xc1: {  	_ =	swait.ge [sflag:s29], $0x1  }
0xc2: {  	[sflag:s29] =	ssyncadd.s32 $0xFFFFFFFF  }
0xc3: {  	_ =	strace $0x90000051  }
0xc4: {  	_ =	sfence  }
0xc5: {  	s30 =	sld [smem:$0x0];
	_ =	sdelay $0x2  }
0xc6: {  	s31 =	sshll.u32 s1, $0xD;
	s1 =	sshrl.u32 s1, $0x2  }
0xc7: {  	s4 =	sand.u32 $0x4000, s31;
	s1 =	sadd.s32 s1, s30  }
0xc8: {  	s0 =	sor.u32 s4, s0;
	s1 =	sshll.u32 s1, $0x11  }
0xc9: {  	s0 =	sor.u32 s1, s0  }
0xca: {  	s0 =	sadd.s32 $0x8F2B, s0  }
0xcb: {  	[sflag:s0] =	ssyncadd.remote.s32 $0x1  }
0xcc: {  	_ =	sfence.sel $0xFFFF  }
0xcd: {  	[dreg:$0x0] =	wrdreg $0xFFFFFFFF;
	(pc) =	sbr.abs _section_cstart, $3  }
0xce: {  	[dreg:$0x1] =	wrdreg $0xFFFFFFFF  }
0xcf: {  	_ =	task.clear_ibuf [dreg:s22], $0x2FFFF;
	_ =	strace $0x9FFFFFFF  }
0xd0: {  	(tm) =	ssettm $0x7FFFFFFF  }
0xd1: {  	_ =	shalt  }
tec
execute0_lowered:
.L_overlay_start_1:
0x0: {  	(tag) =	ssettag $0x1  }
0x1: {  	s5 =	rddreg [dreg:$0x0]  }
0x2: {  	s0 =	rddreg [dreg:$0x1];
	s2 =	simm.s32 $0x0;
	s3 =	srdreg.scid  }
0x3: {  	s1 =	stileid.u32;
	s18 =	simm.s32 $0x2;
	s19 =	simm.s32 $0x1000  }
0x4: {  	s20 =	simm.s32 $0x188000;
	s21 =	simm.s32 $0xC350;
	s22 =	simm.s32 $0x1  }
0x5: {  	s23 =	simm.s32 $0x12350;
	s3 =	sand.u32 $0x1, s3;
	s4 =	sshll.u32 s1, $0x1  }
0x6: {  	s24 =	simm.s32 $0x0;
	[smem:$0x7FF] =	sst s2;
	s6 =	sor.u32 s3, s4  }
0x7: {  	_ =	strace $0x80000050;
	s7 =	ssub.s32 $0x2, s3;
	s8 =	smul.u32 $0x30D4, s6  }
0x8: {  	s9 =	sshrl.u32 s7, $0x1;
	s4 =	smul.u32 $0xC400, s6;
	s31 =	sshllo.u32 s6, $0x1  }
0x9: {  	s3 =	sadd.s32 $0x158200, s5;
	s17 =	ssub.s32 s7, s9;
	s7 =	smul.u32 $0x6200, s31  }
0xa: {  	s12 =	sadd.s32 $0x1600, s5;
	s5 =	sadd.s32 $0x1EB200, s5;
	s13 =	smul.u32 $0x186A, s31  }
0xb: {  	s6 =	sadd.s32 s12, s8;
	s10 =	sshrl.u32 s4, $0x3;
	s9 =	sadd.s32 $0x1000, s4  }
0xc: {  	s17 =	smax.u32 s17, $0x1;
	s8 =	sadd.s32 s3, s10;
	s11 =	sadd.s32 $0xC00, s10  }
0xd: {  	s14 =	sshrl.u32 s7, $0x3;
	s12 =	sadd.s32 s12, s13;
	s10 =	sadd.s32 s3, s11  }
0xe: {  	s11 =	sadd.s32 s5, s11;
	s16 =	sadd.s32 $0xC00, s14;
	s13 =	sadd.s32 s3, s14  }
0xf: {  	s14 =	sadd.s32 $0x1000, s7;
	s15 =	sadd.s32 s3, s16;
	s16 =	sadd.s32 s5, s16  }
.LBB2_1:
0x10: {  	[tilespmem:s2], [sflag:$0x2] =	stream.linear.gather [hbm4b:s6+s2], $0xC350, $0x38;
	[tilespmem:$0x13350] =	vst v63  }
0x11: {  	_ =	swait.ge [sflag:s18], $0xC350  }
0x12: {  	[sflag:s18] =	ssyncset.done $0x0  }
0x13: {  	p0 =	por $0x0, $0x0;
	s25 =	simm.s32 $0x0;
	[sflag:s18] =	ssyncadd.s32 $0xFFFF3CB0  }
0x14: {  	[tilespmem:s21], [sflag:$0x1] =	stream.strided.gather [hbm4b:s8+s19], $0x3000, s20, s19, $0x38;
	[tilespmem:$0x13350] =	vst v63  }
.LBB2_2:
0x15: {  	s26 =	simm.s32 $0x1;
	_ =	swait.ge [sflag:s22], $0x3000  }
0x16: {  	p1 =	seq.s32 s25, $0x5;
	s26 =	simm.s32 @!p0 $0x0;
	[sflag:s22] =	ssyncset.done $0x0  }
0x17: {  	s28 =	simm.s32 @p1 $0x0;
	s29 =	simm.s32 @p1 $0xC350;
	[sflag:s22] =	ssyncadd.s32 $0xFFFFD000  }
0x18: {  	[tilespmem:s29], [sflag:$0x1] =	stream.linear.gather @p1 [hbm4b:s10+s28], $0x200, $0x38;
	[tilespmem:$0x13350] =	vst v63  }
0x19: {  	s30 =	simm.s32 @p1 $0xD350;
	s31 =	simm.s32 @p1 $0xE350;
	s29 =	sadd.s32 @p1 $0x31000, s10  }
0x1a: {  	[tilespmem:s30], [sflag:$0x1] =	stream.linear.gather @p1 [hbm4b:s29+s28], $0x200, $0x38;
	[tilespmem:$0x13350] =	vst v63  }
0x1b: {  	s26 =	smul.u32 $0xC000, s26;
	s29 =	sand.u32 $0x1, s25;
	s30 =	sadd.s32 @p1 $0x62000, s10  }
0x1c: {  	[tilespmem:s31], [sflag:$0x1] =	stream.linear.gather @p1 [hbm4b:s30+s28], $0x200, $0x38;
	[tilespmem:$0x13350] =	vst v63  }
0x1d: {  	s28 =	sxor.u32 @!p1 $0x1, s29  }
0x1e: {  	s26 =	sshrl.u32 s26, $0x2;
	s28 =	smul.u32 @!p1 $0xC000, s28  }
0x1f: {  	s26 =	sadd.s32 $0xD350, s26;
	s29 =	sshll.u32 @!p1 s25, $0xC  }
0x20: {  	v0 =	vmov s26;
	s29 =	sadd.s32 @!p1 s29, s9;
	s28 =	sshrl.u32 @!p1 s28, $0x2  }
0x21: {  	s26 =	sor.u32 @!p1 $0xC350, s28;
	s28 =	sshrl.u32 @!p1 s29, $0x3  }
0x22: {  	s30 =	simm.s32 @!p1 $0x188000;
	s29 =	simm.s32 @!p1 $0x1000;
	s28 =	sadd.s32 @!p1 s3, s28  }
0x23: {  	[tilespmem:s26], [sflag:$0x1] =	stream.strided.gather @!p1 [hbm4b:s28+s29], $0x3000, s30, s29, $0x38;
	[tilespmem:$0x13350] =	vst v63  }
0x24: {  	s26 =	simm.s32 $0x0  }
0x25: {  	s28 =	simm.s32 $0x40;
	v1 =	vld.idx.msk [tilespmem:v0+s26+$0xFFFFF000 ss:$0x1], $0xffff  }
.LBB2_3:
0x26: {  	p1 =	sne.s32 s28, $0x3FC0;
	v2 =	vld.idx.msk [tilespmem:v0+s26+$0x0 ss:$0x1], $0xffff  }
0x27: {  	v3 =	vld.idx.msk [tilespmem:v0+s26+$0x1000 ss:$0x1], $0xffff;
	_ =	sdelay $0x5  }
0x28: {  	v1 =	vld.idx.msk [tilespmem:v1+s2+$0x0], $0xffff  }
0x29: {  	v2 =	vld.idx.msk [tilespmem:v2+s2+$0x0], $0xffff  }
0x2a: {  	v3 =	vld.idx.msk [tilespmem:v3+s2+$0x0], $0xffff;
	_ =	sdelay $0x4  }
0x2b: {  	v1 =	vmax.f32 v1, v2  }
0x2c: {  	v1 =	vmax.f32 v1, v3  }
0x2d: {  	v1 =	vsub.f32 $1.000000000e+00, v1  }
.Ltmp0:
0x2e: {  	(pc) =	sbr.rel @p1 .LBB2_3-.Ltmp0, $3  }
0x2f: {  	v1 =	vmul.f32 $5.000000000e-01, v1;
	_ =	sdelay $0x1  }
0x30: {  	[tilespmem:s26+$0x12350] =	vst v1;
	s26 =	sshra.s32 s28, $0x2  }
0x31: {  	s28 =	sadd.s32 $0x40, s28;
	v1 =	vld.idx.msk [tilespmem:v0+s26+$0xFFFFF000 ss:$0x1], $0xffff  }
0x32: {  	_ =	sdelay $0x3  }
0x33: {  	v2 =	vld.idx.msk [tilespmem:v0+s26+$0x0 ss:$0x1], $0xffff  }
0x34: {  	v63 =	vld.idx.msk [tilespmem:v0+s26+$0x1000 ss:$0x1], $0xffff;
	_ =	sdelay $0x5  }
0x35: {  	v1 =	vld.idx.msk [tilespmem:v1+s2+$0x0], $0xffff  }
0x36: {  	v2 =	vld.idx.msk [tilespmem:v2+s2+$0x0], $0xffff  }
0x37: {  	v0 =	vld.idx.msk [tilespmem:v63+s2+$0x0], $0xffff;
	_ =	sdelay $0x3  }
0x38: {  	v1 =	vmax.f32 v1, v2  }
0x39: {  	v0 =	vmax.f32 v1, v0  }
0x3a: {  	v0 =	vsub.f32 $1.000000000e+00, v0  }
0x3b: {  	s28 =	sshll.u32 s25, $0xC  }
0x3c: {  	s25 =	sadd.s32 $0x1, s25;
	s28 =	sadd.s32 s4, s28;
	v0 =	vmul.f32 $5.000000000e-01, v0  }
0x3d: {  	p1 =	sne.s32 s25, $0x6;
	s28 =	sshrl.u32 s28, $0x3  }
.Ltmp1:
0x3e: {  	s31 =	sadd.s32 s5, s28;
	[tilespmem:s26+$0x12350] =	vst v0;
	(pc) =	sbr.rel @p1 .LBB2_2-.Ltmp1, $4  }
0x3f: {  	[hbm4b:s31+s2] =	stream.linear.scatter [tilespmem:s23], [sflag:$0x2], $0x1000, $0x38;
	[tilespmem:$0x13350] =	vst v63  }
0x40: {  	_ =	swait.ge [sflag:s18], $0x1000  }
0x41: {  	[sflag:s18] =	ssyncset.done $0x0  }
0x42: {  	p0 =	por !p0, !p0;
	[sflag:s18] =	ssyncadd.s32 $0xFFFFF000  }
0x43: {  	_ =	swait.ge [sflag:s22], $0x600  }
0x44: {  	[sflag:s22] =	ssyncset.done $0x0  }
0x45: {  	s25 =	simm.s32 $0x0;
	[sflag:s22] =	ssyncadd.s32 $0xFFFFFA00  }
0x46: {  	v0 =	vld [tilespmem:s25+$0xD350]  }
0x47: {  	v2 =	vld [tilespmem:s25+$0xC350]  }
0x48: {  	v4 =	vld [tilespmem:s25+$0xE350];
	_ =	sdelay $0x5  }
0x49: {  	v1 =	vld.idx.msk [tilespmem:v0+s2+$0x0], $0xffff  }
0x4a: {  	v3 =	vld.idx.msk [tilespmem:v2+s2+$0x0], $0xffff  }
0x4b: {  	v2 =	vld.idx.msk [tilespmem:v4+s2+$0x0], $0xffff;
	_ =	sdelay $0x1  }
0x4c: {  	s26 =	simm.s32 $0x10  }
0x4d: {  	s28 =	simm.s32 $0x80;
	v0 =	vld [tilespmem:s26+$0xD350]  }
.LBB2_6:
0x4e: {  	p0 =	sne.s32 s28, $0x7C0;
	v4 =	vld [tilespmem:s26+$0xC350];
	v1 =	vmax.f32 v3, v1  }
0x4f: {  	v5 =	vld [tilespmem:s26+$0xE350];
	v1 =	vmax.f32 v1, v2  }
0x50: {  	v1 =	vsub.f32 $1.000000000e+00, v1;
	_ =	sdelay $0x1  }
0x51: {  	v1 =	vmul.f32 $5.000000000e-01, v1;
	_ =	sdelay $0x1  }
0x52: {  	[tilespmem:s25+$0x12350] =	vst v1;
	s25 =	smov.u32 s26  }
0x53: {  	v1 =	vld.idx.msk [tilespmem:v0+s2+$0x0], $0xffff  }
0x54: {  	v3 =	vld.idx.msk [tilespmem:v4+s2+$0x0], $0xffff  }
.Ltmp2:
0x55: {  	v2 =	vld.idx.msk [tilespmem:v5+s2+$0x0], $0xffff;
	(pc) =	sbr.rel @p0 .LBB2_6-.Ltmp2, $3  }
0x56: {  	_ =	sdelay $0x1  }
0x57: {  	s26 =	sshra.s32 s28, $0x2  }
0x58: {  	s28 =	sadd.s32 $0x40, s28;
	v0 =	vld [tilespmem:s26+$0xD350]  }
0x59: {  	_ = 	snop  }
0x5a: {  	v4 =	vld [tilespmem:s26+$0xC350];
	v1 =	vmax.f32 v3, v1  }
0x5b: {  	v62 =	vld [tilespmem:s26+$0xE350];
	v1 =	vmax.f32 v1, v2  }
0x5c: {  	v1 =	vsub.f32 $1.000000000e+00, v1;
	_ =	sdelay $0x1  }
0x5d: {  	v1 =	vmul.f32 $5.000000000e-01, v1;
	_ =	sdelay $0x1  }
0x5e: {  	[tilespmem:s25+$0x12350] =	vst v1  }
0x5f: {  	v0 =	vld.idx.msk [tilespmem:v0+s2+$0x0], $0xffff  }
0x60: {  	v1 =	vld.idx.msk [tilespmem:v4+s2+$0x0], $0xffff  }
0x61: {  	v63 =	vld.idx.msk [tilespmem:v62+s2+$0x0], $0xffff;
	_ =	sdelay $0x3  }
0x62: {  	v0 =	vmax.f32 v1, v0  }
0x63: {  	v0 =	vmax.f32 v0, v63  }
0x64: {  	v0 =	vsub.f32 $1.000000000e+00, v0;
	_ =	sdelay $0x1  }
0x65: {  	v0 =	vmul.f32 $5.000000000e-01, v0;
	_ =	sdelay $0x1  }
0x66: {  	s25 =	simm.s32 $0x0;
	[tilespmem:s26+$0x12350] =	vst v0  }
0x67: {  	[hbm4b:s11+s25] =	stream.linear.scatter [tilespmem:s23], [sflag:$0x2], $0x200, $0x38;
	[tilespmem:$0x13350] =	vst v63  }
0x68: {  	_ =	swait.ge [sflag:s18], $0x200  }
0x69: {  	[sflag:s18] =	ssyncset.done $0x0  }
0x6a: {  	[sflag:s18] =	ssyncadd.s32 $0xFFFFFE00  }
0x6b: {  	[tilespmem:s25], [sflag:$0x2] =	stream.linear.gather [hbm4b:s12+s25], $0xC350, $0x38;
	[tilespmem:$0x13350] =	vst v63  }
0x6c: {  	_ =	swait.ge [sflag:s18], $0xC350  }
0x6d: {  	[sflag:s18] =	ssyncset.done $0x0  }
0x6e: {  	p0 =	por $0x0, $0x0;
	[sflag:s18] =	ssyncadd.s32 $0xFFFF3CB0  }
0x6f: {  	[tilespmem:s21], [sflag:$0x1] =	stream.strided.gather [hbm4b:s13+s19], $0x3000, s20, s19, $0x38;
	[tilespmem:$0x13350] =	vst v63  }
.LBB2_8:
0x70: {  	s26 =	simm.s32 $0x1;
	_ =	swait.ge [sflag:s22], $0x3000  }
0x71: {  	p1 =	seq.s32 s25, $0x5;
	s26 =	simm.s32 @!p0 $0x0;
	[sflag:s22] =	ssyncset.done $0x0  }
0x72: {  	s28 =	simm.s32 @p1 $0x0;
	s29 =	simm.s32 @p1 $0xC350;
	[sflag:s22] =	ssyncadd.s32 $0xFFFFD000  }
0x73: {  	[tilespmem:s29], [sflag:$0x1] =	stream.linear.gather @p1 [hbm4b:s15+s28], $0x200, $0x38;
	[tilespmem:$0x13350] =	vst v63  }
0x74: {  	s30 =	simm.s32 @p1 $0xD350;
	s31 =	simm.s32 @p1 $0xE350;
	s29 =	sadd.s32 @p1 $0x31000, s15  }
0x75: {  	[tilespmem:s30], [sflag:$0x1] =	stream.linear.gather @p1 [hbm4b:s29+s28], $0x200, $0x38;
	[tilespmem:$0x13350] =	vst v63  }
0x76: {  	s26 =	smul.u32 $0xC000, s26;
	s29 =	sand.u32 $0x1, s25;
	s30 =	sadd.s32 @p1 $0x62000, s15  }
0x77: {  	[tilespmem:s31], [sflag:$0x1] =	stream.linear.gather @p1 [hbm4b:s30+s28], $0x200, $0x38;
	[tilespmem:$0x13350] =	vst v63  }
0x78: {  	s28 =	sxor.u32 @!p1 $0x1, s29  }
0x79: {  	s26 =	sshrl.u32 s26, $0x2;
	s28 =	smul.u32 @!p1 $0xC000, s28  }
0x7a: {  	s26 =	sadd.s32 $0xD350, s26;
	s29 =	sshll.u32 @!p1 s25, $0xC  }
0x7b: {  	v0 =	vmov s26;
	s29 =	sadd.s32 @!p1 s29, s14;
	s28 =	sshrl.u32 @!p1 s28, $0x2  }
0x7c: {  	s26 =	sor.u32 @!p1 $0xC350, s28;
	s28 =	sshrl.u32 @!p1 s29, $0x3  }
0x7d: {  	s30 =	simm.s32 @!p1 $0x188000;
	s29 =	simm.s32 @!p1 $0x1000;
	s28 =	sadd.s32 @!p1 s3, s28  }
0x7e: {  	[tilespmem:s26], [sflag:$0x1] =	stream.strided.gather @!p1 [hbm4b:s28+s29], $0x3000, s30, s29, $0x38;
	[tilespmem:$0x13350] =	vst v63  }
0x7f: {  	s26 =	simm.s32 $0x0  }
0x80: {  	s28 =	simm.s32 $0x40;
	v1 =	vld.idx.msk [tilespmem:v0+s26+$0xFFFFF000 ss:$0x1], $0xffff  }
.LBB2_9:
0x81: {  	p1 =	sne.s32 s28, $0x3FC0;
	v2 =	vld.idx.msk [tilespmem:v0+s26+$0x0 ss:$0x1], $0xffff  }
0x82: {  	v3 =	vld.idx.msk [tilespmem:v0+s26+$0x1000 ss:$0x1], $0xffff;
	_ =	sdelay $0x5  }
0x83: {  	v1 =	vld.idx.msk [tilespmem:v1+s2+$0x0], $0xffff  }
0x84: {  	v2 =	vld.idx.msk [tilespmem:v2+s2+$0x0], $0xffff  }
0x85: {  	v3 =	vld.idx.msk [tilespmem:v3+s2+$0x0], $0xffff;
	_ =	sdelay $0x4  }
0x86: {  	v1 =	vmax.f32 v1, v2  }
0x87: {  	v1 =	vmax.f32 v1, v3  }
0x88: {  	v1 =	vsub.f32 $1.000000000e+00, v1  }
.Ltmp3:
0x89: {  	(pc) =	sbr.rel @p1 .LBB2_9-.Ltmp3, $3  }
0x8a: {  	v1 =	vmul.f32 $5.000000000e-01, v1;
	_ =	sdelay $0x1  }
0x8b: {  	[tilespmem:s26+$0x12350] =	vst v1;
	s26 =	sshra.s32 s28, $0x2  }
0x8c: {  	s28 =	sadd.s32 $0x40, s28;
	v1 =	vld.idx.msk [tilespmem:v0+s26+$0xFFFFF000 ss:$0x1], $0xffff  }
0x8d: {  	_ =	sdelay $0x3  }
0x8e: {  	v2 =	vld.idx.msk [tilespmem:v0+s26+$0x0 ss:$0x1], $0xffff  }
0x8f: {  	v63 =	vld.idx.msk [tilespmem:v0+s26+$0x1000 ss:$0x1], $0xffff;
	_ =	sdelay $0x5  }
0x90: {  	v1 =	vld.idx.msk [tilespmem:v1+s2+$0x0], $0xffff  }
0x91: {  	v2 =	vld.idx.msk [tilespmem:v2+s2+$0x0], $0xffff  }
0x92: {  	v0 =	vld.idx.msk [tilespmem:v63+s2+$0x0], $0xffff;
	_ =	sdelay $0x3  }
0x93: {  	v1 =	vmax.f32 v1, v2  }
0x94: {  	v0 =	vmax.f32 v1, v0  }
0x95: {  	v0 =	vsub.f32 $1.000000000e+00, v0  }
0x96: {  	s28 =	sshll.u32 s25, $0xC  }
0x97: {  	s25 =	sadd.s32 $0x1, s25;
	s28 =	sadd.s32 s7, s28;
	v0 =	vmul.f32 $5.000000000e-01, v0  }
0x98: {  	p1 =	sne.s32 s25, $0x6;
	s28 =	sshrl.u32 s28, $0x3  }
.Ltmp4:
0x99: {  	s31 =	sadd.s32 s5, s28;
	[tilespmem:s26+$0x12350] =	vst v0;
	(pc) =	sbr.rel @p1 .LBB2_8-.Ltmp4, $4  }
0x9a: {  	[hbm4b:s31+s2] =	stream.linear.scatter [tilespmem:s23], [sflag:$0x2], $0x1000, $0x38;
	[tilespmem:$0x13350] =	vst v63  }
0x9b: {  	_ =	swait.ge [sflag:s18], $0x1000  }
0x9c: {  	[sflag:s18] =	ssyncset.done $0x0  }
0x9d: {  	p0 =	por !p0, !p0;
	[sflag:s18] =	ssyncadd.s32 $0xFFFFF000  }
0x9e: {  	_ =	swait.ge [sflag:s22], $0x600  }
0x9f: {  	[sflag:s22] =	ssyncset.done $0x0  }
0xa0: {  	s25 =	simm.s32 $0x0;
	[sflag:s22] =	ssyncadd.s32 $0xFFFFFA00  }
0xa1: {  	v0 =	vld [tilespmem:s25+$0xD350]  }
0xa2: {  	v2 =	vld [tilespmem:s25+$0xC350]  }
0xa3: {  	v4 =	vld [tilespmem:s25+$0xE350];
	_ =	sdelay $0x5  }
0xa4: {  	v1 =	vld.idx.msk [tilespmem:v0+s2+$0x0], $0xffff  }
0xa5: {  	v3 =	vld.idx.msk [tilespmem:v2+s2+$0x0], $0xffff  }
0xa6: {  	v2 =	vld.idx.msk [tilespmem:v4+s2+$0x0], $0xffff;
	_ =	sdelay $0x1  }
0xa7: {  	s26 =	simm.s32 $0x10  }
0xa8: {  	s28 =	simm.s32 $0x80;
	v0 =	vld [tilespmem:s26+$0xD350]  }
.LBB2_12:
0xa9: {  	p0 =	sne.s32 s28, $0x7C0;
	v4 =	vld [tilespmem:s26+$0xC350];
	v1 =	vmax.f32 v3, v1  }
0xaa: {  	v5 =	vld [tilespmem:s26+$0xE350];
	v1 =	vmax.f32 v1, v2  }
0xab: {  	v1 =	vsub.f32 $1.000000000e+00, v1;
	_ =	sdelay $0x1  }
0xac: {  	v1 =	vmul.f32 $5.000000000e-01, v1;
	_ =	sdelay $0x1  }
0xad: {  	[tilespmem:s25+$0x12350] =	vst v1;
	s25 =	smov.u32 s26  }
0xae: {  	v1 =	vld.idx.msk [tilespmem:v0+s2+$0x0], $0xffff  }
0xaf: {  	v3 =	vld.idx.msk [tilespmem:v4+s2+$0x0], $0xffff  }
.Ltmp5:
0xb0: {  	v2 =	vld.idx.msk [tilespmem:v5+s2+$0x0], $0xffff;
	(pc) =	sbr.rel @p0 .LBB2_12-.Ltmp5, $3  }
0xb1: {  	_ =	sdelay $0x1  }
0xb2: {  	s26 =	sshra.s32 s28, $0x2  }
0xb3: {  	s28 =	sadd.s32 $0x40, s28;
	v0 =	vld [tilespmem:s26+$0xD350]  }
0xb4: {  	_ = 	snop  }
0xb5: {  	v4 =	vld [tilespmem:s26+$0xC350];
	v1 =	vmax.f32 v3, v1  }
0xb6: {  	v62 =	vld [tilespmem:s26+$0xE350];
	v1 =	vmax.f32 v1, v2  }
0xb7: {  	v1 =	vsub.f32 $1.000000000e+00, v1;
	_ =	sdelay $0x1  }
0xb8: {  	v1 =	vmul.f32 $5.000000000e-01, v1;
	_ =	sdelay $0x1  }
0xb9: {  	[tilespmem:s25+$0x12350] =	vst v1  }
0xba: {  	v0 =	vld.idx.msk [tilespmem:v0+s2+$0x0], $0xffff  }
0xbb: {  	v1 =	vld.idx.msk [tilespmem:v4+s2+$0x0], $0xffff  }
0xbc: {  	v63 =	vld.idx.msk [tilespmem:v62+s2+$0x0], $0xffff;
	_ =	sdelay $0x3  }
0xbd: {  	v0 =	vmax.f32 v1, v0  }
0xbe: {  	v0 =	vmax.f32 v0, v63  }
0xbf: {  	v0 =	vsub.f32 $1.000000000e+00, v0;
	_ =	sdelay $0x1  }
0xc0: {  	s24 =	sadd.s32 $0x1, s24;
	v0 =	vmul.f32 $5.000000000e-01, v0  }
0xc1: {  	p0 =	sne.s32 s24, s17  }
.Ltmp6:
0xc2: {  	[tilespmem:s26+$0x12350] =	vst v0;
	(pc) =	sbr.rel @p0 .LBB2_1-.Ltmp6, $4  }
0xc3: {  	[hbm4b:s16+s2] =	stream.linear.scatter [tilespmem:s23], [sflag:$0x2], $0x200, $0x38;
	[tilespmem:$0x13350] =	vst v63  }
0xc4: {  	_ =	swait.ge [sflag:s18], $0x200  }
0xc5: {  	[sflag:s18] =	ssyncset.done $0x0  }
0xc6: {  	[sflag:s18] =	ssyncadd.s32 $0xFFFFFE00  }
0xc7: {  	_ =	sfence.sel $0x180000  }
0xc8: {  	[bflag:$0x0] =	sbarrier.arrive $0xFFFF  }
0xc9: {  	p0 =	sne.s32 s1, $0x0;
	_ =	strace $0x90000050  }
0xca: {  	s0 =	sadd.s32 @!p0 $0x100000, s0;
	[bflag:$0x2] =	sbarrier.arrive $0xFFFF  }
0xcb: {  	[sflag:s0] =	ssyncadd.tile.s32 @!p0 $0x1;
	_ =	shalt  }
.Lfunc_end2:
_tile_overlayer_lowered:
.L_overlay_start_2:
0xcc: {  	(tag) =	ssettag $0x2  }
0xcd: {  	s0 =	rddreg [dreg:$0x0];
	s2 =	stileid.u32  }
0xce: {  	s1 =	rddreg [dreg:$0x1];
	p0 =	sne.s32 s2, $0x0  }
0xcf: {  	s3 =	rddreg [dreg:$0x2];
	[bflag:$0x3] =	sbarrier.arrive $0xFFFF;
	s2 =	simm.s32 @!p0 $0x1C02  }
0xd0: {  	[timem:s3], [sflag:s2] =	dma.local @!p0 [hbm:s0], s1  }
0xd1: {  	s0 =	simm.s32 @!p0 $0x2  }
0xd2: {  	_ =	swait.ge @!p0 [sflag:s0], s1  }
0xd3: {  	s1 =	ssub.s32 @!p0 $0x0, s1;
	[sflag:s0] =	ssyncset.done @!p0 $0x0  }
0xd4: {  	[sflag:s0] =	ssyncadd.s32 @!p0 s1  }
0xd5: {  	[bflag:$0x3] =	sbarrier.arrive $0xFFFF  }
0xd6: {  	_ =	shalt  }

// kernel: kernel.9.cloned.1.call-start
scs
__scs_entry_jumppad:
0x0: {  	(pc) =	sbr.rel $0x88, $3  }
0x1: {  	(tag) =	ssettag $0x0;
	lr =	simm.s32 $0x1  }
0x2: {  	[smem:$0x3F9E] =	sst lr;
	_ =	strace $0xD0000000  }
0x3: {  	_ = 	snop  }
0x4: {  	_ = 	snop  }
0x5: {  	_ = 	snop  }
0x6: {  	_ = 	snop  }
0x7: {  	_ = 	snop  }
__scs_overlays_trampoline_lowered:
0x8: {  	[smem:$0x3FAD] =	sst s0  }
0x9: {  	[smem:$0x3FAE] =	sst s1  }
0xa: {  	[smem:$0x3FAF] =	sst s2  }
0xb: {  	[smem:$0x3FB0] =	sst s3  }
0xc: {  	[smem:$0x3FB1] =	sst s4  }
0xd: {  	[smem:$0x3FB2] =	sst s5  }
0xe: {  	[smem:$0x3FB3] =	sst s6  }
0xf: {  	[smem:$0x3FB4] =	sst s7  }
0x10: {  	[smem:$0x3FB5] =	sst s8  }
0x11: {  	[smem:$0x3FB6] =	sst s9;
	s0 =	simm.s32 @!p0 $0x0  }
0x12: {  	s1 =	sld [smem:$0x3F9C];
	s0 =	simm.s32 @p0 $0x1  }
0x13: {  	[smem:$0x3FB7] =	sst s0;
	s0 =	simm.s32 @!p1 $0x0  }
0x14: {  	s2 =	sld [smem:$0x3F9B];
	s0 =	simm.s32 @p1 $0x1  }
0x15: {  	[smem:$0x3FB8] =	sst s0;
	s0 =	simm.s32 @!p2 $0x0  }
0x16: {  	s3 =	sld [smem:$0x3FDB];
	s0 =	simm.s32 @p2 $0x1  }
0x17: {  	s4 =	simm.s32 $0x1BF5;
	[smem:$0x3FBA] =	sst s0  }
0x18: {  	s0 =	sld [smem:$0x3F9D];
	_ =	swait.ge [sflag:s4], $0x0  }
0x19: {  	s7 =	sld [smem:$0x3F9E]  }
0x1a: {  	s8 =	sadd.s32 $0xFFFFE003, lr  }
0x1b: {  	s9 =	sadd.s32 $0xFFFFFEF7, lr;
	s5 =	simm.s32 $0xFFFFFFFF;
	p2 =	slt.u32 s8, $0xFFFFF086  }
0x1c: {  	p1 =	slt.u32 s9, $0xF7A;
	s5 =	simm.s32 @!p2 $0x0  }
0x1d: {  	s5 =	simm.s32 @p1 $0x1;
	p0 =	seq.s32 s7, s2  }
0x1e: {  	s7 =	smul.u32 @!p0 $0xF7A, s2;
	p2 =	seq.s32 @!p0 s5, $0x0  }
0x1f: {  	s9 =	smul.u32 $0xF7A, s1;
	s8 =	simm.s32 @!p0 $0x1BF5;
	p2 =	por !p2, p0  }
0x20: {  	[sflag:s8] =	ssyncset.s32 @!p0 $0xFFFFF086;
	s6 =	sadd.s32 @!p0 s3, s7;
	s7 =	simm.s32 @!p0 $0x108  }
0x21: {  	s3 =	sadd.s32 s3, s9;
	s6 =	sadd.s32 @!p0 $0x88, s6;
	s7 =	simm.s32 @p2 $0x1082  }
0x22: {  	[simem:s7], [sflag:s8] =	dma.local @!p0 [hbm:s6], $0xF7A  }
0x23: {  	s9 =	sor.u32 $0xD0000000, s2;
	s6 =	simm.s32 $0x108;
	_ =	swait.ge @!p0 [sflag:s8], $0x0  }
0x24: {  	s3 =	sadd.s32 $0x88, s3;
	s6 =	simm.s32 @!p1 $0x1082;
	[sflag:s4] =	ssyncset.s32 $0xFFFFF086  }
0x25: {  	[simem:s6], [sflag:s4] =	dma.local [hbm:s3], $0xF7A  }
0x26: {  	[smem:$0x3F9E] =	sst s1;
	(tag) =	ssettag s2;
	_ =	strace s9  }
0x27: {  	s1 =	sld [smem:$0x3FAE]  }
0x28: {  	s2 =	sld [smem:$0x3FAF]  }
0x29: {  	s4 =	sld [smem:$0x3FB1]  }
0x2a: {  	p0 =	seq.s32 s5, $0x0;
	s5 =	sld [smem:$0x3FB2]  }
0x2b: {  	s6 =	sld [smem:$0x3FB3]  }
0x2c: {  	s7 =	sld [smem:$0x3FB4]  }
0x2d: {  	s3 =	simm.s32 $0x108;
	s8 =	sld [smem:$0x3FB5]  }
0x2e: {  	s3 =	simm.s32 @!p0 $0x1082;
	s9 =	sld [smem:$0x3FB6]  }
0x2f: {  	lr =	sadd.s32 s0, s3;
	s0 =	sld [smem:$0x3FAD]  }
0x30: {  	s3 =	sld [smem:$0x3FB0]  }
0x31: {  	[smem:$0x3FB9] =	sst s10  }
0x32: {  	s10 =	sld [smem:$0x3FB7];
	_ =	sdelay $0x3  }
0x33: {  	p0 =	seq.s32 s10, $0x1;
	s10 =	sld [smem:$0x3FB9];
	_ =	sdelay $0x3  }
0x34: {  	[smem:$0x3FB9] =	sst s10  }
0x35: {  	s10 =	sld [smem:$0x3FB8];
	_ =	sdelay $0x3  }
0x36: {  	p1 =	seq.s32 s10, $0x1;
	s10 =	sld [smem:$0x3FB9];
	_ =	sdelay $0x3  }
0x37: {  	[smem:$0x3FB9] =	sst s10  }
0x38: {  	s10 =	sld [smem:$0x3FBA]  }
0x39: {  	_ = 	snop;
	(pc) =	sbr.ind lr, $3  }
0x3a: {  	_ = 	snop  }
0x3b: {  	_ = 	snop  }
0x3c: {  	p2 =	seq.s32 s10, $0x1;
	s10 =	sld [smem:$0x3FB9]  }
0x3d: {  	_ =	shalt  }
0x3e: {  	_ =	shalt  }
0x3f: {  	_ =	shalt  }
0x40: {  	_ =	shalt  }
0x41: {  	_ =	shalt  }
0x42: {  	_ =	shalt  }
0x43: {  	_ =	shalt  }
0x44: {  	_ =	shalt  }
0x45: {  	_ =	shalt  }
0x46: {  	_ =	shalt  }
0x47: {  	_ =	shalt  }
0x48: {  	_ =	shalt  }
0x49: {  	_ =	shalt  }
0x4a: {  	_ =	shalt  }
0x4b: {  	_ =	shalt  }
0x4c: {  	_ =	shalt  }
0x4d: {  	_ =	shalt  }
0x4e: {  	_ =	shalt  }
0x4f: {  	_ =	shalt  }
0x50: {  	_ =	shalt  }
0x51: {  	_ =	shalt  }
0x52: {  	_ =	shalt  }
0x53: {  	_ =	shalt  }
0x54: {  	_ =	shalt  }
0x55: {  	_ =	shalt  }
0x56: {  	_ =	shalt  }
0x57: {  	_ =	shalt  }
0x58: {  	_ =	shalt  }
0x59: {  	_ =	shalt  }
0x5a: {  	_ =	shalt  }
0x5b: {  	_ =	shalt  }
0x5c: {  	_ =	shalt  }
0x5d: {  	_ =	shalt  }
0x5e: {  	_ =	shalt  }
0x5f: {  	_ =	shalt  }
0x60: {  	_ =	shalt  }
0x61: {  	_ =	shalt  }
0x62: {  	_ =	shalt  }
0x63: {  	_ =	shalt  }
0x64: {  	_ =	shalt  }
0x65: {  	_ =	shalt  }
0x66: {  	_ =	shalt  }
0x67: {  	_ =	shalt  }
0x68: {  	_ =	shalt  }
0x69: {  	_ =	shalt  }
0x6a: {  	_ =	shalt  }
0x6b: {  	_ =	shalt  }
0x6c: {  	_ =	shalt  }
0x6d: {  	_ =	shalt  }
0x6e: {  	_ =	shalt  }
0x6f: {  	_ =	shalt  }
0x70: {  	_ =	shalt  }
0x71: {  	_ =	shalt  }
0x72: {  	_ =	shalt  }
0x73: {  	_ =	shalt  }
0x74: {  	_ =	shalt  }
0x75: {  	_ =	shalt  }
0x76: {  	_ =	shalt  }
0x77: {  	_ =	shalt  }
0x78: {  	_ =	shalt  }
0x79: {  	_ =	shalt  }
0x7a: {  	_ =	shalt  }
0x7b: {  	_ =	shalt  }
0x7c: {  	_ =	shalt  }
0x7d: {  	_ =	shalt  }
0x7e: {  	_ =	shalt  }
0x7f: {  	_ =	shalt  }
0x80: {  	_ =	shalt  }
0x81: {  	_ =	shalt  }
0x82: {  	_ =	shalt  }
0x83: {  	_ =	shalt  }
0x84: {  	_ =	shalt  }
0x85: {  	_ =	shalt  }
0x86: {  	_ =	shalt  }
0x87: {  	_ =	shalt  }
.Lfunc_end0:
.L_simem_size_0:
called_computation.1_lowered:
.L_overlay_start_0:
0x88: {  	s2 =	sld [smem:$0x3FD9]  }
0x89: {  	s3 =	sld [smem:$0x3FFE];
	_ =	sdelay $0x1  }
0x8a: {  	s1 =	srdreg.scid  }
0x8b: {  	s0 =	sand.u32 $0x1, s1  }
0x8c: {  	s17 =	sshll.u32 s0, $0xA;
	s2 =	sadd.s32 s3, s2  }
0x8d: {  	s2 =	sadd.s32 s2, s17  }
0x8e: {  	[smem:$0x3FC5] =	sst s2  }
0x8f: {  	_ = 	snop  }
0x90: {  	s18 =	sld [smem:$0x3FD0];
	(tm) =	ssettm $0x1  }
0x91: {  	s19 =	sld [smem:$0x3FFB];
	_ =	sdelay $0x3  }
0x92: {  	_ =	strace s19  }
0x93: {  	s2 =	sld [smem:$0x3FFC];
	_ =	sdelay $0x3  }
0x94: {  	_ =	strace s2  }
0x95: {  	s2 =	sld [smem:$0x3FFD];
	_ =	sdelay $0x3  }
0x96: {  	_ =	strace s2  }
0x97: {  	_ =	strace $0x8FFFFFFF  }
0x98: {  	s20 =	sld [smem:$0x3FDB];
	_ =	sdelay $0x1  }
0x99: {  	s4 =	simm.s32 $_scs_section_size  }
0x9a: {  	s5 =	simm.s32 $_size__tile_overlayer_lowered;
	s6 =	simm.s32 $_tile_overlayer_lowered  }
0x9b: {  	s7 =	simm.s32 $0x1BFF;
	s21 =	sshll.u32 s6, $0x1;
	s4 =	sadd.s32 s4, s20  }
0x9c: {  	s22 =	simm.s32 $0x0;
	s5 =	sshll.u32 s5, $0x1;
	s6 =	sadd.s32 s21, s4  }
0x9d: {  	[timem:s22], [sflag:s7] =	dma.local [hbm:s6], s5  }
0x9e: {  	_ =	swait.ge [sflag:s7], s5  }
0x9f: {  	s5 =	ssub.s32 $0x0, s5;
	[sflag:s7] =	ssyncset.done $0x0  }
0xa0: {  	[sflag:s7] =	ssyncadd.s32 s5;
	_ =	sdelay $0x1  }
0xa1: {  	s23 =	simm.s32 $0x1B8B  }
0xa2: {  	_ =	swait.ge [sflag:s23], $0x1  }
0xa3: {  	[sflag:s23] =	ssyncset.done $0x0  }
0xa4: {  	[sflag:s23] =	ssyncadd.s32 $0xFFFFFFFF  }
0xa5: {  	s5 =	sld [smem:$0x0]  }
0xa6: {  	s6 =	sand.u32 $0xFFFFFFFE, s1  }
0xa7: {  	p0 =	sne.s32 s1, s6  }
0xa8: {  	s6 =	sshll.u32 @p0 s6, $0xE  }
0xa9: {  	s6 =	sadd.s32 @p0 $0x11B8D, s6;
	s7 =	sshll.u32 @p0 s5, $0x11  }
0xaa: {  	s6 =	sor.u32 @p0 s7, s6  }
0xab: {  	[sflag:s6] =	ssyncadd.remote.s32 @p0 $0x1;
	_ =	sdelay $0x1  }
0xac: {  	s6 =	simm.s32 @p0 $0x1B8D  }
0xad: {  	_ =	swait.eq @p0 [sflag:s6], $0x1  }
0xae: {  	[sflag:s6] =	ssyncadd.s32 @p0 $0xFFFFFFFF  }
0xaf: {  	s7 =	sshll.u32 @!p0 s1, $0xE  }
0xb0: {  	s7 =	sor.u32 @!p0 $0x4000, s7;
	s6 =	simm.s32 @!p0 $0x1B8D  }
0xb1: {  	s5 =	sshll.u32 @!p0 s5, $0x11;
	s7 =	sadd.s32 @!p0 $0x11B8D, s7;
	_ =	swait.eq @!p0 [sflag:s6], $0x1  }
0xb2: {  	s5 =	sor.u32 @!p0 s5, s7;
	[sflag:s6] =	ssyncadd.s32 @!p0 $0xFFFFFFFF  }
0xb3: {  	s25 =	simm.s32 $0x1B8E;
	s24 =	sld [smem:$0x3FFE];
	[sflag:s5] =	ssyncadd.remote.s32 @!p0 $0x1  }
0xb4: {  	s26 =	simm.s32 $execute0_lowered;
	[smem:$0x3FD2] =	sst s25  }
0xb5: {  	s6 =	sshll.u32 s26, $0x1;
	_ =	strace $0x8000004C;
	[dreg:$0x1] =	wrdreg $0xFFFFFFFF  }
0xb6: {  	s28 =	simm.s32 $_size_execute0_lowered;
	s4 =	sadd.s32 s4, s6;
	[dreg:$0x0] =	wrdreg $0x0  }
0xb7: {  	s6 =	sshll.u32 s28, $0x1;
	[dreg:$0x2] =	wrdreg s4  }
0xb8: {  	[dreg:$0x3] =	wrdreg s6  }
0xb9: {  	[dreg:$0x4] =	wrdreg $0xC0  }
0xba: {  	_ =	task [dreg:s22], $0x5FFFF  }
0xbb: {  	[dreg:$0x1] =	wrdreg $0xFFFFFFFF  }
0xbc: {  	[dreg:$0x0] =	wrdreg $0x60  }
0xbd: {  	[dreg:$0x2] =	wrdreg s24  }
0xbe: {  	[dreg:$0x3] =	wrdreg s18  }
0xbf: {  	[dreg:$0x4] =	wrdreg $0xA  }
0xc0: {  	_ =	task.clear_ibuf [dreg:s22], $0x5FFFF;
	_ =	strace $0x9000004C  }
0xc1: {  	s29 =	simm.s32 $0xA;
	_ =	strace $0x8000004E  }
0xc2: {  	_ =	swait.ge [sflag:s29], $0x1  }
0xc3: {  	[sflag:s29] =	ssyncadd.s32 $0xFFFFFFFF  }
0xc4: {  	_ =	strace $0x9000004E  }
0xc5: {  	_ =	sfence  }
0xc6: {  	s30 =	sld [smem:$0x0];
	_ =	sdelay $0x2  }
0xc7: {  	s31 =	sshll.u32 s1, $0xD;
	s1 =	sshrl.u32 s1, $0x2  }
0xc8: {  	s4 =	sand.u32 $0x4000, s31;
	s1 =	sadd.s32 s1, s30  }
0xc9: {  	s0 =	sor.u32 s4, s0;
	s1 =	sshll.u32 s1, $0x11  }
0xca: {  	s0 =	sor.u32 s1, s0  }
0xcb: {  	s0 =	sadd.s32 $0x8F2B, s0  }
0xcc: {  	[sflag:s0] =	ssyncadd.remote.s32 $0x1  }
0xcd: {  	_ =	sfence.sel $0xFFFF  }
0xce: {  	[dreg:$0x0] =	wrdreg $0xFFFFFFFF;
	(pc) =	sbr.abs _section_cstart, $3  }
0xcf: {  	[dreg:$0x1] =	wrdreg $0xFFFFFFFF  }
0xd0: {  	_ =	task.clear_ibuf [dreg:s22], $0x2FFFF;
	_ =	strace $0x9FFFFFFF  }
0xd1: {  	(tm) =	ssettm $0x7FFFFFFF  }
tec
execute0_lowered:
.L_overlay_start_1:
0x0: {  	(tag) =	ssettag $0x1  }
0x1: {  	s5 =	rddreg [dreg:$0x0]  }
0x2: {  	s2 =	rddreg [dreg:$0x1]  }
0x3: {  	s0 =	rddreg [dreg:$0x2];
	s4 =	srdreg.scid  }
0x4: {  	s1 =	stileid.u32;
	s3 =	simm.s32 $0x0;
	s18 =	simm.s32 $0x2  }
0x5: {  	s19 =	simm.s32 $0x1000;
	s20 =	simm.s32 $0x188000;
	s21 =	simm.s32 $0xC350  }
0x6: {  	s22 =	simm.s32 $0x1;
	s4 =	sand.u32 $0x1, s4;
	s6 =	sshll.u32 s1, $0x1  }
0x7: {  	s23 =	simm.s32 $0x12350;
	[smem:$0x7FF] =	sst s3;
	s6 =	sor.u32 s4, s6  }
0x8: {  	s12 =	sadd.s32 $0x1600, s5;
	s7 =	ssub.s32 $0x2, s4;
	s8 =	smul.u32 $0x30D4, s6  }
0x9: {  	s9 =	sshrl.u32 s7, $0x1;
	s4 =	smul.u32 $0xC400, s6;
	s31 =	sshllo.u32 s6, $0x1  }
0xa: {  	s5 =	sadd.s32 $0x127200, s5;
	s17 =	ssub.s32 s7, s9;
	s7 =	smul.u32 $0x6200, s31  }
0xb: {  	s24 =	simm.s32 $0x0;
	_ =	strace $0x8000004D;
	s13 =	smul.u32 $0x186A, s31  }
0xc: {  	s6 =	sadd.s32 s12, s8;
	s10 =	sshrl.u32 s4, $0x3;
	s9 =	sadd.s32 $0x1000, s4  }
0xd: {  	s17 =	smax.u32 s17, $0x1;
	s8 =	sadd.s32 s2, s10;
	s11 =	sadd.s32 $0xC00, s10  }
0xe: {  	s14 =	sshrl.u32 s7, $0x3;
	s12 =	sadd.s32 s12, s13;
	s10 =	sadd.s32 s2, s11  }
0xf: {  	s11 =	sadd.s32 s5, s11;
	s16 =	sadd.s32 $0xC00, s14;
	s13 =	sadd.s32 s2, s14  }
0x10: {  	s14 =	sadd.s32 $0x1000, s7;
	s15 =	sadd.s32 s2, s16;
	s16 =	sadd.s32 s5, s16  }
.LBB2_1:
0x11: {  	[tilespmem:s3], [sflag:$0x2] =	stream.linear.gather [hbm4b:s6+s3], $0xC350, $0x38;
	[tilespmem:$0x13350] =	vst v63  }
0x12: {  	_ =	swait.ge [sflag:s18], $0xC350  }
0x13: {  	[sflag:s18] =	ssyncset.done $0x0  }
0x14: {  	p0 =	por $0x0, $0x0;
	s25 =	simm.s32 $0x0;
	[sflag:s18] =	ssyncadd.s32 $0xFFFF3CB0  }
0x15: {  	[tilespmem:s21], [sflag:$0x1] =	stream.strided.gather [hbm4b:s8+s19], $0x3000, s20, s19, $0x38;
	[tilespmem:$0x13350] =	vst v63  }
.LBB2_2:
0x16: {  	s26 =	simm.s32 $0x1;
	_ =	swait.ge [sflag:s22], $0x3000  }
0x17: {  	p1 =	seq.s32 s25, $0x5;
	s26 =	simm.s32 @!p0 $0x0;
	[sflag:s22] =	ssyncset.done $0x0  }
0x18: {  	s28 =	simm.s32 @p1 $0x0;
	s29 =	simm.s32 @p1 $0xC350;
	[sflag:s22] =	ssyncadd.s32 $0xFFFFD000  }
0x19: {  	[tilespmem:s29], [sflag:$0x1] =	stream.linear.gather @p1 [hbm4b:s10+s28], $0x200, $0x38;
	[tilespmem:$0x13350] =	vst v63  }
0x1a: {  	s30 =	simm.s32 @p1 $0xD350;
	s31 =	simm.s32 @p1 $0xE350;
	s29 =	sadd.s32 @p1 $0x31000, s10  }
0x1b: {  	[tilespmem:s30], [sflag:$0x1] =	stream.linear.gather @p1 [hbm4b:s29+s28], $0x200, $0x38;
	[tilespmem:$0x13350] =	vst v63  }
0x1c: {  	s26 =	smul.u32 $0xC000, s26;
	s29 =	sand.u32 $0x1, s25;
	s30 =	sadd.s32 @p1 $0x62000, s10  }
0x1d: {  	[tilespmem:s31], [sflag:$0x1] =	stream.linear.gather @p1 [hbm4b:s30+s28], $0x200, $0x38;
	[tilespmem:$0x13350] =	vst v63  }
0x1e: {  	s28 =	sxor.u32 @!p1 $0x1, s29  }
0x1f: {  	s26 =	sshrl.u32 s26, $0x2;
	s28 =	smul.u32 @!p1 $0xC000, s28  }
0x20: {  	s26 =	sadd.s32 $0xD350, s26;
	s29 =	sshll.u32 @!p1 s25, $0xC  }
0x21: {  	v0 =	vmov s26;
	s29 =	sadd.s32 @!p1 s29, s9;
	s28 =	sshrl.u32 @!p1 s28, $0x2  }
0x22: {  	s26 =	sor.u32 @!p1 $0xC350, s28;
	s28 =	sshrl.u32 @!p1 s29, $0x3  }
0x23: {  	s30 =	simm.s32 @!p1 $0x188000;
	s29 =	simm.s32 @!p1 $0x1000;
	s28 =	sadd.s32 @!p1 s2, s28  }
0x24: {  	[tilespmem:s26], [sflag:$0x1] =	stream.strided.gather @!p1 [hbm4b:s28+s29], $0x3000, s30, s29, $0x38;
	[tilespmem:$0x13350] =	vst v63  }
0x25: {  	s26 =	simm.s32 $0x0  }
0x26: {  	s28 =	simm.s32 $0x40;
	v1 =	vld.idx.msk [tilespmem:v0+s26+$0xFFFFF000 ss:$0x1], $0xffff  }
.LBB2_3:
0x27: {  	p1 =	sne.s32 s28, $0x3FC0;
	v2 =	vld.idx.msk [tilespmem:v0+s26+$0x0 ss:$0x1], $0xffff  }
0x28: {  	v3 =	vld.idx.msk [tilespmem:v0+s26+$0x1000 ss:$0x1], $0xffff;
	_ =	sdelay $0x5  }
0x29: {  	v1 =	vld.idx.msk [tilespmem:v1+s3+$0x0], $0xffff  }
0x2a: {  	v2 =	vld.idx.msk [tilespmem:v2+s3+$0x0], $0xffff  }
0x2b: {  	v3 =	vld.idx.msk [tilespmem:v3+s3+$0x0], $0xffff;
	_ =	sdelay $0x4  }
0x2c: {  	v1 =	vmax.f32 v1, v2  }
0x2d: {  	v1 =	vmax.f32 v1, v3  }
0x2e: {  	v1 =	vsub.f32 $1.000000000e+00, v1  }
.Ltmp0:
0x2f: {  	(pc) =	sbr.rel @p1 .LBB2_3-.Ltmp0, $3  }
0x30: {  	v1 =	vmul.f32 $5.000000000e-01, v1;
	_ =	sdelay $0x1  }
0x31: {  	[tilespmem:s26+$0x12350] =	vst v1;
	s26 =	sshra.s32 s28, $0x2  }
0x32: {  	s28 =	sadd.s32 $0x40, s28;
	v1 =	vld.idx.msk [tilespmem:v0+s26+$0xFFFFF000 ss:$0x1], $0xffff  }
0x33: {  	_ =	sdelay $0x3  }
0x34: {  	v2 =	vld.idx.msk [tilespmem:v0+s26+$0x0 ss:$0x1], $0xffff  }
0x35: {  	v63 =	vld.idx.msk [tilespmem:v0+s26+$0x1000 ss:$0x1], $0xffff;
	_ =	sdelay $0x5  }
0x36: {  	v1 =	vld.idx.msk [tilespmem:v1+s3+$0x0], $0xffff  }
0x37: {  	v2 =	vld.idx.msk [tilespmem:v2+s3+$0x0], $0xffff  }
0x38: {  	v0 =	vld.idx.msk [tilespmem:v63+s3+$0x0], $0xffff;
	_ =	sdelay $0x3  }
0x39: {  	v1 =	vmax.f32 v1, v2  }
0x3a: {  	v0 =	vmax.f32 v1, v0  }
0x3b: {  	v0 =	vsub.f32 $1.000000000e+00, v0  }
0x3c: {  	s28 =	sshll.u32 s25, $0xC  }
0x3d: {  	s25 =	sadd.s32 $0x1, s25;
	s28 =	sadd.s32 s4, s28;
	v0 =	vmul.f32 $5.000000000e-01, v0  }
0x3e: {  	p1 =	sne.s32 s25, $0x6;
	s28 =	sshrl.u32 s28, $0x3  }
.Ltmp1:
0x3f: {  	s31 =	sadd.s32 s5, s28;
	[tilespmem:s26+$0x12350] =	vst v0;
	(pc) =	sbr.rel @p1 .LBB2_2-.Ltmp1, $4  }
0x40: {  	[hbm4b:s31+s3] =	stream.linear.scatter [tilespmem:s23], [sflag:$0x2], $0x1000, $0x38;
	[tilespmem:$0x13350] =	vst v63  }
0x41: {  	_ =	swait.ge [sflag:s18], $0x1000  }
0x42: {  	[sflag:s18] =	ssyncset.done $0x0  }
0x43: {  	p0 =	por !p0, !p0;
	[sflag:s18] =	ssyncadd.s32 $0xFFFFF000  }
0x44: {  	_ =	swait.ge [sflag:s22], $0x600  }
0x45: {  	[sflag:s22] =	ssyncset.done $0x0  }
0x46: {  	s25 =	simm.s32 $0x0;
	[sflag:s22] =	ssyncadd.s32 $0xFFFFFA00  }
0x47: {  	v0 =	vld [tilespmem:s25+$0xD350]  }
0x48: {  	v2 =	vld [tilespmem:s25+$0xC350]  }
0x49: {  	v4 =	vld [tilespmem:s25+$0xE350];
	_ =	sdelay $0x5  }
0x4a: {  	v1 =	vld.idx.msk [tilespmem:v0+s3+$0x0], $0xffff  }
0x4b: {  	v3 =	vld.idx.msk [tilespmem:v2+s3+$0x0], $0xffff  }
0x4c: {  	v2 =	vld.idx.msk [tilespmem:v4+s3+$0x0], $0xffff;
	_ =	sdelay $0x1  }
0x4d: {  	s26 =	simm.s32 $0x10  }
0x4e: {  	s28 =	simm.s32 $0x80;
	v0 =	vld [tilespmem:s26+$0xD350]  }
.LBB2_6:
0x4f: {  	p0 =	sne.s32 s28, $0x7C0;
	v4 =	vld [tilespmem:s26+$0xC350];
	v1 =	vmax.f32 v3, v1  }
0x50: {  	v5 =	vld [tilespmem:s26+$0xE350];
	v1 =	vmax.f32 v1, v2  }
0x51: {  	v1 =	vsub.f32 $1.000000000e+00, v1;
	_ =	sdelay $0x1  }
0x52: {  	v1 =	vmul.f32 $5.000000000e-01, v1;
	_ =	sdelay $0x1  }
0x53: {  	[tilespmem:s25+$0x12350] =	vst v1;
	s25 =	smov.u32 s26  }
0x54: {  	v1 =	vld.idx.msk [tilespmem:v0+s3+$0x0], $0xffff  }
0x55: {  	v3 =	vld.idx.msk [tilespmem:v4+s3+$0x0], $0xffff  }
.Ltmp2:
0x56: {  	v2 =	vld.idx.msk [tilespmem:v5+s3+$0x0], $0xffff;
	(pc) =	sbr.rel @p0 .LBB2_6-.Ltmp2, $3  }
0x57: {  	_ =	sdelay $0x1  }
0x58: {  	s26 =	sshra.s32 s28, $0x2  }
0x59: {  	s28 =	sadd.s32 $0x40, s28;
	v0 =	vld [tilespmem:s26+$0xD350]  }
0x5a: {  	_ = 	snop  }
0x5b: {  	v4 =	vld [tilespmem:s26+$0xC350];
	v1 =	vmax.f32 v3, v1  }
0x5c: {  	v62 =	vld [tilespmem:s26+$0xE350];
	v1 =	vmax.f32 v1, v2  }
0x5d: {  	v1 =	vsub.f32 $1.000000000e+00, v1;
	_ =	sdelay $0x1  }
0x5e: {  	v1 =	vmul.f32 $5.000000000e-01, v1;
	_ =	sdelay $0x1  }
0x5f: {  	[tilespmem:s25+$0x12350] =	vst v1  }
0x60: {  	v0 =	vld.idx.msk [tilespmem:v0+s3+$0x0], $0xffff  }
0x61: {  	v1 =	vld.idx.msk [tilespmem:v4+s3+$0x0], $0xffff  }
0x62: {  	v63 =	vld.idx.msk [tilespmem:v62+s3+$0x0], $0xffff;
	_ =	sdelay $0x3  }
0x63: {  	v0 =	vmax.f32 v1, v0  }
0x64: {  	v0 =	vmax.f32 v0, v63  }
0x65: {  	v0 =	vsub.f32 $1.000000000e+00, v0;
	_ =	sdelay $0x1  }
0x66: {  	v0 =	vmul.f32 $5.000000000e-01, v0;
	_ =	sdelay $0x1  }
0x67: {  	s25 =	simm.s32 $0x0;
	[tilespmem:s26+$0x12350] =	vst v0  }
0x68: {  	[hbm4b:s11+s25] =	stream.linear.scatter [tilespmem:s23], [sflag:$0x2], $0x200, $0x38;
	[tilespmem:$0x13350] =	vst v63  }
0x69: {  	_ =	swait.ge [sflag:s18], $0x200  }
0x6a: {  	[sflag:s18] =	ssyncset.done $0x0  }
0x6b: {  	[sflag:s18] =	ssyncadd.s32 $0xFFFFFE00  }
0x6c: {  	[tilespmem:s25], [sflag:$0x2] =	stream.linear.gather [hbm4b:s12+s25], $0xC350, $0x38;
	[tilespmem:$0x13350] =	vst v63  }
0x6d: {  	_ =	swait.ge [sflag:s18], $0xC350  }
0x6e: {  	[sflag:s18] =	ssyncset.done $0x0  }
0x6f: {  	p0 =	por $0x0, $0x0;
	[sflag:s18] =	ssyncadd.s32 $0xFFFF3CB0  }
0x70: {  	[tilespmem:s21], [sflag:$0x1] =	stream.strided.gather [hbm4b:s13+s19], $0x3000, s20, s19, $0x38;
	[tilespmem:$0x13350] =	vst v63  }
.LBB2_8:
0x71: {  	s26 =	simm.s32 $0x1;
	_ =	swait.ge [sflag:s22], $0x3000  }
0x72: {  	p1 =	seq.s32 s25, $0x5;
	s26 =	simm.s32 @!p0 $0x0;
	[sflag:s22] =	ssyncset.done $0x0  }
0x73: {  	s28 =	simm.s32 @p1 $0x0;
	s29 =	simm.s32 @p1 $0xC350;
	[sflag:s22] =	ssyncadd.s32 $0xFFFFD000  }
0x74: {  	[tilespmem:s29], [sflag:$0x1] =	stream.linear.gather @p1 [hbm4b:s15+s28], $0x200, $0x38;
	[tilespmem:$0x13350] =	vst v63  }
0x75: {  	s30 =	simm.s32 @p1 $0xD350;
	s31 =	simm.s32 @p1 $0xE350;
	s29 =	sadd.s32 @p1 $0x31000, s15  }
0x76: {  	[tilespmem:s30], [sflag:$0x1] =	stream.linear.gather @p1 [hbm4b:s29+s28], $0x200, $0x38;
	[tilespmem:$0x13350] =	vst v63  }
0x77: {  	s26 =	smul.u32 $0xC000, s26;
	s29 =	sand.u32 $0x1, s25;
	s30 =	sadd.s32 @p1 $0x62000, s15  }
0x78: {  	[tilespmem:s31], [sflag:$0x1] =	stream.linear.gather @p1 [hbm4b:s30+s28], $0x200, $0x38;
	[tilespmem:$0x13350] =	vst v63  }
0x79: {  	s28 =	sxor.u32 @!p1 $0x1, s29  }
0x7a: {  	s26 =	sshrl.u32 s26, $0x2;
	s28 =	smul.u32 @!p1 $0xC000, s28  }
0x7b: {  	s26 =	sadd.s32 $0xD350, s26;
	s29 =	sshll.u32 @!p1 s25, $0xC  }
0x7c: {  	v0 =	vmov s26;
	s29 =	sadd.s32 @!p1 s29, s14;
	s28 =	sshrl.u32 @!p1 s28, $0x2  }
0x7d: {  	s26 =	sor.u32 @!p1 $0xC350, s28;
	s28 =	sshrl.u32 @!p1 s29, $0x3  }
0x7e: {  	s30 =	simm.s32 @!p1 $0x188000;
	s29 =	simm.s32 @!p1 $0x1000;
	s28 =	sadd.s32 @!p1 s2, s28  }
0x7f: {  	[tilespmem:s26], [sflag:$0x1] =	stream.strided.gather @!p1 [hbm4b:s28+s29], $0x3000, s30, s29, $0x38;
	[tilespmem:$0x13350] =	vst v63  }
0x80: {  	s26 =	simm.s32 $0x0  }
0x81: {  	s28 =	simm.s32 $0x40;
	v1 =	vld.idx.msk [tilespmem:v0+s26+$0xFFFFF000 ss:$0x1], $0xffff  }
.LBB2_9:
0x82: {  	p1 =	sne.s32 s28, $0x3FC0;
	v2 =	vld.idx.msk [tilespmem:v0+s26+$0x0 ss:$0x1], $0xffff  }
0x83: {  	v3 =	vld.idx.msk [tilespmem:v0+s26+$0x1000 ss:$0x1], $0xffff;
	_ =	sdelay $0x5  }
0x84: {  	v1 =	vld.idx.msk [tilespmem:v1+s3+$0x0], $0xffff  }
0x85: {  	v2 =	vld.idx.msk [tilespmem:v2+s3+$0x0], $0xffff  }
0x86: {  	v3 =	vld.idx.msk [tilespmem:v3+s3+$0x0], $0xffff;
	_ =	sdelay $0x4  }
0x87: {  	v1 =	vmax.f32 v1, v2  }
0x88: {  	v1 =	vmax.f32 v1, v3  }
0x89: {  	v1 =	vsub.f32 $1.000000000e+00, v1  }
.Ltmp3:
0x8a: {  	(pc) =	sbr.rel @p1 .LBB2_9-.Ltmp3, $3  }
0x8b: {  	v1 =	vmul.f32 $5.000000000e-01, v1;
	_ =	sdelay $0x1  }
0x8c: {  	[tilespmem:s26+$0x12350] =	vst v1;
	s26 =	sshra.s32 s28, $0x2  }
0x8d: {  	s28 =	sadd.s32 $0x40, s28;
	v1 =	vld.idx.msk [tilespmem:v0+s26+$0xFFFFF000 ss:$0x1], $0xffff  }
0x8e: {  	_ =	sdelay $0x3  }
0x8f: {  	v2 =	vld.idx.msk [tilespmem:v0+s26+$0x0 ss:$0x1], $0xffff  }
0x90: {  	v63 =	vld.idx.msk [tilespmem:v0+s26+$0x1000 ss:$0x1], $0xffff;
	_ =	sdelay $0x5  }
0x91: {  	v1 =	vld.idx.msk [tilespmem:v1+s3+$0x0], $0xffff  }
0x92: {  	v2 =	vld.idx.msk [tilespmem:v2+s3+$0x0], $0xffff  }
0x93: {  	v0 =	vld.idx.msk [tilespmem:v63+s3+$0x0], $0xffff;
	_ =	sdelay $0x3  }
0x94: {  	v1 =	vmax.f32 v1, v2  }
0x95: {  	v0 =	vmax.f32 v1, v0  }
0x96: {  	v0 =	vsub.f32 $1.000000000e+00, v0  }
0x97: {  	s28 =	sshll.u32 s25, $0xC  }
0x98: {  	s25 =	sadd.s32 $0x1, s25;
	s28 =	sadd.s32 s7, s28;
	v0 =	vmul.f32 $5.000000000e-01, v0  }
0x99: {  	p1 =	sne.s32 s25, $0x6;
	s28 =	sshrl.u32 s28, $0x3  }
.Ltmp4:
0x9a: {  	s31 =	sadd.s32 s5, s28;
	[tilespmem:s26+$0x12350] =	vst v0;
	(pc) =	sbr.rel @p1 .LBB2_8-.Ltmp4, $4  }
0x9b: {  	[hbm4b:s31+s3] =	stream.linear.scatter [tilespmem:s23], [sflag:$0x2], $0x1000, $0x38;
	[tilespmem:$0x13350] =	vst v63  }
0x9c: {  	_ =	swait.ge [sflag:s18], $0x1000  }
0x9d: {  	[sflag:s18] =	ssyncset.done $0x0  }
0x9e: {  	p0 =	por !p0, !p0;
	[sflag:s18] =	ssyncadd.s32 $0xFFFFF000  }
0x9f: {  	_ =	swait.ge [sflag:s22], $0x600  }
0xa0: {  	[sflag:s22] =	ssyncset.done $0x0  }
0xa1: {  	s25 =	simm.s32 $0x0;
	[sflag:s22] =	ssyncadd.s32 $0xFFFFFA00  }
0xa2: {  	v0 =	vld [tilespmem:s25+$0xD350]  }
0xa3: {  	v2 =	vld [tilespmem:s25+$0xC350]  }
0xa4: {  	v4 =	vld [tilespmem:s25+$0xE350];
	_ =	sdelay $0x5  }
0xa5: {  	v1 =	vld.idx.msk [tilespmem:v0+s3+$0x0], $0xffff  }
0xa6: {  	v3 =	vld.idx.msk [tilespmem:v2+s3+$0x0], $0xffff  }
0xa7: {  	v2 =	vld.idx.msk [tilespmem:v4+s3+$0x0], $0xffff;
	_ =	sdelay $0x1  }
0xa8: {  	s26 =	simm.s32 $0x10  }
0xa9: {  	s28 =	simm.s32 $0x80;
	v0 =	vld [tilespmem:s26+$0xD350]  }
.LBB2_12:
0xaa: {  	p0 =	sne.s32 s28, $0x7C0;
	v4 =	vld [tilespmem:s26+$0xC350];
	v1 =	vmax.f32 v3, v1  }
0xab: {  	v5 =	vld [tilespmem:s26+$0xE350];
	v1 =	vmax.f32 v1, v2  }
0xac: {  	v1 =	vsub.f32 $1.000000000e+00, v1;
	_ =	sdelay $0x1  }
0xad: {  	v1 =	vmul.f32 $5.000000000e-01, v1;
	_ =	sdelay $0x1  }
0xae: {  	[tilespmem:s25+$0x12350] =	vst v1;
	s25 =	smov.u32 s26  }
0xaf: {  	v1 =	vld.idx.msk [tilespmem:v0+s3+$0x0], $0xffff  }
0xb0: {  	v3 =	vld.idx.msk [tilespmem:v4+s3+$0x0], $0xffff  }
.Ltmp5:
0xb1: {  	v2 =	vld.idx.msk [tilespmem:v5+s3+$0x0], $0xffff;
	(pc) =	sbr.rel @p0 .LBB2_12-.Ltmp5, $3  }
0xb2: {  	_ =	sdelay $0x1  }
0xb3: {  	s26 =	sshra.s32 s28, $0x2  }
0xb4: {  	s28 =	sadd.s32 $0x40, s28;
	v0 =	vld [tilespmem:s26+$0xD350]  }
0xb5: {  	_ = 	snop  }
0xb6: {  	v4 =	vld [tilespmem:s26+$0xC350];
	v1 =	vmax.f32 v3, v1  }
0xb7: {  	v62 =	vld [tilespmem:s26+$0xE350];
	v1 =	vmax.f32 v1, v2  }
0xb8: {  	v1 =	vsub.f32 $1.000000000e+00, v1;
	_ =	sdelay $0x1  }
0xb9: {  	v1 =	vmul.f32 $5.000000000e-01, v1;
	_ =	sdelay $0x1  }
0xba: {  	[tilespmem:s25+$0x12350] =	vst v1  }
0xbb: {  	v0 =	vld.idx.msk [tilespmem:v0+s3+$0x0], $0xffff  }
0xbc: {  	v1 =	vld.idx.msk [tilespmem:v4+s3+$0x0], $0xffff  }
0xbd: {  	v63 =	vld.idx.msk [tilespmem:v62+s3+$0x0], $0xffff;
	_ =	sdelay $0x3  }
0xbe: {  	v0 =	vmax.f32 v1, v0  }
0xbf: {  	v0 =	vmax.f32 v0, v63  }
0xc0: {  	v0 =	vsub.f32 $1.000000000e+00, v0;
	_ =	sdelay $0x1  }
0xc1: {  	s24 =	sadd.s32 $0x1, s24;
	v0 =	vmul.f32 $5.000000000e-01, v0  }
0xc2: {  	p0 =	sne.s32 s24, s17  }
.Ltmp6:
0xc3: {  	[tilespmem:s26+$0x12350] =	vst v0;
	(pc) =	sbr.rel @p0 .LBB2_1-.Ltmp6, $4  }
0xc4: {  	[hbm4b:s16+s3] =	stream.linear.scatter [tilespmem:s23], [sflag:$0x2], $0x200, $0x38;
	[tilespmem:$0x13350] =	vst v63  }
0xc5: {  	_ =	swait.ge [sflag:s18], $0x200  }
0xc6: {  	[sflag:s18] =	ssyncset.done $0x0  }
0xc7: {  	[sflag:s18] =	ssyncadd.s32 $0xFFFFFE00  }
0xc8: {  	_ =	sfence.sel $0x180000  }
0xc9: {  	[bflag:$0x0] =	sbarrier.arrive $0xFFFF  }
0xca: {  	p0 =	sne.s32 s1, $0x0;
	_ =	strace $0x9000004D  }
0xcb: {  	s0 =	sadd.s32 @!p0 $0x100000, s0;
	[bflag:$0x2] =	sbarrier.arrive $0xFFFF  }
0xcc: {  	[sflag:s0] =	ssyncadd.tile.s32 @!p0 $0x1;
	_ =	shalt  }
.Lfunc_end2:
_tile_overlayer_lowered:
.L_overlay_start_2:
0xcd: {  	(tag) =	ssettag $0x2  }
0xce: {  	s0 =	rddreg [dreg:$0x0];
	s2 =	stileid.u32  }
0xcf: {  	s1 =	rddreg [dreg:$0x1];
	p0 =	sne.s32 s2, $0x0  }
0xd0: {  	s3 =	rddreg [dreg:$0x2];
	[bflag:$0x3] =	sbarrier.arrive $0xFFFF;
	s2 =	simm.s32 @!p0 $0x1C02  }
0xd1: {  	[timem:s3], [sflag:s2] =	dma.local @!p0 [hbm:s0], s1  }
0xd2: {  	s0 =	simm.s32 @!p0 $0x2  }
0xd3: {  	_ =	swait.ge @!p0 [sflag:s0], s1  }
0xd4: {  	s1 =	ssub.s32 @!p0 $0x0, s1;
	[sflag:s0] =	ssyncset.done @!p0 $0x0  }
0xd5: {  	[sflag:s0] =	ssyncadd.s32 @!p0 s1  }
0xd6: {  	[bflag:$0x3] =	sbarrier.arrive $0xFFFF  }
0xd7: {  	_ =	shalt  }

</sc_bundles>
